<compile_context>
chip_gen: v7x
topology: tpu7x:2x2x1
jax: 0.10.2.dev20260603
libtpu: 0.0.44.dev20260713+nightly
codegen_flags: <defaults>
</compile_context>

<pallas_src>
import jax
import jax.numpy as jnp
from jax import lax
from jax.experimental import pallas as pl
from jax.experimental.pallas import tpu as pltpu
from jax.experimental.pallas import tpu_sc as plsc

N_USERS = 1000000
N_MOVIES = 100000
N_FACTORS = 128
BATCH = 16384

NC = 2
NS = 16
L = 16
NW = NC * NS
PER_W = BATCH // NW
CHUNK = 128
NCHUNK = PER_W // CHUNK
NG = CHUNK // L

_COMPILER_PARAMS = pltpu.CompilerParams(
    needs_layout_passes=False, use_tc_tiling_on_sc=False)


def _dot_body(users_hbm, movies_hbm, ut_hbm, mt_hbm, gb_hbm, out_hbm,
              uidx, midx, urows, mrows, gbv, out_v, sems):
    wid = lax.axis_index("s") * NC + lax.axis_index("c")
    base = wid * PER_W

    pltpu.sync_copy(gb_hbm, gbv.at[pl.ds(0, 1)])
    gb_vec = jnp.broadcast_to(gbv[:][0], (L,))

    zeros16 = jnp.zeros((L,), jnp.int32)
    iota16 = lax.iota(jnp.int32, L)
    items_g = [iota16 + (g * L) for g in range(NG)]

    def issue(c, s):
        cbase = base + c * CHUNK
        pltpu.sync_copy(users_hbm.at[pl.ds(cbase, CHUNK)], uidx.at[s])
        pltpu.sync_copy(movies_hbm.at[pl.ds(cbase, CHUNK)], midx.at[s])
        return (
            pltpu.async_copy(ut_hbm.at[uidx.at[s]], urows.at[s], sems.at[s, 0]),
            pltpu.async_copy(mt_hbm.at[midx.at[s]], mrows.at[s], sems.at[s, 1]),
        )

    descs = [None, None]
    descs[0] = issue(0, 0)
    for c in range(NCHUNK):
        s = c % 2
        if c + 1 < NCHUNK:
            descs[(c + 1) % 2] = issue(c + 1, (c + 1) % 2)
        for d in descs[s]:
            d.wait()

        ur = urows.at[s]
        mr = mrows.at[s]

        @plsc.parallel_loop(
            0, N_FACTORS, carry=tuple(
                jnp.zeros((L,), jnp.float32) for _ in range(NG)))
        def accs(f, accs_in):
            fv = jnp.bitwise_and(iota16 + f, N_FACTORS - 1)
            return tuple(
                acc + plsc.load_gather(ur, [items_g[g], fv])
                * plsc.load_gather(mr, [items_g[g], fv])
                for g, acc in enumerate(accs_in)
            )

        for g in range(NG):
            out_v[pl.ds(c * CHUNK + g * L, L)] = accs[g] + gb_vec

    pltpu.sync_copy(out_v, out_hbm.at[pl.ds(base, PER_W)])


def _bias_body(users_hbm, movies_hbm, ubt_hbm, mbt_hbm, partial_hbm, out_hbm,
               uidx, midx, uq, mq, ubrows, mbrows, part_v, out_v, sems):
    wid = lax.axis_index("s") * NC + lax.axis_index("c")
    base = wid * PER_W

    zeros16 = jnp.zeros((L,), jnp.int32)
    iota16 = lax.iota(jnp.int32, L)
    items_g = [iota16 + (g * L) for g in range(NG)]

    pltpu.sync_copy(users_hbm.at[pl.ds(base, PER_W)], uidx)
    pltpu.sync_copy(movies_hbm.at[pl.ds(base, PER_W)], midx)
    cp0 = pltpu.async_copy(partial_hbm.at[pl.ds(base, PER_W)], part_v,
                           sems.at[0])

    @plsc.parallel_loop(0, PER_W, step=L, unroll=4)
    def _(i):
        uq[pl.ds(i, L)] = lax.shift_right_logical(uidx[pl.ds(i, L)], 4)
        mq[pl.ds(i, L)] = lax.shift_right_logical(midx[pl.ds(i, L)], 4)

    cps = []
    for c in range(NCHUNK):
        csl = pl.ds(c * CHUNK, CHUNK)
        cps.append(pltpu.async_copy(
            ubt_hbm.at[uq.at[csl]], ubrows.at[csl], sems.at[1]))
        cps.append(pltpu.async_copy(
            mbt_hbm.at[mq.at[csl]], mbrows.at[csl], sems.at[2]))
    cp0.wait()
    for cp in cps:
        cp.wait()

    for c in range(NCHUNK):
        for g in range(NG):
            o = c * CHUNK + g * L
            sl = pl.ds(o, L)
            rows = iota16 + o
            ucol = jnp.bitwise_and(uidx[sl], 15)
            mcol = jnp.bitwise_and(midx[sl], 15)
            ubias = plsc.load_gather(ubrows, [rows, ucol])
            mbias = plsc.load_gather(mbrows, [rows, mcol])
            out_v[sl] = part_v[sl] + ubias + mbias

    pltpu.sync_copy(out_v, out_hbm.at[pl.ds(base, PER_W)])


@jax.jit
def kernel(users, movies, user_table, movie_table, user_bias_table,
           movie_bias_table, global_bias):
    users = users.astype(jnp.int32)
    movies = movies.astype(jnp.int32)
    ubt16 = user_bias_table.reshape(N_USERS // L, L)
    mbt16 = movie_bias_table.reshape(N_MOVIES // L, L)

    mesh = plsc.VectorSubcoreMesh(core_axis_name="c", subcore_axis_name="s")

    dot_run = pl.kernel(
        _dot_body,
        out_type=jax.ShapeDtypeStruct((BATCH,), jnp.float32),
        mesh=mesh,
        compiler_params=_COMPILER_PARAMS,
        scratch_types=[
            pltpu.VMEM((2, CHUNK), jnp.int32),
            pltpu.VMEM((2, CHUNK), jnp.int32),
            pltpu.VMEM((2, CHUNK, N_FACTORS), jnp.float32),
            pltpu.VMEM((2, CHUNK, N_FACTORS), jnp.float32),
            pltpu.VMEM((L,), jnp.float32),
            pltpu.VMEM((PER_W,), jnp.float32),
            pltpu.SemaphoreType.DMA((2, 2)),
        ],
    )
    partial = dot_run(users, movies, user_table, movie_table, global_bias)

    bias_run = pl.kernel(
        _bias_body,
        out_type=jax.ShapeDtypeStruct((BATCH,), jnp.float32),
        mesh=mesh,
        compiler_params=_COMPILER_PARAMS,
        scratch_types=[
            pltpu.VMEM((PER_W,), jnp.int32),
            pltpu.VMEM((PER_W,), jnp.int32),
            pltpu.VMEM((PER_W,), jnp.int32),
            pltpu.VMEM((PER_W,), jnp.int32),
            pltpu.VMEM((PER_W, L), jnp.float32),
            pltpu.VMEM((PER_W, L), jnp.float32),
            pltpu.VMEM((PER_W,), jnp.float32),
            pltpu.VMEM((PER_W,), jnp.float32),
            pltpu.SemaphoreType.DMA((3,)),
        ],
    )
    return bias_run(users, movies, ubt16, mbt16, partial)

# --- scband reference (transcript-rebuilt; emitter-appended) ---
"""Pipeline reference for scband-matrix-factorization-baseline-33380485825239 (READ-ONLY COPY).

The authoritative reference and input builder live on the scoring server;
editing this copy changes nothing except your own understanding.
"""

import jax, jax.numpy as jnp
import numpy as np

N_USERS = 1000000
N_MOVIES = 100000
N_FACTORS = 128
BATCH = 16384

def _xavier_uniform(key, shape):
    fan_in, fan_out = shape[1], shape[0]
    limit = float(np.sqrt(6.0 / (fan_in + fan_out)))
    return jax.random.uniform(key, shape, dtype=jnp.float32, minval=-limit, maxval=limit)

def setup_inputs(seed: int = 0) -> dict:
    key = jax.random.key(seed)
    k1, k2, k3, k4 = jax.random.split(key, 4)
    users = jax.random.randint(k1, (BATCH,), 0, N_USERS, dtype=jnp.int64) if jax.config.jax_enable_x64 else jax.random.randint(k1, (BATCH,), 0, N_USERS, dtype=jnp.int32)
    movies = jax.random.randint(k2, (BATCH,), 0, N_MOVIES, dtype=jnp.int32)
    user_table = _xavier_uniform(k3, (N_USERS, N_FACTORS))
    movie_table = _xavier_uniform(k4, (N_MOVIES, N_FACTORS))
    user_bias_table = jnp.zeros((N_USERS, 1), dtype=jnp.float32)
    movie_bias_table = jnp.zeros((N_MOVIES, 1), dtype=jnp.float32)
    global_bias = jnp.full((1,), 3.5, dtype=jnp.float32)
    return {
        "users": users,
        "movies": movies,
        "user_table": user_table,
        "movie_table": movie_table,
        "user_bias_table": user_bias_table,
        "movie_bias_table": movie_bias_table,
        "global_bias": global_bias,
    }

def reference(users, movies, user_table, movie_table, user_bias_table, movie_bias_table, global_bias):
    # Embedding lookups (SparseCore gathers)
    user_emb = jnp.take(user_table, users, axis=0)      # [B, F]
    movie_emb = jnp.take(movie_table, movies, axis=0)   # [B, F]
    # Dropout is identity in eval mode.
    interaction = jnp.sum(user_emb * movie_emb, axis=1)  # [B]
    user_bias = jnp.take(user_bias_table, users, axis=0).squeeze(-1)    # [B]
    movie_bias = jnp.take(movie_bias_table, movies, axis=0).squeeze(-1) # [B]
    prediction = interaction + user_bias + movie_bias + global_bias[0]
    return prediction

if __name__ == "__main__":
    import jax
    _d = setup_inputs()
    print(jax.jit(kernel)(*tuple(_d.values())))

</pallas_src>

<mosaic_0001>
#map = affine_map<(d0, d1) -> (0)>
#map1 = affine_map<(d0, d1) -> (0, 0)>
module attributes {stable_mosaic.version = 14 : i64} {
  func.func @_dot_body(%arg0: i32, %arg1: i32, %arg2: memref<16384xi32, #tpu.memory_space<hbm>>, %arg3: memref<16384xi32, #tpu.memory_space<hbm>>, %arg4: memref<1000000x128xf32, #tpu.memory_space<hbm>>, %arg5: memref<100000x128xf32, #tpu.memory_space<hbm>>, %arg6: memref<1xf32, #tpu.memory_space<hbm>>, %arg7: memref<16384xf32, #tpu.memory_space<hbm>>, %arg8: memref<2x128xi32, #tpu.memory_space<vmem>>, %arg9: memref<2x128xi32, #tpu.memory_space<vmem>>, %arg10: memref<2x128x128xf32, #tpu.memory_space<vmem>>, %arg11: memref<2x128x128xf32, #tpu.memory_space<vmem>>, %arg12: memref<16xf32, #tpu.memory_space<vmem>>, %arg13: memref<512xf32, #tpu.memory_space<vmem>>, %arg14: memref<2x2x!tpu.dma_semaphore, #tpu.memory_space<semaphore_mem>>) attributes {dimension_semantics = [#tpu.dimension_semantics<core_parallel>, #tpu.dimension_semantics<subcore_parallel>], iteration_bounds = array<i64: 2, 16>, scalar_prefetch = 0 : i64, scratch_operands = 7 : i64, tpu.core_type = #tpu.core_type<sc_vector_subcore>, window_params = [{transform_indices = #map}, {transform_indices = #map}, {transform_indices = #map1}, {transform_indices = #map1}, {transform_indices = #map}, {transform_indices = #map}]} {
    %mul3A = arith.constant 2 : i32
    %mul3A_0 = arith.muli %arg1, %mul3A : i32
    %add3A = arith.addi %mul3A_0, %arg0 : i32
    %mul3A_1 = arith.constant 512 : i32
    %mul3A_2 = arith.muli %add3A, %mul3A_1 : i32
    "tpu.region"() ({
      %run_scoped3A_481 = tpu.sem_alloc : memref<!tpu.dma_semaphore, #tpu.memory_space<semaphore_mem>>
      %dma_start3A_482 = arith.constant 0 : i32
      %dma_start3A_483 = tpu.memref_slice %arg12[%dma_start3A_482] : memref<16xf32, #tpu.memory_space<vmem>> -> memref<1xf32, #tpu.memory_space<vmem>>
      %dma_start3A_484 = arith.constant 0 : i32
      %dma_start3A_485 = tpu.memref_slice %arg12[%dma_start3A_484] : memref<16xf32, #tpu.memory_space<vmem>> -> memref<1xf32, #tpu.memory_space<vmem>>
      tpu.enqueue_dma source(%arg6 : memref<1xf32, #tpu.memory_space<hbm>>) target(%dma_start3A_485 : memref<1xf32, #tpu.memory_space<vmem>>) target_semaphore(%run_scoped3A_481 : memref<!tpu.dma_semaphore, #tpu.memory_space<semaphore_mem>>)
      %dma_wait3A_486 = arith.constant 0 : i32
      %dma_wait3A_487 = tpu.memref_slice %arg12[%dma_wait3A_486] : memref<16xf32, #tpu.memory_space<vmem>> -> memref<1xf32, #tpu.memory_space<vmem>>
      %dma_wait3A_488 = arith.constant 0 : i32
      %dma_wait3A_489 = tpu.memref_slice %arg12[%dma_wait3A_488] : memref<16xf32, #tpu.memory_space<vmem>> -> memref<1xf32, #tpu.memory_space<vmem>>
      tpu.wait_dma2 semaphore(%run_scoped3A_481 : memref<!tpu.dma_semaphore, #tpu.memory_space<semaphore_mem>>) src(%arg6 : memref<1xf32, #tpu.memory_space<hbm>>) dst(%dma_wait3A_489 : memref<1xf32, #tpu.memory_space<vmem>>)
      tpu.yield
    }) : () -> ()
    %get3A = arith.constant 0 : index
    %get3A_3 = tpu.vector_load %arg12[%get3A] {strides = array<i32>} : memref<16xf32, #tpu.memory_space<vmem>>, vector<16xf32>,
    %slice3A = vector.extract_strided_slice %get3A_3 {offsets = [0], sizes = [1], strides = [1]} : vector<16xf32> to vector<1xf32>
    %squeeze3A = vector.extract %slice3A[0] : f32 from vector<1xf32>
    %broadcast_in_dim3A = vector.broadcast %squeeze3A : f32 to vector<16xf32>
    %broadcast_in_dim3A_4 = arith.constant 0 : i32
    %broadcast_in_dim3A_5 = vector.broadcast %broadcast_in_dim3A_4 : i32 to vector<16xi32>
    %iota3A = tpu.iota {dimensions = array<i32: 0>} : vector<16xi32>
    %add3A_6 = arith.constant 0 : i32
    %add3A_7 = vector.broadcast %add3A_6 : i32 to vector<16xi32>
    %add3A_8 = arith.addi %iota3A, %add3A_7 : vector<16xi32>
    %add3A_9 = arith.constant 16 : i32
    %add3A_10 = vector.broadcast %add3A_9 : i32 to vector<16xi32>
    %add3A_11 = arith.addi %iota3A, %add3A_10 : vector<16xi32>
    %add3A_12 = arith.constant 32 : i32
    %add3A_13 = vector.broadcast %add3A_12 : i32 to vector<16xi32>
    %add3A_14 = arith.addi %iota3A, %add3A_13 : vector<16xi32>
    %add3A_15 = arith.constant 48 : i32
    %add3A_16 = vector.broadcast %add3A_15 : i32 to vector<16xi32>
    %add3A_17 = arith.addi %iota3A, %add3A_16 : vector<16xi32>
    %add3A_18 = arith.constant 64 : i32
    %add3A_19 = vector.broadcast %add3A_18 : i32 to vector<16xi32>
    %add3A_20 = arith.addi %iota3A, %add3A_19 : vector<16xi32>
    %add3A_21 = arith.constant 80 : i32
    %add3A_22 = vector.broadcast %add3A_21 : i32 to vector<16xi32>
    %add3A_23 = arith.addi %iota3A, %add3A_22 : vector<16xi32>
    %add3A_24 = arith.constant 96 : i32
    %add3A_25 = vector.broadcast %add3A_24 : i32 to vector<16xi32>
    %add3A_26 = arith.addi %iota3A, %add3A_25 : vector<16xi32>
    %add3A_27 = arith.constant 112 : i32
    %add3A_28 = vector.broadcast %add3A_27 : i32 to vector<16xi32>
    %add3A_29 = arith.addi %iota3A, %add3A_28 : vector<16xi32>
    %add3A_30 = arith.constant 0 : i32
    %add3A_31 = arith.addi %mul3A_2, %add3A_30 : i32
    %run_scoped3A = arith.constant 0 : i32
    "tpu.region"() ({
      %run_scoped3A_481 = tpu.sem_alloc : memref<!tpu.dma_semaphore, #tpu.memory_space<semaphore_mem>>
      %dma_start3A_482 = arith.constant 0 : i32
      %dma_start3A_483 = tpu.memref_slice %arg8[%run_scoped3A, %dma_start3A_482] : memref<2x128xi32, #tpu.memory_space<vmem>> -> memref<1x128xi32, #tpu.memory_space<vmem>>
      %dma_start3A_484 = tpu.memref_squeeze %dma_start3A_483 : memref<1x128xi32, #tpu.memory_space<vmem>> -> memref<128xi32, #tpu.memory_space<vmem>>
      %dma_start3A_485 = tpu.memref_slice %arg2[%add3A_31] : memref<16384xi32, #tpu.memory_space<hbm>> -> memref<128xi32, #tpu.memory_space<hbm>>
      %dma_start3A_486 = arith.constant 0 : i32
      %dma_start3A_487 = tpu.memref_slice %arg8[%run_scoped3A, %dma_start3A_486] : memref<2x128xi32, #tpu.memory_space<vmem>> -> memref<1x128xi32, #tpu.memory_space<vmem>>
      %dma_start3A_488 = tpu.memref_squeeze %dma_start3A_487 : memref<1x128xi32, #tpu.memory_space<vmem>> -> memref<128xi32, #tpu.memory_space<vmem>>
      %dma_start3A_489 = tpu.memref_slice %arg2[%add3A_31] : memref<16384xi32, #tpu.memory_space<hbm>> -> memref<128xi32, #tpu.memory_space<hbm>>
      tpu.enqueue_dma source(%dma_start3A_489 : memref<128xi32, #tpu.memory_space<hbm>>) target(%dma_start3A_488 : memref<128xi32, #tpu.memory_space<vmem>>) target_semaphore(%run_scoped3A_481 : memref<!tpu.dma_semaphore, #tpu.memory_space<semaphore_mem>>)
      %dma_wait3A_490 = arith.constant 0 : i32
      %dma_wait3A_491 = tpu.memref_slice %arg8[%run_scoped3A, %dma_wait3A_490] : memref<2x128xi32, #tpu.memory_space<vmem>> -> memref<1x128xi32, #tpu.memory_space<vmem>>
      %dma_wait3A_492 = tpu.memref_squeeze %dma_wait3A_491 : memref<1x128xi32, #tpu.memory_space<vmem>> -> memref<128xi32, #tpu.memory_space<vmem>>
      %dma_wait3A_493 = tpu.memref_slice %arg2[%add3A_31] : memref<16384xi32, #tpu.memory_space<hbm>> -> memref<128xi32, #tpu.memory_space<hbm>>
      %dma_wait3A_494 = arith.constant 0 : i32
      %dma_wait3A_495 = tpu.memref_slice %arg8[%run_scoped3A, %dma_wait3A_494] : memref<2x128xi32, #tpu.memory_space<vmem>> -> memref<1x128xi32, #tpu.memory_space<vmem>>
      %dma_wait3A_496 = tpu.memref_squeeze %dma_wait3A_495 : memref<1x128xi32, #tpu.memory_space<vmem>> -> memref<128xi32, #tpu.memory_space<vmem>>
      %dma_wait3A_497 = tpu.memref_slice %arg2[%add3A_31] : memref<16384xi32, #tpu.memory_space<hbm>> -> memref<128xi32, #tpu.memory_space<hbm>>
      tpu.wait_dma2 semaphore(%run_scoped3A_481 : memref<!tpu.dma_semaphore, #tpu.memory_space<semaphore_mem>>) src(%dma_wait3A_497 : memref<128xi32, #tpu.memory_space<hbm>>) dst(%dma_wait3A_496 : memref<128xi32, #tpu.memory_space<vmem>>)
      tpu.yield
    }) : () -> ()
    %run_scoped3A_32 = arith.constant 0 : i32
    "tpu.region"() ({
      %run_scoped3A_481 = tpu.sem_alloc : memref<!tpu.dma_semaphore, #tpu.memory_space<semaphore_mem>>
      %dma_start3A_482 = arith.constant 0 : i32
      %dma_start3A_483 = tpu.memref_slice %arg9[%run_scoped3A_32, %dma_start3A_482] : memref<2x128xi32, #tpu.memory_space<vmem>> -> memref<1x128xi32, #tpu.memory_space<vmem>>
      %dma_start3A_484 = tpu.memref_squeeze %dma_start3A_483 : memref<1x128xi32, #tpu.memory_space<vmem>> -> memref<128xi32, #tpu.memory_space<vmem>>
      %dma_start3A_485 = tpu.memref_slice %arg3[%add3A_31] : memref<16384xi32, #tpu.memory_space<hbm>> -> memref<128xi32, #tpu.memory_space<hbm>>
      %dma_start3A_486 = arith.constant 0 : i32
      %dma_start3A_487 = tpu.memref_slice %arg9[%run_scoped3A_32, %dma_start3A_486] : memref<2x128xi32, #tpu.memory_space<vmem>> -> memref<1x128xi32, #tpu.memory_space<vmem>>
      %dma_start3A_488 = tpu.memref_squeeze %dma_start3A_487 : memref<1x128xi32, #tpu.memory_space<vmem>> -> memref<128xi32, #tpu.memory_space<vmem>>
      %dma_start3A_489 = tpu.memref_slice %arg3[%add3A_31] : memref<16384xi32, #tpu.memory_space<hbm>> -> memref<128xi32, #tpu.memory_space<hbm>>
      tpu.enqueue_dma source(%dma_start3A_489 : memref<128xi32, #tpu.memory_space<hbm>>) target(%dma_start3A_488 : memref<128xi32, #tpu.memory_space<vmem>>) target_semaphore(%run_scoped3A_481 : memref<!tpu.dma_semaphore, #tpu.memory_space<semaphore_mem>>)
      %dma_wait3A_490 = arith.constant 0 : i32
      %dma_wait3A_491 = tpu.memref_slice %arg9[%run_scoped3A_32, %dma_wait3A_490] : memref<2x128xi32, #tpu.memory_space<vmem>> -> memref<1x128xi32, #tpu.memory_space<vmem>>
      %dma_wait3A_492 = tpu.memref_squeeze %dma_wait3A_491 : memref<1x128xi32, #tpu.memory_space<vmem>> -> memref<128xi32, #tpu.memory_space<vmem>>
      %dma_wait3A_493 = tpu.memref_slice %arg3[%add3A_31] : memref<16384xi32, #tpu.memory_space<hbm>> -> memref<128xi32, #tpu.memory_space<hbm>>
      %dma_wait3A_494 = arith.constant 0 : i32
      %dma_wait3A_495 = tpu.memref_slice %arg9[%run_scoped3A_32, %dma_wait3A_494] : memref<2x128xi32, #tpu.memory_space<vmem>> -> memref<1x128xi32, #tpu.memory_space<vmem>>
      %dma_wait3A_496 = tpu.memref_squeeze %dma_wait3A_495 : memref<1x128xi32, #tpu.memory_space<vmem>> -> memref<128xi32, #tpu.memory_space<vmem>>
      %dma_wait3A_497 = tpu.memref_slice %arg3[%add3A_31] : memref<16384xi32, #tpu.memory_space<hbm>> -> memref<128xi32, #tpu.memory_space<hbm>>
      tpu.wait_dma2 semaphore(%run_scoped3A_481 : memref<!tpu.dma_semaphore, #tpu.memory_space<semaphore_mem>>) src(%dma_wait3A_497 : memref<128xi32, #tpu.memory_space<hbm>>) dst(%dma_wait3A_496 : memref<128xi32, #tpu.memory_space<vmem>>)
      tpu.yield
    }) : () -> ()
    %dma_start3A = arith.constant 0 : i32
    %dma_start3A_33 = arith.constant 0 : i32
    %dma_start3A_34 = arith.constant 0 : i32
    %dma_start3A_35 = arith.constant 0 : i32
    %dma_start3A_36 = arith.constant 0 : i32
    %dma_start3A_37 = arith.constant 0 : i32
    %dma_start3A_38 = tpu.memref_slice %arg10[%dma_start3A_33, %dma_start3A_36, %dma_start3A_37] : memref<2x128x128xf32, #tpu.memory_space<vmem>> -> memref<1x128x128xf32, #tpu.memory_space<vmem>>
    %dma_start3A_39 = tpu.memref_squeeze %dma_start3A_38 : memref<1x128x128xf32, #tpu.memory_space<vmem>> -> memref<128x128xf32, #tpu.memory_space<vmem>>
    %dma_start3A_40 = arith.constant 0 : i32
    %dma_start3A_41 = tpu.memref_slice %arg8[%dma_start3A, %dma_start3A_40] : memref<2x128xi32, #tpu.memory_space<vmem>> -> memref<1x128xi32, #tpu.memory_space<vmem>>
    %dma_start3A_42 = tpu.memref_squeeze %dma_start3A_41 : memref<1x128xi32, #tpu.memory_space<vmem>> -> memref<128xi32, #tpu.memory_space<vmem>>
    %dma_start3A_43 = arith.constant 0 : i32
    %dma_start3A_44 = arith.constant 0 : i32
    %dma_start3A_45 = tpu.memref_slice %arg4[%dma_start3A_43, %dma_start3A_44] : memref<1000000x128xf32, #tpu.memory_space<hbm>> -> memref<1000000x128xf32, #tpu.memory_space<hbm>>
    %dma_start3A_46 = tpu.memref_slice %arg14[%dma_start3A_34, %dma_start3A_35] : memref<2x2x!tpu.dma_semaphore, #tpu.memory_space<semaphore_mem>> -> memref<1x1x!tpu.dma_semaphore, #tpu.memory_space<semaphore_mem>>
    %dma_start3A_47 = tpu.memref_squeeze %dma_start3A_46 : memref<1x1x!tpu.dma_semaphore, #tpu.memory_space<semaphore_mem>> -> memref<!tpu.dma_semaphore, #tpu.memory_space<semaphore_mem>>
    tpu.enqueue_indirect_dma source(%dma_start3A_45 : memref<1000000x128xf32, #tpu.memory_space<hbm>>) target(%dma_start3A_39 : memref<128x128xf32, #tpu.memory_space<vmem>>) offsets(%dma_start3A_42 : memref<128xi32, #tpu.memory_space<vmem>>) semaphore(%dma_start3A_47 : memref<!tpu.dma_semaphore, #tpu.memory_space<semaphore_mem>>)
    %dma_start3A_48 = arith.constant 0 : i32
    %dma_start3A_49 = arith.constant 0 : i32
    %dma_start3A_50 = arith.constant 0 : i32
    %dma_start3A_51 = arith.constant 1 : i32
    %dma_start3A_52 = arith.constant 0 : i32
    %dma_start3A_53 = arith.constant 0 : i32
    %dma_start3A_54 = tpu.memref_slice %arg11[%dma_start3A_49, %dma_start3A_52, %dma_start3A_53] : memref<2x128x128xf32, #tpu.memory_space<vmem>> -> memref<1x128x128xf32, #tpu.memory_space<vmem>>
    %dma_start3A_55 = tpu.memref_squeeze %dma_start3A_54 : memref<1x128x128xf32, #tpu.memory_space<vmem>> -> memref<128x128xf32, #tpu.memory_space<vmem>>
    %dma_start3A_56 = arith.constant 0 : i32
    %dma_start3A_57 = tpu.memref_slice %arg9[%dma_start3A_48, %dma_start3A_56] : memref<2x128xi32, #tpu.memory_space<vmem>> -> memref<1x128xi32, #tpu.memory_space<vmem>>
    %dma_start3A_58 = tpu.memref_squeeze %dma_start3A_57 : memref<1x128xi32, #tpu.memory_space<vmem>> -> memref<128xi32, #tpu.memory_space<vmem>>
    %dma_start3A_59 = arith.constant 0 : i32
    %dma_start3A_60 = arith.constant 0 : i32
    %dma_start3A_61 = tpu.memref_slice %arg5[%dma_start3A_59, %dma_start3A_60] : memref<100000x128xf32, #tpu.memory_space<hbm>> -> memref<100000x128xf32, #tpu.memory_space<hbm>>
    %dma_start3A_62 = tpu.memref_slice %arg14[%dma_start3A_50, %dma_start3A_51] : memref<2x2x!tpu.dma_semaphore, #tpu.memory_space<semaphore_mem>> -> memref<1x1x!tpu.dma_semaphore, #tpu.memory_space<semaphore_mem>>
    %dma_start3A_63 = tpu.memref_squeeze %dma_start3A_62 : memref<1x1x!tpu.dma_semaphore, #tpu.memory_space<semaphore_mem>> -> memref<!tpu.dma_semaphore, #tpu.memory_space<semaphore_mem>>
    tpu.enqueue_indirect_dma source(%dma_start3A_61 : memref<100000x128xf32, #tpu.memory_space<hbm>>) target(%dma_start3A_55 : memref<128x128xf32, #tpu.memory_space<vmem>>) offsets(%dma_start3A_58 : memref<128xi32, #tpu.memory_space<vmem>>) semaphore(%dma_start3A_63 : memref<!tpu.dma_semaphore, #tpu.memory_space<semaphore_mem>>)
    %add3A_64 = arith.constant 128 : i32
    %add3A_65 = arith.addi %mul3A_2, %add3A_64 : i32
    %run_scoped3A_66 = arith.constant 1 : i32
    "tpu.region"() ({
      %run_scoped3A_481 = tpu.sem_alloc : memref<!tpu.dma_semaphore, #tpu.memory_space<semaphore_mem>>
      %dma_start3A_482 = arith.constant 0 : i32
      %dma_start3A_483 = tpu.memref_slice %arg8[%run_scoped3A_66, %dma_start3A_482] : memref<2x128xi32, #tpu.memory_space<vmem>> -> memref<1x128xi32, #tpu.memory_space<vmem>>
      %dma_start3A_484 = tpu.memref_squeeze %dma_start3A_483 : memref<1x128xi32, #tpu.memory_space<vmem>> -> memref<128xi32, #tpu.memory_space<vmem>>
      %dma_start3A_485 = tpu.memref_slice %arg2[%add3A_65] : memref<16384xi32, #tpu.memory_space<hbm>> -> memref<128xi32, #tpu.memory_space<hbm>>
      %dma_start3A_486 = arith.constant 0 : i32
      %dma_start3A_487 = tpu.memref_slice %arg8[%run_scoped3A_66, %dma_start3A_486] : memref<2x128xi32, #tpu.memory_space<vmem>> -> memref<1x128xi32, #tpu.memory_space<vmem>>
      %dma_start3A_488 = tpu.memref_squeeze %dma_start3A_487 : memref<1x128xi32, #tpu.memory_space<vmem>> -> memref<128xi32, #tpu.memory_space<vmem>>
      %dma_start3A_489 = tpu.memref_slice %arg2[%add3A_65] : memref<16384xi32, #tpu.memory_space<hbm>> -> memref<128xi32, #tpu.memory_space<hbm>>
      tpu.enqueue_dma source(%dma_start3A_489 : memref<128xi32, #tpu.memory_space<hbm>>) target(%dma_start3A_488 : memref<128xi32, #tpu.memory_space<vmem>>) target_semaphore(%run_scoped3A_481 : memref<!tpu.dma_semaphore, #tpu.memory_space<semaphore_mem>>)
      %dma_wait3A_490 = arith.constant 0 : i32
      %dma_wait3A_491 = tpu.memref_slice %arg8[%run_scoped3A_66, %dma_wait3A_490] : memref<2x128xi32, #tpu.memory_space<vmem>> -> memref<1x128xi32, #tpu.memory_space<vmem>>
      %dma_wait3A_492 = tpu.memref_squeeze %dma_wait3A_491 : memref<1x128xi32, #tpu.memory_space<vmem>> -> memref<128xi32, #tpu.memory_space<vmem>>
      %dma_wait3A_493 = tpu.memref_slice %arg2[%add3A_65] : memref<16384xi32, #tpu.memory_space<hbm>> -> memref<128xi32, #tpu.memory_space<hbm>>
      %dma_wait3A_494 = arith.constant 0 : i32
      %dma_wait3A_495 = tpu.memref_slice %arg8[%run_scoped3A_66, %dma_wait3A_494] : memref<2x128xi32, #tpu.memory_space<vmem>> -> memref<1x128xi32, #tpu.memory_space<vmem>>
      %dma_wait3A_496 = tpu.memref_squeeze %dma_wait3A_495 : memref<1x128xi32, #tpu.memory_space<vmem>> -> memref<128xi32, #tpu.memory_space<vmem>>
      %dma_wait3A_497 = tpu.memref_slice %arg2[%add3A_65] : memref<16384xi32, #tpu.memory_space<hbm>> -> memref<128xi32, #tpu.memory_space<hbm>>
      tpu.wait_dma2 semaphore(%run_scoped3A_481 : memref<!tpu.dma_semaphore, #tpu.memory_space<semaphore_mem>>) src(%dma_wait3A_497 : memref<128xi32, #tpu.memory_space<hbm>>) dst(%dma_wait3A_496 : memref<128xi32, #tpu.memory_space<vmem>>)
      tpu.yield
    }) : () -> ()
    %run_scoped3A_67 = arith.constant 1 : i32
    "tpu.region"() ({
      %run_scoped3A_481 = tpu.sem_alloc : memref<!tpu.dma_semaphore, #tpu.memory_space<semaphore_mem>>
      %dma_start3A_482 = arith.constant 0 : i32
      %dma_start3A_483 = tpu.memref_slice %arg9[%run_scoped3A_67, %dma_start3A_482] : memref<2x128xi32, #tpu.memory_space<vmem>> -> memref<1x128xi32, #tpu.memory_space<vmem>>
      %dma_start3A_484 = tpu.memref_squeeze %dma_start3A_483 : memref<1x128xi32, #tpu.memory_space<vmem>> -> memref<128xi32, #tpu.memory_space<vmem>>
      %dma_start3A_485 = tpu.memref_slice %arg3[%add3A_65] : memref<16384xi32, #tpu.memory_space<hbm>> -> memref<128xi32, #tpu.memory_space<hbm>>
      %dma_start3A_486 = arith.constant 0 : i32
      %dma_start3A_487 = tpu.memref_slice %arg9[%run_scoped3A_67, %dma_start3A_486] : memref<2x128xi32, #tpu.memory_space<vmem>> -> memref<1x128xi32, #tpu.memory_space<vmem>>
      %dma_start3A_488 = tpu.memref_squeeze %dma_start3A_487 : memref<1x128xi32, #tpu.memory_space<vmem>> -> memref<128xi32, #tpu.memory_space<vmem>>
      %dma_start3A_489 = tpu.memref_slice %arg3[%add3A_65] : memref<16384xi32, #tpu.memory_space<hbm>> -> memref<128xi32, #tpu.memory_space<hbm>>
      tpu.enqueue_dma source(%dma_start3A_489 : memref<128xi32, #tpu.memory_space<hbm>>) target(%dma_start3A_488 : memref<128xi32, #tpu.memory_space<vmem>>) target_semaphore(%run_scoped3A_481 : memref<!tpu.dma_semaphore, #tpu.memory_space<semaphore_mem>>)
      %dma_wait3A_490 = arith.constant 0 : i32
      %dma_wait3A_491 = tpu.memref_slice %arg9[%run_scoped3A_67, %dma_wait3A_490] : memref<2x128xi32, #tpu.memory_space<vmem>> -> memref<1x128xi32, #tpu.memory_space<vmem>>
      %dma_wait3A_492 = tpu.memref_squeeze %dma_wait3A_491 : memref<1x128xi32, #tpu.memory_space<vmem>> -> memref<128xi32, #tpu.memory_space<vmem>>
      %dma_wait3A_493 = tpu.memref_slice %arg3[%add3A_65] : memref<16384xi32, #tpu.memory_space<hbm>> -> memref<128xi32, #tpu.memory_space<hbm>>
      %dma_wait3A_494 = arith.constant 0 : i32
      %dma_wait3A_495 = tpu.memref_slice %arg9[%run_scoped3A_67, %dma_wait3A_494] : memref<2x128xi32, #tpu.memory_space<vmem>> -> memref<1x128xi32, #tpu.memory_space<vmem>>
      %dma_wait3A_496 = tpu.memref_squeeze %dma_wait3A_495 : memref<1x128xi32, #tpu.memory_space<vmem>> -> memref<128xi32, #tpu.memory_space<vmem>>
      %dma_wait3A_497 = tpu.memref_slice %arg3[%add3A_65] : memref<16384xi32, #tpu.memory_space<hbm>> -> memref<128xi32, #tpu.memory_space<hbm>>
      tpu.wait_dma2 semaphore(%run_scoped3A_481 : memref<!tpu.dma_semaphore, #tpu.memory_space<semaphore_mem>>) src(%dma_wait3A_497 : memref<128xi32, #tpu.memory_space<hbm>>) dst(%dma_wait3A_496 : memref<128xi32, #tpu.memory_space<vmem>>)
      tpu.yield
    }) : () -> ()
    %dma_start3A_68 = arith.constant 1 : i32
    %dma_start3A_69 = arith.constant 1 : i32
    %dma_start3A_70 = arith.constant 1 : i32
    %dma_start3A_71 = arith.constant 0 : i32
    %dma_start3A_72 = arith.constant 0 : i32
    %dma_start3A_73 = arith.constant 0 : i32
    %dma_start3A_74 = tpu.memref_slice %arg10[%dma_start3A_69, %dma_start3A_72, %dma_start3A_73] : memref<2x128x128xf32, #tpu.memory_space<vmem>> -> memref<1x128x128xf32, #tpu.memory_space<vmem>>
    %dma_start3A_75 = tpu.memref_squeeze %dma_start3A_74 : memref<1x128x128xf32, #tpu.memory_space<vmem>> -> memref<128x128xf32, #tpu.memory_space<vmem>>
    %dma_start3A_76 = arith.constant 0 : i32
    %dma_start3A_77 = tpu.memref_slice %arg8[%dma_start3A_68, %dma_start3A_76] : memref<2x128xi32, #tpu.memory_space<vmem>> -> memref<1x128xi32, #tpu.memory_space<vmem>>
    %dma_start3A_78 = tpu.memref_squeeze %dma_start3A_77 : memref<1x128xi32, #tpu.memory_space<vmem>> -> memref<128xi32, #tpu.memory_space<vmem>>
    %dma_start3A_79 = arith.constant 0 : i32
    %dma_start3A_80 = arith.constant 0 : i32
    %dma_start3A_81 = tpu.memref_slice %arg4[%dma_start3A_79, %dma_start3A_80] : memref<1000000x128xf32, #tpu.memory_space<hbm>> -> memref<1000000x128xf32, #tpu.memory_space<hbm>>
    %dma_start3A_82 = tpu.memref_slice %arg14[%dma_start3A_70, %dma_start3A_71] : memref<2x2x!tpu.dma_semaphore, #tpu.memory_space<semaphore_mem>> -> memref<1x1x!tpu.dma_semaphore, #tpu.memory_space<semaphore_mem>>
    %dma_start3A_83 = tpu.memref_squeeze %dma_start3A_82 : memref<1x1x!tpu.dma_semaphore, #tpu.memory_space<semaphore_mem>> -> memref<!tpu.dma_semaphore, #tpu.memory_space<semaphore_mem>>
    tpu.enqueue_indirect_dma source(%dma_start3A_81 : memref<1000000x128xf32, #tpu.memory_space<hbm>>) target(%dma_start3A_75 : memref<128x128xf32, #tpu.memory_space<vmem>>) offsets(%dma_start3A_78 : memref<128xi32, #tpu.memory_space<vmem>>) semaphore(%dma_start3A_83 : memref<!tpu.dma_semaphore, #tpu.memory_space<semaphore_mem>>)
    %dma_start3A_84 = arith.constant 1 : i32
    %dma_start3A_85 = arith.constant 1 : i32
    %dma_start3A_86 = arith.constant 1 : i32
    %dma_start3A_87 = arith.constant 1 : i32
    %dma_start3A_88 = arith.constant 0 : i32
    %dma_start3A_89 = arith.constant 0 : i32
    %dma_start3A_90 = tpu.memref_slice %arg11[%dma_start3A_85, %dma_start3A_88, %dma_start3A_89] : memref<2x128x128xf32, #tpu.memory_space<vmem>> -> memref<1x128x128xf32, #tpu.memory_space<vmem>>
    %dma_start3A_91 = tpu.memref_squeeze %dma_start3A_90 : memref<1x128x128xf32, #tpu.memory_space<vmem>> -> memref<128x128xf32, #tpu.memory_space<vmem>>
    %dma_start3A_92 = arith.constant 0 : i32
    %dma_start3A_93 = tpu.memref_slice %arg9[%dma_start3A_84, %dma_start3A_92] : memref<2x128xi32, #tpu.memory_space<vmem>> -> memref<1x128xi32, #tpu.memory_space<vmem>>
    %dma_start3A_94 = tpu.memref_squeeze %dma_start3A_93 : memref<1x128xi32, #tpu.memory_space<vmem>> -> memref<128xi32, #tpu.memory_space<vmem>>
    %dma_start3A_95 = arith.constant 0 : i32
    %dma_start3A_96 = arith.constant 0 : i32
    %dma_start3A_97 = tpu.memref_slice %arg5[%dma_start3A_95, %dma_start3A_96] : memref<100000x128xf32, #tpu.memory_space<hbm>> -> memref<100000x128xf32, #tpu.memory_space<hbm>>
    %dma_start3A_98 = tpu.memref_slice %arg14[%dma_start3A_86, %dma_start3A_87] : memref<2x2x!tpu.dma_semaphore, #tpu.memory_space<semaphore_mem>> -> memref<1x1x!tpu.dma_semaphore, #tpu.memory_space<semaphore_mem>>
    %dma_start3A_99 = tpu.memref_squeeze %dma_start3A_98 : memref<1x1x!tpu.dma_semaphore, #tpu.memory_space<semaphore_mem>> -> memref<!tpu.dma_semaphore, #tpu.memory_space<semaphore_mem>>
    tpu.enqueue_indirect_dma source(%dma_start3A_97 : memref<100000x128xf32, #tpu.memory_space<hbm>>) target(%dma_start3A_91 : memref<128x128xf32, #tpu.memory_space<vmem>>) offsets(%dma_start3A_94 : memref<128xi32, #tpu.memory_space<vmem>>) semaphore(%dma_start3A_99 : memref<!tpu.dma_semaphore, #tpu.memory_space<semaphore_mem>>)
    %dma_wait3A = arith.constant 0 : i32
    %dma_wait3A_100 = arith.constant 0 : i32
    %dma_wait3A_101 = arith.constant 0 : i32
    %dma_wait3A_102 = arith.constant 0 : i32
    %dma_wait3A_103 = arith.constant 0 : i32
    %dma_wait3A_104 = arith.constant 0 : i32
    %dma_wait3A_105 = tpu.memref_slice %arg10[%dma_wait3A_100, %dma_wait3A_103, %dma_wait3A_104] : memref<2x128x128xf32, #tpu.memory_space<vmem>> -> memref<1x128x128xf32, #tpu.memory_space<vmem>>
    %dma_wait3A_106 = tpu.memref_squeeze %dma_wait3A_105 : memref<1x128x128xf32, #tpu.memory_space<vmem>> -> memref<128x128xf32, #tpu.memory_space<vmem>>
    %dma_wait3A_107 = arith.constant 0 : i32
    %dma_wait3A_108 = tpu.memref_slice %arg8[%dma_wait3A, %dma_wait3A_107] : memref<2x128xi32, #tpu.memory_space<vmem>> -> memref<1x128xi32, #tpu.memory_space<vmem>>
    %dma_wait3A_109 = tpu.memref_squeeze %dma_wait3A_108 : memref<1x128xi32, #tpu.memory_space<vmem>> -> memref<128xi32, #tpu.memory_space<vmem>>
    %dma_wait3A_110 = arith.constant 0 : i32
    %dma_wait3A_111 = arith.constant 0 : i32
    %dma_wait3A_112 = tpu.memref_slice %arg4[%dma_wait3A_110, %dma_wait3A_111] : memref<1000000x128xf32, #tpu.memory_space<hbm>> -> memref<1000000x128xf32, #tpu.memory_space<hbm>>
    %dma_wait3A_113 = tpu.memref_slice %arg14[%dma_wait3A_101, %dma_wait3A_102] : memref<2x2x!tpu.dma_semaphore, #tpu.memory_space<semaphore_mem>> -> memref<1x1x!tpu.dma_semaphore, #tpu.memory_space<semaphore_mem>>
    %dma_wait3A_114 = tpu.memref_squeeze %dma_wait3A_113 : memref<1x1x!tpu.dma_semaphore, #tpu.memory_space<semaphore_mem>> -> memref<!tpu.dma_semaphore, #tpu.memory_space<semaphore_mem>>
    tpu.wait_indirect_dma semaphore(%dma_wait3A_114 : memref<!tpu.dma_semaphore, #tpu.memory_space<semaphore_mem>>) src(%dma_wait3A_112 : memref<1000000x128xf32, #tpu.memory_space<hbm>>) dst(%dma_wait3A_106 : memref<128x128xf32, #tpu.memory_space<vmem>>)
    %dma_wait3A_115 = arith.constant 0 : i32
    %dma_wait3A_116 = arith.constant 0 : i32
    %dma_wait3A_117 = arith.constant 0 : i32
    %dma_wait3A_118 = arith.constant 1 : i32
    %dma_wait3A_119 = arith.constant 0 : i32
    %dma_wait3A_120 = arith.constant 0 : i32
    %dma_wait3A_121 = tpu.memref_slice %arg11[%dma_wait3A_116, %dma_wait3A_119, %dma_wait3A_120] : memref<2x128x128xf32, #tpu.memory_space<vmem>> -> memref<1x128x128xf32, #tpu.memory_space<vmem>>
    %dma_wait3A_122 = tpu.memref_squeeze %dma_wait3A_121 : memref<1x128x128xf32, #tpu.memory_space<vmem>> -> memref<128x128xf32, #tpu.memory_space<vmem>>
    %dma_wait3A_123 = arith.constant 0 : i32
    %dma_wait3A_124 = tpu.memref_slice %arg9[%dma_wait3A_115, %dma_wait3A_123] : memref<2x128xi32, #tpu.memory_space<vmem>> -> memref<1x128xi32, #tpu.memory_space<vmem>>
    %dma_wait3A_125 = tpu.memref_squeeze %dma_wait3A_124 : memref<1x128xi32, #tpu.memory_space<vmem>> -> memref<128xi32, #tpu.memory_space<vmem>>
    %dma_wait3A_126 = arith.constant 0 : i32
    %dma_wait3A_127 = arith.constant 0 : i32
    %dma_wait3A_128 = tpu.memref_slice %arg5[%dma_wait3A_126, %dma_wait3A_127] : memref<100000x128xf32, #tpu.memory_space<hbm>> -> memref<100000x128xf32, #tpu.memory_space<hbm>>
    %dma_wait3A_129 = tpu.memref_slice %arg14[%dma_wait3A_117, %dma_wait3A_118] : memref<2x2x!tpu.dma_semaphore, #tpu.memory_space<semaphore_mem>> -> memref<1x1x!tpu.dma_semaphore, #tpu.memory_space<semaphore_mem>>
    %dma_wait3A_130 = tpu.memref_squeeze %dma_wait3A_129 : memref<1x1x!tpu.dma_semaphore, #tpu.memory_space<semaphore_mem>> -> memref<!tpu.dma_semaphore, #tpu.memory_space<semaphore_mem>>
    tpu.wait_indirect_dma semaphore(%dma_wait3A_130 : memref<!tpu.dma_semaphore, #tpu.memory_space<semaphore_mem>>) src(%dma_wait3A_128 : memref<100000x128xf32, #tpu.memory_space<hbm>>) dst(%dma_wait3A_122 : memref<128x128xf32, #tpu.memory_space<vmem>>)
    %broadcast_in_dim3A_131 = arith.constant 0.000000e+00 : f32
    %broadcast_in_dim3A_132 = vector.broadcast %broadcast_in_dim3A_131 : f32 to vector<16xf32>
    %broadcast_in_dim3A_133 = arith.constant 0.000000e+00 : f32
    %broadcast_in_dim3A_134 = vector.broadcast %broadcast_in_dim3A_133 : f32 to vector<16xf32>
    %broadcast_in_dim3A_135 = arith.constant 0.000000e+00 : f32
    %broadcast_in_dim3A_136 = vector.broadcast %broadcast_in_dim3A_135 : f32 to vector<16xf32>
    %broadcast_in_dim3A_137 = arith.constant 0.000000e+00 : f32
    %broadcast_in_dim3A_138 = vector.broadcast %broadcast_in_dim3A_137 : f32 to vector<16xf32>
    %broadcast_in_dim3A_139 = arith.constant 0.000000e+00 : f32
    %broadcast_in_dim3A_140 = vector.broadcast %broadcast_in_dim3A_139 : f32 to vector<16xf32>
    %broadcast_in_dim3A_141 = arith.constant 0.000000e+00 : f32
    %broadcast_in_dim3A_142 = vector.broadcast %broadcast_in_dim3A_141 : f32 to vector<16xf32>
    %broadcast_in_dim3A_143 = arith.constant 0.000000e+00 : f32
    %broadcast_in_dim3A_144 = vector.broadcast %broadcast_in_dim3A_143 : f32 to vector<16xf32>
    %broadcast_in_dim3A_145 = arith.constant 0.000000e+00 : f32
    %broadcast_in_dim3A_146 = vector.broadcast %broadcast_in_dim3A_145 : f32 to vector<16xf32>
    %parallel_loop3A = arith.constant 0 : i32
    %parallel_loop3A_147 = arith.constant 128 : i32
    %parallel_loop3A_148 = arith.constant 1 : i32
    %parallel_loop3A_149 = arith.constant 0 : i32
    %parallel_loop3A_150 = arith.constant 0 : i32
    %parallel_loop3A_151:8 = scf.for %parallel_loop3A_481 = %parallel_loop3A to %parallel_loop3A_147 step %parallel_loop3A_148 iter_args(%parallel_loop3A_482 = %broadcast_in_dim3A_132, %parallel_loop3A_483 = %broadcast_in_dim3A_134, %parallel_loop3A_484 = %broadcast_in_dim3A_136, %parallel_loop3A_485 = %broadcast_in_dim3A_138, %parallel_loop3A_486 = %broadcast_in_dim3A_140, %parallel_loop3A_487 = %broadcast_in_dim3A_142, %parallel_loop3A_488 = %broadcast_in_dim3A_144, %parallel_loop3A_489 = %broadcast_in_dim3A_146) -> (vector<16xf32>, vector<16xf32>, vector<16xf32>, vector<16xf32>, vector<16xf32>, vector<16xf32>, vector<16xf32>, vector<16xf32>)  : i32 {
      %parallel_loop3A_490 = vector.broadcast %parallel_loop3A_481 : i32 to vector<16xi32>
      %parallel_loop3A_491 = arith.addi %iota3A, %parallel_loop3A_490 : vector<16xi32>
      %parallel_loop3A_492 = arith.constant 127 : i32
      %parallel_loop3A_493 = vector.broadcast %parallel_loop3A_492 : i32 to vector<16xi32>
      %parallel_loop3A_494 = arith.andi %parallel_loop3A_491, %parallel_loop3A_493 : vector<16xi32>
      %parallel_loop3A_495 = arith.constant 0 : i32
      %parallel_loop3A_496 = arith.constant 0 : i32
      %parallel_loop3A_497 = tpu.memref_slice %arg10[%parallel_loop3A_149, %parallel_loop3A_495, %parallel_loop3A_496] : memref<2x128x128xf32, #tpu.memory_space<vmem>> -> memref<1x128x128xf32, #tpu.memory_space<vmem>>
      %parallel_loop3A_498 = tpu.memref_squeeze %parallel_loop3A_497 : memref<1x128x128xf32, #tpu.memory_space<vmem>> -> memref<128x128xf32, #tpu.memory_space<vmem>>
      %parallel_loop3A_499 = tpu.vector_load_idx %parallel_loop3A_498[%add3A_8, %parallel_loop3A_494] : memref<128x128xf32, #tpu.memory_space<vmem>>[vector<16xi32>, vector<16xi32>], vector<16xf32>,
      %parallel_loop3A_500 = arith.constant 0 : i32
      %parallel_loop3A_501 = arith.constant 0 : i32
      %parallel_loop3A_502 = tpu.memref_slice %arg11[%parallel_loop3A_150, %parallel_loop3A_500, %parallel_loop3A_501] : memref<2x128x128xf32, #tpu.memory_space<vmem>> -> memref<1x128x128xf32, #tpu.memory_space<vmem>>
      %parallel_loop3A_503 = tpu.memref_squeeze %parallel_loop3A_502 : memref<1x128x128xf32, #tpu.memory_space<vmem>> -> memref<128x128xf32, #tpu.memory_space<vmem>>
      %parallel_loop3A_504 = tpu.vector_load_idx %parallel_loop3A_503[%add3A_8, %parallel_loop3A_494] : memref<128x128xf32, #tpu.memory_space<vmem>>[vector<16xi32>, vector<16xi32>], vector<16xf32>,
      %parallel_loop3A_505 = arith.mulf %parallel_loop3A_499, %parallel_loop3A_504 : vector<16xf32>
      %parallel_loop3A_506 = arith.addf %parallel_loop3A_482, %parallel_loop3A_505 : vector<16xf32>
      %parallel_loop3A_507 = arith.constant 0 : i32
      %parallel_loop3A_508 = arith.constant 0 : i32
      %parallel_loop3A_509 = tpu.memref_slice %arg10[%parallel_loop3A_149, %parallel_loop3A_507, %parallel_loop3A_508] : memref<2x128x128xf32, #tpu.memory_space<vmem>> -> memref<1x128x128xf32, #tpu.memory_space<vmem>>
      %parallel_loop3A_510 = tpu.memref_squeeze %parallel_loop3A_509 : memref<1x128x128xf32, #tpu.memory_space<vmem>> -> memref<128x128xf32, #tpu.memory_space<vmem>>
      %parallel_loop3A_511 = tpu.vector_load_idx %parallel_loop3A_510[%add3A_11, %parallel_loop3A_494] : memref<128x128xf32, #tpu.memory_space<vmem>>[vector<16xi32>, vector<16xi32>], vector<16xf32>,
      %parallel_loop3A_512 = arith.constant 0 : i32
      %parallel_loop3A_513 = arith.constant 0 : i32
      %parallel_loop3A_514 = tpu.memref_slice %arg11[%parallel_loop3A_150, %parallel_loop3A_512, %parallel_loop3A_513] : memref<2x128x128xf32, #tpu.memory_space<vmem>> -> memref<1x128x128xf32, #tpu.memory_space<vmem>>
      %parallel_loop3A_515 = tpu.memref_squeeze %parallel_loop3A_514 : memref<1x128x128xf32, #tpu.memory_space<vmem>> -> memref<128x128xf32, #tpu.memory_space<vmem>>
      %parallel_loop3A_516 = tpu.vector_load_idx %parallel_loop3A_515[%add3A_11, %parallel_loop3A_494] : memref<128x128xf32, #tpu.memory_space<vmem>>[vector<16xi32>, vector<16xi32>], vector<16xf32>,
      %parallel_loop3A_517 = arith.mulf %parallel_loop3A_511, %parallel_loop3A_516 : vector<16xf32>
      %parallel_loop3A_518 = arith.addf %parallel_loop3A_483, %parallel_loop3A_517 : vector<16xf32>
      %parallel_loop3A_519 = arith.constant 0 : i32
      %parallel_loop3A_520 = arith.constant 0 : i32
      %parallel_loop3A_521 = tpu.memref_slice %arg10[%parallel_loop3A_149, %parallel_loop3A_519, %parallel_loop3A_520] : memref<2x128x128xf32, #tpu.memory_space<vmem>> -> memref<1x128x128xf32, #tpu.memory_space<vmem>>
      %parallel_loop3A_522 = tpu.memref_squeeze %parallel_loop3A_521 : memref<1x128x128xf32, #tpu.memory_space<vmem>> -> memref<128x128xf32, #tpu.memory_space<vmem>>
      %parallel_loop3A_523 = tpu.vector_load_idx %parallel_loop3A_522[%add3A_14, %parallel_loop3A_494] : memref<128x128xf32, #tpu.memory_space<vmem>>[vector<16xi32>, vector<16xi32>], vector<16xf32>,
      %parallel_loop3A_524 = arith.constant 0 : i32
      %parallel_loop3A_525 = arith.constant 0 : i32
      %parallel_loop3A_526 = tpu.memref_slice %arg11[%parallel_loop3A_150, %parallel_loop3A_524, %parallel_loop3A_525] : memref<2x128x128xf32, #tpu.memory_space<vmem>> -> memref<1x128x128xf32, #tpu.memory_space<vmem>>
      %parallel_loop3A_527 = tpu.memref_squeeze %parallel_loop3A_526 : memref<1x128x128xf32, #tpu.memory_space<vmem>> -> memref<128x128xf32, #tpu.memory_space<vmem>>
      %parallel_loop3A_528 = tpu.vector_load_idx %parallel_loop3A_527[%add3A_14, %parallel_loop3A_494] : memref<128x128xf32, #tpu.memory_space<vmem>>[vector<16xi32>, vector<16xi32>], vector<16xf32>,
      %parallel_loop3A_529 = arith.mulf %parallel_loop3A_523, %parallel_loop3A_528 : vector<16xf32>
      %parallel_loop3A_530 = arith.addf %parallel_loop3A_484, %parallel_loop3A_529 : vector<16xf32>
      %parallel_loop3A_531 = arith.constant 0 : i32
      %parallel_loop3A_532 = arith.constant 0 : i32
      %parallel_loop3A_533 = tpu.memref_slice %arg10[%parallel_loop3A_149, %parallel_loop3A_531, %parallel_loop3A_532] : memref<2x128x128xf32, #tpu.memory_space<vmem>> -> memref<1x128x128xf32, #tpu.memory_space<vmem>>
      %parallel_loop3A_534 = tpu.memref_squeeze %parallel_loop3A_533 : memref<1x128x128xf32, #tpu.memory_space<vmem>> -> memref<128x128xf32, #tpu.memory_space<vmem>>
      %parallel_loop3A_535 = tpu.vector_load_idx %parallel_loop3A_534[%add3A_17, %parallel_loop3A_494] : memref<128x128xf32, #tpu.memory_space<vmem>>[vector<16xi32>, vector<16xi32>], vector<16xf32>,
      %parallel_loop3A_536 = arith.constant 0 : i32
      %parallel_loop3A_537 = arith.constant 0 : i32
      %parallel_loop3A_538 = tpu.memref_slice %arg11[%parallel_loop3A_150, %parallel_loop3A_536, %parallel_loop3A_537] : memref<2x128x128xf32, #tpu.memory_space<vmem>> -> memref<1x128x128xf32, #tpu.memory_space<vmem>>
      %parallel_loop3A_539 = tpu.memref_squeeze %parallel_loop3A_538 : memref<1x128x128xf32, #tpu.memory_space<vmem>> -> memref<128x128xf32, #tpu.memory_space<vmem>>
      %parallel_loop3A_540 = tpu.vector_load_idx %parallel_loop3A_539[%add3A_17, %parallel_loop3A_494] : memref<128x128xf32, #tpu.memory_space<vmem>>[vector<16xi32>, vector<16xi32>], vector<16xf32>,
      %parallel_loop3A_541 = arith.mulf %parallel_loop3A_535, %parallel_loop3A_540 : vector<16xf32>
      %parallel_loop3A_542 = arith.addf %parallel_loop3A_485, %parallel_loop3A_541 : vector<16xf32>
      %parallel_loop3A_543 = arith.constant 0 : i32
      %parallel_loop3A_544 = arith.constant 0 : i32
      %parallel_loop3A_545 = tpu.memref_slice %arg10[%parallel_loop3A_149, %parallel_loop3A_543, %parallel_loop3A_544] : memref<2x128x128xf32, #tpu.memory_space<vmem>> -> memref<1x128x128xf32, #tpu.memory_space<vmem>>
      %parallel_loop3A_546 = tpu.memref_squeeze %parallel_loop3A_545 : memref<1x128x128xf32, #tpu.memory_space<vmem>> -> memref<128x128xf32, #tpu.memory_space<vmem>>
      %parallel_loop3A_547 = tpu.vector_load_idx %parallel_loop3A_546[%add3A_20, %parallel_loop3A_494] : memref<128x128xf32, #tpu.memory_space<vmem>>[vector<16xi32>, vector<16xi32>], vector<16xf32>,
      %parallel_loop3A_548 = arith.constant 0 : i32
      %parallel_loop3A_549 = arith.constant 0 : i32
      %parallel_loop3A_550 = tpu.memref_slice %arg11[%parallel_loop3A_150, %parallel_loop3A_548, %parallel_loop3A_549] : memref<2x128x128xf32, #tpu.memory_space<vmem>> -> memref<1x128x128xf32, #tpu.memory_space<vmem>>
      %parallel_loop3A_551 = tpu.memref_squeeze %parallel_loop3A_550 : memref<1x128x128xf32, #tpu.memory_space<vmem>> -> memref<128x128xf32, #tpu.memory_space<vmem>>
      %parallel_loop3A_552 = tpu.vector_load_idx %parallel_loop3A_551[%add3A_20, %parallel_loop3A_494] : memref<128x128xf32, #tpu.memory_space<vmem>>[vector<16xi32>, vector<16xi32>], vector<16xf32>,
      %parallel_loop3A_553 = arith.mulf %parallel_loop3A_547, %parallel_loop3A_552 : vector<16xf32>
      %parallel_loop3A_554 = arith.addf %parallel_loop3A_486, %parallel_loop3A_553 : vector<16xf32>
      %parallel_loop3A_555 = arith.constant 0 : i32
      %parallel_loop3A_556 = arith.constant 0 : i32
      %parallel_loop3A_557 = tpu.memref_slice %arg10[%parallel_loop3A_149, %parallel_loop3A_555, %parallel_loop3A_556] : memref<2x128x128xf32, #tpu.memory_space<vmem>> -> memref<1x128x128xf32, #tpu.memory_space<vmem>>
      %parallel_loop3A_558 = tpu.memref_squeeze %parallel_loop3A_557 : memref<1x128x128xf32, #tpu.memory_space<vmem>> -> memref<128x128xf32, #tpu.memory_space<vmem>>
      %parallel_loop3A_559 = tpu.vector_load_idx %parallel_loop3A_558[%add3A_23, %parallel_loop3A_494] : memref<128x128xf32, #tpu.memory_space<vmem>>[vector<16xi32>, vector<16xi32>], vector<16xf32>,
      %parallel_loop3A_560 = arith.constant 0 : i32
      %parallel_loop3A_561 = arith.constant 0 : i32
      %parallel_loop3A_562 = tpu.memref_slice %arg11[%parallel_loop3A_150, %parallel_loop3A_560, %parallel_loop3A_561] : memref<2x128x128xf32, #tpu.memory_space<vmem>> -> memref<1x128x128xf32, #tpu.memory_space<vmem>>
      %parallel_loop3A_563 = tpu.memref_squeeze %parallel_loop3A_562 : memref<1x128x128xf32, #tpu.memory_space<vmem>> -> memref<128x128xf32, #tpu.memory_space<vmem>>
      %parallel_loop3A_564 = tpu.vector_load_idx %parallel_loop3A_563[%add3A_23, %parallel_loop3A_494] : memref<128x128xf32, #tpu.memory_space<vmem>>[vector<16xi32>, vector<16xi32>], vector<16xf32>,
      %parallel_loop3A_565 = arith.mulf %parallel_loop3A_559, %parallel_loop3A_564 : vector<16xf32>
      %parallel_loop3A_566 = arith.addf %parallel_loop3A_487, %parallel_loop3A_565 : vector<16xf32>
      %parallel_loop3A_567 = arith.constant 0 : i32
      %parallel_loop3A_568 = arith.constant 0 : i32
      %parallel_loop3A_569 = tpu.memref_slice %arg10[%parallel_loop3A_149, %parallel_loop3A_567, %parallel_loop3A_568] : memref<2x128x128xf32, #tpu.memory_space<vmem>> -> memref<1x128x128xf32, #tpu.memory_space<vmem>>
      %parallel_loop3A_570 = tpu.memref_squeeze %parallel_loop3A_569 : memref<1x128x128xf32, #tpu.memory_space<vmem>> -> memref<128x128xf32, #tpu.memory_space<vmem>>
      %parallel_loop3A_571 = tpu.vector_load_idx %parallel_loop3A_570[%add3A_26, %parallel_loop3A_494] : memref<128x128xf32, #tpu.memory_space<vmem>>[vector<16xi32>, vector<16xi32>], vector<16xf32>,
      %parallel_loop3A_572 = arith.constant 0 : i32
      %parallel_loop3A_573 = arith.constant 0 : i32
      %parallel_loop3A_574 = tpu.memref_slice %arg11[%parallel_loop3A_150, %parallel_loop3A_572, %parallel_loop3A_573] : memref<2x128x128xf32, #tpu.memory_space<vmem>> -> memref<1x128x128xf32, #tpu.memory_space<vmem>>
      %parallel_loop3A_575 = tpu.memref_squeeze %parallel_loop3A_574 : memref<1x128x128xf32, #tpu.memory_space<vmem>> -> memref<128x128xf32, #tpu.memory_space<vmem>>
      %parallel_loop3A_576 = tpu.vector_load_idx %parallel_loop3A_575[%add3A_26, %parallel_loop3A_494] : memref<128x128xf32, #tpu.memory_space<vmem>>[vector<16xi32>, vector<16xi32>], vector<16xf32>,
      %parallel_loop3A_577 = arith.mulf %parallel_loop3A_571, %parallel_loop3A_576 : vector<16xf32>
      %parallel_loop3A_578 = arith.addf %parallel_loop3A_488, %parallel_loop3A_577 : vector<16xf32>
      %parallel_loop3A_579 = arith.constant 0 : i32
      %parallel_loop3A_580 = arith.constant 0 : i32
      %parallel_loop3A_581 = tpu.memref_slice %arg10[%parallel_loop3A_149, %parallel_loop3A_579, %parallel_loop3A_580] : memref<2x128x128xf32, #tpu.memory_space<vmem>> -> memref<1x128x128xf32, #tpu.memory_space<vmem>>
      %parallel_loop3A_582 = tpu.memref_squeeze %parallel_loop3A_581 : memref<1x128x128xf32, #tpu.memory_space<vmem>> -> memref<128x128xf32, #tpu.memory_space<vmem>>
      %parallel_loop3A_583 = tpu.vector_load_idx %parallel_loop3A_582[%add3A_29, %parallel_loop3A_494] : memref<128x128xf32, #tpu.memory_space<vmem>>[vector<16xi32>, vector<16xi32>], vector<16xf32>,
      %parallel_loop3A_584 = arith.constant 0 : i32
      %parallel_loop3A_585 = arith.constant 0 : i32
      %parallel_loop3A_586 = tpu.memref_slice %arg11[%parallel_loop3A_150, %parallel_loop3A_584, %parallel_loop3A_585] : memref<2x128x128xf32, #tpu.memory_space<vmem>> -> memref<1x128x128xf32, #tpu.memory_space<vmem>>
      %parallel_loop3A_587 = tpu.memref_squeeze %parallel_loop3A_586 : memref<1x128x128xf32, #tpu.memory_space<vmem>> -> memref<128x128xf32, #tpu.memory_space<vmem>>
      %parallel_loop3A_588 = tpu.vector_load_idx %parallel_loop3A_587[%add3A_29, %parallel_loop3A_494] : memref<128x128xf32, #tpu.memory_space<vmem>>[vector<16xi32>, vector<16xi32>], vector<16xf32>,
      %parallel_loop3A_589 = arith.mulf %parallel_loop3A_583, %parallel_loop3A_588 : vector<16xf32>
      %parallel_loop3A_590 = arith.addf %parallel_loop3A_489, %parallel_loop3A_589 : vector<16xf32>
      scf.yield %parallel_loop3A_506, %parallel_loop3A_518, %parallel_loop3A_530, %parallel_loop3A_542, %parallel_loop3A_554, %parallel_loop3A_566, %parallel_loop3A_578, %parallel_loop3A_590 : vector<16xf32>, vector<16xf32>, vector<16xf32>, vector<16xf32>, vector<16xf32>, vector<16xf32>, vector<16xf32>, vector<16xf32>
    } {sc.loop_unroll_factor = 1 : i64, sc.parallel_access}
    %add3A_152 = arith.addf %parallel_loop3A_151#0, %broadcast_in_dim3A : vector<16xf32>
    %swap3A = arith.constant 0 : index
    %swap3A_153 = tpu.vector_load %arg13[%swap3A] {strides = array<i32>} : memref<512xf32, #tpu.memory_space<vmem>>, vector<16xf32>,
    tpu.vector_store %arg13[%swap3A], %add3A_152 {strides = array<i32>} : memref<512xf32, #tpu.memory_space<vmem>>, vector<16xf32>,
    %add3A_154 = arith.addf %parallel_loop3A_151#1, %broadcast_in_dim3A : vector<16xf32>
    %swap3A_155 = arith.constant 16 : index
    %swap3A_156 = tpu.vector_load %arg13[%swap3A_155] {strides = array<i32>} : memref<512xf32, #tpu.memory_space<vmem>>, vector<16xf32>,
    tpu.vector_store %arg13[%swap3A_155], %add3A_154 {strides = array<i32>} : memref<512xf32, #tpu.memory_space<vmem>>, vector<16xf32>,
    %add3A_157 = arith.addf %parallel_loop3A_151#2, %broadcast_in_dim3A : vector<16xf32>
    %swap3A_158 = arith.constant 32 : index
    %swap3A_159 = tpu.vector_load %arg13[%swap3A_158] {strides = array<i32>} : memref<512xf32, #tpu.memory_space<vmem>>, vector<16xf32>,
    tpu.vector_store %arg13[%swap3A_158], %add3A_157 {strides = array<i32>} : memref<512xf32, #tpu.memory_space<vmem>>, vector<16xf32>,
    %add3A_160 = arith.addf %parallel_loop3A_151#3, %broadcast_in_dim3A : vector<16xf32>
    %swap3A_161 = arith.constant 48 : index
    %swap3A_162 = tpu.vector_load %arg13[%swap3A_161] {strides = array<i32>} : memref<512xf32, #tpu.memory_space<vmem>>, vector<16xf32>,
    tpu.vector_store %arg13[%swap3A_161], %add3A_160 {strides = array<i32>} : memref<512xf32, #tpu.memory_space<vmem>>, vector<16xf32>,
    %add3A_163 = arith.addf %parallel_loop3A_151#4, %broadcast_in_dim3A : vector<16xf32>
    %swap3A_164 = arith.constant 64 : index
    %swap3A_165 = tpu.vector_load %arg13[%swap3A_164] {strides = array<i32>} : memref<512xf32, #tpu.memory_space<vmem>>, vector<16xf32>,
    tpu.vector_store %arg13[%swap3A_164], %add3A_163 {strides = array<i32>} : memref<512xf32, #tpu.memory_space<vmem>>, vector<16xf32>,
    %add3A_166 = arith.addf %parallel_loop3A_151#5, %broadcast_in_dim3A : vector<16xf32>
    %swap3A_167 = arith.constant 80 : index
    %swap3A_168 = tpu.vector_load %arg13[%swap3A_167] {strides = array<i32>} : memref<512xf32, #tpu.memory_space<vmem>>, vector<16xf32>,
    tpu.vector_store %arg13[%swap3A_167], %add3A_166 {strides = array<i32>} : memref<512xf32, #tpu.memory_space<vmem>>, vector<16xf32>,
    %add3A_169 = arith.addf %parallel_loop3A_151#6, %broadcast_in_dim3A : vector<16xf32>
    %swap3A_170 = arith.constant 96 : index
    %swap3A_171 = tpu.vector_load %arg13[%swap3A_170] {strides = array<i32>} : memref<512xf32, #tpu.memory_space<vmem>>, vector<16xf32>,
    tpu.vector_store %arg13[%swap3A_170], %add3A_169 {strides = array<i32>} : memref<512xf32, #tpu.memory_space<vmem>>, vector<16xf32>,
    %add3A_172 = arith.addf %parallel_loop3A_151#7, %broadcast_in_dim3A : vector<16xf32>
    %swap3A_173 = arith.constant 112 : index
    %swap3A_174 = tpu.vector_load %arg13[%swap3A_173] {strides = array<i32>} : memref<512xf32, #tpu.memory_space<vmem>>, vector<16xf32>,
    tpu.vector_store %arg13[%swap3A_173], %add3A_172 {strides = array<i32>} : memref<512xf32, #tpu.memory_space<vmem>>, vector<16xf32>,
    %add3A_175 = arith.constant 256 : i32
    %add3A_176 = arith.addi %mul3A_2, %add3A_175 : i32
    %run_scoped3A_177 = arith.constant 0 : i32
    "tpu.region"() ({
      %run_scoped3A_481 = tpu.sem_alloc : memref<!tpu.dma_semaphore, #tpu.memory_space<semaphore_mem>>
      %dma_start3A_482 = arith.constant 0 : i32
      %dma_start3A_483 = tpu.memref_slice %arg8[%run_scoped3A_177, %dma_start3A_482] : memref<2x128xi32, #tpu.memory_space<vmem>> -> memref<1x128xi32, #tpu.memory_space<vmem>>
      %dma_start3A_484 = tpu.memref_squeeze %dma_start3A_483 : memref<1x128xi32, #tpu.memory_space<vmem>> -> memref<128xi32, #tpu.memory_space<vmem>>
      %dma_start3A_485 = tpu.memref_slice %arg2[%add3A_176] : memref<16384xi32, #tpu.memory_space<hbm>> -> memref<128xi32, #tpu.memory_space<hbm>>
      %dma_start3A_486 = arith.constant 0 : i32
      %dma_start3A_487 = tpu.memref_slice %arg8[%run_scoped3A_177, %dma_start3A_486] : memref<2x128xi32, #tpu.memory_space<vmem>> -> memref<1x128xi32, #tpu.memory_space<vmem>>
      %dma_start3A_488 = tpu.memref_squeeze %dma_start3A_487 : memref<1x128xi32, #tpu.memory_space<vmem>> -> memref<128xi32, #tpu.memory_space<vmem>>
      %dma_start3A_489 = tpu.memref_slice %arg2[%add3A_176] : memref<16384xi32, #tpu.memory_space<hbm>> -> memref<128xi32, #tpu.memory_space<hbm>>
      tpu.enqueue_dma source(%dma_start3A_489 : memref<128xi32, #tpu.memory_space<hbm>>) target(%dma_start3A_488 : memref<128xi32, #tpu.memory_space<vmem>>) target_semaphore(%run_scoped3A_481 : memref<!tpu.dma_semaphore, #tpu.memory_space<semaphore_mem>>)
      %dma_wait3A_490 = arith.constant 0 : i32
      %dma_wait3A_491 = tpu.memref_slice %arg8[%run_scoped3A_177, %dma_wait3A_490] : memref<2x128xi32, #tpu.memory_space<vmem>> -> memref<1x128xi32, #tpu.memory_space<vmem>>
      %dma_wait3A_492 = tpu.memref_squeeze %dma_wait3A_491 : memref<1x128xi32, #tpu.memory_space<vmem>> -> memref<128xi32, #tpu.memory_space<vmem>>
      %dma_wait3A_493 = tpu.memref_slice %arg2[%add3A_176] : memref<16384xi32, #tpu.memory_space<hbm>> -> memref<128xi32, #tpu.memory_space<hbm>>
      %dma_wait3A_494 = arith.constant 0 : i32
      %dma_wait3A_495 = tpu.memref_slice %arg8[%run_scoped3A_177, %dma_wait3A_494] : memref<2x128xi32, #tpu.memory_space<vmem>> -> memref<1x128xi32, #tpu.memory_space<vmem>>
      %dma_wait3A_496 = tpu.memref_squeeze %dma_wait3A_495 : memref<1x128xi32, #tpu.memory_space<vmem>> -> memref<128xi32, #tpu.memory_space<vmem>>
      %dma_wait3A_497 = tpu.memref_slice %arg2[%add3A_176] : memref<16384xi32, #tpu.memory_space<hbm>> -> memref<128xi32, #tpu.memory_space<hbm>>
      tpu.wait_dma2 semaphore(%run_scoped3A_481 : memref<!tpu.dma_semaphore, #tpu.memory_space<semaphore_mem>>) src(%dma_wait3A_497 : memref<128xi32, #tpu.memory_space<hbm>>) dst(%dma_wait3A_496 : memref<128xi32, #tpu.memory_space<vmem>>)
      tpu.yield
    }) : () -> ()
    %run_scoped3A_178 = arith.constant 0 : i32
    "tpu.region"() ({
      %run_scoped3A_481 = tpu.sem_alloc : memref<!tpu.dma_semaphore, #tpu.memory_space<semaphore_mem>>
      %dma_start3A_482 = arith.constant 0 : i32
      %dma_start3A_483 = tpu.memref_slice %arg9[%run_scoped3A_178, %dma_start3A_482] : memref<2x128xi32, #tpu.memory_space<vmem>> -> memref<1x128xi32, #tpu.memory_space<vmem>>
      %dma_start3A_484 = tpu.memref_squeeze %dma_start3A_483 : memref<1x128xi32, #tpu.memory_space<vmem>> -> memref<128xi32, #tpu.memory_space<vmem>>
      %dma_start3A_485 = tpu.memref_slice %arg3[%add3A_176] : memref<16384xi32, #tpu.memory_space<hbm>> -> memref<128xi32, #tpu.memory_space<hbm>>
      %dma_start3A_486 = arith.constant 0 : i32
      %dma_start3A_487 = tpu.memref_slice %arg9[%run_scoped3A_178, %dma_start3A_486] : memref<2x128xi32, #tpu.memory_space<vmem>> -> memref<1x128xi32, #tpu.memory_space<vmem>>
      %dma_start3A_488 = tpu.memref_squeeze %dma_start3A_487 : memref<1x128xi32, #tpu.memory_space<vmem>> -> memref<128xi32, #tpu.memory_space<vmem>>
      %dma_start3A_489 = tpu.memref_slice %arg3[%add3A_176] : memref<16384xi32, #tpu.memory_space<hbm>> -> memref<128xi32, #tpu.memory_space<hbm>>
      tpu.enqueue_dma source(%dma_start3A_489 : memref<128xi32, #tpu.memory_space<hbm>>) target(%dma_start3A_488 : memref<128xi32, #tpu.memory_space<vmem>>) target_semaphore(%run_scoped3A_481 : memref<!tpu.dma_semaphore, #tpu.memory_space<semaphore_mem>>)
      %dma_wait3A_490 = arith.constant 0 : i32
      %dma_wait3A_491 = tpu.memref_slice %arg9[%run_scoped3A_178, %dma_wait3A_490] : memref<2x128xi32, #tpu.memory_space<vmem>> -> memref<1x128xi32, #tpu.memory_space<vmem>>
      %dma_wait3A_492 = tpu.memref_squeeze %dma_wait3A_491 : memref<1x128xi32, #tpu.memory_space<vmem>> -> memref<128xi32, #tpu.memory_space<vmem>>
      %dma_wait3A_493 = tpu.memref_slice %arg3[%add3A_176] : memref<16384xi32, #tpu.memory_space<hbm>> -> memref<128xi32, #tpu.memory_space<hbm>>
      %dma_wait3A_494 = arith.constant 0 : i32
      %dma_wait3A_495 = tpu.memref_slice %arg9[%run_scoped3A_178, %dma_wait3A_494] : memref<2x128xi32, #tpu.memory_space<vmem>> -> memref<1x128xi32, #tpu.memory_space<vmem>>
      %dma_wait3A_496 = tpu.memref_squeeze %dma_wait3A_495 : memref<1x128xi32, #tpu.memory_space<vmem>> -> memref<128xi32, #tpu.memory_space<vmem>>
      %dma_wait3A_497 = tpu.memref_slice %arg3[%add3A_176] : memref<16384xi32, #tpu.memory_space<hbm>> -> memref<128xi32, #tpu.memory_space<hbm>>
      tpu.wait_dma2 semaphore(%run_scoped3A_481 : memref<!tpu.dma_semaphore, #tpu.memory_space<semaphore_mem>>) src(%dma_wait3A_497 : memref<128xi32, #tpu.memory_space<hbm>>) dst(%dma_wait3A_496 : memref<128xi32, #tpu.memory_space<vmem>>)
      tpu.yield
    }) : () -> ()
    %dma_start3A_179 = arith.constant 0 : i32
    %dma_start3A_180 = arith.constant 0 : i32
    %dma_start3A_181 = arith.constant 0 : i32
    %dma_start3A_182 = arith.constant 0 : i32
    %dma_start3A_183 = arith.constant 0 : i32
    %dma_start3A_184 = arith.constant 0 : i32
    %dma_start3A_185 = tpu.memref_slice %arg10[%dma_start3A_180, %dma_start3A_183, %dma_start3A_184] : memref<2x128x128xf32, #tpu.memory_space<vmem>> -> memref<1x128x128xf32, #tpu.memory_space<vmem>>
    %dma_start3A_186 = tpu.memref_squeeze %dma_start3A_185 : memref<1x128x128xf32, #tpu.memory_space<vmem>> -> memref<128x128xf32, #tpu.memory_space<vmem>>
    %dma_start3A_187 = arith.constant 0 : i32
    %dma_start3A_188 = tpu.memref_slice %arg8[%dma_start3A_179, %dma_start3A_187] : memref<2x128xi32, #tpu.memory_space<vmem>> -> memref<1x128xi32, #tpu.memory_space<vmem>>
    %dma_start3A_189 = tpu.memref_squeeze %dma_start3A_188 : memref<1x128xi32, #tpu.memory_space<vmem>> -> memref<128xi32, #tpu.memory_space<vmem>>
    %dma_start3A_190 = arith.constant 0 : i32
    %dma_start3A_191 = arith.constant 0 : i32
    %dma_start3A_192 = tpu.memref_slice %arg4[%dma_start3A_190, %dma_start3A_191] : memref<1000000x128xf32, #tpu.memory_space<hbm>> -> memref<1000000x128xf32, #tpu.memory_space<hbm>>
    %dma_start3A_193 = tpu.memref_slice %arg14[%dma_start3A_181, %dma_start3A_182] : memref<2x2x!tpu.dma_semaphore, #tpu.memory_space<semaphore_mem>> -> memref<1x1x!tpu.dma_semaphore, #tpu.memory_space<semaphore_mem>>
    %dma_start3A_194 = tpu.memref_squeeze %dma_start3A_193 : memref<1x1x!tpu.dma_semaphore, #tpu.memory_space<semaphore_mem>> -> memref<!tpu.dma_semaphore, #tpu.memory_space<semaphore_mem>>
    tpu.enqueue_indirect_dma source(%dma_start3A_192 : memref<1000000x128xf32, #tpu.memory_space<hbm>>) target(%dma_start3A_186 : memref<128x128xf32, #tpu.memory_space<vmem>>) offsets(%dma_start3A_189 : memref<128xi32, #tpu.memory_space<vmem>>) semaphore(%dma_start3A_194 : memref<!tpu.dma_semaphore, #tpu.memory_space<semaphore_mem>>)
    %dma_start3A_195 = arith.constant 0 : i32
    %dma_start3A_196 = arith.constant 0 : i32
    %dma_start3A_197 = arith.constant 0 : i32
    %dma_start3A_198 = arith.constant 1 : i32
    %dma_start3A_199 = arith.constant 0 : i32
    %dma_start3A_200 = arith.constant 0 : i32
    %dma_start3A_201 = tpu.memref_slice %arg11[%dma_start3A_196, %dma_start3A_199, %dma_start3A_200] : memref<2x128x128xf32, #tpu.memory_space<vmem>> -> memref<1x128x128xf32, #tpu.memory_space<vmem>>
    %dma_start3A_202 = tpu.memref_squeeze %dma_start3A_201 : memref<1x128x128xf32, #tpu.memory_space<vmem>> -> memref<128x128xf32, #tpu.memory_space<vmem>>
    %dma_start3A_203 = arith.constant 0 : i32
    %dma_start3A_204 = tpu.memref_slice %arg9[%dma_start3A_195, %dma_start3A_203] : memref<2x128xi32, #tpu.memory_space<vmem>> -> memref<1x128xi32, #tpu.memory_space<vmem>>
    %dma_start3A_205 = tpu.memref_squeeze %dma_start3A_204 : memref<1x128xi32, #tpu.memory_space<vmem>> -> memref<128xi32, #tpu.memory_space<vmem>>
    %dma_start3A_206 = arith.constant 0 : i32
    %dma_start3A_207 = arith.constant 0 : i32
    %dma_start3A_208 = tpu.memref_slice %arg5[%dma_start3A_206, %dma_start3A_207] : memref<100000x128xf32, #tpu.memory_space<hbm>> -> memref<100000x128xf32, #tpu.memory_space<hbm>>
    %dma_start3A_209 = tpu.memref_slice %arg14[%dma_start3A_197, %dma_start3A_198] : memref<2x2x!tpu.dma_semaphore, #tpu.memory_space<semaphore_mem>> -> memref<1x1x!tpu.dma_semaphore, #tpu.memory_space<semaphore_mem>>
    %dma_start3A_210 = tpu.memref_squeeze %dma_start3A_209 : memref<1x1x!tpu.dma_semaphore, #tpu.memory_space<semaphore_mem>> -> memref<!tpu.dma_semaphore, #tpu.memory_space<semaphore_mem>>
    tpu.enqueue_indirect_dma source(%dma_start3A_208 : memref<100000x128xf32, #tpu.memory_space<hbm>>) target(%dma_start3A_202 : memref<128x128xf32, #tpu.memory_space<vmem>>) offsets(%dma_start3A_205 : memref<128xi32, #tpu.memory_space<vmem>>) semaphore(%dma_start3A_210 : memref<!tpu.dma_semaphore, #tpu.memory_space<semaphore_mem>>)
    %dma_wait3A_211 = arith.constant 1 : i32
    %dma_wait3A_212 = arith.constant 1 : i32
    %dma_wait3A_213 = arith.constant 1 : i32
    %dma_wait3A_214 = arith.constant 0 : i32
    %dma_wait3A_215 = arith.constant 0 : i32
    %dma_wait3A_216 = arith.constant 0 : i32
    %dma_wait3A_217 = tpu.memref_slice %arg10[%dma_wait3A_212, %dma_wait3A_215, %dma_wait3A_216] : memref<2x128x128xf32, #tpu.memory_space<vmem>> -> memref<1x128x128xf32, #tpu.memory_space<vmem>>
    %dma_wait3A_218 = tpu.memref_squeeze %dma_wait3A_217 : memref<1x128x128xf32, #tpu.memory_space<vmem>> -> memref<128x128xf32, #tpu.memory_space<vmem>>
    %dma_wait3A_219 = arith.constant 0 : i32
    %dma_wait3A_220 = tpu.memref_slice %arg8[%dma_wait3A_211, %dma_wait3A_219] : memref<2x128xi32, #tpu.memory_space<vmem>> -> memref<1x128xi32, #tpu.memory_space<vmem>>
    %dma_wait3A_221 = tpu.memref_squeeze %dma_wait3A_220 : memref<1x128xi32, #tpu.memory_space<vmem>> -> memref<128xi32, #tpu.memory_space<vmem>>
    %dma_wait3A_222 = arith.constant 0 : i32
    %dma_wait3A_223 = arith.constant 0 : i32
    %dma_wait3A_224 = tpu.memref_slice %arg4[%dma_wait3A_222, %dma_wait3A_223] : memref<1000000x128xf32, #tpu.memory_space<hbm>> -> memref<1000000x128xf32, #tpu.memory_space<hbm>>
    %dma_wait3A_225 = tpu.memref_slice %arg14[%dma_wait3A_213, %dma_wait3A_214] : memref<2x2x!tpu.dma_semaphore, #tpu.memory_space<semaphore_mem>> -> memref<1x1x!tpu.dma_semaphore, #tpu.memory_space<semaphore_mem>>
    %dma_wait3A_226 = tpu.memref_squeeze %dma_wait3A_225 : memref<1x1x!tpu.dma_semaphore, #tpu.memory_space<semaphore_mem>> -> memref<!tpu.dma_semaphore, #tpu.memory_space<semaphore_mem>>
    tpu.wait_indirect_dma semaphore(%dma_wait3A_226 : memref<!tpu.dma_semaphore, #tpu.memory_space<semaphore_mem>>) src(%dma_wait3A_224 : memref<1000000x128xf32, #tpu.memory_space<hbm>>) dst(%dma_wait3A_218 : memref<128x128xf32, #tpu.memory_space<vmem>>)
    %dma_wait3A_227 = arith.constant 1 : i32
    %dma_wait3A_228 = arith.constant 1 : i32
    %dma_wait3A_229 = arith.constant 1 : i32
    %dma_wait3A_230 = arith.constant 1 : i32
    %dma_wait3A_231 = arith.constant 0 : i32
    %dma_wait3A_232 = arith.constant 0 : i32
    %dma_wait3A_233 = tpu.memref_slice %arg11[%dma_wait3A_228, %dma_wait3A_231, %dma_wait3A_232] : memref<2x128x128xf32, #tpu.memory_space<vmem>> -> memref<1x128x128xf32, #tpu.memory_space<vmem>>
    %dma_wait3A_234 = tpu.memref_squeeze %dma_wait3A_233 : memref<1x128x128xf32, #tpu.memory_space<vmem>> -> memref<128x128xf32, #tpu.memory_space<vmem>>
    %dma_wait3A_235 = arith.constant 0 : i32
    %dma_wait3A_236 = tpu.memref_slice %arg9[%dma_wait3A_227, %dma_wait3A_235] : memref<2x128xi32, #tpu.memory_space<vmem>> -> memref<1x128xi32, #tpu.memory_space<vmem>>
    %dma_wait3A_237 = tpu.memref_squeeze %dma_wait3A_236 : memref<1x128xi32, #tpu.memory_space<vmem>> -> memref<128xi32, #tpu.memory_space<vmem>>
    %dma_wait3A_238 = arith.constant 0 : i32
    %dma_wait3A_239 = arith.constant 0 : i32
    %dma_wait3A_240 = tpu.memref_slice %arg5[%dma_wait3A_238, %dma_wait3A_239] : memref<100000x128xf32, #tpu.memory_space<hbm>> -> memref<100000x128xf32, #tpu.memory_space<hbm>>
    %dma_wait3A_241 = tpu.memref_slice %arg14[%dma_wait3A_229, %dma_wait3A_230] : memref<2x2x!tpu.dma_semaphore, #tpu.memory_space<semaphore_mem>> -> memref<1x1x!tpu.dma_semaphore, #tpu.memory_space<semaphore_mem>>
    %dma_wait3A_242 = tpu.memref_squeeze %dma_wait3A_241 : memref<1x1x!tpu.dma_semaphore, #tpu.memory_space<semaphore_mem>> -> memref<!tpu.dma_semaphore, #tpu.memory_space<semaphore_mem>>
    tpu.wait_indirect_dma semaphore(%dma_wait3A_242 : memref<!tpu.dma_semaphore, #tpu.memory_space<semaphore_mem>>) src(%dma_wait3A_240 : memref<100000x128xf32, #tpu.memory_space<hbm>>) dst(%dma_wait3A_234 : memref<128x128xf32, #tpu.memory_space<vmem>>)
    %broadcast_in_dim3A_243 = arith.constant 0.000000e+00 : f32
    %broadcast_in_dim3A_244 = vector.broadcast %broadcast_in_dim3A_243 : f32 to vector<16xf32>
    %broadcast_in_dim3A_245 = arith.constant 0.000000e+00 : f32
    %broadcast_in_dim3A_246 = vector.broadcast %broadcast_in_dim3A_245 : f32 to vector<16xf32>
    %broadcast_in_dim3A_247 = arith.constant 0.000000e+00 : f32
    %broadcast_in_dim3A_248 = vector.broadcast %broadcast_in_dim3A_247 : f32 to vector<16xf32>
    %broadcast_in_dim3A_249 = arith.constant 0.000000e+00 : f32
    %broadcast_in_dim3A_250 = vector.broadcast %broadcast_in_dim3A_249 : f32 to vector<16xf32>
    %broadcast_in_dim3A_251 = arith.constant 0.000000e+00 : f32
    %broadcast_in_dim3A_252 = vector.broadcast %broadcast_in_dim3A_251 : f32 to vector<16xf32>
    %broadcast_in_dim3A_253 = arith.constant 0.000000e+00 : f32
    %broadcast_in_dim3A_254 = vector.broadcast %broadcast_in_dim3A_253 : f32 to vector<16xf32>
    %broadcast_in_dim3A_255 = arith.constant 0.000000e+00 : f32
    %broadcast_in_dim3A_256 = vector.broadcast %broadcast_in_dim3A_255 : f32 to vector<16xf32>
    %broadcast_in_dim3A_257 = arith.constant 0.000000e+00 : f32
    %broadcast_in_dim3A_258 = vector.broadcast %broadcast_in_dim3A_257 : f32 to vector<16xf32>
    %parallel_loop3A_259 = arith.constant 0 : i32
    %parallel_loop3A_260 = arith.constant 128 : i32
    %parallel_loop3A_261 = arith.constant 1 : i32
    %parallel_loop3A_262 = arith.constant 1 : i32
    %parallel_loop3A_263 = arith.constant 1 : i32
    %parallel_loop3A_264:8 = scf.for %parallel_loop3A_481 = %parallel_loop3A_259 to %parallel_loop3A_260 step %parallel_loop3A_261 iter_args(%parallel_loop3A_482 = %broadcast_in_dim3A_244, %parallel_loop3A_483 = %broadcast_in_dim3A_246, %parallel_loop3A_484 = %broadcast_in_dim3A_248, %parallel_loop3A_485 = %broadcast_in_dim3A_250, %parallel_loop3A_486 = %broadcast_in_dim3A_252, %parallel_loop3A_487 = %broadcast_in_dim3A_254, %parallel_loop3A_488 = %broadcast_in_dim3A_256, %parallel_loop3A_489 = %broadcast_in_dim3A_258) -> (vector<16xf32>, vector<16xf32>, vector<16xf32>, vector<16xf32>, vector<16xf32>, vector<16xf32>, vector<16xf32>, vector<16xf32>)  : i32 {
      %parallel_loop3A_490 = vector.broadcast %parallel_loop3A_481 : i32 to vector<16xi32>
      %parallel_loop3A_491 = arith.addi %iota3A, %parallel_loop3A_490 : vector<16xi32>
      %parallel_loop3A_492 = arith.constant 127 : i32
      %parallel_loop3A_493 = vector.broadcast %parallel_loop3A_492 : i32 to vector<16xi32>
      %parallel_loop3A_494 = arith.andi %parallel_loop3A_491, %parallel_loop3A_493 : vector<16xi32>
      %parallel_loop3A_495 = arith.constant 0 : i32
      %parallel_loop3A_496 = arith.constant 0 : i32
      %parallel_loop3A_497 = tpu.memref_slice %arg10[%parallel_loop3A_262, %parallel_loop3A_495, %parallel_loop3A_496] : memref<2x128x128xf32, #tpu.memory_space<vmem>> -> memref<1x128x128xf32, #tpu.memory_space<vmem>>
      %parallel_loop3A_498 = tpu.memref_squeeze %parallel_loop3A_497 : memref<1x128x128xf32, #tpu.memory_space<vmem>> -> memref<128x128xf32, #tpu.memory_space<vmem>>
      %parallel_loop3A_499 = tpu.vector_load_idx %parallel_loop3A_498[%add3A_8, %parallel_loop3A_494] : memref<128x128xf32, #tpu.memory_space<vmem>>[vector<16xi32>, vector<16xi32>], vector<16xf32>,
      %parallel_loop3A_500 = arith.constant 0 : i32
      %parallel_loop3A_501 = arith.constant 0 : i32
      %parallel_loop3A_502 = tpu.memref_slice %arg11[%parallel_loop3A_263, %parallel_loop3A_500, %parallel_loop3A_501] : memref<2x128x128xf32, #tpu.memory_space<vmem>> -> memref<1x128x128xf32, #tpu.memory_space<vmem>>
      %parallel_loop3A_503 = tpu.memref_squeeze %parallel_loop3A_502 : memref<1x128x128xf32, #tpu.memory_space<vmem>> -> memref<128x128xf32, #tpu.memory_space<vmem>>
      %parallel_loop3A_504 = tpu.vector_load_idx %parallel_loop3A_503[%add3A_8, %parallel_loop3A_494] : memref<128x128xf32, #tpu.memory_space<vmem>>[vector<16xi32>, vector<16xi32>], vector<16xf32>,
      %parallel_loop3A_505 = arith.mulf %parallel_loop3A_499, %parallel_loop3A_504 : vector<16xf32>
      %parallel_loop3A_506 = arith.addf %parallel_loop3A_482, %parallel_loop3A_505 : vector<16xf32>
      %parallel_loop3A_507 = arith.constant 0 : i32
      %parallel_loop3A_508 = arith.constant 0 : i32
      %parallel_loop3A_509 = tpu.memref_slice %arg10[%parallel_loop3A_262, %parallel_loop3A_507, %parallel_loop3A_508] : memref<2x128x128xf32, #tpu.memory_space<vmem>> -> memref<1x128x128xf32, #tpu.memory_space<vmem>>
      %parallel_loop3A_510 = tpu.memref_squeeze %parallel_loop3A_509 : memref<1x128x128xf32, #tpu.memory_space<vmem>> -> memref<128x128xf32, #tpu.memory_space<vmem>>
      %parallel_loop3A_511 = tpu.vector_load_idx %parallel_loop3A_510[%add3A_11, %parallel_loop3A_494] : memref<128x128xf32, #tpu.memory_space<vmem>>[vector<16xi32>, vector<16xi32>], vector<16xf32>,
      %parallel_loop3A_512 = arith.constant 0 : i32
      %parallel_loop3A_513 = arith.constant 0 : i32
      %parallel_loop3A_514 = tpu.memref_slice %arg11[%parallel_loop3A_263, %parallel_loop3A_512, %parallel_loop3A_513] : memref<2x128x128xf32, #tpu.memory_space<vmem>> -> memref<1x128x128xf32, #tpu.memory_space<vmem>>
      %parallel_loop3A_515 = tpu.memref_squeeze %parallel_loop3A_514 : memref<1x128x128xf32, #tpu.memory_space<vmem>> -> memref<128x128xf32, #tpu.memory_space<vmem>>
      %parallel_loop3A_516 = tpu.vector_load_idx %parallel_loop3A_515[%add3A_11, %parallel_loop3A_494] : memref<128x128xf32, #tpu.memory_space<vmem>>[vector<16xi32>, vector<16xi32>], vector<16xf32>,
      %parallel_loop3A_517 = arith.mulf %parallel_loop3A_511, %parallel_loop3A_516 : vector<16xf32>
      %parallel_loop3A_518 = arith.addf %parallel_loop3A_483, %parallel_loop3A_517 : vector<16xf32>
      %parallel_loop3A_519 = arith.constant 0 : i32
      %parallel_loop3A_520 = arith.constant 0 : i32
      %parallel_loop3A_521 = tpu.memref_slice %arg10[%parallel_loop3A_262, %parallel_loop3A_519, %parallel_loop3A_520] : memref<2x128x128xf32, #tpu.memory_space<vmem>> -> memref<1x128x128xf32, #tpu.memory_space<vmem>>
      %parallel_loop3A_522 = tpu.memref_squeeze %parallel_loop3A_521 : memref<1x128x128xf32, #tpu.memory_space<vmem>> -> memref<128x128xf32, #tpu.memory_space<vmem>>
      %parallel_loop3A_523 = tpu.vector_load_idx %parallel_loop3A_522[%add3A_14, %parallel_loop3A_494] : memref<128x128xf32, #tpu.memory_space<vmem>>[vector<16xi32>, vector<16xi32>], vector<16xf32>,
      %parallel_loop3A_524 = arith.constant 0 : i32
      %parallel_loop3A_525 = arith.constant 0 : i32
      %parallel_loop3A_526 = tpu.memref_slice %arg11[%parallel_loop3A_263, %parallel_loop3A_524, %parallel_loop3A_525] : memref<2x128x128xf32, #tpu.memory_space<vmem>> -> memref<1x128x128xf32, #tpu.memory_space<vmem>>
      %parallel_loop3A_527 = tpu.memref_squeeze %parallel_loop3A_526 : memref<1x128x128xf32, #tpu.memory_space<vmem>> -> memref<128x128xf32, #tpu.memory_space<vmem>>
      %parallel_loop3A_528 = tpu.vector_load_idx %parallel_loop3A_527[%add3A_14, %parallel_loop3A_494] : memref<128x128xf32, #tpu.memory_space<vmem>>[vector<16xi32>, vector<16xi32>], vector<16xf32>,
      %parallel_loop3A_529 = arith.mulf %parallel_loop3A_523, %parallel_loop3A_528 : vector<16xf32>
      %parallel_loop3A_530 = arith.addf %parallel_loop3A_484, %parallel_loop3A_529 : vector<16xf32>
      %parallel_loop3A_531 = arith.constant 0 : i32
      %parallel_loop3A_532 = arith.constant 0 : i32
      %parallel_loop3A_533 = tpu.memref_slice %arg10[%parallel_loop3A_262, %parallel_loop3A_531, %parallel_loop3A_532] : memref<2x128x128xf32, #tpu.memory_space<vmem>> -> memref<1x128x128xf32, #tpu.memory_space<vmem>>
      %parallel_loop3A_534 = tpu.memref_squeeze %parallel_loop3A_533 : memref<1x128x128xf32, #tpu.memory_space<vmem>> -> memref<128x128xf32, #tpu.memory_space<vmem>>
      %parallel_loop3A_535 = tpu.vector_load_idx %parallel_loop3A_534[%add3A_17, %parallel_loop3A_494] : memref<128x128xf32, #tpu.memory_space<vmem>>[vector<16xi32>, vector<16xi32>], vector<16xf32>,
      %parallel_loop3A_536 = arith.constant 0 : i32
      %parallel_loop3A_537 = arith.constant 0 : i32
      %parallel_loop3A_538 = tpu.memref_slice %arg11[%parallel_loop3A_263, %parallel_loop3A_536, %parallel_loop3A_537] : memref<2x128x128xf32, #tpu.memory_space<vmem>> -> memref<1x128x128xf32, #tpu.memory_space<vmem>>
      %parallel_loop3A_539 = tpu.memref_squeeze %parallel_loop3A_538 : memref<1x128x128xf32, #tpu.memory_space<vmem>> -> memref<128x128xf32, #tpu.memory_space<vmem>>
      %parallel_loop3A_540 = tpu.vector_load_idx %parallel_loop3A_539[%add3A_17, %parallel_loop3A_494] : memref<128x128xf32, #tpu.memory_space<vmem>>[vector<16xi32>, vector<16xi32>], vector<16xf32>,
      %parallel_loop3A_541 = arith.mulf %parallel_loop3A_535, %parallel_loop3A_540 : vector<16xf32>
      %parallel_loop3A_542 = arith.addf %parallel_loop3A_485, %parallel_loop3A_541 : vector<16xf32>
      %parallel_loop3A_543 = arith.constant 0 : i32
      %parallel_loop3A_544 = arith.constant 0 : i32
      %parallel_loop3A_545 = tpu.memref_slice %arg10[%parallel_loop3A_262, %parallel_loop3A_543, %parallel_loop3A_544] : memref<2x128x128xf32, #tpu.memory_space<vmem>> -> memref<1x128x128xf32, #tpu.memory_space<vmem>>
      %parallel_loop3A_546 = tpu.memref_squeeze %parallel_loop3A_545 : memref<1x128x128xf32, #tpu.memory_space<vmem>> -> memref<128x128xf32, #tpu.memory_space<vmem>>
      %parallel_loop3A_547 = tpu.vector_load_idx %parallel_loop3A_546[%add3A_20, %parallel_loop3A_494] : memref<128x128xf32, #tpu.memory_space<vmem>>[vector<16xi32>, vector<16xi32>], vector<16xf32>,
      %parallel_loop3A_548 = arith.constant 0 : i32
      %parallel_loop3A_549 = arith.constant 0 : i32
      %parallel_loop3A_550 = tpu.memref_slice %arg11[%parallel_loop3A_263, %parallel_loop3A_548, %parallel_loop3A_549] : memref<2x128x128xf32, #tpu.memory_space<vmem>> -> memref<1x128x128xf32, #tpu.memory_space<vmem>>
      %parallel_loop3A_551 = tpu.memref_squeeze %parallel_loop3A_550 : memref<1x128x128xf32, #tpu.memory_space<vmem>> -> memref<128x128xf32, #tpu.memory_space<vmem>>
      %parallel_loop3A_552 = tpu.vector_load_idx %parallel_loop3A_551[%add3A_20, %parallel_loop3A_494] : memref<128x128xf32, #tpu.memory_space<vmem>>[vector<16xi32>, vector<16xi32>], vector<16xf32>,
      %parallel_loop3A_553 = arith.mulf %parallel_loop3A_547, %parallel_loop3A_552 : vector<16xf32>
      %parallel_loop3A_554 = arith.addf %parallel_loop3A_486, %parallel_loop3A_553 : vector<16xf32>
      %parallel_loop3A_555 = arith.constant 0 : i32
      %parallel_loop3A_556 = arith.constant 0 : i32
      %parallel_loop3A_557 = tpu.memref_slice %arg10[%parallel_loop3A_262, %parallel_loop3A_555, %parallel_loop3A_556] : memref<2x128x128xf32, #tpu.memory_space<vmem>> -> memref<1x128x128xf32, #tpu.memory_space<vmem>>
      %parallel_loop3A_558 = tpu.memref_squeeze %parallel_loop3A_557 : memref<1x128x128xf32, #tpu.memory_space<vmem>> -> memref<128x128xf32, #tpu.memory_space<vmem>>
      %parallel_loop3A_559 = tpu.vector_load_idx %parallel_loop3A_558[%add3A_23, %parallel_loop3A_494] : memref<128x128xf32, #tpu.memory_space<vmem>>[vector<16xi32>, vector<16xi32>], vector<16xf32>,
      %parallel_loop3A_560 = arith.constant 0 : i32
      %parallel_loop3A_561 = arith.constant 0 : i32
      %parallel_loop3A_562 = tpu.memref_slice %arg11[%parallel_loop3A_263, %parallel_loop3A_560, %parallel_loop3A_561] : memref<2x128x128xf32, #tpu.memory_space<vmem>> -> memref<1x128x128xf32, #tpu.memory_space<vmem>>
      %parallel_loop3A_563 = tpu.memref_squeeze %parallel_loop3A_562 : memref<1x128x128xf32, #tpu.memory_space<vmem>> -> memref<128x128xf32, #tpu.memory_space<vmem>>
      %parallel_loop3A_564 = tpu.vector_load_idx %parallel_loop3A_563[%add3A_23, %parallel_loop3A_494] : memref<128x128xf32, #tpu.memory_space<vmem>>[vector<16xi32>, vector<16xi32>], vector<16xf32>,
      %parallel_loop3A_565 = arith.mulf %parallel_loop3A_559, %parallel_loop3A_564 : vector<16xf32>
      %parallel_loop3A_566 = arith.addf %parallel_loop3A_487, %parallel_loop3A_565 : vector<16xf32>
      %parallel_loop3A_567 = arith.constant 0 : i32
      %parallel_loop3A_568 = arith.constant 0 : i32
      %parallel_loop3A_569 = tpu.memref_slice %arg10[%parallel_loop3A_262, %parallel_loop3A_567, %parallel_loop3A_568] : memref<2x128x128xf32, #tpu.memory_space<vmem>> -> memref<1x128x128xf32, #tpu.memory_space<vmem>>
      %parallel_loop3A_570 = tpu.memref_squeeze %parallel_loop3A_569 : memref<1x128x128xf32, #tpu.memory_space<vmem>> -> memref<128x128xf32, #tpu.memory_space<vmem>>
      %parallel_loop3A_571 = tpu.vector_load_idx %parallel_loop3A_570[%add3A_26, %parallel_loop3A_494] : memref<128x128xf32, #tpu.memory_space<vmem>>[vector<16xi32>, vector<16xi32>], vector<16xf32>,
      %parallel_loop3A_572 = arith.constant 0 : i32
      %parallel_loop3A_573 = arith.constant 0 : i32
      %parallel_loop3A_574 = tpu.memref_slice %arg11[%parallel_loop3A_263, %parallel_loop3A_572, %parallel_loop3A_573] : memref<2x128x128xf32, #tpu.memory_space<vmem>> -> memref<1x128x128xf32, #tpu.memory_space<vmem>>
      %parallel_loop3A_575 = tpu.memref_squeeze %parallel_loop3A_574 : memref<1x128x128xf32, #tpu.memory_space<vmem>> -> memref<128x128xf32, #tpu.memory_space<vmem>>
      %parallel_loop3A_576 = tpu.vector_load_idx %parallel_loop3A_575[%add3A_26, %parallel_loop3A_494] : memref<128x128xf32, #tpu.memory_space<vmem>>[vector<16xi32>, vector<16xi32>], vector<16xf32>,
      %parallel_loop3A_577 = arith.mulf %parallel_loop3A_571, %parallel_loop3A_576 : vector<16xf32>
      %parallel_loop3A_578 = arith.addf %parallel_loop3A_488, %parallel_loop3A_577 : vector<16xf32>
      %parallel_loop3A_579 = arith.constant 0 : i32
      %parallel_loop3A_580 = arith.constant 0 : i32
      %parallel_loop3A_581 = tpu.memref_slice %arg10[%parallel_loop3A_262, %parallel_loop3A_579, %parallel_loop3A_580] : memref<2x128x128xf32, #tpu.memory_space<vmem>> -> memref<1x128x128xf32, #tpu.memory_space<vmem>>
      %parallel_loop3A_582 = tpu.memref_squeeze %parallel_loop3A_581 : memref<1x128x128xf32, #tpu.memory_space<vmem>> -> memref<128x128xf32, #tpu.memory_space<vmem>>
      %parallel_loop3A_583 = tpu.vector_load_idx %parallel_loop3A_582[%add3A_29, %parallel_loop3A_494] : memref<128x128xf32, #tpu.memory_space<vmem>>[vector<16xi32>, vector<16xi32>], vector<16xf32>,
      %parallel_loop3A_584 = arith.constant 0 : i32
      %parallel_loop3A_585 = arith.constant 0 : i32
      %parallel_loop3A_586 = tpu.memref_slice %arg11[%parallel_loop3A_263, %parallel_loop3A_584, %parallel_loop3A_585] : memref<2x128x128xf32, #tpu.memory_space<vmem>> -> memref<1x128x128xf32, #tpu.memory_space<vmem>>
      %parallel_loop3A_587 = tpu.memref_squeeze %parallel_loop3A_586 : memref<1x128x128xf32, #tpu.memory_space<vmem>> -> memref<128x128xf32, #tpu.memory_space<vmem>>
      %parallel_loop3A_588 = tpu.vector_load_idx %parallel_loop3A_587[%add3A_29, %parallel_loop3A_494] : memref<128x128xf32, #tpu.memory_space<vmem>>[vector<16xi32>, vector<16xi32>], vector<16xf32>,
      %parallel_loop3A_589 = arith.mulf %parallel_loop3A_583, %parallel_loop3A_588 : vector<16xf32>
      %parallel_loop3A_590 = arith.addf %parallel_loop3A_489, %parallel_loop3A_589 : vector<16xf32>
      scf.yield %parallel_loop3A_506, %parallel_loop3A_518, %parallel_loop3A_530, %parallel_loop3A_542, %parallel_loop3A_554, %parallel_loop3A_566, %parallel_loop3A_578, %parallel_loop3A_590 : vector<16xf32>, vector<16xf32>, vector<16xf32>, vector<16xf32>, vector<16xf32>, vector<16xf32>, vector<16xf32>, vector<16xf32>
    } {sc.loop_unroll_factor = 1 : i64, sc.parallel_access}
    %add3A_265 = arith.addf %parallel_loop3A_264#0, %broadcast_in_dim3A : vector<16xf32>
    %swap3A_266 = arith.constant 128 : index
    %swap3A_267 = tpu.vector_load %arg13[%swap3A_266] {strides = array<i32>} : memref<512xf32, #tpu.memory_space<vmem>>, vector<16xf32>,
    tpu.vector_store %arg13[%swap3A_266], %add3A_265 {strides = array<i32>} : memref<512xf32, #tpu.memory_space<vmem>>, vector<16xf32>,
    %add3A_268 = arith.addf %parallel_loop3A_264#1, %broadcast_in_dim3A : vector<16xf32>
    %swap3A_269 = arith.constant 144 : index
    %swap3A_270 = tpu.vector_load %arg13[%swap3A_269] {strides = array<i32>} : memref<512xf32, #tpu.memory_space<vmem>>, vector<16xf32>,
    tpu.vector_store %arg13[%swap3A_269], %add3A_268 {strides = array<i32>} : memref<512xf32, #tpu.memory_space<vmem>>, vector<16xf32>,
    %add3A_271 = arith.addf %parallel_loop3A_264#2, %broadcast_in_dim3A : vector<16xf32>
    %swap3A_272 = arith.constant 160 : index
    %swap3A_273 = tpu.vector_load %arg13[%swap3A_272] {strides = array<i32>} : memref<512xf32, #tpu.memory_space<vmem>>, vector<16xf32>,
    tpu.vector_store %arg13[%swap3A_272], %add3A_271 {strides = array<i32>} : memref<512xf32, #tpu.memory_space<vmem>>, vector<16xf32>,
    %add3A_274 = arith.addf %parallel_loop3A_264#3, %broadcast_in_dim3A : vector<16xf32>
    %swap3A_275 = arith.constant 176 : index
    %swap3A_276 = tpu.vector_load %arg13[%swap3A_275] {strides = array<i32>} : memref<512xf32, #tpu.memory_space<vmem>>, vector<16xf32>,
    tpu.vector_store %arg13[%swap3A_275], %add3A_274 {strides = array<i32>} : memref<512xf32, #tpu.memory_space<vmem>>, vector<16xf32>,
    %add3A_277 = arith.addf %parallel_loop3A_264#4, %broadcast_in_dim3A : vector<16xf32>
    %swap3A_278 = arith.constant 192 : index
    %swap3A_279 = tpu.vector_load %arg13[%swap3A_278] {strides = array<i32>} : memref<512xf32, #tpu.memory_space<vmem>>, vector<16xf32>,
    tpu.vector_store %arg13[%swap3A_278], %add3A_277 {strides = array<i32>} : memref<512xf32, #tpu.memory_space<vmem>>, vector<16xf32>,
    %add3A_280 = arith.addf %parallel_loop3A_264#5, %broadcast_in_dim3A : vector<16xf32>
    %swap3A_281 = arith.constant 208 : index
    %swap3A_282 = tpu.vector_load %arg13[%swap3A_281] {strides = array<i32>} : memref<512xf32, #tpu.memory_space<vmem>>, vector<16xf32>,
    tpu.vector_store %arg13[%swap3A_281], %add3A_280 {strides = array<i32>} : memref<512xf32, #tpu.memory_space<vmem>>, vector<16xf32>,
    %add3A_283 = arith.addf %parallel_loop3A_264#6, %broadcast_in_dim3A : vector<16xf32>
    %swap3A_284 = arith.constant 224 : index
    %swap3A_285 = tpu.vector_load %arg13[%swap3A_284] {strides = array<i32>} : memref<512xf32, #tpu.memory_space<vmem>>, vector<16xf32>,
    tpu.vector_store %arg13[%swap3A_284], %add3A_283 {strides = array<i32>} : memref<512xf32, #tpu.memory_space<vmem>>, vector<16xf32>,
    %add3A_286 = arith.addf %parallel_loop3A_264#7, %broadcast_in_dim3A : vector<16xf32>
    %swap3A_287 = arith.constant 240 : index
    %swap3A_288 = tpu.vector_load %arg13[%swap3A_287] {strides = array<i32>} : memref<512xf32, #tpu.memory_space<vmem>>, vector<16xf32>,
    tpu.vector_store %arg13[%swap3A_287], %add3A_286 {strides = array<i32>} : memref<512xf32, #tpu.memory_space<vmem>>, vector<16xf32>,
    %add3A_289 = arith.constant 384 : i32
    %add3A_290 = arith.addi %mul3A_2, %add3A_289 : i32
    %run_scoped3A_291 = arith.constant 1 : i32
    "tpu.region"() ({
      %run_scoped3A_481 = tpu.sem_alloc : memref<!tpu.dma_semaphore, #tpu.memory_space<semaphore_mem>>
      %dma_start3A_482 = arith.constant 0 : i32
      %dma_start3A_483 = tpu.memref_slice %arg8[%run_scoped3A_291, %dma_start3A_482] : memref<2x128xi32, #tpu.memory_space<vmem>> -> memref<1x128xi32, #tpu.memory_space<vmem>>
      %dma_start3A_484 = tpu.memref_squeeze %dma_start3A_483 : memref<1x128xi32, #tpu.memory_space<vmem>> -> memref<128xi32, #tpu.memory_space<vmem>>
      %dma_start3A_485 = tpu.memref_slice %arg2[%add3A_290] : memref<16384xi32, #tpu.memory_space<hbm>> -> memref<128xi32, #tpu.memory_space<hbm>>
      %dma_start3A_486 = arith.constant 0 : i32
      %dma_start3A_487 = tpu.memref_slice %arg8[%run_scoped3A_291, %dma_start3A_486] : memref<2x128xi32, #tpu.memory_space<vmem>> -> memref<1x128xi32, #tpu.memory_space<vmem>>
      %dma_start3A_488 = tpu.memref_squeeze %dma_start3A_487 : memref<1x128xi32, #tpu.memory_space<vmem>> -> memref<128xi32, #tpu.memory_space<vmem>>
      %dma_start3A_489 = tpu.memref_slice %arg2[%add3A_290] : memref<16384xi32, #tpu.memory_space<hbm>> -> memref<128xi32, #tpu.memory_space<hbm>>
      tpu.enqueue_dma source(%dma_start3A_489 : memref<128xi32, #tpu.memory_space<hbm>>) target(%dma_start3A_488 : memref<128xi32, #tpu.memory_space<vmem>>) target_semaphore(%run_scoped3A_481 : memref<!tpu.dma_semaphore, #tpu.memory_space<semaphore_mem>>)
      %dma_wait3A_490 = arith.constant 0 : i32
      %dma_wait3A_491 = tpu.memref_slice %arg8[%run_scoped3A_291, %dma_wait3A_490] : memref<2x128xi32, #tpu.memory_space<vmem>> -> memref<1x128xi32, #tpu.memory_space<vmem>>
      %dma_wait3A_492 = tpu.memref_squeeze %dma_wait3A_491 : memref<1x128xi32, #tpu.memory_space<vmem>> -> memref<128xi32, #tpu.memory_space<vmem>>
      %dma_wait3A_493 = tpu.memref_slice %arg2[%add3A_290] : memref<16384xi32, #tpu.memory_space<hbm>> -> memref<128xi32, #tpu.memory_space<hbm>>
      %dma_wait3A_494 = arith.constant 0 : i32
      %dma_wait3A_495 = tpu.memref_slice %arg8[%run_scoped3A_291, %dma_wait3A_494] : memref<2x128xi32, #tpu.memory_space<vmem>> -> memref<1x128xi32, #tpu.memory_space<vmem>>
      %dma_wait3A_496 = tpu.memref_squeeze %dma_wait3A_495 : memref<1x128xi32, #tpu.memory_space<vmem>> -> memref<128xi32, #tpu.memory_space<vmem>>
      %dma_wait3A_497 = tpu.memref_slice %arg2[%add3A_290] : memref<16384xi32, #tpu.memory_space<hbm>> -> memref<128xi32, #tpu.memory_space<hbm>>
      tpu.wait_dma2 semaphore(%run_scoped3A_481 : memref<!tpu.dma_semaphore, #tpu.memory_space<semaphore_mem>>) src(%dma_wait3A_497 : memref<128xi32, #tpu.memory_space<hbm>>) dst(%dma_wait3A_496 : memref<128xi32, #tpu.memory_space<vmem>>)
      tpu.yield
    }) : () -> ()
    %run_scoped3A_292 = arith.constant 1 : i32
    "tpu.region"() ({
      %run_scoped3A_481 = tpu.sem_alloc : memref<!tpu.dma_semaphore, #tpu.memory_space<semaphore_mem>>
      %dma_start3A_482 = arith.constant 0 : i32
      %dma_start3A_483 = tpu.memref_slice %arg9[%run_scoped3A_292, %dma_start3A_482] : memref<2x128xi32, #tpu.memory_space<vmem>> -> memref<1x128xi32, #tpu.memory_space<vmem>>
      %dma_start3A_484 = tpu.memref_squeeze %dma_start3A_483 : memref<1x128xi32, #tpu.memory_space<vmem>> -> memref<128xi32, #tpu.memory_space<vmem>>
      %dma_start3A_485 = tpu.memref_slice %arg3[%add3A_290] : memref<16384xi32, #tpu.memory_space<hbm>> -> memref<128xi32, #tpu.memory_space<hbm>>
      %dma_start3A_486 = arith.constant 0 : i32
      %dma_start3A_487 = tpu.memref_slice %arg9[%run_scoped3A_292, %dma_start3A_486] : memref<2x128xi32, #tpu.memory_space<vmem>> -> memref<1x128xi32, #tpu.memory_space<vmem>>
      %dma_start3A_488 = tpu.memref_squeeze %dma_start3A_487 : memref<1x128xi32, #tpu.memory_space<vmem>> -> memref<128xi32, #tpu.memory_space<vmem>>
      %dma_start3A_489 = tpu.memref_slice %arg3[%add3A_290] : memref<16384xi32, #tpu.memory_space<hbm>> -> memref<128xi32, #tpu.memory_space<hbm>>
      tpu.enqueue_dma source(%dma_start3A_489 : memref<128xi32, #tpu.memory_space<hbm>>) target(%dma_start3A_488 : memref<128xi32, #tpu.memory_space<vmem>>) target_semaphore(%run_scoped3A_481 : memref<!tpu.dma_semaphore, #tpu.memory_space<semaphore_mem>>)
      %dma_wait3A_490 = arith.constant 0 : i32
      %dma_wait3A_491 = tpu.memref_slice %arg9[%run_scoped3A_292, %dma_wait3A_490] : memref<2x128xi32, #tpu.memory_space<vmem>> -> memref<1x128xi32, #tpu.memory_space<vmem>>
      %dma_wait3A_492 = tpu.memref_squeeze %dma_wait3A_491 : memref<1x128xi32, #tpu.memory_space<vmem>> -> memref<128xi32, #tpu.memory_space<vmem>>
      %dma_wait3A_493 = tpu.memref_slice %arg3[%add3A_290] : memref<16384xi32, #tpu.memory_space<hbm>> -> memref<128xi32, #tpu.memory_space<hbm>>
      %dma_wait3A_494 = arith.constant 0 : i32
      %dma_wait3A_495 = tpu.memref_slice %arg9[%run_scoped3A_292, %dma_wait3A_494] : memref<2x128xi32, #tpu.memory_space<vmem>> -> memref<1x128xi32, #tpu.memory_space<vmem>>
      %dma_wait3A_496 = tpu.memref_squeeze %dma_wait3A_495 : memref<1x128xi32, #tpu.memory_space<vmem>> -> memref<128xi32, #tpu.memory_space<vmem>>
      %dma_wait3A_497 = tpu.memref_slice %arg3[%add3A_290] : memref<16384xi32, #tpu.memory_space<hbm>> -> memref<128xi32, #tpu.memory_space<hbm>>
      tpu.wait_dma2 semaphore(%run_scoped3A_481 : memref<!tpu.dma_semaphore, #tpu.memory_space<semaphore_mem>>) src(%dma_wait3A_497 : memref<128xi32, #tpu.memory_space<hbm>>) dst(%dma_wait3A_496 : memref<128xi32, #tpu.memory_space<vmem>>)
      tpu.yield
    }) : () -> ()
    %dma_start3A_293 = arith.constant 1 : i32
    %dma_start3A_294 = arith.constant 1 : i32
    %dma_start3A_295 = arith.constant 1 : i32
    %dma_start3A_296 = arith.constant 0 : i32
    %dma_start3A_297 = arith.constant 0 : i32
    %dma_start3A_298 = arith.constant 0 : i32
    %dma_start3A_299 = tpu.memref_slice %arg10[%dma_start3A_294, %dma_start3A_297, %dma_start3A_298] : memref<2x128x128xf32, #tpu.memory_space<vmem>> -> memref<1x128x128xf32, #tpu.memory_space<vmem>>
    %dma_start3A_300 = tpu.memref_squeeze %dma_start3A_299 : memref<1x128x128xf32, #tpu.memory_space<vmem>> -> memref<128x128xf32, #tpu.memory_space<vmem>>
    %dma_start3A_301 = arith.constant 0 : i32
    %dma_start3A_302 = tpu.memref_slice %arg8[%dma_start3A_293, %dma_start3A_301] : memref<2x128xi32, #tpu.memory_space<vmem>> -> memref<1x128xi32, #tpu.memory_space<vmem>>
    %dma_start3A_303 = tpu.memref_squeeze %dma_start3A_302 : memref<1x128xi32, #tpu.memory_space<vmem>> -> memref<128xi32, #tpu.memory_space<vmem>>
    %dma_start3A_304 = arith.constant 0 : i32
    %dma_start3A_305 = arith.constant 0 : i32
    %dma_start3A_306 = tpu.memref_slice %arg4[%dma_start3A_304, %dma_start3A_305] : memref<1000000x128xf32, #tpu.memory_space<hbm>> -> memref<1000000x128xf32, #tpu.memory_space<hbm>>
    %dma_start3A_307 = tpu.memref_slice %arg14[%dma_start3A_295, %dma_start3A_296] : memref<2x2x!tpu.dma_semaphore, #tpu.memory_space<semaphore_mem>> -> memref<1x1x!tpu.dma_semaphore, #tpu.memory_space<semaphore_mem>>
    %dma_start3A_308 = tpu.memref_squeeze %dma_start3A_307 : memref<1x1x!tpu.dma_semaphore, #tpu.memory_space<semaphore_mem>> -> memref<!tpu.dma_semaphore, #tpu.memory_space<semaphore_mem>>
    tpu.enqueue_indirect_dma source(%dma_start3A_306 : memref<1000000x128xf32, #tpu.memory_space<hbm>>) target(%dma_start3A_300 : memref<128x128xf32, #tpu.memory_space<vmem>>) offsets(%dma_start3A_303 : memref<128xi32, #tpu.memory_space<vmem>>) semaphore(%dma_start3A_308 : memref<!tpu.dma_semaphore, #tpu.memory_space<semaphore_mem>>)
    %dma_start3A_309 = arith.constant 1 : i32
    %dma_start3A_310 = arith.constant 1 : i32
    %dma_start3A_311 = arith.constant 1 : i32
    %dma_start3A_312 = arith.constant 1 : i32
    %dma_start3A_313 = arith.constant 0 : i32
    %dma_start3A_314 = arith.constant 0 : i32
    %dma_start3A_315 = tpu.memref_slice %arg11[%dma_start3A_310, %dma_start3A_313, %dma_start3A_314] : memref<2x128x128xf32, #tpu.memory_space<vmem>> -> memref<1x128x128xf32, #tpu.memory_space<vmem>>
    %dma_start3A_316 = tpu.memref_squeeze %dma_start3A_315 : memref<1x128x128xf32, #tpu.memory_space<vmem>> -> memref<128x128xf32, #tpu.memory_space<vmem>>
    %dma_start3A_317 = arith.constant 0 : i32
    %dma_start3A_318 = tpu.memref_slice %arg9[%dma_start3A_309, %dma_start3A_317] : memref<2x128xi32, #tpu.memory_space<vmem>> -> memref<1x128xi32, #tpu.memory_space<vmem>>
    %dma_start3A_319 = tpu.memref_squeeze %dma_start3A_318 : memref<1x128xi32, #tpu.memory_space<vmem>> -> memref<128xi32, #tpu.memory_space<vmem>>
    %dma_start3A_320 = arith.constant 0 : i32
    %dma_start3A_321 = arith.constant 0 : i32
    %dma_start3A_322 = tpu.memref_slice %arg5[%dma_start3A_320, %dma_start3A_321] : memref<100000x128xf32, #tpu.memory_space<hbm>> -> memref<100000x128xf32, #tpu.memory_space<hbm>>
    %dma_start3A_323 = tpu.memref_slice %arg14[%dma_start3A_311, %dma_start3A_312] : memref<2x2x!tpu.dma_semaphore, #tpu.memory_space<semaphore_mem>> -> memref<1x1x!tpu.dma_semaphore, #tpu.memory_space<semaphore_mem>>
    %dma_start3A_324 = tpu.memref_squeeze %dma_start3A_323 : memref<1x1x!tpu.dma_semaphore, #tpu.memory_space<semaphore_mem>> -> memref<!tpu.dma_semaphore, #tpu.memory_space<semaphore_mem>>
    tpu.enqueue_indirect_dma source(%dma_start3A_322 : memref<100000x128xf32, #tpu.memory_space<hbm>>) target(%dma_start3A_316 : memref<128x128xf32, #tpu.memory_space<vmem>>) offsets(%dma_start3A_319 : memref<128xi32, #tpu.memory_space<vmem>>) semaphore(%dma_start3A_324 : memref<!tpu.dma_semaphore, #tpu.memory_space<semaphore_mem>>)
    %dma_wait3A_325 = arith.constant 0 : i32
    %dma_wait3A_326 = arith.constant 0 : i32
    %dma_wait3A_327 = arith.constant 0 : i32
    %dma_wait3A_328 = arith.constant 0 : i32
    %dma_wait3A_329 = arith.constant 0 : i32
    %dma_wait3A_330 = arith.constant 0 : i32
    %dma_wait3A_331 = tpu.memref_slice %arg10[%dma_wait3A_326, %dma_wait3A_329, %dma_wait3A_330] : memref<2x128x128xf32, #tpu.memory_space<vmem>> -> memref<1x128x128xf32, #tpu.memory_space<vmem>>
    %dma_wait3A_332 = tpu.memref_squeeze %dma_wait3A_331 : memref<1x128x128xf32, #tpu.memory_space<vmem>> -> memref<128x128xf32, #tpu.memory_space<vmem>>
    %dma_wait3A_333 = arith.constant 0 : i32
    %dma_wait3A_334 = tpu.memref_slice %arg8[%dma_wait3A_325, %dma_wait3A_333] : memref<2x128xi32, #tpu.memory_space<vmem>> -> memref<1x128xi32, #tpu.memory_space<vmem>>
    %dma_wait3A_335 = tpu.memref_squeeze %dma_wait3A_334 : memref<1x128xi32, #tpu.memory_space<vmem>> -> memref<128xi32, #tpu.memory_space<vmem>>
    %dma_wait3A_336 = arith.constant 0 : i32
    %dma_wait3A_337 = arith.constant 0 : i32
    %dma_wait3A_338 = tpu.memref_slice %arg4[%dma_wait3A_336, %dma_wait3A_337] : memref<1000000x128xf32, #tpu.memory_space<hbm>> -> memref<1000000x128xf32, #tpu.memory_space<hbm>>
    %dma_wait3A_339 = tpu.memref_slice %arg14[%dma_wait3A_327, %dma_wait3A_328] : memref<2x2x!tpu.dma_semaphore, #tpu.memory_space<semaphore_mem>> -> memref<1x1x!tpu.dma_semaphore, #tpu.memory_space<semaphore_mem>>
    %dma_wait3A_340 = tpu.memref_squeeze %dma_wait3A_339 : memref<1x1x!tpu.dma_semaphore, #tpu.memory_space<semaphore_mem>> -> memref<!tpu.dma_semaphore, #tpu.memory_space<semaphore_mem>>
    tpu.wait_indirect_dma semaphore(%dma_wait3A_340 : memref<!tpu.dma_semaphore, #tpu.memory_space<semaphore_mem>>) src(%dma_wait3A_338 : memref<1000000x128xf32, #tpu.memory_space<hbm>>) dst(%dma_wait3A_332 : memref<128x128xf32, #tpu.memory_space<vmem>>)
    %dma_wait3A_341 = arith.constant 0 : i32
    %dma_wait3A_342 = arith.constant 0 : i32
    %dma_wait3A_343 = arith.constant 0 : i32
    %dma_wait3A_344 = arith.constant 1 : i32
    %dma_wait3A_345 = arith.constant 0 : i32
    %dma_wait3A_346 = arith.constant 0 : i32
    %dma_wait3A_347 = tpu.memref_slice %arg11[%dma_wait3A_342, %dma_wait3A_345, %dma_wait3A_346] : memref<2x128x128xf32, #tpu.memory_space<vmem>> -> memref<1x128x128xf32, #tpu.memory_space<vmem>>
    %dma_wait3A_348 = tpu.memref_squeeze %dma_wait3A_347 : memref<1x128x128xf32, #tpu.memory_space<vmem>> -> memref<128x128xf32, #tpu.memory_space<vmem>>
    %dma_wait3A_349 = arith.constant 0 : i32
    %dma_wait3A_350 = tpu.memref_slice %arg9[%dma_wait3A_341, %dma_wait3A_349] : memref<2x128xi32, #tpu.memory_space<vmem>> -> memref<1x128xi32, #tpu.memory_space<vmem>>
    %dma_wait3A_351 = tpu.memref_squeeze %dma_wait3A_350 : memref<1x128xi32, #tpu.memory_space<vmem>> -> memref<128xi32, #tpu.memory_space<vmem>>
    %dma_wait3A_352 = arith.constant 0 : i32
    %dma_wait3A_353 = arith.constant 0 : i32
    %dma_wait3A_354 = tpu.memref_slice %arg5[%dma_wait3A_352, %dma_wait3A_353] : memref<100000x128xf32, #tpu.memory_space<hbm>> -> memref<100000x128xf32, #tpu.memory_space<hbm>>
    %dma_wait3A_355 = tpu.memref_slice %arg14[%dma_wait3A_343, %dma_wait3A_344] : memref<2x2x!tpu.dma_semaphore, #tpu.memory_space<semaphore_mem>> -> memref<1x1x!tpu.dma_semaphore, #tpu.memory_space<semaphore_mem>>
    %dma_wait3A_356 = tpu.memref_squeeze %dma_wait3A_355 : memref<1x1x!tpu.dma_semaphore, #tpu.memory_space<semaphore_mem>> -> memref<!tpu.dma_semaphore, #tpu.memory_space<semaphore_mem>>
    tpu.wait_indirect_dma semaphore(%dma_wait3A_356 : memref<!tpu.dma_semaphore, #tpu.memory_space<semaphore_mem>>) src(%dma_wait3A_354 : memref<100000x128xf32, #tpu.memory_space<hbm>>) dst(%dma_wait3A_348 : memref<128x128xf32, #tpu.memory_space<vmem>>)
    %broadcast_in_dim3A_357 = arith.constant 0.000000e+00 : f32
    %broadcast_in_dim3A_358 = vector.broadcast %broadcast_in_dim3A_357 : f32 to vector<16xf32>
    %broadcast_in_dim3A_359 = arith.constant 0.000000e+00 : f32
    %broadcast_in_dim3A_360 = vector.broadcast %broadcast_in_dim3A_359 : f32 to vector<16xf32>
    %broadcast_in_dim3A_361 = arith.constant 0.000000e+00 : f32
    %broadcast_in_dim3A_362 = vector.broadcast %broadcast_in_dim3A_361 : f32 to vector<16xf32>
    %broadcast_in_dim3A_363 = arith.constant 0.000000e+00 : f32
    %broadcast_in_dim3A_364 = vector.broadcast %broadcast_in_dim3A_363 : f32 to vector<16xf32>
    %broadcast_in_dim3A_365 = arith.constant 0.000000e+00 : f32
    %broadcast_in_dim3A_366 = vector.broadcast %broadcast_in_dim3A_365 : f32 to vector<16xf32>
    %broadcast_in_dim3A_367 = arith.constant 0.000000e+00 : f32
    %broadcast_in_dim3A_368 = vector.broadcast %broadcast_in_dim3A_367 : f32 to vector<16xf32>
    %broadcast_in_dim3A_369 = arith.constant 0.000000e+00 : f32
    %broadcast_in_dim3A_370 = vector.broadcast %broadcast_in_dim3A_369 : f32 to vector<16xf32>
    %broadcast_in_dim3A_371 = arith.constant 0.000000e+00 : f32
    %broadcast_in_dim3A_372 = vector.broadcast %broadcast_in_dim3A_371 : f32 to vector<16xf32>
    %parallel_loop3A_373 = arith.constant 0 : i32
    %parallel_loop3A_374 = arith.constant 128 : i32
    %parallel_loop3A_375 = arith.constant 1 : i32
    %parallel_loop3A_376 = arith.constant 0 : i32
    %parallel_loop3A_377 = arith.constant 0 : i32
    %parallel_loop3A_378:8 = scf.for %parallel_loop3A_481 = %parallel_loop3A_373 to %parallel_loop3A_374 step %parallel_loop3A_375 iter_args(%parallel_loop3A_482 = %broadcast_in_dim3A_358, %parallel_loop3A_483 = %broadcast_in_dim3A_360, %parallel_loop3A_484 = %broadcast_in_dim3A_362, %parallel_loop3A_485 = %broadcast_in_dim3A_364, %parallel_loop3A_486 = %broadcast_in_dim3A_366, %parallel_loop3A_487 = %broadcast_in_dim3A_368, %parallel_loop3A_488 = %broadcast_in_dim3A_370, %parallel_loop3A_489 = %broadcast_in_dim3A_372) -> (vector<16xf32>, vector<16xf32>, vector<16xf32>, vector<16xf32>, vector<16xf32>, vector<16xf32>, vector<16xf32>, vector<16xf32>)  : i32 {
      %parallel_loop3A_490 = vector.broadcast %parallel_loop3A_481 : i32 to vector<16xi32>
      %parallel_loop3A_491 = arith.addi %iota3A, %parallel_loop3A_490 : vector<16xi32>
      %parallel_loop3A_492 = arith.constant 127 : i32
      %parallel_loop3A_493 = vector.broadcast %parallel_loop3A_492 : i32 to vector<16xi32>
      %parallel_loop3A_494 = arith.andi %parallel_loop3A_491, %parallel_loop3A_493 : vector<16xi32>
      %parallel_loop3A_495 = arith.constant 0 : i32
      %parallel_loop3A_496 = arith.constant 0 : i32
      %parallel_loop3A_497 = tpu.memref_slice %arg10[%parallel_loop3A_376, %parallel_loop3A_495, %parallel_loop3A_496] : memref<2x128x128xf32, #tpu.memory_space<vmem>> -> memref<1x128x128xf32, #tpu.memory_space<vmem>>
      %parallel_loop3A_498 = tpu.memref_squeeze %parallel_loop3A_497 : memref<1x128x128xf32, #tpu.memory_space<vmem>> -> memref<128x128xf32, #tpu.memory_space<vmem>>
      %parallel_loop3A_499 = tpu.vector_load_idx %parallel_loop3A_498[%add3A_8, %parallel_loop3A_494] : memref<128x128xf32, #tpu.memory_space<vmem>>[vector<16xi32>, vector<16xi32>], vector<16xf32>,
      %parallel_loop3A_500 = arith.constant 0 : i32
      %parallel_loop3A_501 = arith.constant 0 : i32
      %parallel_loop3A_502 = tpu.memref_slice %arg11[%parallel_loop3A_377, %parallel_loop3A_500, %parallel_loop3A_501] : memref<2x128x128xf32, #tpu.memory_space<vmem>> -> memref<1x128x128xf32, #tpu.memory_space<vmem>>
      %parallel_loop3A_503 = tpu.memref_squeeze %parallel_loop3A_502 : memref<1x128x128xf32, #tpu.memory_space<vmem>> -> memref<128x128xf32, #tpu.memory_space<vmem>>
      %parallel_loop3A_504 = tpu.vector_load_idx %parallel_loop3A_503[%add3A_8, %parallel_loop3A_494] : memref<128x128xf32, #tpu.memory_space<vmem>>[vector<16xi32>, vector<16xi32>], vector<16xf32>,
      %parallel_loop3A_505 = arith.mulf %parallel_loop3A_499, %parallel_loop3A_504 : vector<16xf32>
      %parallel_loop3A_506 = arith.addf %parallel_loop3A_482, %parallel_loop3A_505 : vector<16xf32>
      %parallel_loop3A_507 = arith.constant 0 : i32
      %parallel_loop3A_508 = arith.constant 0 : i32
      %parallel_loop3A_509 = tpu.memref_slice %arg10[%parallel_loop3A_376, %parallel_loop3A_507, %parallel_loop3A_508] : memref<2x128x128xf32, #tpu.memory_space<vmem>> -> memref<1x128x128xf32, #tpu.memory_space<vmem>>
      %parallel_loop3A_510 = tpu.memref_squeeze %parallel_loop3A_509 : memref<1x128x128xf32, #tpu.memory_space<vmem>> -> memref<128x128xf32, #tpu.memory_space<vmem>>
      %parallel_loop3A_511 = tpu.vector_load_idx %parallel_loop3A_510[%add3A_11, %parallel_loop3A_494] : memref<128x128xf32, #tpu.memory_space<vmem>>[vector<16xi32>, vector<16xi32>], vector<16xf32>,
      %parallel_loop3A_512 = arith.constant 0 : i32
      %parallel_loop3A_513 = arith.constant 0 : i32
      %parallel_loop3A_514 = tpu.memref_slice %arg11[%parallel_loop3A_377, %parallel_loop3A_512, %parallel_loop3A_513] : memref<2x128x128xf32, #tpu.memory_space<vmem>> -> memref<1x128x128xf32, #tpu.memory_space<vmem>>
      %parallel_loop3A_515 = tpu.memref_squeeze %parallel_loop3A_514 : memref<1x128x128xf32, #tpu.memory_space<vmem>> -> memref<128x128xf32, #tpu.memory_space<vmem>>
      %parallel_loop3A_516 = tpu.vector_load_idx %parallel_loop3A_515[%add3A_11, %parallel_loop3A_494] : memref<128x128xf32, #tpu.memory_space<vmem>>[vector<16xi32>, vector<16xi32>], vector<16xf32>,
      %parallel_loop3A_517 = arith.mulf %parallel_loop3A_511, %parallel_loop3A_516 : vector<16xf32>
      %parallel_loop3A_518 = arith.addf %parallel_loop3A_483, %parallel_loop3A_517 : vector<16xf32>
      %parallel_loop3A_519 = arith.constant 0 : i32
      %parallel_loop3A_520 = arith.constant 0 : i32
      %parallel_loop3A_521 = tpu.memref_slice %arg10[%parallel_loop3A_376, %parallel_loop3A_519, %parallel_loop3A_520] : memref<2x128x128xf32, #tpu.memory_space<vmem>> -> memref<1x128x128xf32, #tpu.memory_space<vmem>>
      %parallel_loop3A_522 = tpu.memref_squeeze %parallel_loop3A_521 : memref<1x128x128xf32, #tpu.memory_space<vmem>> -> memref<128x128xf32, #tpu.memory_space<vmem>>
      %parallel_loop3A_523 = tpu.vector_load_idx %parallel_loop3A_522[%add3A_14, %parallel_loop3A_494] : memref<128x128xf32, #tpu.memory_space<vmem>>[vector<16xi32>, vector<16xi32>], vector<16xf32>,
      %parallel_loop3A_524 = arith.constant 0 : i32
      %parallel_loop3A_525 = arith.constant 0 : i32
      %parallel_loop3A_526 = tpu.memref_slice %arg11[%parallel_loop3A_377, %parallel_loop3A_524, %parallel_loop3A_525] : memref<2x128x128xf32, #tpu.memory_space<vmem>> -> memref<1x128x128xf32, #tpu.memory_space<vmem>>
      %parallel_loop3A_527 = tpu.memref_squeeze %parallel_loop3A_526 : memref<1x128x128xf32, #tpu.memory_space<vmem>> -> memref<128x128xf32, #tpu.memory_space<vmem>>
      %parallel_loop3A_528 = tpu.vector_load_idx %parallel_loop3A_527[%add3A_14, %parallel_loop3A_494] : memref<128x128xf32, #tpu.memory_space<vmem>>[vector<16xi32>, vector<16xi32>], vector<16xf32>,
      %parallel_loop3A_529 = arith.mulf %parallel_loop3A_523, %parallel_loop3A_528 : vector<16xf32>
      %parallel_loop3A_530 = arith.addf %parallel_loop3A_484, %parallel_loop3A_529 : vector<16xf32>
      %parallel_loop3A_531 = arith.constant 0 : i32
      %parallel_loop3A_532 = arith.constant 0 : i32
      %parallel_loop3A_533 = tpu.memref_slice %arg10[%parallel_loop3A_376, %parallel_loop3A_531, %parallel_loop3A_532] : memref<2x128x128xf32, #tpu.memory_space<vmem>> -> memref<1x128x128xf32, #tpu.memory_space<vmem>>
      %parallel_loop3A_534 = tpu.memref_squeeze %parallel_loop3A_533 : memref<1x128x128xf32, #tpu.memory_space<vmem>> -> memref<128x128xf32, #tpu.memory_space<vmem>>
      %parallel_loop3A_535 = tpu.vector_load_idx %parallel_loop3A_534[%add3A_17, %parallel_loop3A_494] : memref<128x128xf32, #tpu.memory_space<vmem>>[vector<16xi32>, vector<16xi32>], vector<16xf32>,
      %parallel_loop3A_536 = arith.constant 0 : i32
      %parallel_loop3A_537 = arith.constant 0 : i32
      %parallel_loop3A_538 = tpu.memref_slice %arg11[%parallel_loop3A_377, %parallel_loop3A_536, %parallel_loop3A_537] : memref<2x128x128xf32, #tpu.memory_space<vmem>> -> memref<1x128x128xf32, #tpu.memory_space<vmem>>
      %parallel_loop3A_539 = tpu.memref_squeeze %parallel_loop3A_538 : memref<1x128x128xf32, #tpu.memory_space<vmem>> -> memref<128x128xf32, #tpu.memory_space<vmem>>
      %parallel_loop3A_540 = tpu.vector_load_idx %parallel_loop3A_539[%add3A_17, %parallel_loop3A_494] : memref<128x128xf32, #tpu.memory_space<vmem>>[vector<16xi32>, vector<16xi32>], vector<16xf32>,
      %parallel_loop3A_541 = arith.mulf %parallel_loop3A_535, %parallel_loop3A_540 : vector<16xf32>
      %parallel_loop3A_542 = arith.addf %parallel_loop3A_485, %parallel_loop3A_541 : vector<16xf32>
      %parallel_loop3A_543 = arith.constant 0 : i32
      %parallel_loop3A_544 = arith.constant 0 : i32
      %parallel_loop3A_545 = tpu.memref_slice %arg10[%parallel_loop3A_376, %parallel_loop3A_543, %parallel_loop3A_544] : memref<2x128x128xf32, #tpu.memory_space<vmem>> -> memref<1x128x128xf32, #tpu.memory_space<vmem>>
      %parallel_loop3A_546 = tpu.memref_squeeze %parallel_loop3A_545 : memref<1x128x128xf32, #tpu.memory_space<vmem>> -> memref<128x128xf32, #tpu.memory_space<vmem>>
      %parallel_loop3A_547 = tpu.vector_load_idx %parallel_loop3A_546[%add3A_20, %parallel_loop3A_494] : memref<128x128xf32, #tpu.memory_space<vmem>>[vector<16xi32>, vector<16xi32>], vector<16xf32>,
      %parallel_loop3A_548 = arith.constant 0 : i32
      %parallel_loop3A_549 = arith.constant 0 : i32
      %parallel_loop3A_550 = tpu.memref_slice %arg11[%parallel_loop3A_377, %parallel_loop3A_548, %parallel_loop3A_549] : memref<2x128x128xf32, #tpu.memory_space<vmem>> -> memref<1x128x128xf32, #tpu.memory_space<vmem>>
      %parallel_loop3A_551 = tpu.memref_squeeze %parallel_loop3A_550 : memref<1x128x128xf32, #tpu.memory_space<vmem>> -> memref<128x128xf32, #tpu.memory_space<vmem>>
      %parallel_loop3A_552 = tpu.vector_load_idx %parallel_loop3A_551[%add3A_20, %parallel_loop3A_494] : memref<128x128xf32, #tpu.memory_space<vmem>>[vector<16xi32>, vector<16xi32>], vector<16xf32>,
      %parallel_loop3A_553 = arith.mulf %parallel_loop3A_547, %parallel_loop3A_552 : vector<16xf32>
      %parallel_loop3A_554 = arith.addf %parallel_loop3A_486, %parallel_loop3A_553 : vector<16xf32>
      %parallel_loop3A_555 = arith.constant 0 : i32
      %parallel_loop3A_556 = arith.constant 0 : i32
      %parallel_loop3A_557 = tpu.memref_slice %arg10[%parallel_loop3A_376, %parallel_loop3A_555, %parallel_loop3A_556] : memref<2x128x128xf32, #tpu.memory_space<vmem>> -> memref<1x128x128xf32, #tpu.memory_space<vmem>>
      %parallel_loop3A_558 = tpu.memref_squeeze %parallel_loop3A_557 : memref<1x128x128xf32, #tpu.memory_space<vmem>> -> memref<128x128xf32, #tpu.memory_space<vmem>>
      %parallel_loop3A_559 = tpu.vector_load_idx %parallel_loop3A_558[%add3A_23, %parallel_loop3A_494] : memref<128x128xf32, #tpu.memory_space<vmem>>[vector<16xi32>, vector<16xi32>], vector<16xf32>,
      %parallel_loop3A_560 = arith.constant 0 : i32
      %parallel_loop3A_561 = arith.constant 0 : i32
      %parallel_loop3A_562 = tpu.memref_slice %arg11[%parallel_loop3A_377, %parallel_loop3A_560, %parallel_loop3A_561] : memref<2x128x128xf32, #tpu.memory_space<vmem>> -> memref<1x128x128xf32, #tpu.memory_space<vmem>>
      %parallel_loop3A_563 = tpu.memref_squeeze %parallel_loop3A_562 : memref<1x128x128xf32, #tpu.memory_space<vmem>> -> memref<128x128xf32, #tpu.memory_space<vmem>>
      %parallel_loop3A_564 = tpu.vector_load_idx %parallel_loop3A_563[%add3A_23, %parallel_loop3A_494] : memref<128x128xf32, #tpu.memory_space<vmem>>[vector<16xi32>, vector<16xi32>], vector<16xf32>,
      %parallel_loop3A_565 = arith.mulf %parallel_loop3A_559, %parallel_loop3A_564 : vector<16xf32>
      %parallel_loop3A_566 = arith.addf %parallel_loop3A_487, %parallel_loop3A_565 : vector<16xf32>
      %parallel_loop3A_567 = arith.constant 0 : i32
      %parallel_loop3A_568 = arith.constant 0 : i32
      %parallel_loop3A_569 = tpu.memref_slice %arg10[%parallel_loop3A_376, %parallel_loop3A_567, %parallel_loop3A_568] : memref<2x128x128xf32, #tpu.memory_space<vmem>> -> memref<1x128x128xf32, #tpu.memory_space<vmem>>
      %parallel_loop3A_570 = tpu.memref_squeeze %parallel_loop3A_569 : memref<1x128x128xf32, #tpu.memory_space<vmem>> -> memref<128x128xf32, #tpu.memory_space<vmem>>
      %parallel_loop3A_571 = tpu.vector_load_idx %parallel_loop3A_570[%add3A_26, %parallel_loop3A_494] : memref<128x128xf32, #tpu.memory_space<vmem>>[vector<16xi32>, vector<16xi32>], vector<16xf32>,
      %parallel_loop3A_572 = arith.constant 0 : i32
      %parallel_loop3A_573 = arith.constant 0 : i32
      %parallel_loop3A_574 = tpu.memref_slice %arg11[%parallel_loop3A_377, %parallel_loop3A_572, %parallel_loop3A_573] : memref<2x128x128xf32, #tpu.memory_space<vmem>> -> memref<1x128x128xf32, #tpu.memory_space<vmem>>
      %parallel_loop3A_575 = tpu.memref_squeeze %parallel_loop3A_574 : memref<1x128x128xf32, #tpu.memory_space<vmem>> -> memref<128x128xf32, #tpu.memory_space<vmem>>
      %parallel_loop3A_576 = tpu.vector_load_idx %parallel_loop3A_575[%add3A_26, %parallel_loop3A_494] : memref<128x128xf32, #tpu.memory_space<vmem>>[vector<16xi32>, vector<16xi32>], vector<16xf32>,
      %parallel_loop3A_577 = arith.mulf %parallel_loop3A_571, %parallel_loop3A_576 : vector<16xf32>
      %parallel_loop3A_578 = arith.addf %parallel_loop3A_488, %parallel_loop3A_577 : vector<16xf32>
      %parallel_loop3A_579 = arith.constant 0 : i32
      %parallel_loop3A_580 = arith.constant 0 : i32
      %parallel_loop3A_581 = tpu.memref_slice %arg10[%parallel_loop3A_376, %parallel_loop3A_579, %parallel_loop3A_580] : memref<2x128x128xf32, #tpu.memory_space<vmem>> -> memref<1x128x128xf32, #tpu.memory_space<vmem>>
      %parallel_loop3A_582 = tpu.memref_squeeze %parallel_loop3A_581 : memref<1x128x128xf32, #tpu.memory_space<vmem>> -> memref<128x128xf32, #tpu.memory_space<vmem>>
      %parallel_loop3A_583 = tpu.vector_load_idx %parallel_loop3A_582[%add3A_29, %parallel_loop3A_494] : memref<128x128xf32, #tpu.memory_space<vmem>>[vector<16xi32>, vector<16xi32>], vector<16xf32>,
      %parallel_loop3A_584 = arith.constant 0 : i32
      %parallel_loop3A_585 = arith.constant 0 : i32
      %parallel_loop3A_586 = tpu.memref_slice %arg11[%parallel_loop3A_377, %parallel_loop3A_584, %parallel_loop3A_585] : memref<2x128x128xf32, #tpu.memory_space<vmem>> -> memref<1x128x128xf32, #tpu.memory_space<vmem>>
      %parallel_loop3A_587 = tpu.memref_squeeze %parallel_loop3A_586 : memref<1x128x128xf32, #tpu.memory_space<vmem>> -> memref<128x128xf32, #tpu.memory_space<vmem>>
      %parallel_loop3A_588 = tpu.vector_load_idx %parallel_loop3A_587[%add3A_29, %parallel_loop3A_494] : memref<128x128xf32, #tpu.memory_space<vmem>>[vector<16xi32>, vector<16xi32>], vector<16xf32>,
      %parallel_loop3A_589 = arith.mulf %parallel_loop3A_583, %parallel_loop3A_588 : vector<16xf32>
      %parallel_loop3A_590 = arith.addf %parallel_loop3A_489, %parallel_loop3A_589 : vector<16xf32>
      scf.yield %parallel_loop3A_506, %parallel_loop3A_518, %parallel_loop3A_530, %parallel_loop3A_542, %parallel_loop3A_554, %parallel_loop3A_566, %parallel_loop3A_578, %parallel_loop3A_590 : vector<16xf32>, vector<16xf32>, vector<16xf32>, vector<16xf32>, vector<16xf32>, vector<16xf32>, vector<16xf32>, vector<16xf32>
    } {sc.loop_unroll_factor = 1 : i64, sc.parallel_access}
    %add3A_379 = arith.addf %parallel_loop3A_378#0, %broadcast_in_dim3A : vector<16xf32>
    %swap3A_380 = arith.constant 256 : index
    %swap3A_381 = tpu.vector_load %arg13[%swap3A_380] {strides = array<i32>} : memref<512xf32, #tpu.memory_space<vmem>>, vector<16xf32>,
    tpu.vector_store %arg13[%swap3A_380], %add3A_379 {strides = array<i32>} : memref<512xf32, #tpu.memory_space<vmem>>, vector<16xf32>,
    %add3A_382 = arith.addf %parallel_loop3A_378#1, %broadcast_in_dim3A : vector<16xf32>
    %swap3A_383 = arith.constant 272 : index
    %swap3A_384 = tpu.vector_load %arg13[%swap3A_383] {strides = array<i32>} : memref<512xf32, #tpu.memory_space<vmem>>, vector<16xf32>,
    tpu.vector_store %arg13[%swap3A_383], %add3A_382 {strides = array<i32>} : memref<512xf32, #tpu.memory_space<vmem>>, vector<16xf32>,
    %add3A_385 = arith.addf %parallel_loop3A_378#2, %broadcast_in_dim3A : vector<16xf32>
    %swap3A_386 = arith.constant 288 : index
    %swap3A_387 = tpu.vector_load %arg13[%swap3A_386] {strides = array<i32>} : memref<512xf32, #tpu.memory_space<vmem>>, vector<16xf32>,
    tpu.vector_store %arg13[%swap3A_386], %add3A_385 {strides = array<i32>} : memref<512xf32, #tpu.memory_space<vmem>>, vector<16xf32>,
    %add3A_388 = arith.addf %parallel_loop3A_378#3, %broadcast_in_dim3A : vector<16xf32>
    %swap3A_389 = arith.constant 304 : index
    %swap3A_390 = tpu.vector_load %arg13[%swap3A_389] {strides = array<i32>} : memref<512xf32, #tpu.memory_space<vmem>>, vector<16xf32>,
    tpu.vector_store %arg13[%swap3A_389], %add3A_388 {strides = array<i32>} : memref<512xf32, #tpu.memory_space<vmem>>, vector<16xf32>,
    %add3A_391 = arith.addf %parallel_loop3A_378#4, %broadcast_in_dim3A : vector<16xf32>
    %swap3A_392 = arith.constant 320 : index
    %swap3A_393 = tpu.vector_load %arg13[%swap3A_392] {strides = array<i32>} : memref<512xf32, #tpu.memory_space<vmem>>, vector<16xf32>,
    tpu.vector_store %arg13[%swap3A_392], %add3A_391 {strides = array<i32>} : memref<512xf32, #tpu.memory_space<vmem>>, vector<16xf32>,
    %add3A_394 = arith.addf %parallel_loop3A_378#5, %broadcast_in_dim3A : vector<16xf32>
    %swap3A_395 = arith.constant 336 : index
    %swap3A_396 = tpu.vector_load %arg13[%swap3A_395] {strides = array<i32>} : memref<512xf32, #tpu.memory_space<vmem>>, vector<16xf32>,
    tpu.vector_store %arg13[%swap3A_395], %add3A_394 {strides = array<i32>} : memref<512xf32, #tpu.memory_space<vmem>>, vector<16xf32>,
    %add3A_397 = arith.addf %parallel_loop3A_378#6, %broadcast_in_dim3A : vector<16xf32>
    %swap3A_398 = arith.constant 352 : index
    %swap3A_399 = tpu.vector_load %arg13[%swap3A_398] {strides = array<i32>} : memref<512xf32, #tpu.memory_space<vmem>>, vector<16xf32>,
    tpu.vector_store %arg13[%swap3A_398], %add3A_397 {strides = array<i32>} : memref<512xf32, #tpu.memory_space<vmem>>, vector<16xf32>,
    %add3A_400 = arith.addf %parallel_loop3A_378#7, %broadcast_in_dim3A : vector<16xf32>
    %swap3A_401 = arith.constant 368 : index
    %swap3A_402 = tpu.vector_load %arg13[%swap3A_401] {strides = array<i32>} : memref<512xf32, #tpu.memory_space<vmem>>, vector<16xf32>,
    tpu.vector_store %arg13[%swap3A_401], %add3A_400 {strides = array<i32>} : memref<512xf32, #tpu.memory_space<vmem>>, vector<16xf32>,
    %dma_wait3A_403 = arith.constant 1 : i32
    %dma_wait3A_404 = arith.constant 1 : i32
    %dma_wait3A_405 = arith.constant 1 : i32
    %dma_wait3A_406 = arith.constant 0 : i32
    %dma_wait3A_407 = arith.constant 0 : i32
    %dma_wait3A_408 = arith.constant 0 : i32
    %dma_wait3A_409 = tpu.memref_slice %arg10[%dma_wait3A_404, %dma_wait3A_407, %dma_wait3A_408] : memref<2x128x128xf32, #tpu.memory_space<vmem>> -> memref<1x128x128xf32, #tpu.memory_space<vmem>>
    %dma_wait3A_410 = tpu.memref_squeeze %dma_wait3A_409 : memref<1x128x128xf32, #tpu.memory_space<vmem>> -> memref<128x128xf32, #tpu.memory_space<vmem>>
    %dma_wait3A_411 = arith.constant 0 : i32
    %dma_wait3A_412 = tpu.memref_slice %arg8[%dma_wait3A_403, %dma_wait3A_411] : memref<2x128xi32, #tpu.memory_space<vmem>> -> memref<1x128xi32, #tpu.memory_space<vmem>>
    %dma_wait3A_413 = tpu.memref_squeeze %dma_wait3A_412 : memref<1x128xi32, #tpu.memory_space<vmem>> -> memref<128xi32, #tpu.memory_space<vmem>>
    %dma_wait3A_414 = arith.constant 0 : i32
    %dma_wait3A_415 = arith.constant 0 : i32
    %dma_wait3A_416 = tpu.memref_slice %arg4[%dma_wait3A_414, %dma_wait3A_415] : memref<1000000x128xf32, #tpu.memory_space<hbm>> -> memref<1000000x128xf32, #tpu.memory_space<hbm>>
    %dma_wait3A_417 = tpu.memref_slice %arg14[%dma_wait3A_405, %dma_wait3A_406] : memref<2x2x!tpu.dma_semaphore, #tpu.memory_space<semaphore_mem>> -> memref<1x1x!tpu.dma_semaphore, #tpu.memory_space<semaphore_mem>>
    %dma_wait3A_418 = tpu.memref_squeeze %dma_wait3A_417 : memref<1x1x!tpu.dma_semaphore, #tpu.memory_space<semaphore_mem>> -> memref<!tpu.dma_semaphore, #tpu.memory_space<semaphore_mem>>
    tpu.wait_indirect_dma semaphore(%dma_wait3A_418 : memref<!tpu.dma_semaphore, #tpu.memory_space<semaphore_mem>>) src(%dma_wait3A_416 : memref<1000000x128xf32, #tpu.memory_space<hbm>>) dst(%dma_wait3A_410 : memref<128x128xf32, #tpu.memory_space<vmem>>)
    %dma_wait3A_419 = arith.constant 1 : i32
    %dma_wait3A_420 = arith.constant 1 : i32
    %dma_wait3A_421 = arith.constant 1 : i32
    %dma_wait3A_422 = arith.constant 1 : i32
    %dma_wait3A_423 = arith.constant 0 : i32
    %dma_wait3A_424 = arith.constant 0 : i32
    %dma_wait3A_425 = tpu.memref_slice %arg11[%dma_wait3A_420, %dma_wait3A_423, %dma_wait3A_424] : memref<2x128x128xf32, #tpu.memory_space<vmem>> -> memref<1x128x128xf32, #tpu.memory_space<vmem>>
    %dma_wait3A_426 = tpu.memref_squeeze %dma_wait3A_425 : memref<1x128x128xf32, #tpu.memory_space<vmem>> -> memref<128x128xf32, #tpu.memory_space<vmem>>
    %dma_wait3A_427 = arith.constant 0 : i32
    %dma_wait3A_428 = tpu.memref_slice %arg9[%dma_wait3A_419, %dma_wait3A_427] : memref<2x128xi32, #tpu.memory_space<vmem>> -> memref<1x128xi32, #tpu.memory_space<vmem>>
    %dma_wait3A_429 = tpu.memref_squeeze %dma_wait3A_428 : memref<1x128xi32, #tpu.memory_space<vmem>> -> memref<128xi32, #tpu.memory_space<vmem>>
    %dma_wait3A_430 = arith.constant 0 : i32
    %dma_wait3A_431 = arith.constant 0 : i32
    %dma_wait3A_432 = tpu.memref_slice %arg5[%dma_wait3A_430, %dma_wait3A_431] : memref<100000x128xf32, #tpu.memory_space<hbm>> -> memref<100000x128xf32, #tpu.memory_space<hbm>>
    %dma_wait3A_433 = tpu.memref_slice %arg14[%dma_wait3A_421, %dma_wait3A_422] : memref<2x2x!tpu.dma_semaphore, #tpu.memory_space<semaphore_mem>> -> memref<1x1x!tpu.dma_semaphore, #tpu.memory_space<semaphore_mem>>
    %dma_wait3A_434 = tpu.memref_squeeze %dma_wait3A_433 : memref<1x1x!tpu.dma_semaphore, #tpu.memory_space<semaphore_mem>> -> memref<!tpu.dma_semaphore, #tpu.memory_space<semaphore_mem>>
    tpu.wait_indirect_dma semaphore(%dma_wait3A_434 : memref<!tpu.dma_semaphore, #tpu.memory_space<semaphore_mem>>) src(%dma_wait3A_432 : memref<100000x128xf32, #tpu.memory_space<hbm>>) dst(%dma_wait3A_426 : memref<128x128xf32, #tpu.memory_space<vmem>>)
    %broadcast_in_dim3A_435 = arith.constant 0.000000e+00 : f32
    %broadcast_in_dim3A_436 = vector.broadcast %broadcast_in_dim3A_435 : f32 to vector<16xf32>
    %broadcast_in_dim3A_437 = arith.constant 0.000000e+00 : f32
    %broadcast_in_dim3A_438 = vector.broadcast %broadcast_in_dim3A_437 : f32 to vector<16xf32>
    %broadcast_in_dim3A_439 = arith.constant 0.000000e+00 : f32
    %broadcast_in_dim3A_440 = vector.broadcast %broadcast_in_dim3A_439 : f32 to vector<16xf32>
    %broadcast_in_dim3A_441 = arith.constant 0.000000e+00 : f32
    %broadcast_in_dim3A_442 = vector.broadcast %broadcast_in_dim3A_441 : f32 to vector<16xf32>
    %broadcast_in_dim3A_443 = arith.constant 0.000000e+00 : f32
    %broadcast_in_dim3A_444 = vector.broadcast %broadcast_in_dim3A_443 : f32 to vector<16xf32>
    %broadcast_in_dim3A_445 = arith.constant 0.000000e+00 : f32
    %broadcast_in_dim3A_446 = vector.broadcast %broadcast_in_dim3A_445 : f32 to vector<16xf32>
    %broadcast_in_dim3A_447 = arith.constant 0.000000e+00 : f32
    %broadcast_in_dim3A_448 = vector.broadcast %broadcast_in_dim3A_447 : f32 to vector<16xf32>
    %broadcast_in_dim3A_449 = arith.constant 0.000000e+00 : f32
    %broadcast_in_dim3A_450 = vector.broadcast %broadcast_in_dim3A_449 : f32 to vector<16xf32>
    %parallel_loop3A_451 = arith.constant 0 : i32
    %parallel_loop3A_452 = arith.constant 128 : i32
    %parallel_loop3A_453 = arith.constant 1 : i32
    %parallel_loop3A_454 = arith.constant 1 : i32
    %parallel_loop3A_455 = arith.constant 1 : i32
    %parallel_loop3A_456:8 = scf.for %parallel_loop3A_481 = %parallel_loop3A_451 to %parallel_loop3A_452 step %parallel_loop3A_453 iter_args(%parallel_loop3A_482 = %broadcast_in_dim3A_436, %parallel_loop3A_483 = %broadcast_in_dim3A_438, %parallel_loop3A_484 = %broadcast_in_dim3A_440, %parallel_loop3A_485 = %broadcast_in_dim3A_442, %parallel_loop3A_486 = %broadcast_in_dim3A_444, %parallel_loop3A_487 = %broadcast_in_dim3A_446, %parallel_loop3A_488 = %broadcast_in_dim3A_448, %parallel_loop3A_489 = %broadcast_in_dim3A_450) -> (vector<16xf32>, vector<16xf32>, vector<16xf32>, vector<16xf32>, vector<16xf32>, vector<16xf32>, vector<16xf32>, vector<16xf32>)  : i32 {
      %parallel_loop3A_490 = vector.broadcast %parallel_loop3A_481 : i32 to vector<16xi32>
      %parallel_loop3A_491 = arith.addi %iota3A, %parallel_loop3A_490 : vector<16xi32>
      %parallel_loop3A_492 = arith.constant 127 : i32
      %parallel_loop3A_493 = vector.broadcast %parallel_loop3A_492 : i32 to vector<16xi32>
      %parallel_loop3A_494 = arith.andi %parallel_loop3A_491, %parallel_loop3A_493 : vector<16xi32>
      %parallel_loop3A_495 = arith.constant 0 : i32
      %parallel_loop3A_496 = arith.constant 0 : i32
      %parallel_loop3A_497 = tpu.memref_slice %arg10[%parallel_loop3A_454, %parallel_loop3A_495, %parallel_loop3A_496] : memref<2x128x128xf32, #tpu.memory_space<vmem>> -> memref<1x128x128xf32, #tpu.memory_space<vmem>>
      %parallel_loop3A_498 = tpu.memref_squeeze %parallel_loop3A_497 : memref<1x128x128xf32, #tpu.memory_space<vmem>> -> memref<128x128xf32, #tpu.memory_space<vmem>>
      %parallel_loop3A_499 = tpu.vector_load_idx %parallel_loop3A_498[%add3A_8, %parallel_loop3A_494] : memref<128x128xf32, #tpu.memory_space<vmem>>[vector<16xi32>, vector<16xi32>], vector<16xf32>,
      %parallel_loop3A_500 = arith.constant 0 : i32
      %parallel_loop3A_501 = arith.constant 0 : i32
      %parallel_loop3A_502 = tpu.memref_slice %arg11[%parallel_loop3A_455, %parallel_loop3A_500, %parallel_loop3A_501] : memref<2x128x128xf32, #tpu.memory_space<vmem>> -> memref<1x128x128xf32, #tpu.memory_space<vmem>>
      %parallel_loop3A_503 = tpu.memref_squeeze %parallel_loop3A_502 : memref<1x128x128xf32, #tpu.memory_space<vmem>> -> memref<128x128xf32, #tpu.memory_space<vmem>>
      %parallel_loop3A_504 = tpu.vector_load_idx %parallel_loop3A_503[%add3A_8, %parallel_loop3A_494] : memref<128x128xf32, #tpu.memory_space<vmem>>[vector<16xi32>, vector<16xi32>], vector<16xf32>,
      %parallel_loop3A_505 = arith.mulf %parallel_loop3A_499, %parallel_loop3A_504 : vector<16xf32>
      %parallel_loop3A_506 = arith.addf %parallel_loop3A_482, %parallel_loop3A_505 : vector<16xf32>
      %parallel_loop3A_507 = arith.constant 0 : i32
      %parallel_loop3A_508 = arith.constant 0 : i32
      %parallel_loop3A_509 = tpu.memref_slice %arg10[%parallel_loop3A_454, %parallel_loop3A_507, %parallel_loop3A_508] : memref<2x128x128xf32, #tpu.memory_space<vmem>> -> memref<1x128x128xf32, #tpu.memory_space<vmem>>
      %parallel_loop3A_510 = tpu.memref_squeeze %parallel_loop3A_509 : memref<1x128x128xf32, #tpu.memory_space<vmem>> -> memref<128x128xf32, #tpu.memory_space<vmem>>
      %parallel_loop3A_511 = tpu.vector_load_idx %parallel_loop3A_510[%add3A_11, %parallel_loop3A_494] : memref<128x128xf32, #tpu.memory_space<vmem>>[vector<16xi32>, vector<16xi32>], vector<16xf32>,
      %parallel_loop3A_512 = arith.constant 0 : i32
      %parallel_loop3A_513 = arith.constant 0 : i32
      %parallel_loop3A_514 = tpu.memref_slice %arg11[%parallel_loop3A_455, %parallel_loop3A_512, %parallel_loop3A_513] : memref<2x128x128xf32, #tpu.memory_space<vmem>> -> memref<1x128x128xf32, #tpu.memory_space<vmem>>
      %parallel_loop3A_515 = tpu.memref_squeeze %parallel_loop3A_514 : memref<1x128x128xf32, #tpu.memory_space<vmem>> -> memref<128x128xf32, #tpu.memory_space<vmem>>
      %parallel_loop3A_516 = tpu.vector_load_idx %parallel_loop3A_515[%add3A_11, %parallel_loop3A_494] : memref<128x128xf32, #tpu.memory_space<vmem>>[vector<16xi32>, vector<16xi32>], vector<16xf32>,
      %parallel_loop3A_517 = arith.mulf %parallel_loop3A_511, %parallel_loop3A_516 : vector<16xf32>
      %parallel_loop3A_518 = arith.addf %parallel_loop3A_483, %parallel_loop3A_517 : vector<16xf32>
      %parallel_loop3A_519 = arith.constant 0 : i32
      %parallel_loop3A_520 = arith.constant 0 : i32
      %parallel_loop3A_521 = tpu.memref_slice %arg10[%parallel_loop3A_454, %parallel_loop3A_519, %parallel_loop3A_520] : memref<2x128x128xf32, #tpu.memory_space<vmem>> -> memref<1x128x128xf32, #tpu.memory_space<vmem>>
      %parallel_loop3A_522 = tpu.memref_squeeze %parallel_loop3A_521 : memref<1x128x128xf32, #tpu.memory_space<vmem>> -> memref<128x128xf32, #tpu.memory_space<vmem>>
      %parallel_loop3A_523 = tpu.vector_load_idx %parallel_loop3A_522[%add3A_14, %parallel_loop3A_494] : memref<128x128xf32, #tpu.memory_space<vmem>>[vector<16xi32>, vector<16xi32>], vector<16xf32>,
      %parallel_loop3A_524 = arith.constant 0 : i32
      %parallel_loop3A_525 = arith.constant 0 : i32
      %parallel_loop3A_526 = tpu.memref_slice %arg11[%parallel_loop3A_455, %parallel_loop3A_524, %parallel_loop3A_525] : memref<2x128x128xf32, #tpu.memory_space<vmem>> -> memref<1x128x128xf32, #tpu.memory_space<vmem>>
      %parallel_loop3A_527 = tpu.memref_squeeze %parallel_loop3A_526 : memref<1x128x128xf32, #tpu.memory_space<vmem>> -> memref<128x128xf32, #tpu.memory_space<vmem>>
      %parallel_loop3A_528 = tpu.vector_load_idx %parallel_loop3A_527[%add3A_14, %parallel_loop3A_494] : memref<128x128xf32, #tpu.memory_space<vmem>>[vector<16xi32>, vector<16xi32>], vector<16xf32>,
      %parallel_loop3A_529 = arith.mulf %parallel_loop3A_523, %parallel_loop3A_528 : vector<16xf32>
      %parallel_loop3A_530 = arith.addf %parallel_loop3A_484, %parallel_loop3A_529 : vector<16xf32>
      %parallel_loop3A_531 = arith.constant 0 : i32
      %parallel_loop3A_532 = arith.constant 0 : i32
      %parallel_loop3A_533 = tpu.memref_slice %arg10[%parallel_loop3A_454, %parallel_loop3A_531, %parallel_loop3A_532] : memref<2x128x128xf32, #tpu.memory_space<vmem>> -> memref<1x128x128xf32, #tpu.memory_space<vmem>>
      %parallel_loop3A_534 = tpu.memref_squeeze %parallel_loop3A_533 : memref<1x128x128xf32, #tpu.memory_space<vmem>> -> memref<128x128xf32, #tpu.memory_space<vmem>>
      %parallel_loop3A_535 = tpu.vector_load_idx %parallel_loop3A_534[%add3A_17, %parallel_loop3A_494] : memref<128x128xf32, #tpu.memory_space<vmem>>[vector<16xi32>, vector<16xi32>], vector<16xf32>,
      %parallel_loop3A_536 = arith.constant 0 : i32
      %parallel_loop3A_537 = arith.constant 0 : i32
      %parallel_loop3A_538 = tpu.memref_slice %arg11[%parallel_loop3A_455, %parallel_loop3A_536, %parallel_loop3A_537] : memref<2x128x128xf32, #tpu.memory_space<vmem>> -> memref<1x128x128xf32, #tpu.memory_space<vmem>>
      %parallel_loop3A_539 = tpu.memref_squeeze %parallel_loop3A_538 : memref<1x128x128xf32, #tpu.memory_space<vmem>> -> memref<128x128xf32, #tpu.memory_space<vmem>>
      %parallel_loop3A_540 = tpu.vector_load_idx %parallel_loop3A_539[%add3A_17, %parallel_loop3A_494] : memref<128x128xf32, #tpu.memory_space<vmem>>[vector<16xi32>, vector<16xi32>], vector<16xf32>,
      %parallel_loop3A_541 = arith.mulf %parallel_loop3A_535, %parallel_loop3A_540 : vector<16xf32>
      %parallel_loop3A_542 = arith.addf %parallel_loop3A_485, %parallel_loop3A_541 : vector<16xf32>
      %parallel_loop3A_543 = arith.constant 0 : i32
      %parallel_loop3A_544 = arith.constant 0 : i32
      %parallel_loop3A_545 = tpu.memref_slice %arg10[%parallel_loop3A_454, %parallel_loop3A_543, %parallel_loop3A_544] : memref<2x128x128xf32, #tpu.memory_space<vmem>> -> memref<1x128x128xf32, #tpu.memory_space<vmem>>
      %parallel_loop3A_546 = tpu.memref_squeeze %parallel_loop3A_545 : memref<1x128x128xf32, #tpu.memory_space<vmem>> -> memref<128x128xf32, #tpu.memory_space<vmem>>
      %parallel_loop3A_547 = tpu.vector_load_idx %parallel_loop3A_546[%add3A_20, %parallel_loop3A_494] : memref<128x128xf32, #tpu.memory_space<vmem>>[vector<16xi32>, vector<16xi32>], vector<16xf32>,
      %parallel_loop3A_548 = arith.constant 0 : i32
      %parallel_loop3A_549 = arith.constant 0 : i32
      %parallel_loop3A_550 = tpu.memref_slice %arg11[%parallel_loop3A_455, %parallel_loop3A_548, %parallel_loop3A_549] : memref<2x128x128xf32, #tpu.memory_space<vmem>> -> memref<1x128x128xf32, #tpu.memory_space<vmem>>
      %parallel_loop3A_551 = tpu.memref_squeeze %parallel_loop3A_550 : memref<1x128x128xf32, #tpu.memory_space<vmem>> -> memref<128x128xf32, #tpu.memory_space<vmem>>
      %parallel_loop3A_552 = tpu.vector_load_idx %parallel_loop3A_551[%add3A_20, %parallel_loop3A_494] : memref<128x128xf32, #tpu.memory_space<vmem>>[vector<16xi32>, vector<16xi32>], vector<16xf32>,
      %parallel_loop3A_553 = arith.mulf %parallel_loop3A_547, %parallel_loop3A_552 : vector<16xf32>
      %parallel_loop3A_554 = arith.addf %parallel_loop3A_486, %parallel_loop3A_553 : vector<16xf32>
      %parallel_loop3A_555 = arith.constant 0 : i32
      %parallel_loop3A_556 = arith.constant 0 : i32
      %parallel_loop3A_557 = tpu.memref_slice %arg10[%parallel_loop3A_454, %parallel_loop3A_555, %parallel_loop3A_556] : memref<2x128x128xf32, #tpu.memory_space<vmem>> -> memref<1x128x128xf32, #tpu.memory_space<vmem>>
      %parallel_loop3A_558 = tpu.memref_squeeze %parallel_loop3A_557 : memref<1x128x128xf32, #tpu.memory_space<vmem>> -> memref<128x128xf32, #tpu.memory_space<vmem>>
      %parallel_loop3A_559 = tpu.vector_load_idx %parallel_loop3A_558[%add3A_23, %parallel_loop3A_494] : memref<128x128xf32, #tpu.memory_space<vmem>>[vector<16xi32>, vector<16xi32>], vector<16xf32>,
      %parallel_loop3A_560 = arith.constant 0 : i32
      %parallel_loop3A_561 = arith.constant 0 : i32
      %parallel_loop3A_562 = tpu.memref_slice %arg11[%parallel_loop3A_455, %parallel_loop3A_560, %parallel_loop3A_561] : memref<2x128x128xf32, #tpu.memory_space<vmem>> -> memref<1x128x128xf32, #tpu.memory_space<vmem>>
      %parallel_loop3A_563 = tpu.memref_squeeze %parallel_loop3A_562 : memref<1x128x128xf32, #tpu.memory_space<vmem>> -> memref<128x128xf32, #tpu.memory_space<vmem>>
      %parallel_loop3A_564 = tpu.vector_load_idx %parallel_loop3A_563[%add3A_23, %parallel_loop3A_494] : memref<128x128xf32, #tpu.memory_space<vmem>>[vector<16xi32>, vector<16xi32>], vector<16xf32>,
      %parallel_loop3A_565 = arith.mulf %parallel_loop3A_559, %parallel_loop3A_564 : vector<16xf32>
      %parallel_loop3A_566 = arith.addf %parallel_loop3A_487, %parallel_loop3A_565 : vector<16xf32>
      %parallel_loop3A_567 = arith.constant 0 : i32
      %parallel_loop3A_568 = arith.constant 0 : i32
      %parallel_loop3A_569 = tpu.memref_slice %arg10[%parallel_loop3A_454, %parallel_loop3A_567, %parallel_loop3A_568] : memref<2x128x128xf32, #tpu.memory_space<vmem>> -> memref<1x128x128xf32, #tpu.memory_space<vmem>>
      %parallel_loop3A_570 = tpu.memref_squeeze %parallel_loop3A_569 : memref<1x128x128xf32, #tpu.memory_space<vmem>> -> memref<128x128xf32, #tpu.memory_space<vmem>>
      %parallel_loop3A_571 = tpu.vector_load_idx %parallel_loop3A_570[%add3A_26, %parallel_loop3A_494] : memref<128x128xf32, #tpu.memory_space<vmem>>[vector<16xi32>, vector<16xi32>], vector<16xf32>,
      %parallel_loop3A_572 = arith.constant 0 : i32
      %parallel_loop3A_573 = arith.constant 0 : i32
      %parallel_loop3A_574 = tpu.memref_slice %arg11[%parallel_loop3A_455, %parallel_loop3A_572, %parallel_loop3A_573] : memref<2x128x128xf32, #tpu.memory_space<vmem>> -> memref<1x128x128xf32, #tpu.memory_space<vmem>>
      %parallel_loop3A_575 = tpu.memref_squeeze %parallel_loop3A_574 : memref<1x128x128xf32, #tpu.memory_space<vmem>> -> memref<128x128xf32, #tpu.memory_space<vmem>>
      %parallel_loop3A_576 = tpu.vector_load_idx %parallel_loop3A_575[%add3A_26, %parallel_loop3A_494] : memref<128x128xf32, #tpu.memory_space<vmem>>[vector<16xi32>, vector<16xi32>], vector<16xf32>,
      %parallel_loop3A_577 = arith.mulf %parallel_loop3A_571, %parallel_loop3A_576 : vector<16xf32>
      %parallel_loop3A_578 = arith.addf %parallel_loop3A_488, %parallel_loop3A_577 : vector<16xf32>
      %parallel_loop3A_579 = arith.constant 0 : i32
      %parallel_loop3A_580 = arith.constant 0 : i32
      %parallel_loop3A_581 = tpu.memref_slice %arg10[%parallel_loop3A_454, %parallel_loop3A_579, %parallel_loop3A_580] : memref<2x128x128xf32, #tpu.memory_space<vmem>> -> memref<1x128x128xf32, #tpu.memory_space<vmem>>
      %parallel_loop3A_582 = tpu.memref_squeeze %parallel_loop3A_581 : memref<1x128x128xf32, #tpu.memory_space<vmem>> -> memref<128x128xf32, #tpu.memory_space<vmem>>
      %parallel_loop3A_583 = tpu.vector_load_idx %parallel_loop3A_582[%add3A_29, %parallel_loop3A_494] : memref<128x128xf32, #tpu.memory_space<vmem>>[vector<16xi32>, vector<16xi32>], vector<16xf32>,
      %parallel_loop3A_584 = arith.constant 0 : i32
      %parallel_loop3A_585 = arith.constant 0 : i32
      %parallel_loop3A_586 = tpu.memref_slice %arg11[%parallel_loop3A_455, %parallel_loop3A_584, %parallel_loop3A_585] : memref<2x128x128xf32, #tpu.memory_space<vmem>> -> memref<1x128x128xf32, #tpu.memory_space<vmem>>
      %parallel_loop3A_587 = tpu.memref_squeeze %parallel_loop3A_586 : memref<1x128x128xf32, #tpu.memory_space<vmem>> -> memref<128x128xf32, #tpu.memory_space<vmem>>
      %parallel_loop3A_588 = tpu.vector_load_idx %parallel_loop3A_587[%add3A_29, %parallel_loop3A_494] : memref<128x128xf32, #tpu.memory_space<vmem>>[vector<16xi32>, vector<16xi32>], vector<16xf32>,
      %parallel_loop3A_589 = arith.mulf %parallel_loop3A_583, %parallel_loop3A_588 : vector<16xf32>
      %parallel_loop3A_590 = arith.addf %parallel_loop3A_489, %parallel_loop3A_589 : vector<16xf32>
      scf.yield %parallel_loop3A_506, %parallel_loop3A_518, %parallel_loop3A_530, %parallel_loop3A_542, %parallel_loop3A_554, %parallel_loop3A_566, %parallel_loop3A_578, %parallel_loop3A_590 : vector<16xf32>, vector<16xf32>, vector<16xf32>, vector<16xf32>, vector<16xf32>, vector<16xf32>, vector<16xf32>, vector<16xf32>
    } {sc.loop_unroll_factor = 1 : i64, sc.parallel_access}
    %add3A_457 = arith.addf %parallel_loop3A_456#0, %broadcast_in_dim3A : vector<16xf32>
    %swap3A_458 = arith.constant 384 : index
    %swap3A_459 = tpu.vector_load %arg13[%swap3A_458] {strides = array<i32>} : memref<512xf32, #tpu.memory_space<vmem>>, vector<16xf32>,
    tpu.vector_store %arg13[%swap3A_458], %add3A_457 {strides = array<i32>} : memref<512xf32, #tpu.memory_space<vmem>>, vector<16xf32>,
    %add3A_460 = arith.addf %parallel_loop3A_456#1, %broadcast_in_dim3A : vector<16xf32>
    %swap3A_461 = arith.constant 400 : index
    %swap3A_462 = tpu.vector_load %arg13[%swap3A_461] {strides = array<i32>} : memref<512xf32, #tpu.memory_space<vmem>>, vector<16xf32>,
    tpu.vector_store %arg13[%swap3A_461], %add3A_460 {strides = array<i32>} : memref<512xf32, #tpu.memory_space<vmem>>, vector<16xf32>,
    %add3A_463 = arith.addf %parallel_loop3A_456#2, %broadcast_in_dim3A : vector<16xf32>
    %swap3A_464 = arith.constant 416 : index
    %swap3A_465 = tpu.vector_load %arg13[%swap3A_464] {strides = array<i32>} : memref<512xf32, #tpu.memory_space<vmem>>, vector<16xf32>,
    tpu.vector_store %arg13[%swap3A_464], %add3A_463 {strides = array<i32>} : memref<512xf32, #tpu.memory_space<vmem>>, vector<16xf32>,
    %add3A_466 = arith.addf %parallel_loop3A_456#3, %broadcast_in_dim3A : vector<16xf32>
    %swap3A_467 = arith.constant 432 : index
    %swap3A_468 = tpu.vector_load %arg13[%swap3A_467] {strides = array<i32>} : memref<512xf32, #tpu.memory_space<vmem>>, vector<16xf32>,
    tpu.vector_store %arg13[%swap3A_467], %add3A_466 {strides = array<i32>} : memref<512xf32, #tpu.memory_space<vmem>>, vector<16xf32>,
    %add3A_469 = arith.addf %parallel_loop3A_456#4, %broadcast_in_dim3A : vector<16xf32>
    %swap3A_470 = arith.constant 448 : index
    %swap3A_471 = tpu.vector_load %arg13[%swap3A_470] {strides = array<i32>} : memref<512xf32, #tpu.memory_space<vmem>>, vector<16xf32>,
    tpu.vector_store %arg13[%swap3A_470], %add3A_469 {strides = array<i32>} : memref<512xf32, #tpu.memory_space<vmem>>, vector<16xf32>,
    %add3A_472 = arith.addf %parallel_loop3A_456#5, %broadcast_in_dim3A : vector<16xf32>
    %swap3A_473 = arith.constant 464 : index
    %swap3A_474 = tpu.vector_load %arg13[%swap3A_473] {strides = array<i32>} : memref<512xf32, #tpu.memory_space<vmem>>, vector<16xf32>,
    tpu.vector_store %arg13[%swap3A_473], %add3A_472 {strides = array<i32>} : memref<512xf32, #tpu.memory_space<vmem>>, vector<16xf32>,
    %add3A_475 = arith.addf %parallel_loop3A_456#6, %broadcast_in_dim3A : vector<16xf32>
    %swap3A_476 = arith.constant 480 : index
    %swap3A_477 = tpu.vector_load %arg13[%swap3A_476] {strides = array<i32>} : memref<512xf32, #tpu.memory_space<vmem>>, vector<16xf32>,
    tpu.vector_store %arg13[%swap3A_476], %add3A_475 {strides = array<i32>} : memref<512xf32, #tpu.memory_space<vmem>>, vector<16xf32>,
    %add3A_478 = arith.addf %parallel_loop3A_456#7, %broadcast_in_dim3A : vector<16xf32>
    %swap3A_479 = arith.constant 496 : index
    %swap3A_480 = tpu.vector_load %arg13[%swap3A_479] {strides = array<i32>} : memref<512xf32, #tpu.memory_space<vmem>>, vector<16xf32>,
    tpu.vector_store %arg13[%swap3A_479], %add3A_478 {strides = array<i32>} : memref<512xf32, #tpu.memory_space<vmem>>, vector<16xf32>,
    "tpu.region"() ({
      %run_scoped3A_481 = tpu.sem_alloc : memref<!tpu.dma_semaphore, #tpu.memory_space<semaphore_mem>>
      %dma_start3A_482 = tpu.memref_slice %arg7[%mul3A_2] : memref<16384xf32, #tpu.memory_space<hbm>> -> memref<512xf32, #tpu.memory_space<hbm>>
      %dma_start3A_483 = tpu.memref_slice %arg7[%mul3A_2] : memref<16384xf32, #tpu.memory_space<hbm>> -> memref<512xf32, #tpu.memory_space<hbm>>
      tpu.enqueue_dma source(%arg13 : memref<512xf32, #tpu.memory_space<vmem>>) target(%dma_start3A_483 : memref<512xf32, #tpu.memory_space<hbm>>) target_semaphore(%run_scoped3A_481 : memref<!tpu.dma_semaphore, #tpu.memory_space<semaphore_mem>>)
      %dma_wait3A_484 = tpu.memref_slice %arg7[%mul3A_2] : memref<16384xf32, #tpu.memory_space<hbm>> -> memref<512xf32, #tpu.memory_space<hbm>>
      %dma_wait3A_485 = tpu.memref_slice %arg7[%mul3A_2] : memref<16384xf32, #tpu.memory_space<hbm>> -> memref<512xf32, #tpu.memory_space<hbm>>
      tpu.wait_dma2 semaphore(%run_scoped3A_481 : memref<!tpu.dma_semaphore, #tpu.memory_space<semaphore_mem>>) src(%arg13 : memref<512xf32, #tpu.memory_space<vmem>>) dst(%dma_wait3A_485 : memref<512xf32, #tpu.memory_space<hbm>>)
      tpu.yield
    }) : () -> ()
    return
  }
}

#map = affine_map<(d0, d1) -> (0)>
#map1 = affine_map<(d0, d1) -> (0, 0)>
module attributes {stable_mosaic.version = 14 : i64} {
  func.func @_bias_body(%arg0: i32, %arg1: i32, %arg2: memref<16384xi32, #tpu.memory_space<hbm>>, %arg3: memref<16384xi32, #tpu.memory_space<hbm>>, %arg4: memref<62500x16xf32, #tpu.memory_space<hbm>>, %arg5: memref<6250x16xf32, #tpu.memory_space<hbm>>, %arg6: memref<16384xf32, #tpu.memory_space<hbm>>, %arg7: memref<16384xf32, #tpu.memory_space<hbm>>, %arg8: memref<512xi32, #tpu.memory_space<vmem>>, %arg9: memref<512xi32, #tpu.memory_space<vmem>>, %arg10: memref<512xi32, #tpu.memory_space<vmem>>, %arg11: memref<512xi32, #tpu.memory_space<vmem>>, %arg12: memref<512x16xf32, #tpu.memory_space<vmem>>, %arg13: memref<512x16xf32, #tpu.memory_space<vmem>>, %arg14: memref<512xf32, #tpu.memory_space<vmem>>, %arg15: memref<512xf32, #tpu.memory_space<vmem>>, %arg16: memref<3x!tpu.dma_semaphore, #tpu.memory_space<semaphore_mem>>) attributes {dimension_semantics = [#tpu.dimension_semantics<core_parallel>, #tpu.dimension_semantics<subcore_parallel>], iteration_bounds = array<i64: 2, 16>, scalar_prefetch = 0 : i64, scratch_operands = 9 : i64, tpu.core_type = #tpu.core_type<sc_vector_subcore>, window_params = [{transform_indices = #map}, {transform_indices = #map}, {transform_indices = #map1}, {transform_indices = #map1}, {transform_indices = #map}, {transform_indices = #map}]} {
    %mul3A = arith.constant 2 : i32
    %mul3A_0 = arith.muli %arg1, %mul3A : i32
    %add3A = arith.addi %mul3A_0, %arg0 : i32
    %mul3A_1 = arith.constant 512 : i32
    %mul3A_2 = arith.muli %add3A, %mul3A_1 : i32
    %broadcast_in_dim3A = arith.constant 0 : i32
    %broadcast_in_dim3A_3 = vector.broadcast %broadcast_in_dim3A : i32 to vector<16xi32>
    %iota3A = tpu.iota {dimensions = array<i32: 0>} : vector<16xi32>
    %add3A_4 = arith.constant 0 : i32
    %add3A_5 = vector.broadcast %add3A_4 : i32 to vector<16xi32>
    %add3A_6 = arith.addi %iota3A, %add3A_5 : vector<16xi32>
    %add3A_7 = arith.constant 16 : i32
    %add3A_8 = vector.broadcast %add3A_7 : i32 to vector<16xi32>
    %add3A_9 = arith.addi %iota3A, %add3A_8 : vector<16xi32>
    %add3A_10 = arith.constant 32 : i32
    %add3A_11 = vector.broadcast %add3A_10 : i32 to vector<16xi32>
    %add3A_12 = arith.addi %iota3A, %add3A_11 : vector<16xi32>
    %add3A_13 = arith.constant 48 : i32
    %add3A_14 = vector.broadcast %add3A_13 : i32 to vector<16xi32>
    %add3A_15 = arith.addi %iota3A, %add3A_14 : vector<16xi32>
    %add3A_16 = arith.constant 64 : i32
    %add3A_17 = vector.broadcast %add3A_16 : i32 to vector<16xi32>
    %add3A_18 = arith.addi %iota3A, %add3A_17 : vector<16xi32>
    %add3A_19 = arith.constant 80 : i32
    %add3A_20 = vector.broadcast %add3A_19 : i32 to vector<16xi32>
    %add3A_21 = arith.addi %iota3A, %add3A_20 : vector<16xi32>
    %add3A_22 = arith.constant 96 : i32
    %add3A_23 = vector.broadcast %add3A_22 : i32 to vector<16xi32>
    %add3A_24 = arith.addi %iota3A, %add3A_23 : vector<16xi32>
    %add3A_25 = arith.constant 112 : i32
    %add3A_26 = vector.broadcast %add3A_25 : i32 to vector<16xi32>
    %add3A_27 = arith.addi %iota3A, %add3A_26 : vector<16xi32>
    "tpu.region"() ({
      %run_scoped3A = tpu.sem_alloc : memref<!tpu.dma_semaphore, #tpu.memory_space<semaphore_mem>>
      %dma_start3A_882 = tpu.memref_slice %arg2[%mul3A_2] : memref<16384xi32, #tpu.memory_space<hbm>> -> memref<512xi32, #tpu.memory_space<hbm>>
      %dma_start3A_883 = tpu.memref_slice %arg2[%mul3A_2] : memref<16384xi32, #tpu.memory_space<hbm>> -> memref<512xi32, #tpu.memory_space<hbm>>
      tpu.enqueue_dma source(%dma_start3A_883 : memref<512xi32, #tpu.memory_space<hbm>>) target(%arg8 : memref<512xi32, #tpu.memory_space<vmem>>) target_semaphore(%run_scoped3A : memref<!tpu.dma_semaphore, #tpu.memory_space<semaphore_mem>>)
      %dma_wait3A_884 = tpu.memref_slice %arg2[%mul3A_2] : memref<16384xi32, #tpu.memory_space<hbm>> -> memref<512xi32, #tpu.memory_space<hbm>>
      %dma_wait3A_885 = tpu.memref_slice %arg2[%mul3A_2] : memref<16384xi32, #tpu.memory_space<hbm>> -> memref<512xi32, #tpu.memory_space<hbm>>
      tpu.wait_dma2 semaphore(%run_scoped3A : memref<!tpu.dma_semaphore, #tpu.memory_space<semaphore_mem>>) src(%dma_wait3A_885 : memref<512xi32, #tpu.memory_space<hbm>>) dst(%arg8 : memref<512xi32, #tpu.memory_space<vmem>>)
      tpu.yield
    }) : () -> ()
    "tpu.region"() ({
      %run_scoped3A = tpu.sem_alloc : memref<!tpu.dma_semaphore, #tpu.memory_space<semaphore_mem>>
      %dma_start3A_882 = tpu.memref_slice %arg3[%mul3A_2] : memref<16384xi32, #tpu.memory_space<hbm>> -> memref<512xi32, #tpu.memory_space<hbm>>
      %dma_start3A_883 = tpu.memref_slice %arg3[%mul3A_2] : memref<16384xi32, #tpu.memory_space<hbm>> -> memref<512xi32, #tpu.memory_space<hbm>>
      tpu.enqueue_dma source(%dma_start3A_883 : memref<512xi32, #tpu.memory_space<hbm>>) target(%arg9 : memref<512xi32, #tpu.memory_space<vmem>>) target_semaphore(%run_scoped3A : memref<!tpu.dma_semaphore, #tpu.memory_space<semaphore_mem>>)
      %dma_wait3A_884 = tpu.memref_slice %arg3[%mul3A_2] : memref<16384xi32, #tpu.memory_space<hbm>> -> memref<512xi32, #tpu.memory_space<hbm>>
      %dma_wait3A_885 = tpu.memref_slice %arg3[%mul3A_2] : memref<16384xi32, #tpu.memory_space<hbm>> -> memref<512xi32, #tpu.memory_space<hbm>>
      tpu.wait_dma2 semaphore(%run_scoped3A : memref<!tpu.dma_semaphore, #tpu.memory_space<semaphore_mem>>) src(%dma_wait3A_885 : memref<512xi32, #tpu.memory_space<hbm>>) dst(%arg9 : memref<512xi32, #tpu.memory_space<vmem>>)
      tpu.yield
    }) : () -> ()
    %dma_start3A = arith.constant 0 : i32
    %dma_start3A_28 = tpu.memref_slice %arg6[%mul3A_2] : memref<16384xf32, #tpu.memory_space<hbm>> -> memref<512xf32, #tpu.memory_space<hbm>>
    %dma_start3A_29 = tpu.memref_slice %arg16[%dma_start3A] : memref<3x!tpu.dma_semaphore, #tpu.memory_space<semaphore_mem>> -> memref<1x!tpu.dma_semaphore, #tpu.memory_space<semaphore_mem>>
    %dma_start3A_30 = tpu.memref_squeeze %dma_start3A_29 : memref<1x!tpu.dma_semaphore, #tpu.memory_space<semaphore_mem>> -> memref<!tpu.dma_semaphore, #tpu.memory_space<semaphore_mem>>
    %dma_start3A_31 = tpu.memref_slice %arg6[%mul3A_2] : memref<16384xf32, #tpu.memory_space<hbm>> -> memref<512xf32, #tpu.memory_space<hbm>>
    tpu.enqueue_dma source(%dma_start3A_31 : memref<512xf32, #tpu.memory_space<hbm>>) target(%arg14 : memref<512xf32, #tpu.memory_space<vmem>>) target_semaphore(%dma_start3A_30 : memref<!tpu.dma_semaphore, #tpu.memory_space<semaphore_mem>>)
    %parallel_loop3A = arith.constant 0 : i32
    %parallel_loop3A_32 = arith.constant 512 : i32
    %parallel_loop3A_33 = arith.constant 16 : i32
    scf.for %parallel_loop3A_882 = %parallel_loop3A to %parallel_loop3A_32 step %parallel_loop3A_33  : i32 {
      %parallel_loop3A_883 = arith.index_cast %parallel_loop3A_882 : i32 to index
      %parallel_loop3A_884 = tpu.vector_load %arg8[%parallel_loop3A_883] {strides = array<i32>} : memref<512xi32, #tpu.memory_space<vmem>>, vector<16xi32>,
      %parallel_loop3A_885 = arith.constant 4 : i32
      %parallel_loop3A_886 = vector.broadcast %parallel_loop3A_885 : i32 to vector<16xi32>
      %parallel_loop3A_887 = arith.shrui %parallel_loop3A_884, %parallel_loop3A_886 : vector<16xi32>
      %parallel_loop3A_888 = arith.index_cast %parallel_loop3A_882 : i32 to index
      %parallel_loop3A_889 = tpu.vector_load %arg10[%parallel_loop3A_888] {strides = array<i32>} : memref<512xi32, #tpu.memory_space<vmem>>, vector<16xi32>,
      tpu.vector_store %arg10[%parallel_loop3A_888], %parallel_loop3A_887 {strides = array<i32>} : memref<512xi32, #tpu.memory_space<vmem>>, vector<16xi32>,
      %parallel_loop3A_890 = arith.index_cast %parallel_loop3A_882 : i32 to index
      %parallel_loop3A_891 = tpu.vector_load %arg9[%parallel_loop3A_890] {strides = array<i32>} : memref<512xi32, #tpu.memory_space<vmem>>, vector<16xi32>,
      %parallel_loop3A_892 = arith.constant 4 : i32
      %parallel_loop3A_893 = vector.broadcast %parallel_loop3A_892 : i32 to vector<16xi32>
      %parallel_loop3A_894 = arith.shrui %parallel_loop3A_891, %parallel_loop3A_893 : vector<16xi32>
      %parallel_loop3A_895 = arith.index_cast %parallel_loop3A_882 : i32 to index
      %parallel_loop3A_896 = tpu.vector_load %arg11[%parallel_loop3A_895] {strides = array<i32>} : memref<512xi32, #tpu.memory_space<vmem>>, vector<16xi32>,
      tpu.vector_store %arg11[%parallel_loop3A_895], %parallel_loop3A_894 {strides = array<i32>} : memref<512xi32, #tpu.memory_space<vmem>>, vector<16xi32>,
    } {sc.loop_unroll_factor = 4 : i64, sc.parallel_access}
    %dma_start3A_34 = arith.constant 1 : i32
    %dma_start3A_35 = arith.constant 0 : i32
    %dma_start3A_36 = arith.constant 0 : i32
    %dma_start3A_37 = tpu.memref_slice %arg12[%dma_start3A_35, %dma_start3A_36] : memref<512x16xf32, #tpu.memory_space<vmem>> -> memref<128x16xf32, #tpu.memory_space<vmem>>
    %dma_start3A_38 = arith.constant 0 : i32
    %dma_start3A_39 = tpu.memref_slice %arg10[%dma_start3A_38] : memref<512xi32, #tpu.memory_space<vmem>> -> memref<128xi32, #tpu.memory_space<vmem>>
    %dma_start3A_40 = arith.constant 0 : i32
    %dma_start3A_41 = arith.constant 0 : i32
    %dma_start3A_42 = tpu.memref_slice %arg4[%dma_start3A_40, %dma_start3A_41] : memref<62500x16xf32, #tpu.memory_space<hbm>> -> memref<62500x16xf32, #tpu.memory_space<hbm>>
    %dma_start3A_43 = tpu.memref_slice %arg16[%dma_start3A_34] : memref<3x!tpu.dma_semaphore, #tpu.memory_space<semaphore_mem>> -> memref<1x!tpu.dma_semaphore, #tpu.memory_space<semaphore_mem>>
    %dma_start3A_44 = tpu.memref_squeeze %dma_start3A_43 : memref<1x!tpu.dma_semaphore, #tpu.memory_space<semaphore_mem>> -> memref<!tpu.dma_semaphore, #tpu.memory_space<semaphore_mem>>
    tpu.enqueue_indirect_dma source(%dma_start3A_42 : memref<62500x16xf32, #tpu.memory_space<hbm>>) target(%dma_start3A_37 : memref<128x16xf32, #tpu.memory_space<vmem>>) offsets(%dma_start3A_39 : memref<128xi32, #tpu.memory_space<vmem>>) semaphore(%dma_start3A_44 : memref<!tpu.dma_semaphore, #tpu.memory_space<semaphore_mem>>)
    %dma_start3A_45 = arith.constant 2 : i32
    %dma_start3A_46 = arith.constant 0 : i32
    %dma_start3A_47 = arith.constant 0 : i32
    %dma_start3A_48 = tpu.memref_slice %arg13[%dma_start3A_46, %dma_start3A_47] : memref<512x16xf32, #tpu.memory_space<vmem>> -> memref<128x16xf32, #tpu.memory_space<vmem>>
    %dma_start3A_49 = arith.constant 0 : i32
    %dma_start3A_50 = tpu.memref_slice %arg11[%dma_start3A_49] : memref<512xi32, #tpu.memory_space<vmem>> -> memref<128xi32, #tpu.memory_space<vmem>>
    %dma_start3A_51 = arith.constant 0 : i32
    %dma_start3A_52 = arith.constant 0 : i32
    %dma_start3A_53 = tpu.memref_slice %arg5[%dma_start3A_51, %dma_start3A_52] : memref<6250x16xf32, #tpu.memory_space<hbm>> -> memref<6250x16xf32, #tpu.memory_space<hbm>>
    %dma_start3A_54 = tpu.memref_slice %arg16[%dma_start3A_45] : memref<3x!tpu.dma_semaphore, #tpu.memory_space<semaphore_mem>> -> memref<1x!tpu.dma_semaphore, #tpu.memory_space<semaphore_mem>>
    %dma_start3A_55 = tpu.memref_squeeze %dma_start3A_54 : memref<1x!tpu.dma_semaphore, #tpu.memory_space<semaphore_mem>> -> memref<!tpu.dma_semaphore, #tpu.memory_space<semaphore_mem>>
    tpu.enqueue_indirect_dma source(%dma_start3A_53 : memref<6250x16xf32, #tpu.memory_space<hbm>>) target(%dma_start3A_48 : memref<128x16xf32, #tpu.memory_space<vmem>>) offsets(%dma_start3A_50 : memref<128xi32, #tpu.memory_space<vmem>>) semaphore(%dma_start3A_55 : memref<!tpu.dma_semaphore, #tpu.memory_space<semaphore_mem>>)
    %dma_start3A_56 = arith.constant 1 : i32
    %dma_start3A_57 = arith.constant 128 : i32
    %dma_start3A_58 = arith.constant 0 : i32
    %dma_start3A_59 = tpu.memref_slice %arg12[%dma_start3A_57, %dma_start3A_58] : memref<512x16xf32, #tpu.memory_space<vmem>> -> memref<128x16xf32, #tpu.memory_space<vmem>>
    %dma_start3A_60 = arith.constant 128 : i32
    %dma_start3A_61 = tpu.memref_slice %arg10[%dma_start3A_60] : memref<512xi32, #tpu.memory_space<vmem>> -> memref<128xi32, #tpu.memory_space<vmem>>
    %dma_start3A_62 = arith.constant 0 : i32
    %dma_start3A_63 = arith.constant 0 : i32
    %dma_start3A_64 = tpu.memref_slice %arg4[%dma_start3A_62, %dma_start3A_63] : memref<62500x16xf32, #tpu.memory_space<hbm>> -> memref<62500x16xf32, #tpu.memory_space<hbm>>
    %dma_start3A_65 = tpu.memref_slice %arg16[%dma_start3A_56] : memref<3x!tpu.dma_semaphore, #tpu.memory_space<semaphore_mem>> -> memref<1x!tpu.dma_semaphore, #tpu.memory_space<semaphore_mem>>
    %dma_start3A_66 = tpu.memref_squeeze %dma_start3A_65 : memref<1x!tpu.dma_semaphore, #tpu.memory_space<semaphore_mem>> -> memref<!tpu.dma_semaphore, #tpu.memory_space<semaphore_mem>>
    tpu.enqueue_indirect_dma source(%dma_start3A_64 : memref<62500x16xf32, #tpu.memory_space<hbm>>) target(%dma_start3A_59 : memref<128x16xf32, #tpu.memory_space<vmem>>) offsets(%dma_start3A_61 : memref<128xi32, #tpu.memory_space<vmem>>) semaphore(%dma_start3A_66 : memref<!tpu.dma_semaphore, #tpu.memory_space<semaphore_mem>>)
    %dma_start3A_67 = arith.constant 2 : i32
    %dma_start3A_68 = arith.constant 128 : i32
    %dma_start3A_69 = arith.constant 0 : i32
    %dma_start3A_70 = tpu.memref_slice %arg13[%dma_start3A_68, %dma_start3A_69] : memref<512x16xf32, #tpu.memory_space<vmem>> -> memref<128x16xf32, #tpu.memory_space<vmem>>
    %dma_start3A_71 = arith.constant 128 : i32
    %dma_start3A_72 = tpu.memref_slice %arg11[%dma_start3A_71] : memref<512xi32, #tpu.memory_space<vmem>> -> memref<128xi32, #tpu.memory_space<vmem>>
    %dma_start3A_73 = arith.constant 0 : i32
    %dma_start3A_74 = arith.constant 0 : i32
    %dma_start3A_75 = tpu.memref_slice %arg5[%dma_start3A_73, %dma_start3A_74] : memref<6250x16xf32, #tpu.memory_space<hbm>> -> memref<6250x16xf32, #tpu.memory_space<hbm>>
    %dma_start3A_76 = tpu.memref_slice %arg16[%dma_start3A_67] : memref<3x!tpu.dma_semaphore, #tpu.memory_space<semaphore_mem>> -> memref<1x!tpu.dma_semaphore, #tpu.memory_space<semaphore_mem>>
    %dma_start3A_77 = tpu.memref_squeeze %dma_start3A_76 : memref<1x!tpu.dma_semaphore, #tpu.memory_space<semaphore_mem>> -> memref<!tpu.dma_semaphore, #tpu.memory_space<semaphore_mem>>
    tpu.enqueue_indirect_dma source(%dma_start3A_75 : memref<6250x16xf32, #tpu.memory_space<hbm>>) target(%dma_start3A_70 : memref<128x16xf32, #tpu.memory_space<vmem>>) offsets(%dma_start3A_72 : memref<128xi32, #tpu.memory_space<vmem>>) semaphore(%dma_start3A_77 : memref<!tpu.dma_semaphore, #tpu.memory_space<semaphore_mem>>)
    %dma_start3A_78 = arith.constant 1 : i32
    %dma_start3A_79 = arith.constant 256 : i32
    %dma_start3A_80 = arith.constant 0 : i32
    %dma_start3A_81 = tpu.memref_slice %arg12[%dma_start3A_79, %dma_start3A_80] : memref<512x16xf32, #tpu.memory_space<vmem>> -> memref<128x16xf32, #tpu.memory_space<vmem>>
    %dma_start3A_82 = arith.constant 256 : i32
    %dma_start3A_83 = tpu.memref_slice %arg10[%dma_start3A_82] : memref<512xi32, #tpu.memory_space<vmem>> -> memref<128xi32, #tpu.memory_space<vmem>>
    %dma_start3A_84 = arith.constant 0 : i32
    %dma_start3A_85 = arith.constant 0 : i32
    %dma_start3A_86 = tpu.memref_slice %arg4[%dma_start3A_84, %dma_start3A_85] : memref<62500x16xf32, #tpu.memory_space<hbm>> -> memref<62500x16xf32, #tpu.memory_space<hbm>>
    %dma_start3A_87 = tpu.memref_slice %arg16[%dma_start3A_78] : memref<3x!tpu.dma_semaphore, #tpu.memory_space<semaphore_mem>> -> memref<1x!tpu.dma_semaphore, #tpu.memory_space<semaphore_mem>>
    %dma_start3A_88 = tpu.memref_squeeze %dma_start3A_87 : memref<1x!tpu.dma_semaphore, #tpu.memory_space<semaphore_mem>> -> memref<!tpu.dma_semaphore, #tpu.memory_space<semaphore_mem>>
    tpu.enqueue_indirect_dma source(%dma_start3A_86 : memref<62500x16xf32, #tpu.memory_space<hbm>>) target(%dma_start3A_81 : memref<128x16xf32, #tpu.memory_space<vmem>>) offsets(%dma_start3A_83 : memref<128xi32, #tpu.memory_space<vmem>>) semaphore(%dma_start3A_88 : memref<!tpu.dma_semaphore, #tpu.memory_space<semaphore_mem>>)
    %dma_start3A_89 = arith.constant 2 : i32
    %dma_start3A_90 = arith.constant 256 : i32
    %dma_start3A_91 = arith.constant 0 : i32
    %dma_start3A_92 = tpu.memref_slice %arg13[%dma_start3A_90, %dma_start3A_91] : memref<512x16xf32, #tpu.memory_space<vmem>> -> memref<128x16xf32, #tpu.memory_space<vmem>>
    %dma_start3A_93 = arith.constant 256 : i32
    %dma_start3A_94 = tpu.memref_slice %arg11[%dma_start3A_93] : memref<512xi32, #tpu.memory_space<vmem>> -> memref<128xi32, #tpu.memory_space<vmem>>
    %dma_start3A_95 = arith.constant 0 : i32
    %dma_start3A_96 = arith.constant 0 : i32
    %dma_start3A_97 = tpu.memref_slice %arg5[%dma_start3A_95, %dma_start3A_96] : memref<6250x16xf32, #tpu.memory_space<hbm>> -> memref<6250x16xf32, #tpu.memory_space<hbm>>
    %dma_start3A_98 = tpu.memref_slice %arg16[%dma_start3A_89] : memref<3x!tpu.dma_semaphore, #tpu.memory_space<semaphore_mem>> -> memref<1x!tpu.dma_semaphore, #tpu.memory_space<semaphore_mem>>
    %dma_start3A_99 = tpu.memref_squeeze %dma_start3A_98 : memref<1x!tpu.dma_semaphore, #tpu.memory_space<semaphore_mem>> -> memref<!tpu.dma_semaphore, #tpu.memory_space<semaphore_mem>>
    tpu.enqueue_indirect_dma source(%dma_start3A_97 : memref<6250x16xf32, #tpu.memory_space<hbm>>) target(%dma_start3A_92 : memref<128x16xf32, #tpu.memory_space<vmem>>) offsets(%dma_start3A_94 : memref<128xi32, #tpu.memory_space<vmem>>) semaphore(%dma_start3A_99 : memref<!tpu.dma_semaphore, #tpu.memory_space<semaphore_mem>>)
    %dma_start3A_100 = arith.constant 1 : i32
    %dma_start3A_101 = arith.constant 384 : i32
    %dma_start3A_102 = arith.constant 0 : i32
    %dma_start3A_103 = tpu.memref_slice %arg12[%dma_start3A_101, %dma_start3A_102] : memref<512x16xf32, #tpu.memory_space<vmem>> -> memref<128x16xf32, #tpu.memory_space<vmem>>
    %dma_start3A_104 = arith.constant 384 : i32
    %dma_start3A_105 = tpu.memref_slice %arg10[%dma_start3A_104] : memref<512xi32, #tpu.memory_space<vmem>> -> memref<128xi32, #tpu.memory_space<vmem>>
    %dma_start3A_106 = arith.constant 0 : i32
    %dma_start3A_107 = arith.constant 0 : i32
    %dma_start3A_108 = tpu.memref_slice %arg4[%dma_start3A_106, %dma_start3A_107] : memref<62500x16xf32, #tpu.memory_space<hbm>> -> memref<62500x16xf32, #tpu.memory_space<hbm>>
    %dma_start3A_109 = tpu.memref_slice %arg16[%dma_start3A_100] : memref<3x!tpu.dma_semaphore, #tpu.memory_space<semaphore_mem>> -> memref<1x!tpu.dma_semaphore, #tpu.memory_space<semaphore_mem>>
    %dma_start3A_110 = tpu.memref_squeeze %dma_start3A_109 : memref<1x!tpu.dma_semaphore, #tpu.memory_space<semaphore_mem>> -> memref<!tpu.dma_semaphore, #tpu.memory_space<semaphore_mem>>
    tpu.enqueue_indirect_dma source(%dma_start3A_108 : memref<62500x16xf32, #tpu.memory_space<hbm>>) target(%dma_start3A_103 : memref<128x16xf32, #tpu.memory_space<vmem>>) offsets(%dma_start3A_105 : memref<128xi32, #tpu.memory_space<vmem>>) semaphore(%dma_start3A_110 : memref<!tpu.dma_semaphore, #tpu.memory_space<semaphore_mem>>)
    %dma_start3A_111 = arith.constant 2 : i32
    %dma_start3A_112 = arith.constant 384 : i32
    %dma_start3A_113 = arith.constant 0 : i32
    %dma_start3A_114 = tpu.memref_slice %arg13[%dma_start3A_112, %dma_start3A_113] : memref<512x16xf32, #tpu.memory_space<vmem>> -> memref<128x16xf32, #tpu.memory_space<vmem>>
    %dma_start3A_115 = arith.constant 384 : i32
    %dma_start3A_116 = tpu.memref_slice %arg11[%dma_start3A_115] : memref<512xi32, #tpu.memory_space<vmem>> -> memref<128xi32, #tpu.memory_space<vmem>>
    %dma_start3A_117 = arith.constant 0 : i32
    %dma_start3A_118 = arith.constant 0 : i32
    %dma_start3A_119 = tpu.memref_slice %arg5[%dma_start3A_117, %dma_start3A_118] : memref<6250x16xf32, #tpu.memory_space<hbm>> -> memref<6250x16xf32, #tpu.memory_space<hbm>>
    %dma_start3A_120 = tpu.memref_slice %arg16[%dma_start3A_111] : memref<3x!tpu.dma_semaphore, #tpu.memory_space<semaphore_mem>> -> memref<1x!tpu.dma_semaphore, #tpu.memory_space<semaphore_mem>>
    %dma_start3A_121 = tpu.memref_squeeze %dma_start3A_120 : memref<1x!tpu.dma_semaphore, #tpu.memory_space<semaphore_mem>> -> memref<!tpu.dma_semaphore, #tpu.memory_space<semaphore_mem>>
    tpu.enqueue_indirect_dma source(%dma_start3A_119 : memref<6250x16xf32, #tpu.memory_space<hbm>>) target(%dma_start3A_114 : memref<128x16xf32, #tpu.memory_space<vmem>>) offsets(%dma_start3A_116 : memref<128xi32, #tpu.memory_space<vmem>>) semaphore(%dma_start3A_121 : memref<!tpu.dma_semaphore, #tpu.memory_space<semaphore_mem>>)
    %dma_wait3A = arith.constant 0 : i32
    %dma_wait3A_122 = tpu.memref_slice %arg6[%mul3A_2] : memref<16384xf32, #tpu.memory_space<hbm>> -> memref<512xf32, #tpu.memory_space<hbm>>
    %dma_wait3A_123 = tpu.memref_slice %arg16[%dma_wait3A] : memref<3x!tpu.dma_semaphore, #tpu.memory_space<semaphore_mem>> -> memref<1x!tpu.dma_semaphore, #tpu.memory_space<semaphore_mem>>
    %dma_wait3A_124 = tpu.memref_squeeze %dma_wait3A_123 : memref<1x!tpu.dma_semaphore, #tpu.memory_space<semaphore_mem>> -> memref<!tpu.dma_semaphore, #tpu.memory_space<semaphore_mem>>
    %dma_wait3A_125 = tpu.memref_slice %arg6[%mul3A_2] : memref<16384xf32, #tpu.memory_space<hbm>> -> memref<512xf32, #tpu.memory_space<hbm>>
    tpu.wait_dma2 semaphore(%dma_wait3A_124 : memref<!tpu.dma_semaphore, #tpu.memory_space<semaphore_mem>>) src(%dma_wait3A_125 : memref<512xf32, #tpu.memory_space<hbm>>) dst(%arg14 : memref<512xf32, #tpu.memory_space<vmem>>)
    %dma_wait3A_126 = arith.constant 1 : i32
    %dma_wait3A_127 = arith.constant 0 : i32
    %dma_wait3A_128 = arith.constant 0 : i32
    %dma_wait3A_129 = tpu.memref_slice %arg12[%dma_wait3A_127, %dma_wait3A_128] : memref<512x16xf32, #tpu.memory_space<vmem>> -> memref<128x16xf32, #tpu.memory_space<vmem>>
    %dma_wait3A_130 = arith.constant 0 : i32
    %dma_wait3A_131 = tpu.memref_slice %arg10[%dma_wait3A_130] : memref<512xi32, #tpu.memory_space<vmem>> -> memref<128xi32, #tpu.memory_space<vmem>>
    %dma_wait3A_132 = arith.constant 0 : i32
    %dma_wait3A_133 = arith.constant 0 : i32
    %dma_wait3A_134 = tpu.memref_slice %arg4[%dma_wait3A_132, %dma_wait3A_133] : memref<62500x16xf32, #tpu.memory_space<hbm>> -> memref<62500x16xf32, #tpu.memory_space<hbm>>
    %dma_wait3A_135 = tpu.memref_slice %arg16[%dma_wait3A_126] : memref<3x!tpu.dma_semaphore, #tpu.memory_space<semaphore_mem>> -> memref<1x!tpu.dma_semaphore, #tpu.memory_space<semaphore_mem>>
    %dma_wait3A_136 = tpu.memref_squeeze %dma_wait3A_135 : memref<1x!tpu.dma_semaphore, #tpu.memory_space<semaphore_mem>> -> memref<!tpu.dma_semaphore, #tpu.memory_space<semaphore_mem>>
    tpu.wait_indirect_dma semaphore(%dma_wait3A_136 : memref<!tpu.dma_semaphore, #tpu.memory_space<semaphore_mem>>) src(%dma_wait3A_134 : memref<62500x16xf32, #tpu.memory_space<hbm>>) dst(%dma_wait3A_129 : memref<128x16xf32, #tpu.memory_space<vmem>>)
    %dma_wait3A_137 = arith.constant 2 : i32
    %dma_wait3A_138 = arith.constant 0 : i32
    %dma_wait3A_139 = arith.constant 0 : i32
    %dma_wait3A_140 = tpu.memref_slice %arg13[%dma_wait3A_138, %dma_wait3A_139] : memref<512x16xf32, #tpu.memory_space<vmem>> -> memref<128x16xf32, #tpu.memory_space<vmem>>
    %dma_wait3A_141 = arith.constant 0 : i32
    %dma_wait3A_142 = tpu.memref_slice %arg11[%dma_wait3A_141] : memref<512xi32, #tpu.memory_space<vmem>> -> memref<128xi32, #tpu.memory_space<vmem>>
    %dma_wait3A_143 = arith.constant 0 : i32
    %dma_wait3A_144 = arith.constant 0 : i32
    %dma_wait3A_145 = tpu.memref_slice %arg5[%dma_wait3A_143, %dma_wait3A_144] : memref<6250x16xf32, #tpu.memory_space<hbm>> -> memref<6250x16xf32, #tpu.memory_space<hbm>>
    %dma_wait3A_146 = tpu.memref_slice %arg16[%dma_wait3A_137] : memref<3x!tpu.dma_semaphore, #tpu.memory_space<semaphore_mem>> -> memref<1x!tpu.dma_semaphore, #tpu.memory_space<semaphore_mem>>
    %dma_wait3A_147 = tpu.memref_squeeze %dma_wait3A_146 : memref<1x!tpu.dma_semaphore, #tpu.memory_space<semaphore_mem>> -> memref<!tpu.dma_semaphore, #tpu.memory_space<semaphore_mem>>
    tpu.wait_indirect_dma semaphore(%dma_wait3A_147 : memref<!tpu.dma_semaphore, #tpu.memory_space<semaphore_mem>>) src(%dma_wait3A_145 : memref<6250x16xf32, #tpu.memory_space<hbm>>) dst(%dma_wait3A_140 : memref<128x16xf32, #tpu.memory_space<vmem>>)
    %dma_wait3A_148 = arith.constant 1 : i32
    %dma_wait3A_149 = arith.constant 128 : i32
    %dma_wait3A_150 = arith.constant 0 : i32
    %dma_wait3A_151 = tpu.memref_slice %arg12[%dma_wait3A_149, %dma_wait3A_150] : memref<512x16xf32, #tpu.memory_space<vmem>> -> memref<128x16xf32, #tpu.memory_space<vmem>>
    %dma_wait3A_152 = arith.constant 128 : i32
    %dma_wait3A_153 = tpu.memref_slice %arg10[%dma_wait3A_152] : memref<512xi32, #tpu.memory_space<vmem>> -> memref<128xi32, #tpu.memory_space<vmem>>
    %dma_wait3A_154 = arith.constant 0 : i32
    %dma_wait3A_155 = arith.constant 0 : i32
    %dma_wait3A_156 = tpu.memref_slice %arg4[%dma_wait3A_154, %dma_wait3A_155] : memref<62500x16xf32, #tpu.memory_space<hbm>> -> memref<62500x16xf32, #tpu.memory_space<hbm>>
    %dma_wait3A_157 = tpu.memref_slice %arg16[%dma_wait3A_148] : memref<3x!tpu.dma_semaphore, #tpu.memory_space<semaphore_mem>> -> memref<1x!tpu.dma_semaphore, #tpu.memory_space<semaphore_mem>>
    %dma_wait3A_158 = tpu.memref_squeeze %dma_wait3A_157 : memref<1x!tpu.dma_semaphore, #tpu.memory_space<semaphore_mem>> -> memref<!tpu.dma_semaphore, #tpu.memory_space<semaphore_mem>>
    tpu.wait_indirect_dma semaphore(%dma_wait3A_158 : memref<!tpu.dma_semaphore, #tpu.memory_space<semaphore_mem>>) src(%dma_wait3A_156 : memref<62500x16xf32, #tpu.memory_space<hbm>>) dst(%dma_wait3A_151 : memref<128x16xf32, #tpu.memory_space<vmem>>)
    %dma_wait3A_159 = arith.constant 2 : i32
    %dma_wait3A_160 = arith.constant 128 : i32
    %dma_wait3A_161 = arith.constant 0 : i32
    %dma_wait3A_162 = tpu.memref_slice %arg13[%dma_wait3A_160, %dma_wait3A_161] : memref<512x16xf32, #tpu.memory_space<vmem>> -> memref<128x16xf32, #tpu.memory_space<vmem>>
    %dma_wait3A_163 = arith.constant 128 : i32
    %dma_wait3A_164 = tpu.memref_slice %arg11[%dma_wait3A_163] : memref<512xi32, #tpu.memory_space<vmem>> -> memref<128xi32, #tpu.memory_space<vmem>>
    %dma_wait3A_165 = arith.constant 0 : i32
    %dma_wait3A_166 = arith.constant 0 : i32
    %dma_wait3A_167 = tpu.memref_slice %arg5[%dma_wait3A_165, %dma_wait3A_166] : memref<6250x16xf32, #tpu.memory_space<hbm>> -> memref<6250x16xf32, #tpu.memory_space<hbm>>
    %dma_wait3A_168 = tpu.memref_slice %arg16[%dma_wait3A_159] : memref<3x!tpu.dma_semaphore, #tpu.memory_space<semaphore_mem>> -> memref<1x!tpu.dma_semaphore, #tpu.memory_space<semaphore_mem>>
    %dma_wait3A_169 = tpu.memref_squeeze %dma_wait3A_168 : memref<1x!tpu.dma_semaphore, #tpu.memory_space<semaphore_mem>> -> memref<!tpu.dma_semaphore, #tpu.memory_space<semaphore_mem>>
    tpu.wait_indirect_dma semaphore(%dma_wait3A_169 : memref<!tpu.dma_semaphore, #tpu.memory_space<semaphore_mem>>) src(%dma_wait3A_167 : memref<6250x16xf32, #tpu.memory_space<hbm>>) dst(%dma_wait3A_162 : memref<128x16xf32, #tpu.memory_space<vmem>>)
    %dma_wait3A_170 = arith.constant 1 : i32
    %dma_wait3A_171 = arith.constant 256 : i32
    %dma_wait3A_172 = arith.constant 0 : i32
    %dma_wait3A_173 = tpu.memref_slice %arg12[%dma_wait3A_171, %dma_wait3A_172] : memref<512x16xf32, #tpu.memory_space<vmem>> -> memref<128x16xf32, #tpu.memory_space<vmem>>
    %dma_wait3A_174 = arith.constant 256 : i32
    %dma_wait3A_175 = tpu.memref_slice %arg10[%dma_wait3A_174] : memref<512xi32, #tpu.memory_space<vmem>> -> memref<128xi32, #tpu.memory_space<vmem>>
    %dma_wait3A_176 = arith.constant 0 : i32
    %dma_wait3A_177 = arith.constant 0 : i32
    %dma_wait3A_178 = tpu.memref_slice %arg4[%dma_wait3A_176, %dma_wait3A_177] : memref<62500x16xf32, #tpu.memory_space<hbm>> -> memref<62500x16xf32, #tpu.memory_space<hbm>>
    %dma_wait3A_179 = tpu.memref_slice %arg16[%dma_wait3A_170] : memref<3x!tpu.dma_semaphore, #tpu.memory_space<semaphore_mem>> -> memref<1x!tpu.dma_semaphore, #tpu.memory_space<semaphore_mem>>
    %dma_wait3A_180 = tpu.memref_squeeze %dma_wait3A_179 : memref<1x!tpu.dma_semaphore, #tpu.memory_space<semaphore_mem>> -> memref<!tpu.dma_semaphore, #tpu.memory_space<semaphore_mem>>
    tpu.wait_indirect_dma semaphore(%dma_wait3A_180 : memref<!tpu.dma_semaphore, #tpu.memory_space<semaphore_mem>>) src(%dma_wait3A_178 : memref<62500x16xf32, #tpu.memory_space<hbm>>) dst(%dma_wait3A_173 : memref<128x16xf32, #tpu.memory_space<vmem>>)
    %dma_wait3A_181 = arith.constant 2 : i32
    %dma_wait3A_182 = arith.constant 256 : i32
    %dma_wait3A_183 = arith.constant 0 : i32
    %dma_wait3A_184 = tpu.memref_slice %arg13[%dma_wait3A_182, %dma_wait3A_183] : memref<512x16xf32, #tpu.memory_space<vmem>> -> memref<128x16xf32, #tpu.memory_space<vmem>>
    %dma_wait3A_185 = arith.constant 256 : i32
    %dma_wait3A_186 = tpu.memref_slice %arg11[%dma_wait3A_185] : memref<512xi32, #tpu.memory_space<vmem>> -> memref<128xi32, #tpu.memory_space<vmem>>
    %dma_wait3A_187 = arith.constant 0 : i32
    %dma_wait3A_188 = arith.constant 0 : i32
    %dma_wait3A_189 = tpu.memref_slice %arg5[%dma_wait3A_187, %dma_wait3A_188] : memref<6250x16xf32, #tpu.memory_space<hbm>> -> memref<6250x16xf32, #tpu.memory_space<hbm>>
    %dma_wait3A_190 = tpu.memref_slice %arg16[%dma_wait3A_181] : memref<3x!tpu.dma_semaphore, #tpu.memory_space<semaphore_mem>> -> memref<1x!tpu.dma_semaphore, #tpu.memory_space<semaphore_mem>>
    %dma_wait3A_191 = tpu.memref_squeeze %dma_wait3A_190 : memref<1x!tpu.dma_semaphore, #tpu.memory_space<semaphore_mem>> -> memref<!tpu.dma_semaphore, #tpu.memory_space<semaphore_mem>>
    tpu.wait_indirect_dma semaphore(%dma_wait3A_191 : memref<!tpu.dma_semaphore, #tpu.memory_space<semaphore_mem>>) src(%dma_wait3A_189 : memref<6250x16xf32, #tpu.memory_space<hbm>>) dst(%dma_wait3A_184 : memref<128x16xf32, #tpu.memory_space<vmem>>)
    %dma_wait3A_192 = arith.constant 1 : i32
    %dma_wait3A_193 = arith.constant 384 : i32
    %dma_wait3A_194 = arith.constant 0 : i32
    %dma_wait3A_195 = tpu.memref_slice %arg12[%dma_wait3A_193, %dma_wait3A_194] : memref<512x16xf32, #tpu.memory_space<vmem>> -> memref<128x16xf32, #tpu.memory_space<vmem>>
    %dma_wait3A_196 = arith.constant 384 : i32
    %dma_wait3A_197 = tpu.memref_slice %arg10[%dma_wait3A_196] : memref<512xi32, #tpu.memory_space<vmem>> -> memref<128xi32, #tpu.memory_space<vmem>>
    %dma_wait3A_198 = arith.constant 0 : i32
    %dma_wait3A_199 = arith.constant 0 : i32
    %dma_wait3A_200 = tpu.memref_slice %arg4[%dma_wait3A_198, %dma_wait3A_199] : memref<62500x16xf32, #tpu.memory_space<hbm>> -> memref<62500x16xf32, #tpu.memory_space<hbm>>
    %dma_wait3A_201 = tpu.memref_slice %arg16[%dma_wait3A_192] : memref<3x!tpu.dma_semaphore, #tpu.memory_space<semaphore_mem>> -> memref<1x!tpu.dma_semaphore, #tpu.memory_space<semaphore_mem>>
    %dma_wait3A_202 = tpu.memref_squeeze %dma_wait3A_201 : memref<1x!tpu.dma_semaphore, #tpu.memory_space<semaphore_mem>> -> memref<!tpu.dma_semaphore, #tpu.memory_space<semaphore_mem>>
    tpu.wait_indirect_dma semaphore(%dma_wait3A_202 : memref<!tpu.dma_semaphore, #tpu.memory_space<semaphore_mem>>) src(%dma_wait3A_200 : memref<62500x16xf32, #tpu.memory_space<hbm>>) dst(%dma_wait3A_195 : memref<128x16xf32, #tpu.memory_space<vmem>>)
    %dma_wait3A_203 = arith.constant 2 : i32
    %dma_wait3A_204 = arith.constant 384 : i32
    %dma_wait3A_205 = arith.constant 0 : i32
    %dma_wait3A_206 = tpu.memref_slice %arg13[%dma_wait3A_204, %dma_wait3A_205] : memref<512x16xf32, #tpu.memory_space<vmem>> -> memref<128x16xf32, #tpu.memory_space<vmem>>
    %dma_wait3A_207 = arith.constant 384 : i32
    %dma_wait3A_208 = tpu.memref_slice %arg11[%dma_wait3A_207] : memref<512xi32, #tpu.memory_space<vmem>> -> memref<128xi32, #tpu.memory_space<vmem>>
    %dma_wait3A_209 = arith.constant 0 : i32
    %dma_wait3A_210 = arith.constant 0 : i32
    %dma_wait3A_211 = tpu.memref_slice %arg5[%dma_wait3A_209, %dma_wait3A_210] : memref<6250x16xf32, #tpu.memory_space<hbm>> -> memref<6250x16xf32, #tpu.memory_space<hbm>>
    %dma_wait3A_212 = tpu.memref_slice %arg16[%dma_wait3A_203] : memref<3x!tpu.dma_semaphore, #tpu.memory_space<semaphore_mem>> -> memref<1x!tpu.dma_semaphore, #tpu.memory_space<semaphore_mem>>
    %dma_wait3A_213 = tpu.memref_squeeze %dma_wait3A_212 : memref<1x!tpu.dma_semaphore, #tpu.memory_space<semaphore_mem>> -> memref<!tpu.dma_semaphore, #tpu.memory_space<semaphore_mem>>
    tpu.wait_indirect_dma semaphore(%dma_wait3A_213 : memref<!tpu.dma_semaphore, #tpu.memory_space<semaphore_mem>>) src(%dma_wait3A_211 : memref<6250x16xf32, #tpu.memory_space<hbm>>) dst(%dma_wait3A_206 : memref<128x16xf32, #tpu.memory_space<vmem>>)
    %add3A_214 = arith.constant 0 : i32
    %add3A_215 = vector.broadcast %add3A_214 : i32 to vector<16xi32>
    %add3A_216 = arith.addi %iota3A, %add3A_215 : vector<16xi32>
    %get3A = arith.constant 0 : index
    %get3A_217 = tpu.vector_load %arg8[%get3A] {strides = array<i32>} : memref<512xi32, #tpu.memory_space<vmem>>, vector<16xi32>,
    %and3A = arith.constant 15 : i32
    %and3A_218 = vector.broadcast %and3A : i32 to vector<16xi32>
    %and3A_219 = arith.andi %get3A_217, %and3A_218 : vector<16xi32>
    %get3A_220 = arith.constant 0 : index
    %get3A_221 = tpu.vector_load %arg9[%get3A_220] {strides = array<i32>} : memref<512xi32, #tpu.memory_space<vmem>>, vector<16xi32>,
    %and3A_222 = arith.constant 15 : i32
    %and3A_223 = vector.broadcast %and3A_222 : i32 to vector<16xi32>
    %and3A_224 = arith.andi %get3A_221, %and3A_223 : vector<16xi32>
    %gather3A = tpu.vector_load_idx %arg12[%add3A_216, %and3A_219] : memref<512x16xf32, #tpu.memory_space<vmem>>[vector<16xi32>, vector<16xi32>], vector<16xf32>,
    %gather3A_225 = tpu.vector_load_idx %arg13[%add3A_216, %and3A_224] : memref<512x16xf32, #tpu.memory_space<vmem>>[vector<16xi32>, vector<16xi32>], vector<16xf32>,
    %get3A_226 = arith.constant 0 : index
    %get3A_227 = tpu.vector_load %arg14[%get3A_226] {strides = array<i32>} : memref<512xf32, #tpu.memory_space<vmem>>, vector<16xf32>,
    %add3A_228 = arith.addf %get3A_227, %gather3A : vector<16xf32>
    %add3A_229 = arith.addf %add3A_228, %gather3A_225 : vector<16xf32>
    %swap3A = arith.constant 0 : index
    %swap3A_230 = tpu.vector_load %arg15[%swap3A] {strides = array<i32>} : memref<512xf32, #tpu.memory_space<vmem>>, vector<16xf32>,
    tpu.vector_store %arg15[%swap3A], %add3A_229 {strides = array<i32>} : memref<512xf32, #tpu.memory_space<vmem>>, vector<16xf32>,
    %add3A_231 = arith.constant 16 : i32
    %add3A_232 = vector.broadcast %add3A_231 : i32 to vector<16xi32>
    %add3A_233 = arith.addi %iota3A, %add3A_232 : vector<16xi32>
    %get3A_234 = arith.constant 16 : index
    %get3A_235 = tpu.vector_load %arg8[%get3A_234] {strides = array<i32>} : memref<512xi32, #tpu.memory_space<vmem>>, vector<16xi32>,
    %and3A_236 = arith.constant 15 : i32
    %and3A_237 = vector.broadcast %and3A_236 : i32 to vector<16xi32>
    %and3A_238 = arith.andi %get3A_235, %and3A_237 : vector<16xi32>
    %get3A_239 = arith.constant 16 : index
    %get3A_240 = tpu.vector_load %arg9[%get3A_239] {strides = array<i32>} : memref<512xi32, #tpu.memory_space<vmem>>, vector<16xi32>,
    %and3A_241 = arith.constant 15 : i32
    %and3A_242 = vector.broadcast %and3A_241 : i32 to vector<16xi32>
    %and3A_243 = arith.andi %get3A_240, %and3A_242 : vector<16xi32>
    %gather3A_244 = tpu.vector_load_idx %arg12[%add3A_233, %and3A_238] : memref<512x16xf32, #tpu.memory_space<vmem>>[vector<16xi32>, vector<16xi32>], vector<16xf32>,
    %gather3A_245 = tpu.vector_load_idx %arg13[%add3A_233, %and3A_243] : memref<512x16xf32, #tpu.memory_space<vmem>>[vector<16xi32>, vector<16xi32>], vector<16xf32>,
    %get3A_246 = arith.constant 16 : index
    %get3A_247 = tpu.vector_load %arg14[%get3A_246] {strides = array<i32>} : memref<512xf32, #tpu.memory_space<vmem>>, vector<16xf32>,
    %add3A_248 = arith.addf %get3A_247, %gather3A_244 : vector<16xf32>
    %add3A_249 = arith.addf %add3A_248, %gather3A_245 : vector<16xf32>
    %swap3A_250 = arith.constant 16 : index
    %swap3A_251 = tpu.vector_load %arg15[%swap3A_250] {strides = array<i32>} : memref<512xf32, #tpu.memory_space<vmem>>, vector<16xf32>,
    tpu.vector_store %arg15[%swap3A_250], %add3A_249 {strides = array<i32>} : memref<512xf32, #tpu.memory_space<vmem>>, vector<16xf32>,
    %add3A_252 = arith.constant 32 : i32
    %add3A_253 = vector.broadcast %add3A_252 : i32 to vector<16xi32>
    %add3A_254 = arith.addi %iota3A, %add3A_253 : vector<16xi32>
    %get3A_255 = arith.constant 32 : index
    %get3A_256 = tpu.vector_load %arg8[%get3A_255] {strides = array<i32>} : memref<512xi32, #tpu.memory_space<vmem>>, vector<16xi32>,
    %and3A_257 = arith.constant 15 : i32
    %and3A_258 = vector.broadcast %and3A_257 : i32 to vector<16xi32>
    %and3A_259 = arith.andi %get3A_256, %and3A_258 : vector<16xi32>
    %get3A_260 = arith.constant 32 : index
    %get3A_261 = tpu.vector_load %arg9[%get3A_260] {strides = array<i32>} : memref<512xi32, #tpu.memory_space<vmem>>, vector<16xi32>,
    %and3A_262 = arith.constant 15 : i32
    %and3A_263 = vector.broadcast %and3A_262 : i32 to vector<16xi32>
    %and3A_264 = arith.andi %get3A_261, %and3A_263 : vector<16xi32>
    %gather3A_265 = tpu.vector_load_idx %arg12[%add3A_254, %and3A_259] : memref<512x16xf32, #tpu.memory_space<vmem>>[vector<16xi32>, vector<16xi32>], vector<16xf32>,
    %gather3A_266 = tpu.vector_load_idx %arg13[%add3A_254, %and3A_264] : memref<512x16xf32, #tpu.memory_space<vmem>>[vector<16xi32>, vector<16xi32>], vector<16xf32>,
    %get3A_267 = arith.constant 32 : index
    %get3A_268 = tpu.vector_load %arg14[%get3A_267] {strides = array<i32>} : memref<512xf32, #tpu.memory_space<vmem>>, vector<16xf32>,
    %add3A_269 = arith.addf %get3A_268, %gather3A_265 : vector<16xf32>
    %add3A_270 = arith.addf %add3A_269, %gather3A_266 : vector<16xf32>
    %swap3A_271 = arith.constant 32 : index
    %swap3A_272 = tpu.vector_load %arg15[%swap3A_271] {strides = array<i32>} : memref<512xf32, #tpu.memory_space<vmem>>, vector<16xf32>,
    tpu.vector_store %arg15[%swap3A_271], %add3A_270 {strides = array<i32>} : memref<512xf32, #tpu.memory_space<vmem>>, vector<16xf32>,
    %add3A_273 = arith.constant 48 : i32
    %add3A_274 = vector.broadcast %add3A_273 : i32 to vector<16xi32>
    %add3A_275 = arith.addi %iota3A, %add3A_274 : vector<16xi32>
    %get3A_276 = arith.constant 48 : index
    %get3A_277 = tpu.vector_load %arg8[%get3A_276] {strides = array<i32>} : memref<512xi32, #tpu.memory_space<vmem>>, vector<16xi32>,
    %and3A_278 = arith.constant 15 : i32
    %and3A_279 = vector.broadcast %and3A_278 : i32 to vector<16xi32>
    %and3A_280 = arith.andi %get3A_277, %and3A_279 : vector<16xi32>
    %get3A_281 = arith.constant 48 : index
    %get3A_282 = tpu.vector_load %arg9[%get3A_281] {strides = array<i32>} : memref<512xi32, #tpu.memory_space<vmem>>, vector<16xi32>,
    %and3A_283 = arith.constant 15 : i32
    %and3A_284 = vector.broadcast %and3A_283 : i32 to vector<16xi32>
    %and3A_285 = arith.andi %get3A_282, %and3A_284 : vector<16xi32>
    %gather3A_286 = tpu.vector_load_idx %arg12[%add3A_275, %and3A_280] : memref<512x16xf32, #tpu.memory_space<vmem>>[vector<16xi32>, vector<16xi32>], vector<16xf32>,
    %gather3A_287 = tpu.vector_load_idx %arg13[%add3A_275, %and3A_285] : memref<512x16xf32, #tpu.memory_space<vmem>>[vector<16xi32>, vector<16xi32>], vector<16xf32>,
    %get3A_288 = arith.constant 48 : index
    %get3A_289 = tpu.vector_load %arg14[%get3A_288] {strides = array<i32>} : memref<512xf32, #tpu.memory_space<vmem>>, vector<16xf32>,
    %add3A_290 = arith.addf %get3A_289, %gather3A_286 : vector<16xf32>
    %add3A_291 = arith.addf %add3A_290, %gather3A_287 : vector<16xf32>
    %swap3A_292 = arith.constant 48 : index
    %swap3A_293 = tpu.vector_load %arg15[%swap3A_292] {strides = array<i32>} : memref<512xf32, #tpu.memory_space<vmem>>, vector<16xf32>,
    tpu.vector_store %arg15[%swap3A_292], %add3A_291 {strides = array<i32>} : memref<512xf32, #tpu.memory_space<vmem>>, vector<16xf32>,
    %add3A_294 = arith.constant 64 : i32
    %add3A_295 = vector.broadcast %add3A_294 : i32 to vector<16xi32>
    %add3A_296 = arith.addi %iota3A, %add3A_295 : vector<16xi32>
    %get3A_297 = arith.constant 64 : index
    %get3A_298 = tpu.vector_load %arg8[%get3A_297] {strides = array<i32>} : memref<512xi32, #tpu.memory_space<vmem>>, vector<16xi32>,
    %and3A_299 = arith.constant 15 : i32
    %and3A_300 = vector.broadcast %and3A_299 : i32 to vector<16xi32>
    %and3A_301 = arith.andi %get3A_298, %and3A_300 : vector<16xi32>
    %get3A_302 = arith.constant 64 : index
    %get3A_303 = tpu.vector_load %arg9[%get3A_302] {strides = array<i32>} : memref<512xi32, #tpu.memory_space<vmem>>, vector<16xi32>,
    %and3A_304 = arith.constant 15 : i32
    %and3A_305 = vector.broadcast %and3A_304 : i32 to vector<16xi32>
    %and3A_306 = arith.andi %get3A_303, %and3A_305 : vector<16xi32>
    %gather3A_307 = tpu.vector_load_idx %arg12[%add3A_296, %and3A_301] : memref<512x16xf32, #tpu.memory_space<vmem>>[vector<16xi32>, vector<16xi32>], vector<16xf32>,
    %gather3A_308 = tpu.vector_load_idx %arg13[%add3A_296, %and3A_306] : memref<512x16xf32, #tpu.memory_space<vmem>>[vector<16xi32>, vector<16xi32>], vector<16xf32>,
    %get3A_309 = arith.constant 64 : index
    %get3A_310 = tpu.vector_load %arg14[%get3A_309] {strides = array<i32>} : memref<512xf32, #tpu.memory_space<vmem>>, vector<16xf32>,
    %add3A_311 = arith.addf %get3A_310, %gather3A_307 : vector<16xf32>
    %add3A_312 = arith.addf %add3A_311, %gather3A_308 : vector<16xf32>
    %swap3A_313 = arith.constant 64 : index
    %swap3A_314 = tpu.vector_load %arg15[%swap3A_313] {strides = array<i32>} : memref<512xf32, #tpu.memory_space<vmem>>, vector<16xf32>,
    tpu.vector_store %arg15[%swap3A_313], %add3A_312 {strides = array<i32>} : memref<512xf32, #tpu.memory_space<vmem>>, vector<16xf32>,
    %add3A_315 = arith.constant 80 : i32
    %add3A_316 = vector.broadcast %add3A_315 : i32 to vector<16xi32>
    %add3A_317 = arith.addi %iota3A, %add3A_316 : vector<16xi32>
    %get3A_318 = arith.constant 80 : index
    %get3A_319 = tpu.vector_load %arg8[%get3A_318] {strides = array<i32>} : memref<512xi32, #tpu.memory_space<vmem>>, vector<16xi32>,
    %and3A_320 = arith.constant 15 : i32
    %and3A_321 = vector.broadcast %and3A_320 : i32 to vector<16xi32>
    %and3A_322 = arith.andi %get3A_319, %and3A_321 : vector<16xi32>
    %get3A_323 = arith.constant 80 : index
    %get3A_324 = tpu.vector_load %arg9[%get3A_323] {strides = array<i32>} : memref<512xi32, #tpu.memory_space<vmem>>, vector<16xi32>,
    %and3A_325 = arith.constant 15 : i32
    %and3A_326 = vector.broadcast %and3A_325 : i32 to vector<16xi32>
    %and3A_327 = arith.andi %get3A_324, %and3A_326 : vector<16xi32>
    %gather3A_328 = tpu.vector_load_idx %arg12[%add3A_317, %and3A_322] : memref<512x16xf32, #tpu.memory_space<vmem>>[vector<16xi32>, vector<16xi32>], vector<16xf32>,
    %gather3A_329 = tpu.vector_load_idx %arg13[%add3A_317, %and3A_327] : memref<512x16xf32, #tpu.memory_space<vmem>>[vector<16xi32>, vector<16xi32>], vector<16xf32>,
    %get3A_330 = arith.constant 80 : index
    %get3A_331 = tpu.vector_load %arg14[%get3A_330] {strides = array<i32>} : memref<512xf32, #tpu.memory_space<vmem>>, vector<16xf32>,
    %add3A_332 = arith.addf %get3A_331, %gather3A_328 : vector<16xf32>
    %add3A_333 = arith.addf %add3A_332, %gather3A_329 : vector<16xf32>
    %swap3A_334 = arith.constant 80 : index
    %swap3A_335 = tpu.vector_load %arg15[%swap3A_334] {strides = array<i32>} : memref<512xf32, #tpu.memory_space<vmem>>, vector<16xf32>,
    tpu.vector_store %arg15[%swap3A_334], %add3A_333 {strides = array<i32>} : memref<512xf32, #tpu.memory_space<vmem>>, vector<16xf32>,
    %add3A_336 = arith.constant 96 : i32
    %add3A_337 = vector.broadcast %add3A_336 : i32 to vector<16xi32>
    %add3A_338 = arith.addi %iota3A, %add3A_337 : vector<16xi32>
    %get3A_339 = arith.constant 96 : index
    %get3A_340 = tpu.vector_load %arg8[%get3A_339] {strides = array<i32>} : memref<512xi32, #tpu.memory_space<vmem>>, vector<16xi32>,
    %and3A_341 = arith.constant 15 : i32
    %and3A_342 = vector.broadcast %and3A_341 : i32 to vector<16xi32>
    %and3A_343 = arith.andi %get3A_340, %and3A_342 : vector<16xi32>
    %get3A_344 = arith.constant 96 : index
    %get3A_345 = tpu.vector_load %arg9[%get3A_344] {strides = array<i32>} : memref<512xi32, #tpu.memory_space<vmem>>, vector<16xi32>,
    %and3A_346 = arith.constant 15 : i32
    %and3A_347 = vector.broadcast %and3A_346 : i32 to vector<16xi32>
    %and3A_348 = arith.andi %get3A_345, %and3A_347 : vector<16xi32>
    %gather3A_349 = tpu.vector_load_idx %arg12[%add3A_338, %and3A_343] : memref<512x16xf32, #tpu.memory_space<vmem>>[vector<16xi32>, vector<16xi32>], vector<16xf32>,
    %gather3A_350 = tpu.vector_load_idx %arg13[%add3A_338, %and3A_348] : memref<512x16xf32, #tpu.memory_space<vmem>>[vector<16xi32>, vector<16xi32>], vector<16xf32>,
    %get3A_351 = arith.constant 96 : index
    %get3A_352 = tpu.vector_load %arg14[%get3A_351] {strides = array<i32>} : memref<512xf32, #tpu.memory_space<vmem>>, vector<16xf32>,
    %add3A_353 = arith.addf %get3A_352, %gather3A_349 : vector<16xf32>
    %add3A_354 = arith.addf %add3A_353, %gather3A_350 : vector<16xf32>
    %swap3A_355 = arith.constant 96 : index
    %swap3A_356 = tpu.vector_load %arg15[%swap3A_355] {strides = array<i32>} : memref<512xf32, #tpu.memory_space<vmem>>, vector<16xf32>,
    tpu.vector_store %arg15[%swap3A_355], %add3A_354 {strides = array<i32>} : memref<512xf32, #tpu.memory_space<vmem>>, vector<16xf32>,
    %add3A_357 = arith.constant 112 : i32
    %add3A_358 = vector.broadcast %add3A_357 : i32 to vector<16xi32>
    %add3A_359 = arith.addi %iota3A, %add3A_358 : vector<16xi32>
    %get3A_360 = arith.constant 112 : index
    %get3A_361 = tpu.vector_load %arg8[%get3A_360] {strides = array<i32>} : memref<512xi32, #tpu.memory_space<vmem>>, vector<16xi32>,
    %and3A_362 = arith.constant 15 : i32
    %and3A_363 = vector.broadcast %and3A_362 : i32 to vector<16xi32>
    %and3A_364 = arith.andi %get3A_361, %and3A_363 : vector<16xi32>
    %get3A_365 = arith.constant 112 : index
    %get3A_366 = tpu.vector_load %arg9[%get3A_365] {strides = array<i32>} : memref<512xi32, #tpu.memory_space<vmem>>, vector<16xi32>,
    %and3A_367 = arith.constant 15 : i32
    %and3A_368 = vector.broadcast %and3A_367 : i32 to vector<16xi32>
    %and3A_369 = arith.andi %get3A_366, %and3A_368 : vector<16xi32>
    %gather3A_370 = tpu.vector_load_idx %arg12[%add3A_359, %and3A_364] : memref<512x16xf32, #tpu.memory_space<vmem>>[vector<16xi32>, vector<16xi32>], vector<16xf32>,
    %gather3A_371 = tpu.vector_load_idx %arg13[%add3A_359, %and3A_369] : memref<512x16xf32, #tpu.memory_space<vmem>>[vector<16xi32>, vector<16xi32>], vector<16xf32>,
    %get3A_372 = arith.constant 112 : index
    %get3A_373 = tpu.vector_load %arg14[%get3A_372] {strides = array<i32>} : memref<512xf32, #tpu.memory_space<vmem>>, vector<16xf32>,
    %add3A_374 = arith.addf %get3A_373, %gather3A_370 : vector<16xf32>
    %add3A_375 = arith.addf %add3A_374, %gather3A_371 : vector<16xf32>
    %swap3A_376 = arith.constant 112 : index
    %swap3A_377 = tpu.vector_load %arg15[%swap3A_376] {strides = array<i32>} : memref<512xf32, #tpu.memory_space<vmem>>, vector<16xf32>,
    tpu.vector_store %arg15[%swap3A_376], %add3A_375 {strides = array<i32>} : memref<512xf32, #tpu.memory_space<vmem>>, vector<16xf32>,
    %add3A_378 = arith.constant 128 : i32
    %add3A_379 = vector.broadcast %add3A_378 : i32 to vector<16xi32>
    %add3A_380 = arith.addi %iota3A, %add3A_379 : vector<16xi32>
    %get3A_381 = arith.constant 128 : index
    %get3A_382 = tpu.vector_load %arg8[%get3A_381] {strides = array<i32>} : memref<512xi32, #tpu.memory_space<vmem>>, vector<16xi32>,
    %and3A_383 = arith.constant 15 : i32
    %and3A_384 = vector.broadcast %and3A_383 : i32 to vector<16xi32>
    %and3A_385 = arith.andi %get3A_382, %and3A_384 : vector<16xi32>
    %get3A_386 = arith.constant 128 : index
    %get3A_387 = tpu.vector_load %arg9[%get3A_386] {strides = array<i32>} : memref<512xi32, #tpu.memory_space<vmem>>, vector<16xi32>,
    %and3A_388 = arith.constant 15 : i32
    %and3A_389 = vector.broadcast %and3A_388 : i32 to vector<16xi32>
    %and3A_390 = arith.andi %get3A_387, %and3A_389 : vector<16xi32>
    %gather3A_391 = tpu.vector_load_idx %arg12[%add3A_380, %and3A_385] : memref<512x16xf32, #tpu.memory_space<vmem>>[vector<16xi32>, vector<16xi32>], vector<16xf32>,
    %gather3A_392 = tpu.vector_load_idx %arg13[%add3A_380, %and3A_390] : memref<512x16xf32, #tpu.memory_space<vmem>>[vector<16xi32>, vector<16xi32>], vector<16xf32>,
    %get3A_393 = arith.constant 128 : index
    %get3A_394 = tpu.vector_load %arg14[%get3A_393] {strides = array<i32>} : memref<512xf32, #tpu.memory_space<vmem>>, vector<16xf32>,
    %add3A_395 = arith.addf %get3A_394, %gather3A_391 : vector<16xf32>
    %add3A_396 = arith.addf %add3A_395, %gather3A_392 : vector<16xf32>
    %swap3A_397 = arith.constant 128 : index
    %swap3A_398 = tpu.vector_load %arg15[%swap3A_397] {strides = array<i32>} : memref<512xf32, #tpu.memory_space<vmem>>, vector<16xf32>,
    tpu.vector_store %arg15[%swap3A_397], %add3A_396 {strides = array<i32>} : memref<512xf32, #tpu.memory_space<vmem>>, vector<16xf32>,
    %add3A_399 = arith.constant 144 : i32
    %add3A_400 = vector.broadcast %add3A_399 : i32 to vector<16xi32>
    %add3A_401 = arith.addi %iota3A, %add3A_400 : vector<16xi32>
    %get3A_402 = arith.constant 144 : index
    %get3A_403 = tpu.vector_load %arg8[%get3A_402] {strides = array<i32>} : memref<512xi32, #tpu.memory_space<vmem>>, vector<16xi32>,
    %and3A_404 = arith.constant 15 : i32
    %and3A_405 = vector.broadcast %and3A_404 : i32 to vector<16xi32>
    %and3A_406 = arith.andi %get3A_403, %and3A_405 : vector<16xi32>
    %get3A_407 = arith.constant 144 : index
    %get3A_408 = tpu.vector_load %arg9[%get3A_407] {strides = array<i32>} : memref<512xi32, #tpu.memory_space<vmem>>, vector<16xi32>,
    %and3A_409 = arith.constant 15 : i32
    %and3A_410 = vector.broadcast %and3A_409 : i32 to vector<16xi32>
    %and3A_411 = arith.andi %get3A_408, %and3A_410 : vector<16xi32>
    %gather3A_412 = tpu.vector_load_idx %arg12[%add3A_401, %and3A_406] : memref<512x16xf32, #tpu.memory_space<vmem>>[vector<16xi32>, vector<16xi32>], vector<16xf32>,
    %gather3A_413 = tpu.vector_load_idx %arg13[%add3A_401, %and3A_411] : memref<512x16xf32, #tpu.memory_space<vmem>>[vector<16xi32>, vector<16xi32>], vector<16xf32>,
    %get3A_414 = arith.constant 144 : index
    %get3A_415 = tpu.vector_load %arg14[%get3A_414] {strides = array<i32>} : memref<512xf32, #tpu.memory_space<vmem>>, vector<16xf32>,
    %add3A_416 = arith.addf %get3A_415, %gather3A_412 : vector<16xf32>
    %add3A_417 = arith.addf %add3A_416, %gather3A_413 : vector<16xf32>
    %swap3A_418 = arith.constant 144 : index
    %swap3A_419 = tpu.vector_load %arg15[%swap3A_418] {strides = array<i32>} : memref<512xf32, #tpu.memory_space<vmem>>, vector<16xf32>,
    tpu.vector_store %arg15[%swap3A_418], %add3A_417 {strides = array<i32>} : memref<512xf32, #tpu.memory_space<vmem>>, vector<16xf32>,
    %add3A_420 = arith.constant 160 : i32
    %add3A_421 = vector.broadcast %add3A_420 : i32 to vector<16xi32>
    %add3A_422 = arith.addi %iota3A, %add3A_421 : vector<16xi32>
    %get3A_423 = arith.constant 160 : index
    %get3A_424 = tpu.vector_load %arg8[%get3A_423] {strides = array<i32>} : memref<512xi32, #tpu.memory_space<vmem>>, vector<16xi32>,
    %and3A_425 = arith.constant 15 : i32
    %and3A_426 = vector.broadcast %and3A_425 : i32 to vector<16xi32>
    %and3A_427 = arith.andi %get3A_424, %and3A_426 : vector<16xi32>
    %get3A_428 = arith.constant 160 : index
    %get3A_429 = tpu.vector_load %arg9[%get3A_428] {strides = array<i32>} : memref<512xi32, #tpu.memory_space<vmem>>, vector<16xi32>,
    %and3A_430 = arith.constant 15 : i32
    %and3A_431 = vector.broadcast %and3A_430 : i32 to vector<16xi32>
    %and3A_432 = arith.andi %get3A_429, %and3A_431 : vector<16xi32>
    %gather3A_433 = tpu.vector_load_idx %arg12[%add3A_422, %and3A_427] : memref<512x16xf32, #tpu.memory_space<vmem>>[vector<16xi32>, vector<16xi32>], vector<16xf32>,
    %gather3A_434 = tpu.vector_load_idx %arg13[%add3A_422, %and3A_432] : memref<512x16xf32, #tpu.memory_space<vmem>>[vector<16xi32>, vector<16xi32>], vector<16xf32>,
    %get3A_435 = arith.constant 160 : index
    %get3A_436 = tpu.vector_load %arg14[%get3A_435] {strides = array<i32>} : memref<512xf32, #tpu.memory_space<vmem>>, vector<16xf32>,
    %add3A_437 = arith.addf %get3A_436, %gather3A_433 : vector<16xf32>
    %add3A_438 = arith.addf %add3A_437, %gather3A_434 : vector<16xf32>
    %swap3A_439 = arith.constant 160 : index
    %swap3A_440 = tpu.vector_load %arg15[%swap3A_439] {strides = array<i32>} : memref<512xf32, #tpu.memory_space<vmem>>, vector<16xf32>,
    tpu.vector_store %arg15[%swap3A_439], %add3A_438 {strides = array<i32>} : memref<512xf32, #tpu.memory_space<vmem>>, vector<16xf32>,
    %add3A_441 = arith.constant 176 : i32
    %add3A_442 = vector.broadcast %add3A_441 : i32 to vector<16xi32>
    %add3A_443 = arith.addi %iota3A, %add3A_442 : vector<16xi32>
    %get3A_444 = arith.constant 176 : index
    %get3A_445 = tpu.vector_load %arg8[%get3A_444] {strides = array<i32>} : memref<512xi32, #tpu.memory_space<vmem>>, vector<16xi32>,
    %and3A_446 = arith.constant 15 : i32
    %and3A_447 = vector.broadcast %and3A_446 : i32 to vector<16xi32>
    %and3A_448 = arith.andi %get3A_445, %and3A_447 : vector<16xi32>
    %get3A_449 = arith.constant 176 : index
    %get3A_450 = tpu.vector_load %arg9[%get3A_449] {strides = array<i32>} : memref<512xi32, #tpu.memory_space<vmem>>, vector<16xi32>,
    %and3A_451 = arith.constant 15 : i32
    %and3A_452 = vector.broadcast %and3A_451 : i32 to vector<16xi32>
    %and3A_453 = arith.andi %get3A_450, %and3A_452 : vector<16xi32>
    %gather3A_454 = tpu.vector_load_idx %arg12[%add3A_443, %and3A_448] : memref<512x16xf32, #tpu.memory_space<vmem>>[vector<16xi32>, vector<16xi32>], vector<16xf32>,
    %gather3A_455 = tpu.vector_load_idx %arg13[%add3A_443, %and3A_453] : memref<512x16xf32, #tpu.memory_space<vmem>>[vector<16xi32>, vector<16xi32>], vector<16xf32>,
    %get3A_456 = arith.constant 176 : index
    %get3A_457 = tpu.vector_load %arg14[%get3A_456] {strides = array<i32>} : memref<512xf32, #tpu.memory_space<vmem>>, vector<16xf32>,
    %add3A_458 = arith.addf %get3A_457, %gather3A_454 : vector<16xf32>
    %add3A_459 = arith.addf %add3A_458, %gather3A_455 : vector<16xf32>
    %swap3A_460 = arith.constant 176 : index
    %swap3A_461 = tpu.vector_load %arg15[%swap3A_460] {strides = array<i32>} : memref<512xf32, #tpu.memory_space<vmem>>, vector<16xf32>,
    tpu.vector_store %arg15[%swap3A_460], %add3A_459 {strides = array<i32>} : memref<512xf32, #tpu.memory_space<vmem>>, vector<16xf32>,
    %add3A_462 = arith.constant 192 : i32
    %add3A_463 = vector.broadcast %add3A_462 : i32 to vector<16xi32>
    %add3A_464 = arith.addi %iota3A, %add3A_463 : vector<16xi32>
    %get3A_465 = arith.constant 192 : index
    %get3A_466 = tpu.vector_load %arg8[%get3A_465] {strides = array<i32>} : memref<512xi32, #tpu.memory_space<vmem>>, vector<16xi32>,
    %and3A_467 = arith.constant 15 : i32
    %and3A_468 = vector.broadcast %and3A_467 : i32 to vector<16xi32>
    %and3A_469 = arith.andi %get3A_466, %and3A_468 : vector<16xi32>
    %get3A_470 = arith.constant 192 : index
    %get3A_471 = tpu.vector_load %arg9[%get3A_470] {strides = array<i32>} : memref<512xi32, #tpu.memory_space<vmem>>, vector<16xi32>,
    %and3A_472 = arith.constant 15 : i32
    %and3A_473 = vector.broadcast %and3A_472 : i32 to vector<16xi32>
    %and3A_474 = arith.andi %get3A_471, %and3A_473 : vector<16xi32>
    %gather3A_475 = tpu.vector_load_idx %arg12[%add3A_464, %and3A_469] : memref<512x16xf32, #tpu.memory_space<vmem>>[vector<16xi32>, vector<16xi32>], vector<16xf32>,
    %gather3A_476 = tpu.vector_load_idx %arg13[%add3A_464, %and3A_474] : memref<512x16xf32, #tpu.memory_space<vmem>>[vector<16xi32>, vector<16xi32>], vector<16xf32>,
    %get3A_477 = arith.constant 192 : index
    %get3A_478 = tpu.vector_load %arg14[%get3A_477] {strides = array<i32>} : memref<512xf32, #tpu.memory_space<vmem>>, vector<16xf32>,
    %add3A_479 = arith.addf %get3A_478, %gather3A_475 : vector<16xf32>
    %add3A_480 = arith.addf %add3A_479, %gather3A_476 : vector<16xf32>
    %swap3A_481 = arith.constant 192 : index
    %swap3A_482 = tpu.vector_load %arg15[%swap3A_481] {strides = array<i32>} : memref<512xf32, #tpu.memory_space<vmem>>, vector<16xf32>,
    tpu.vector_store %arg15[%swap3A_481], %add3A_480 {strides = array<i32>} : memref<512xf32, #tpu.memory_space<vmem>>, vector<16xf32>,
    %add3A_483 = arith.constant 208 : i32
    %add3A_484 = vector.broadcast %add3A_483 : i32 to vector<16xi32>
    %add3A_485 = arith.addi %iota3A, %add3A_484 : vector<16xi32>
    %get3A_486 = arith.constant 208 : index
    %get3A_487 = tpu.vector_load %arg8[%get3A_486] {strides = array<i32>} : memref<512xi32, #tpu.memory_space<vmem>>, vector<16xi32>,
    %and3A_488 = arith.constant 15 : i32
    %and3A_489 = vector.broadcast %and3A_488 : i32 to vector<16xi32>
    %and3A_490 = arith.andi %get3A_487, %and3A_489 : vector<16xi32>
    %get3A_491 = arith.constant 208 : index
    %get3A_492 = tpu.vector_load %arg9[%get3A_491] {strides = array<i32>} : memref<512xi32, #tpu.memory_space<vmem>>, vector<16xi32>,
    %and3A_493 = arith.constant 15 : i32
    %and3A_494 = vector.broadcast %and3A_493 : i32 to vector<16xi32>
    %and3A_495 = arith.andi %get3A_492, %and3A_494 : vector<16xi32>
    %gather3A_496 = tpu.vector_load_idx %arg12[%add3A_485, %and3A_490] : memref<512x16xf32, #tpu.memory_space<vmem>>[vector<16xi32>, vector<16xi32>], vector<16xf32>,
    %gather3A_497 = tpu.vector_load_idx %arg13[%add3A_485, %and3A_495] : memref<512x16xf32, #tpu.memory_space<vmem>>[vector<16xi32>, vector<16xi32>], vector<16xf32>,
    %get3A_498 = arith.constant 208 : index
    %get3A_499 = tpu.vector_load %arg14[%get3A_498] {strides = array<i32>} : memref<512xf32, #tpu.memory_space<vmem>>, vector<16xf32>,
    %add3A_500 = arith.addf %get3A_499, %gather3A_496 : vector<16xf32>
    %add3A_501 = arith.addf %add3A_500, %gather3A_497 : vector<16xf32>
    %swap3A_502 = arith.constant 208 : index
    %swap3A_503 = tpu.vector_load %arg15[%swap3A_502] {strides = array<i32>} : memref<512xf32, #tpu.memory_space<vmem>>, vector<16xf32>,
    tpu.vector_store %arg15[%swap3A_502], %add3A_501 {strides = array<i32>} : memref<512xf32, #tpu.memory_space<vmem>>, vector<16xf32>,
    %add3A_504 = arith.constant 224 : i32
    %add3A_505 = vector.broadcast %add3A_504 : i32 to vector<16xi32>
    %add3A_506 = arith.addi %iota3A, %add3A_505 : vector<16xi32>
    %get3A_507 = arith.constant 224 : index
    %get3A_508 = tpu.vector_load %arg8[%get3A_507] {strides = array<i32>} : memref<512xi32, #tpu.memory_space<vmem>>, vector<16xi32>,
    %and3A_509 = arith.constant 15 : i32
    %and3A_510 = vector.broadcast %and3A_509 : i32 to vector<16xi32>
    %and3A_511 = arith.andi %get3A_508, %and3A_510 : vector<16xi32>
    %get3A_512 = arith.constant 224 : index
    %get3A_513 = tpu.vector_load %arg9[%get3A_512] {strides = array<i32>} : memref<512xi32, #tpu.memory_space<vmem>>, vector<16xi32>,
    %and3A_514 = arith.constant 15 : i32
    %and3A_515 = vector.broadcast %and3A_514 : i32 to vector<16xi32>
    %and3A_516 = arith.andi %get3A_513, %and3A_515 : vector<16xi32>
    %gather3A_517 = tpu.vector_load_idx %arg12[%add3A_506, %and3A_511] : memref<512x16xf32, #tpu.memory_space<vmem>>[vector<16xi32>, vector<16xi32>], vector<16xf32>,
    %gather3A_518 = tpu.vector_load_idx %arg13[%add3A_506, %and3A_516] : memref<512x16xf32, #tpu.memory_space<vmem>>[vector<16xi32>, vector<16xi32>], vector<16xf32>,
    %get3A_519 = arith.constant 224 : index
    %get3A_520 = tpu.vector_load %arg14[%get3A_519] {strides = array<i32>} : memref<512xf32, #tpu.memory_space<vmem>>, vector<16xf32>,
    %add3A_521 = arith.addf %get3A_520, %gather3A_517 : vector<16xf32>
    %add3A_522 = arith.addf %add3A_521, %gather3A_518 : vector<16xf32>
    %swap3A_523 = arith.constant 224 : index
    %swap3A_524 = tpu.vector_load %arg15[%swap3A_523] {strides = array<i32>} : memref<512xf32, #tpu.memory_space<vmem>>, vector<16xf32>,
    tpu.vector_store %arg15[%swap3A_523], %add3A_522 {strides = array<i32>} : memref<512xf32, #tpu.memory_space<vmem>>, vector<16xf32>,
    %add3A_525 = arith.constant 240 : i32
    %add3A_526 = vector.broadcast %add3A_525 : i32 to vector<16xi32>
    %add3A_527 = arith.addi %iota3A, %add3A_526 : vector<16xi32>
    %get3A_528 = arith.constant 240 : index
    %get3A_529 = tpu.vector_load %arg8[%get3A_528] {strides = array<i32>} : memref<512xi32, #tpu.memory_space<vmem>>, vector<16xi32>,
    %and3A_530 = arith.constant 15 : i32
    %and3A_531 = vector.broadcast %and3A_530 : i32 to vector<16xi32>
    %and3A_532 = arith.andi %get3A_529, %and3A_531 : vector<16xi32>
    %get3A_533 = arith.constant 240 : index
    %get3A_534 = tpu.vector_load %arg9[%get3A_533] {strides = array<i32>} : memref<512xi32, #tpu.memory_space<vmem>>, vector<16xi32>,
    %and3A_535 = arith.constant 15 : i32
    %and3A_536 = vector.broadcast %and3A_535 : i32 to vector<16xi32>
    %and3A_537 = arith.andi %get3A_534, %and3A_536 : vector<16xi32>
    %gather3A_538 = tpu.vector_load_idx %arg12[%add3A_527, %and3A_532] : memref<512x16xf32, #tpu.memory_space<vmem>>[vector<16xi32>, vector<16xi32>], vector<16xf32>,
    %gather3A_539 = tpu.vector_load_idx %arg13[%add3A_527, %and3A_537] : memref<512x16xf32, #tpu.memory_space<vmem>>[vector<16xi32>, vector<16xi32>], vector<16xf32>,
    %get3A_540 = arith.constant 240 : index
    %get3A_541 = tpu.vector_load %arg14[%get3A_540] {strides = array<i32>} : memref<512xf32, #tpu.memory_space<vmem>>, vector<16xf32>,
    %add3A_542 = arith.addf %get3A_541, %gather3A_538 : vector<16xf32>
    %add3A_543 = arith.addf %add3A_542, %gather3A_539 : vector<16xf32>
    %swap3A_544 = arith.constant 240 : index
    %swap3A_545 = tpu.vector_load %arg15[%swap3A_544] {strides = array<i32>} : memref<512xf32, #tpu.memory_space<vmem>>, vector<16xf32>,
    tpu.vector_store %arg15[%swap3A_544], %add3A_543 {strides = array<i32>} : memref<512xf32, #tpu.memory_space<vmem>>, vector<16xf32>,
    %add3A_546 = arith.constant 256 : i32
    %add3A_547 = vector.broadcast %add3A_546 : i32 to vector<16xi32>
    %add3A_548 = arith.addi %iota3A, %add3A_547 : vector<16xi32>
    %get3A_549 = arith.constant 256 : index
    %get3A_550 = tpu.vector_load %arg8[%get3A_549] {strides = array<i32>} : memref<512xi32, #tpu.memory_space<vmem>>, vector<16xi32>,
    %and3A_551 = arith.constant 15 : i32
    %and3A_552 = vector.broadcast %and3A_551 : i32 to vector<16xi32>
    %and3A_553 = arith.andi %get3A_550, %and3A_552 : vector<16xi32>
    %get3A_554 = arith.constant 256 : index
    %get3A_555 = tpu.vector_load %arg9[%get3A_554] {strides = array<i32>} : memref<512xi32, #tpu.memory_space<vmem>>, vector<16xi32>,
    %and3A_556 = arith.constant 15 : i32
    %and3A_557 = vector.broadcast %and3A_556 : i32 to vector<16xi32>
    %and3A_558 = arith.andi %get3A_555, %and3A_557 : vector<16xi32>
    %gather3A_559 = tpu.vector_load_idx %arg12[%add3A_548, %and3A_553] : memref<512x16xf32, #tpu.memory_space<vmem>>[vector<16xi32>, vector<16xi32>], vector<16xf32>,
    %gather3A_560 = tpu.vector_load_idx %arg13[%add3A_548, %and3A_558] : memref<512x16xf32, #tpu.memory_space<vmem>>[vector<16xi32>, vector<16xi32>], vector<16xf32>,
    %get3A_561 = arith.constant 256 : index
    %get3A_562 = tpu.vector_load %arg14[%get3A_561] {strides = array<i32>} : memref<512xf32, #tpu.memory_space<vmem>>, vector<16xf32>,
    %add3A_563 = arith.addf %get3A_562, %gather3A_559 : vector<16xf32>
    %add3A_564 = arith.addf %add3A_563, %gather3A_560 : vector<16xf32>
    %swap3A_565 = arith.constant 256 : index
    %swap3A_566 = tpu.vector_load %arg15[%swap3A_565] {strides = array<i32>} : memref<512xf32, #tpu.memory_space<vmem>>, vector<16xf32>,
    tpu.vector_store %arg15[%swap3A_565], %add3A_564 {strides = array<i32>} : memref<512xf32, #tpu.memory_space<vmem>>, vector<16xf32>,
    %add3A_567 = arith.constant 272 : i32
    %add3A_568 = vector.broadcast %add3A_567 : i32 to vector<16xi32>
    %add3A_569 = arith.addi %iota3A, %add3A_568 : vector<16xi32>
    %get3A_570 = arith.constant 272 : index
    %get3A_571 = tpu.vector_load %arg8[%get3A_570] {strides = array<i32>} : memref<512xi32, #tpu.memory_space<vmem>>, vector<16xi32>,
    %and3A_572 = arith.constant 15 : i32
    %and3A_573 = vector.broadcast %and3A_572 : i32 to vector<16xi32>
    %and3A_574 = arith.andi %get3A_571, %and3A_573 : vector<16xi32>
    %get3A_575 = arith.constant 272 : index
    %get3A_576 = tpu.vector_load %arg9[%get3A_575] {strides = array<i32>} : memref<512xi32, #tpu.memory_space<vmem>>, vector<16xi32>,
    %and3A_577 = arith.constant 15 : i32
    %and3A_578 = vector.broadcast %and3A_577 : i32 to vector<16xi32>
    %and3A_579 = arith.andi %get3A_576, %and3A_578 : vector<16xi32>
    %gather3A_580 = tpu.vector_load_idx %arg12[%add3A_569, %and3A_574] : memref<512x16xf32, #tpu.memory_space<vmem>>[vector<16xi32>, vector<16xi32>], vector<16xf32>,
    %gather3A_581 = tpu.vector_load_idx %arg13[%add3A_569, %and3A_579] : memref<512x16xf32, #tpu.memory_space<vmem>>[vector<16xi32>, vector<16xi32>], vector<16xf32>,
    %get3A_582 = arith.constant 272 : index
    %get3A_583 = tpu.vector_load %arg14[%get3A_582] {strides = array<i32>} : memref<512xf32, #tpu.memory_space<vmem>>, vector<16xf32>,
    %add3A_584 = arith.addf %get3A_583, %gather3A_580 : vector<16xf32>
    %add3A_585 = arith.addf %add3A_584, %gather3A_581 : vector<16xf32>
    %swap3A_586 = arith.constant 272 : index
    %swap3A_587 = tpu.vector_load %arg15[%swap3A_586] {strides = array<i32>} : memref<512xf32, #tpu.memory_space<vmem>>, vector<16xf32>,
    tpu.vector_store %arg15[%swap3A_586], %add3A_585 {strides = array<i32>} : memref<512xf32, #tpu.memory_space<vmem>>, vector<16xf32>,
    %add3A_588 = arith.constant 288 : i32
    %add3A_589 = vector.broadcast %add3A_588 : i32 to vector<16xi32>
    %add3A_590 = arith.addi %iota3A, %add3A_589 : vector<16xi32>
    %get3A_591 = arith.constant 288 : index
    %get3A_592 = tpu.vector_load %arg8[%get3A_591] {strides = array<i32>} : memref<512xi32, #tpu.memory_space<vmem>>, vector<16xi32>,
    %and3A_593 = arith.constant 15 : i32
    %and3A_594 = vector.broadcast %and3A_593 : i32 to vector<16xi32>
    %and3A_595 = arith.andi %get3A_592, %and3A_594 : vector<16xi32>
    %get3A_596 = arith.constant 288 : index
    %get3A_597 = tpu.vector_load %arg9[%get3A_596] {strides = array<i32>} : memref<512xi32, #tpu.memory_space<vmem>>, vector<16xi32>,
    %and3A_598 = arith.constant 15 : i32
    %and3A_599 = vector.broadcast %and3A_598 : i32 to vector<16xi32>
    %and3A_600 = arith.andi %get3A_597, %and3A_599 : vector<16xi32>
    %gather3A_601 = tpu.vector_load_idx %arg12[%add3A_590, %and3A_595] : memref<512x16xf32, #tpu.memory_space<vmem>>[vector<16xi32>, vector<16xi32>], vector<16xf32>,
    %gather3A_602 = tpu.vector_load_idx %arg13[%add3A_590, %and3A_600] : memref<512x16xf32, #tpu.memory_space<vmem>>[vector<16xi32>, vector<16xi32>], vector<16xf32>,
    %get3A_603 = arith.constant 288 : index
    %get3A_604 = tpu.vector_load %arg14[%get3A_603] {strides = array<i32>} : memref<512xf32, #tpu.memory_space<vmem>>, vector<16xf32>,
    %add3A_605 = arith.addf %get3A_604, %gather3A_601 : vector<16xf32>
    %add3A_606 = arith.addf %add3A_605, %gather3A_602 : vector<16xf32>
    %swap3A_607 = arith.constant 288 : index
    %swap3A_608 = tpu.vector_load %arg15[%swap3A_607] {strides = array<i32>} : memref<512xf32, #tpu.memory_space<vmem>>, vector<16xf32>,
    tpu.vector_store %arg15[%swap3A_607], %add3A_606 {strides = array<i32>} : memref<512xf32, #tpu.memory_space<vmem>>, vector<16xf32>,
    %add3A_609 = arith.constant 304 : i32
    %add3A_610 = vector.broadcast %add3A_609 : i32 to vector<16xi32>
    %add3A_611 = arith.addi %iota3A, %add3A_610 : vector<16xi32>
    %get3A_612 = arith.constant 304 : index
    %get3A_613 = tpu.vector_load %arg8[%get3A_612] {strides = array<i32>} : memref<512xi32, #tpu.memory_space<vmem>>, vector<16xi32>,
    %and3A_614 = arith.constant 15 : i32
    %and3A_615 = vector.broadcast %and3A_614 : i32 to vector<16xi32>
    %and3A_616 = arith.andi %get3A_613, %and3A_615 : vector<16xi32>
    %get3A_617 = arith.constant 304 : index
    %get3A_618 = tpu.vector_load %arg9[%get3A_617] {strides = array<i32>} : memref<512xi32, #tpu.memory_space<vmem>>, vector<16xi32>,
    %and3A_619 = arith.constant 15 : i32
    %and3A_620 = vector.broadcast %and3A_619 : i32 to vector<16xi32>
    %and3A_621 = arith.andi %get3A_618, %and3A_620 : vector<16xi32>
    %gather3A_622 = tpu.vector_load_idx %arg12[%add3A_611, %and3A_616] : memref<512x16xf32, #tpu.memory_space<vmem>>[vector<16xi32>, vector<16xi32>], vector<16xf32>,
    %gather3A_623 = tpu.vector_load_idx %arg13[%add3A_611, %and3A_621] : memref<512x16xf32, #tpu.memory_space<vmem>>[vector<16xi32>, vector<16xi32>], vector<16xf32>,
    %get3A_624 = arith.constant 304 : index
    %get3A_625 = tpu.vector_load %arg14[%get3A_624] {strides = array<i32>} : memref<512xf32, #tpu.memory_space<vmem>>, vector<16xf32>,
    %add3A_626 = arith.addf %get3A_625, %gather3A_622 : vector<16xf32>
    %add3A_627 = arith.addf %add3A_626, %gather3A_623 : vector<16xf32>
    %swap3A_628 = arith.constant 304 : index
    %swap3A_629 = tpu.vector_load %arg15[%swap3A_628] {strides = array<i32>} : memref<512xf32, #tpu.memory_space<vmem>>, vector<16xf32>,
    tpu.vector_store %arg15[%swap3A_628], %add3A_627 {strides = array<i32>} : memref<512xf32, #tpu.memory_space<vmem>>, vector<16xf32>,
    %add3A_630 = arith.constant 320 : i32
    %add3A_631 = vector.broadcast %add3A_630 : i32 to vector<16xi32>
    %add3A_632 = arith.addi %iota3A, %add3A_631 : vector<16xi32>
    %get3A_633 = arith.constant 320 : index
    %get3A_634 = tpu.vector_load %arg8[%get3A_633] {strides = array<i32>} : memref<512xi32, #tpu.memory_space<vmem>>, vector<16xi32>,
    %and3A_635 = arith.constant 15 : i32
    %and3A_636 = vector.broadcast %and3A_635 : i32 to vector<16xi32>
    %and3A_637 = arith.andi %get3A_634, %and3A_636 : vector<16xi32>
    %get3A_638 = arith.constant 320 : index
    %get3A_639 = tpu.vector_load %arg9[%get3A_638] {strides = array<i32>} : memref<512xi32, #tpu.memory_space<vmem>>, vector<16xi32>,
    %and3A_640 = arith.constant 15 : i32
    %and3A_641 = vector.broadcast %and3A_640 : i32 to vector<16xi32>
    %and3A_642 = arith.andi %get3A_639, %and3A_641 : vector<16xi32>
    %gather3A_643 = tpu.vector_load_idx %arg12[%add3A_632, %and3A_637] : memref<512x16xf32, #tpu.memory_space<vmem>>[vector<16xi32>, vector<16xi32>], vector<16xf32>,
    %gather3A_644 = tpu.vector_load_idx %arg13[%add3A_632, %and3A_642] : memref<512x16xf32, #tpu.memory_space<vmem>>[vector<16xi32>, vector<16xi32>], vector<16xf32>,
    %get3A_645 = arith.constant 320 : index
    %get3A_646 = tpu.vector_load %arg14[%get3A_645] {strides = array<i32>} : memref<512xf32, #tpu.memory_space<vmem>>, vector<16xf32>,
    %add3A_647 = arith.addf %get3A_646, %gather3A_643 : vector<16xf32>
    %add3A_648 = arith.addf %add3A_647, %gather3A_644 : vector<16xf32>
    %swap3A_649 = arith.constant 320 : index
    %swap3A_650 = tpu.vector_load %arg15[%swap3A_649] {strides = array<i32>} : memref<512xf32, #tpu.memory_space<vmem>>, vector<16xf32>,
    tpu.vector_store %arg15[%swap3A_649], %add3A_648 {strides = array<i32>} : memref<512xf32, #tpu.memory_space<vmem>>, vector<16xf32>,
    %add3A_651 = arith.constant 336 : i32
    %add3A_652 = vector.broadcast %add3A_651 : i32 to vector<16xi32>
    %add3A_653 = arith.addi %iota3A, %add3A_652 : vector<16xi32>
    %get3A_654 = arith.constant 336 : index
    %get3A_655 = tpu.vector_load %arg8[%get3A_654] {strides = array<i32>} : memref<512xi32, #tpu.memory_space<vmem>>, vector<16xi32>,
    %and3A_656 = arith.constant 15 : i32
    %and3A_657 = vector.broadcast %and3A_656 : i32 to vector<16xi32>
    %and3A_658 = arith.andi %get3A_655, %and3A_657 : vector<16xi32>
    %get3A_659 = arith.constant 336 : index
    %get3A_660 = tpu.vector_load %arg9[%get3A_659] {strides = array<i32>} : memref<512xi32, #tpu.memory_space<vmem>>, vector<16xi32>,
    %and3A_661 = arith.constant 15 : i32
    %and3A_662 = vector.broadcast %and3A_661 : i32 to vector<16xi32>
    %and3A_663 = arith.andi %get3A_660, %and3A_662 : vector<16xi32>
    %gather3A_664 = tpu.vector_load_idx %arg12[%add3A_653, %and3A_658] : memref<512x16xf32, #tpu.memory_space<vmem>>[vector<16xi32>, vector<16xi32>], vector<16xf32>,
    %gather3A_665 = tpu.vector_load_idx %arg13[%add3A_653, %and3A_663] : memref<512x16xf32, #tpu.memory_space<vmem>>[vector<16xi32>, vector<16xi32>], vector<16xf32>,
    %get3A_666 = arith.constant 336 : index
    %get3A_667 = tpu.vector_load %arg14[%get3A_666] {strides = array<i32>} : memref<512xf32, #tpu.memory_space<vmem>>, vector<16xf32>,
    %add3A_668 = arith.addf %get3A_667, %gather3A_664 : vector<16xf32>
    %add3A_669 = arith.addf %add3A_668, %gather3A_665 : vector<16xf32>
    %swap3A_670 = arith.constant 336 : index
    %swap3A_671 = tpu.vector_load %arg15[%swap3A_670] {strides = array<i32>} : memref<512xf32, #tpu.memory_space<vmem>>, vector<16xf32>,
    tpu.vector_store %arg15[%swap3A_670], %add3A_669 {strides = array<i32>} : memref<512xf32, #tpu.memory_space<vmem>>, vector<16xf32>,
    %add3A_672 = arith.constant 352 : i32
    %add3A_673 = vector.broadcast %add3A_672 : i32 to vector<16xi32>
    %add3A_674 = arith.addi %iota3A, %add3A_673 : vector<16xi32>
    %get3A_675 = arith.constant 352 : index
    %get3A_676 = tpu.vector_load %arg8[%get3A_675] {strides = array<i32>} : memref<512xi32, #tpu.memory_space<vmem>>, vector<16xi32>,
    %and3A_677 = arith.constant 15 : i32
    %and3A_678 = vector.broadcast %and3A_677 : i32 to vector<16xi32>
    %and3A_679 = arith.andi %get3A_676, %and3A_678 : vector<16xi32>
    %get3A_680 = arith.constant 352 : index
    %get3A_681 = tpu.vector_load %arg9[%get3A_680] {strides = array<i32>} : memref<512xi32, #tpu.memory_space<vmem>>, vector<16xi32>,
    %and3A_682 = arith.constant 15 : i32
    %and3A_683 = vector.broadcast %and3A_682 : i32 to vector<16xi32>
    %and3A_684 = arith.andi %get3A_681, %and3A_683 : vector<16xi32>
    %gather3A_685 = tpu.vector_load_idx %arg12[%add3A_674, %and3A_679] : memref<512x16xf32, #tpu.memory_space<vmem>>[vector<16xi32>, vector<16xi32>], vector<16xf32>,
    %gather3A_686 = tpu.vector_load_idx %arg13[%add3A_674, %and3A_684] : memref<512x16xf32, #tpu.memory_space<vmem>>[vector<16xi32>, vector<16xi32>], vector<16xf32>,
    %get3A_687 = arith.constant 352 : index
    %get3A_688 = tpu.vector_load %arg14[%get3A_687] {strides = array<i32>} : memref<512xf32, #tpu.memory_space<vmem>>, vector<16xf32>,
    %add3A_689 = arith.addf %get3A_688, %gather3A_685 : vector<16xf32>
    %add3A_690 = arith.addf %add3A_689, %gather3A_686 : vector<16xf32>
    %swap3A_691 = arith.constant 352 : index
    %swap3A_692 = tpu.vector_load %arg15[%swap3A_691] {strides = array<i32>} : memref<512xf32, #tpu.memory_space<vmem>>, vector<16xf32>,
    tpu.vector_store %arg15[%swap3A_691], %add3A_690 {strides = array<i32>} : memref<512xf32, #tpu.memory_space<vmem>>, vector<16xf32>,
    %add3A_693 = arith.constant 368 : i32
    %add3A_694 = vector.broadcast %add3A_693 : i32 to vector<16xi32>
    %add3A_695 = arith.addi %iota3A, %add3A_694 : vector<16xi32>
    %get3A_696 = arith.constant 368 : index
    %get3A_697 = tpu.vector_load %arg8[%get3A_696] {strides = array<i32>} : memref<512xi32, #tpu.memory_space<vmem>>, vector<16xi32>,
    %and3A_698 = arith.constant 15 : i32
    %and3A_699 = vector.broadcast %and3A_698 : i32 to vector<16xi32>
    %and3A_700 = arith.andi %get3A_697, %and3A_699 : vector<16xi32>
    %get3A_701 = arith.constant 368 : index
    %get3A_702 = tpu.vector_load %arg9[%get3A_701] {strides = array<i32>} : memref<512xi32, #tpu.memory_space<vmem>>, vector<16xi32>,
    %and3A_703 = arith.constant 15 : i32
    %and3A_704 = vector.broadcast %and3A_703 : i32 to vector<16xi32>
    %and3A_705 = arith.andi %get3A_702, %and3A_704 : vector<16xi32>
    %gather3A_706 = tpu.vector_load_idx %arg12[%add3A_695, %and3A_700] : memref<512x16xf32, #tpu.memory_space<vmem>>[vector<16xi32>, vector<16xi32>], vector<16xf32>,
    %gather3A_707 = tpu.vector_load_idx %arg13[%add3A_695, %and3A_705] : memref<512x16xf32, #tpu.memory_space<vmem>>[vector<16xi32>, vector<16xi32>], vector<16xf32>,
    %get3A_708 = arith.constant 368 : index
    %get3A_709 = tpu.vector_load %arg14[%get3A_708] {strides = array<i32>} : memref<512xf32, #tpu.memory_space<vmem>>, vector<16xf32>,
    %add3A_710 = arith.addf %get3A_709, %gather3A_706 : vector<16xf32>
    %add3A_711 = arith.addf %add3A_710, %gather3A_707 : vector<16xf32>
    %swap3A_712 = arith.constant 368 : index
    %swap3A_713 = tpu.vector_load %arg15[%swap3A_712] {strides = array<i32>} : memref<512xf32, #tpu.memory_space<vmem>>, vector<16xf32>,
    tpu.vector_store %arg15[%swap3A_712], %add3A_711 {strides = array<i32>} : memref<512xf32, #tpu.memory_space<vmem>>, vector<16xf32>,
    %add3A_714 = arith.constant 384 : i32
    %add3A_715 = vector.broadcast %add3A_714 : i32 to vector<16xi32>
    %add3A_716 = arith.addi %iota3A, %add3A_715 : vector<16xi32>
    %get3A_717 = arith.constant 384 : index
    %get3A_718 = tpu.vector_load %arg8[%get3A_717] {strides = array<i32>} : memref<512xi32, #tpu.memory_space<vmem>>, vector<16xi32>,
    %and3A_719 = arith.constant 15 : i32
    %and3A_720 = vector.broadcast %and3A_719 : i32 to vector<16xi32>
    %and3A_721 = arith.andi %get3A_718, %and3A_720 : vector<16xi32>
    %get3A_722 = arith.constant 384 : index
    %get3A_723 = tpu.vector_load %arg9[%get3A_722] {strides = array<i32>} : memref<512xi32, #tpu.memory_space<vmem>>, vector<16xi32>,
    %and3A_724 = arith.constant 15 : i32
    %and3A_725 = vector.broadcast %and3A_724 : i32 to vector<16xi32>
    %and3A_726 = arith.andi %get3A_723, %and3A_725 : vector<16xi32>
    %gather3A_727 = tpu.vector_load_idx %arg12[%add3A_716, %and3A_721] : memref<512x16xf32, #tpu.memory_space<vmem>>[vector<16xi32>, vector<16xi32>], vector<16xf32>,
    %gather3A_728 = tpu.vector_load_idx %arg13[%add3A_716, %and3A_726] : memref<512x16xf32, #tpu.memory_space<vmem>>[vector<16xi32>, vector<16xi32>], vector<16xf32>,
    %get3A_729 = arith.constant 384 : index
    %get3A_730 = tpu.vector_load %arg14[%get3A_729] {strides = array<i32>} : memref<512xf32, #tpu.memory_space<vmem>>, vector<16xf32>,
    %add3A_731 = arith.addf %get3A_730, %gather3A_727 : vector<16xf32>
    %add3A_732 = arith.addf %add3A_731, %gather3A_728 : vector<16xf32>
    %swap3A_733 = arith.constant 384 : index
    %swap3A_734 = tpu.vector_load %arg15[%swap3A_733] {strides = array<i32>} : memref<512xf32, #tpu.memory_space<vmem>>, vector<16xf32>,
    tpu.vector_store %arg15[%swap3A_733], %add3A_732 {strides = array<i32>} : memref<512xf32, #tpu.memory_space<vmem>>, vector<16xf32>,
    %add3A_735 = arith.constant 400 : i32
    %add3A_736 = vector.broadcast %add3A_735 : i32 to vector<16xi32>
    %add3A_737 = arith.addi %iota3A, %add3A_736 : vector<16xi32>
    %get3A_738 = arith.constant 400 : index
    %get3A_739 = tpu.vector_load %arg8[%get3A_738] {strides = array<i32>} : memref<512xi32, #tpu.memory_space<vmem>>, vector<16xi32>,
    %and3A_740 = arith.constant 15 : i32
    %and3A_741 = vector.broadcast %and3A_740 : i32 to vector<16xi32>
    %and3A_742 = arith.andi %get3A_739, %and3A_741 : vector<16xi32>
    %get3A_743 = arith.constant 400 : index
    %get3A_744 = tpu.vector_load %arg9[%get3A_743] {strides = array<i32>} : memref<512xi32, #tpu.memory_space<vmem>>, vector<16xi32>,
    %and3A_745 = arith.constant 15 : i32
    %and3A_746 = vector.broadcast %and3A_745 : i32 to vector<16xi32>
    %and3A_747 = arith.andi %get3A_744, %and3A_746 : vector<16xi32>
    %gather3A_748 = tpu.vector_load_idx %arg12[%add3A_737, %and3A_742] : memref<512x16xf32, #tpu.memory_space<vmem>>[vector<16xi32>, vector<16xi32>], vector<16xf32>,
    %gather3A_749 = tpu.vector_load_idx %arg13[%add3A_737, %and3A_747] : memref<512x16xf32, #tpu.memory_space<vmem>>[vector<16xi32>, vector<16xi32>], vector<16xf32>,
    %get3A_750 = arith.constant 400 : index
    %get3A_751 = tpu.vector_load %arg14[%get3A_750] {strides = array<i32>} : memref<512xf32, #tpu.memory_space<vmem>>, vector<16xf32>,
    %add3A_752 = arith.addf %get3A_751, %gather3A_748 : vector<16xf32>
    %add3A_753 = arith.addf %add3A_752, %gather3A_749 : vector<16xf32>
    %swap3A_754 = arith.constant 400 : index
    %swap3A_755 = tpu.vector_load %arg15[%swap3A_754] {strides = array<i32>} : memref<512xf32, #tpu.memory_space<vmem>>, vector<16xf32>,
    tpu.vector_store %arg15[%swap3A_754], %add3A_753 {strides = array<i32>} : memref<512xf32, #tpu.memory_space<vmem>>, vector<16xf32>,
    %add3A_756 = arith.constant 416 : i32
    %add3A_757 = vector.broadcast %add3A_756 : i32 to vector<16xi32>
    %add3A_758 = arith.addi %iota3A, %add3A_757 : vector<16xi32>
    %get3A_759 = arith.constant 416 : index
    %get3A_760 = tpu.vector_load %arg8[%get3A_759] {strides = array<i32>} : memref<512xi32, #tpu.memory_space<vmem>>, vector<16xi32>,
    %and3A_761 = arith.constant 15 : i32
    %and3A_762 = vector.broadcast %and3A_761 : i32 to vector<16xi32>
    %and3A_763 = arith.andi %get3A_760, %and3A_762 : vector<16xi32>
    %get3A_764 = arith.constant 416 : index
    %get3A_765 = tpu.vector_load %arg9[%get3A_764] {strides = array<i32>} : memref<512xi32, #tpu.memory_space<vmem>>, vector<16xi32>,
    %and3A_766 = arith.constant 15 : i32
    %and3A_767 = vector.broadcast %and3A_766 : i32 to vector<16xi32>
    %and3A_768 = arith.andi %get3A_765, %and3A_767 : vector<16xi32>
    %gather3A_769 = tpu.vector_load_idx %arg12[%add3A_758, %and3A_763] : memref<512x16xf32, #tpu.memory_space<vmem>>[vector<16xi32>, vector<16xi32>], vector<16xf32>,
    %gather3A_770 = tpu.vector_load_idx %arg13[%add3A_758, %and3A_768] : memref<512x16xf32, #tpu.memory_space<vmem>>[vector<16xi32>, vector<16xi32>], vector<16xf32>,
    %get3A_771 = arith.constant 416 : index
    %get3A_772 = tpu.vector_load %arg14[%get3A_771] {strides = array<i32>} : memref<512xf32, #tpu.memory_space<vmem>>, vector<16xf32>,
    %add3A_773 = arith.addf %get3A_772, %gather3A_769 : vector<16xf32>
    %add3A_774 = arith.addf %add3A_773, %gather3A_770 : vector<16xf32>
    %swap3A_775 = arith.constant 416 : index
    %swap3A_776 = tpu.vector_load %arg15[%swap3A_775] {strides = array<i32>} : memref<512xf32, #tpu.memory_space<vmem>>, vector<16xf32>,
    tpu.vector_store %arg15[%swap3A_775], %add3A_774 {strides = array<i32>} : memref<512xf32, #tpu.memory_space<vmem>>, vector<16xf32>,
    %add3A_777 = arith.constant 432 : i32
    %add3A_778 = vector.broadcast %add3A_777 : i32 to vector<16xi32>
    %add3A_779 = arith.addi %iota3A, %add3A_778 : vector<16xi32>
    %get3A_780 = arith.constant 432 : index
    %get3A_781 = tpu.vector_load %arg8[%get3A_780] {strides = array<i32>} : memref<512xi32, #tpu.memory_space<vmem>>, vector<16xi32>,
    %and3A_782 = arith.constant 15 : i32
    %and3A_783 = vector.broadcast %and3A_782 : i32 to vector<16xi32>
    %and3A_784 = arith.andi %get3A_781, %and3A_783 : vector<16xi32>
    %get3A_785 = arith.constant 432 : index
    %get3A_786 = tpu.vector_load %arg9[%get3A_785] {strides = array<i32>} : memref<512xi32, #tpu.memory_space<vmem>>, vector<16xi32>,
    %and3A_787 = arith.constant 15 : i32
    %and3A_788 = vector.broadcast %and3A_787 : i32 to vector<16xi32>
    %and3A_789 = arith.andi %get3A_786, %and3A_788 : vector<16xi32>
    %gather3A_790 = tpu.vector_load_idx %arg12[%add3A_779, %and3A_784] : memref<512x16xf32, #tpu.memory_space<vmem>>[vector<16xi32>, vector<16xi32>], vector<16xf32>,
    %gather3A_791 = tpu.vector_load_idx %arg13[%add3A_779, %and3A_789] : memref<512x16xf32, #tpu.memory_space<vmem>>[vector<16xi32>, vector<16xi32>], vector<16xf32>,
    %get3A_792 = arith.constant 432 : index
    %get3A_793 = tpu.vector_load %arg14[%get3A_792] {strides = array<i32>} : memref<512xf32, #tpu.memory_space<vmem>>, vector<16xf32>,
    %add3A_794 = arith.addf %get3A_793, %gather3A_790 : vector<16xf32>
    %add3A_795 = arith.addf %add3A_794, %gather3A_791 : vector<16xf32>
    %swap3A_796 = arith.constant 432 : index
    %swap3A_797 = tpu.vector_load %arg15[%swap3A_796] {strides = array<i32>} : memref<512xf32, #tpu.memory_space<vmem>>, vector<16xf32>,
    tpu.vector_store %arg15[%swap3A_796], %add3A_795 {strides = array<i32>} : memref<512xf32, #tpu.memory_space<vmem>>, vector<16xf32>,
    %add3A_798 = arith.constant 448 : i32
    %add3A_799 = vector.broadcast %add3A_798 : i32 to vector<16xi32>
    %add3A_800 = arith.addi %iota3A, %add3A_799 : vector<16xi32>
    %get3A_801 = arith.constant 448 : index
    %get3A_802 = tpu.vector_load %arg8[%get3A_801] {strides = array<i32>} : memref<512xi32, #tpu.memory_space<vmem>>, vector<16xi32>,
    %and3A_803 = arith.constant 15 : i32
    %and3A_804 = vector.broadcast %and3A_803 : i32 to vector<16xi32>
    %and3A_805 = arith.andi %get3A_802, %and3A_804 : vector<16xi32>
    %get3A_806 = arith.constant 448 : index
    %get3A_807 = tpu.vector_load %arg9[%get3A_806] {strides = array<i32>} : memref<512xi32, #tpu.memory_space<vmem>>, vector<16xi32>,
    %and3A_808 = arith.constant 15 : i32
    %and3A_809 = vector.broadcast %and3A_808 : i32 to vector<16xi32>
    %and3A_810 = arith.andi %get3A_807, %and3A_809 : vector<16xi32>
    %gather3A_811 = tpu.vector_load_idx %arg12[%add3A_800, %and3A_805] : memref<512x16xf32, #tpu.memory_space<vmem>>[vector<16xi32>, vector<16xi32>], vector<16xf32>,
    %gather3A_812 = tpu.vector_load_idx %arg13[%add3A_800, %and3A_810] : memref<512x16xf32, #tpu.memory_space<vmem>>[vector<16xi32>, vector<16xi32>], vector<16xf32>,
    %get3A_813 = arith.constant 448 : index
    %get3A_814 = tpu.vector_load %arg14[%get3A_813] {strides = array<i32>} : memref<512xf32, #tpu.memory_space<vmem>>, vector<16xf32>,
    %add3A_815 = arith.addf %get3A_814, %gather3A_811 : vector<16xf32>
    %add3A_816 = arith.addf %add3A_815, %gather3A_812 : vector<16xf32>
    %swap3A_817 = arith.constant 448 : index
    %swap3A_818 = tpu.vector_load %arg15[%swap3A_817] {strides = array<i32>} : memref<512xf32, #tpu.memory_space<vmem>>, vector<16xf32>,
    tpu.vector_store %arg15[%swap3A_817], %add3A_816 {strides = array<i32>} : memref<512xf32, #tpu.memory_space<vmem>>, vector<16xf32>,
    %add3A_819 = arith.constant 464 : i32
    %add3A_820 = vector.broadcast %add3A_819 : i32 to vector<16xi32>
    %add3A_821 = arith.addi %iota3A, %add3A_820 : vector<16xi32>
    %get3A_822 = arith.constant 464 : index
    %get3A_823 = tpu.vector_load %arg8[%get3A_822] {strides = array<i32>} : memref<512xi32, #tpu.memory_space<vmem>>, vector<16xi32>,
    %and3A_824 = arith.constant 15 : i32
    %and3A_825 = vector.broadcast %and3A_824 : i32 to vector<16xi32>
    %and3A_826 = arith.andi %get3A_823, %and3A_825 : vector<16xi32>
    %get3A_827 = arith.constant 464 : index
    %get3A_828 = tpu.vector_load %arg9[%get3A_827] {strides = array<i32>} : memref<512xi32, #tpu.memory_space<vmem>>, vector<16xi32>,
    %and3A_829 = arith.constant 15 : i32
    %and3A_830 = vector.broadcast %and3A_829 : i32 to vector<16xi32>
    %and3A_831 = arith.andi %get3A_828, %and3A_830 : vector<16xi32>
    %gather3A_832 = tpu.vector_load_idx %arg12[%add3A_821, %and3A_826] : memref<512x16xf32, #tpu.memory_space<vmem>>[vector<16xi32>, vector<16xi32>], vector<16xf32>,
    %gather3A_833 = tpu.vector_load_idx %arg13[%add3A_821, %and3A_831] : memref<512x16xf32, #tpu.memory_space<vmem>>[vector<16xi32>, vector<16xi32>], vector<16xf32>,
    %get3A_834 = arith.constant 464 : index
    %get3A_835 = tpu.vector_load %arg14[%get3A_834] {strides = array<i32>} : memref<512xf32, #tpu.memory_space<vmem>>, vector<16xf32>,
    %add3A_836 = arith.addf %get3A_835, %gather3A_832 : vector<16xf32>
    %add3A_837 = arith.addf %add3A_836, %gather3A_833 : vector<16xf32>
    %swap3A_838 = arith.constant 464 : index
    %swap3A_839 = tpu.vector_load %arg15[%swap3A_838] {strides = array<i32>} : memref<512xf32, #tpu.memory_space<vmem>>, vector<16xf32>,
    tpu.vector_store %arg15[%swap3A_838], %add3A_837 {strides = array<i32>} : memref<512xf32, #tpu.memory_space<vmem>>, vector<16xf32>,
    %add3A_840 = arith.constant 480 : i32
    %add3A_841 = vector.broadcast %add3A_840 : i32 to vector<16xi32>
    %add3A_842 = arith.addi %iota3A, %add3A_841 : vector<16xi32>
    %get3A_843 = arith.constant 480 : index
    %get3A_844 = tpu.vector_load %arg8[%get3A_843] {strides = array<i32>} : memref<512xi32, #tpu.memory_space<vmem>>, vector<16xi32>,
    %and3A_845 = arith.constant 15 : i32
    %and3A_846 = vector.broadcast %and3A_845 : i32 to vector<16xi32>
    %and3A_847 = arith.andi %get3A_844, %and3A_846 : vector<16xi32>
    %get3A_848 = arith.constant 480 : index
    %get3A_849 = tpu.vector_load %arg9[%get3A_848] {strides = array<i32>} : memref<512xi32, #tpu.memory_space<vmem>>, vector<16xi32>,
    %and3A_850 = arith.constant 15 : i32
    %and3A_851 = vector.broadcast %and3A_850 : i32 to vector<16xi32>
    %and3A_852 = arith.andi %get3A_849, %and3A_851 : vector<16xi32>
    %gather3A_853 = tpu.vector_load_idx %arg12[%add3A_842, %and3A_847] : memref<512x16xf32, #tpu.memory_space<vmem>>[vector<16xi32>, vector<16xi32>], vector<16xf32>,
    %gather3A_854 = tpu.vector_load_idx %arg13[%add3A_842, %and3A_852] : memref<512x16xf32, #tpu.memory_space<vmem>>[vector<16xi32>, vector<16xi32>], vector<16xf32>,
    %get3A_855 = arith.constant 480 : index
    %get3A_856 = tpu.vector_load %arg14[%get3A_855] {strides = array<i32>} : memref<512xf32, #tpu.memory_space<vmem>>, vector<16xf32>,
    %add3A_857 = arith.addf %get3A_856, %gather3A_853 : vector<16xf32>
    %add3A_858 = arith.addf %add3A_857, %gather3A_854 : vector<16xf32>
    %swap3A_859 = arith.constant 480 : index
    %swap3A_860 = tpu.vector_load %arg15[%swap3A_859] {strides = array<i32>} : memref<512xf32, #tpu.memory_space<vmem>>, vector<16xf32>,
    tpu.vector_store %arg15[%swap3A_859], %add3A_858 {strides = array<i32>} : memref<512xf32, #tpu.memory_space<vmem>>, vector<16xf32>,
    %add3A_861 = arith.constant 496 : i32
    %add3A_862 = vector.broadcast %add3A_861 : i32 to vector<16xi32>
    %add3A_863 = arith.addi %iota3A, %add3A_862 : vector<16xi32>
    %get3A_864 = arith.constant 496 : index
    %get3A_865 = tpu.vector_load %arg8[%get3A_864] {strides = array<i32>} : memref<512xi32, #tpu.memory_space<vmem>>, vector<16xi32>,
    %and3A_866 = arith.constant 15 : i32
    %and3A_867 = vector.broadcast %and3A_866 : i32 to vector<16xi32>
    %and3A_868 = arith.andi %get3A_865, %and3A_867 : vector<16xi32>
    %get3A_869 = arith.constant 496 : index
    %get3A_870 = tpu.vector_load %arg9[%get3A_869] {strides = array<i32>} : memref<512xi32, #tpu.memory_space<vmem>>, vector<16xi32>,
    %and3A_871 = arith.constant 15 : i32
    %and3A_872 = vector.broadcast %and3A_871 : i32 to vector<16xi32>
    %and3A_873 = arith.andi %get3A_870, %and3A_872 : vector<16xi32>
    %gather3A_874 = tpu.vector_load_idx %arg12[%add3A_863, %and3A_868] : memref<512x16xf32, #tpu.memory_space<vmem>>[vector<16xi32>, vector<16xi32>], vector<16xf32>,
    %gather3A_875 = tpu.vector_load_idx %arg13[%add3A_863, %and3A_873] : memref<512x16xf32, #tpu.memory_space<vmem>>[vector<16xi32>, vector<16xi32>], vector<16xf32>,
    %get3A_876 = arith.constant 496 : index
    %get3A_877 = tpu.vector_load %arg14[%get3A_876] {strides = array<i32>} : memref<512xf32, #tpu.memory_space<vmem>>, vector<16xf32>,
    %add3A_878 = arith.addf %get3A_877, %gather3A_874 : vector<16xf32>
    %add3A_879 = arith.addf %add3A_878, %gather3A_875 : vector<16xf32>
    %swap3A_880 = arith.constant 496 : index
    %swap3A_881 = tpu.vector_load %arg15[%swap3A_880] {strides = array<i32>} : memref<512xf32, #tpu.memory_space<vmem>>, vector<16xf32>,
    tpu.vector_store %arg15[%swap3A_880], %add3A_879 {strides = array<i32>} : memref<512xf32, #tpu.memory_space<vmem>>, vector<16xf32>,
    "tpu.region"() ({
      %run_scoped3A = tpu.sem_alloc : memref<!tpu.dma_semaphore, #tpu.memory_space<semaphore_mem>>
      %dma_start3A_882 = tpu.memref_slice %arg7[%mul3A_2] : memref<16384xf32, #tpu.memory_space<hbm>> -> memref<512xf32, #tpu.memory_space<hbm>>
      %dma_start3A_883 = tpu.memref_slice %arg7[%mul3A_2] : memref<16384xf32, #tpu.memory_space<hbm>> -> memref<512xf32, #tpu.memory_space<hbm>>
      tpu.enqueue_dma source(%arg15 : memref<512xf32, #tpu.memory_space<vmem>>) target(%dma_start3A_883 : memref<512xf32, #tpu.memory_space<hbm>>) target_semaphore(%run_scoped3A : memref<!tpu.dma_semaphore, #tpu.memory_space<semaphore_mem>>)
      %dma_wait3A_884 = tpu.memref_slice %arg7[%mul3A_2] : memref<16384xf32, #tpu.memory_space<hbm>> -> memref<512xf32, #tpu.memory_space<hbm>>
      %dma_wait3A_885 = tpu.memref_slice %arg7[%mul3A_2] : memref<16384xf32, #tpu.memory_space<hbm>> -> memref<512xf32, #tpu.memory_space<hbm>>
      tpu.wait_dma2 semaphore(%run_scoped3A : memref<!tpu.dma_semaphore, #tpu.memory_space<semaphore_mem>>) src(%arg15 : memref<512xf32, #tpu.memory_space<vmem>>) dst(%dma_wait3A_885 : memref<512xf32, #tpu.memory_space<hbm>>)
      tpu.yield
    }) : () -> ()
    return
  }
}

</mosaic_0001>

<sc_bundles>
// kernel: kernel.4.cloned.1.call-start
scs
__scs_entry_jumppad:
0x0: {  	(pc) =	sbr.rel $0x88, $3  }
0x1: {  	(tag) =	ssettag $0x0;
	lr =	simm.s32 $0x1  }
0x2: {  	[smem:$0x3F9A] =	sst lr;
	_ =	strace $0xD0000000  }
0x3: {  	_ = 	snop  }
0x4: {  	_ = 	snop  }
0x5: {  	_ = 	snop  }
0x6: {  	_ = 	snop  }
0x7: {  	_ = 	snop  }
__scs_overlays_trampoline_lowered:
0x8: {  	[smem:$0x3FA9] =	sst s0  }
0x9: {  	[smem:$0x3FAA] =	sst s1  }
0xa: {  	[smem:$0x3FAB] =	sst s2  }
0xb: {  	[smem:$0x3FAC] =	sst s3  }
0xc: {  	[smem:$0x3FAD] =	sst s4  }
0xd: {  	[smem:$0x3FAE] =	sst s5  }
0xe: {  	[smem:$0x3FAF] =	sst s6  }
0xf: {  	[smem:$0x3FB0] =	sst s7  }
0x10: {  	[smem:$0x3FB1] =	sst s8  }
0x11: {  	[smem:$0x3FB2] =	sst s9;
	s0 =	simm.s32 @!p0 $0x0  }
0x12: {  	s1 =	sld [smem:$0x3F98];
	s0 =	simm.s32 @p0 $0x1  }
0x13: {  	[smem:$0x3FB3] =	sst s0;
	s0 =	simm.s32 @!p1 $0x0  }
0x14: {  	s2 =	sld [smem:$0x3F97];
	s0 =	simm.s32 @p1 $0x1  }
0x15: {  	[smem:$0x3FB4] =	sst s0;
	s0 =	simm.s32 @!p2 $0x0  }
0x16: {  	s3 =	sld [smem:$0x3FDB];
	s0 =	simm.s32 @p2 $0x1  }
0x17: {  	s4 =	simm.s32 $0x1BF5;
	[smem:$0x3FB6] =	sst s0  }
0x18: {  	s0 =	sld [smem:$0x3F99];
	_ =	swait.ge [sflag:s4], $0x0  }
0x19: {  	s7 =	sld [smem:$0x3F9A]  }
0x1a: {  	s8 =	sadd.s32 $0xFFFFE003, lr  }
0x1b: {  	s9 =	sadd.s32 $0xFFFFFEF7, lr;
	s5 =	simm.s32 $0xFFFFFFFF;
	p2 =	slt.u32 s8, $0xFFFFF086  }
0x1c: {  	p1 =	slt.u32 s9, $0xF7A;
	s5 =	simm.s32 @!p2 $0x0  }
0x1d: {  	s5 =	simm.s32 @p1 $0x1;
	p0 =	seq.s32 s7, s2  }
0x1e: {  	s7 =	smul.u32 @!p0 $0xF7A, s2;
	p2 =	seq.s32 @!p0 s5, $0x0  }
0x1f: {  	s9 =	smul.u32 $0xF7A, s1;
	s8 =	simm.s32 @!p0 $0x1BF5;
	p2 =	por !p2, p0  }
0x20: {  	[sflag:s8] =	ssyncset.s32 @!p0 $0xFFFFF086;
	s6 =	sadd.s32 @!p0 s3, s7;
	s7 =	simm.s32 @!p0 $0x108  }
0x21: {  	s3 =	sadd.s32 s3, s9;
	s6 =	sadd.s32 @!p0 $0x88, s6;
	s7 =	simm.s32 @p2 $0x1082  }
0x22: {  	[simem:s7], [sflag:s8] =	dma.local @!p0 [hbm:s6], $0xF7A  }
0x23: {  	s9 =	sor.u32 $0xD0000000, s2;
	s6 =	simm.s32 $0x108;
	_ =	swait.ge @!p0 [sflag:s8], $0x0  }
0x24: {  	s3 =	sadd.s32 $0x88, s3;
	s6 =	simm.s32 @!p1 $0x1082;
	[sflag:s4] =	ssyncset.s32 $0xFFFFF086  }
0x25: {  	[simem:s6], [sflag:s4] =	dma.local [hbm:s3], $0xF7A  }
0x26: {  	[smem:$0x3F9A] =	sst s1;
	(tag) =	ssettag s2;
	_ =	strace s9  }
0x27: {  	s1 =	sld [smem:$0x3FAA]  }
0x28: {  	s2 =	sld [smem:$0x3FAB]  }
0x29: {  	s4 =	sld [smem:$0x3FAD]  }
0x2a: {  	p0 =	seq.s32 s5, $0x0;
	s5 =	sld [smem:$0x3FAE]  }
0x2b: {  	s6 =	sld [smem:$0x3FAF]  }
0x2c: {  	s7 =	sld [smem:$0x3FB0]  }
0x2d: {  	s3 =	simm.s32 $0x108;
	s8 =	sld [smem:$0x3FB1]  }
0x2e: {  	s3 =	simm.s32 @!p0 $0x1082;
	s9 =	sld [smem:$0x3FB2]  }
0x2f: {  	lr =	sadd.s32 s0, s3;
	s0 =	sld [smem:$0x3FA9]  }
0x30: {  	s3 =	sld [smem:$0x3FAC]  }
0x31: {  	[smem:$0x3FB5] =	sst s10  }
0x32: {  	s10 =	sld [smem:$0x3FB3];
	_ =	sdelay $0x3  }
0x33: {  	p0 =	seq.s32 s10, $0x1;
	s10 =	sld [smem:$0x3FB5];
	_ =	sdelay $0x3  }
0x34: {  	[smem:$0x3FB5] =	sst s10  }
0x35: {  	s10 =	sld [smem:$0x3FB4];
	_ =	sdelay $0x3  }
0x36: {  	p1 =	seq.s32 s10, $0x1;
	s10 =	sld [smem:$0x3FB5];
	_ =	sdelay $0x3  }
0x37: {  	[smem:$0x3FB5] =	sst s10  }
0x38: {  	s10 =	sld [smem:$0x3FB6]  }
0x39: {  	_ = 	snop;
	(pc) =	sbr.ind lr, $3  }
0x3a: {  	_ = 	snop  }
0x3b: {  	_ = 	snop  }
0x3c: {  	p2 =	seq.s32 s10, $0x1;
	s10 =	sld [smem:$0x3FB5]  }
0x3d: {  	_ =	shalt  }
0x3e: {  	_ =	shalt  }
0x3f: {  	_ =	shalt  }
0x40: {  	_ =	shalt  }
0x41: {  	_ =	shalt  }
0x42: {  	_ =	shalt  }
0x43: {  	_ =	shalt  }
0x44: {  	_ =	shalt  }
0x45: {  	_ =	shalt  }
0x46: {  	_ =	shalt  }
0x47: {  	_ =	shalt  }
0x48: {  	_ =	shalt  }
0x49: {  	_ =	shalt  }
0x4a: {  	_ =	shalt  }
0x4b: {  	_ =	shalt  }
0x4c: {  	_ =	shalt  }
0x4d: {  	_ =	shalt  }
0x4e: {  	_ =	shalt  }
0x4f: {  	_ =	shalt  }
0x50: {  	_ =	shalt  }
0x51: {  	_ =	shalt  }
0x52: {  	_ =	shalt  }
0x53: {  	_ =	shalt  }
0x54: {  	_ =	shalt  }
0x55: {  	_ =	shalt  }
0x56: {  	_ =	shalt  }
0x57: {  	_ =	shalt  }
0x58: {  	_ =	shalt  }
0x59: {  	_ =	shalt  }
0x5a: {  	_ =	shalt  }
0x5b: {  	_ =	shalt  }
0x5c: {  	_ =	shalt  }
0x5d: {  	_ =	shalt  }
0x5e: {  	_ =	shalt  }
0x5f: {  	_ =	shalt  }
0x60: {  	_ =	shalt  }
0x61: {  	_ =	shalt  }
0x62: {  	_ =	shalt  }
0x63: {  	_ =	shalt  }
0x64: {  	_ =	shalt  }
0x65: {  	_ =	shalt  }
0x66: {  	_ =	shalt  }
0x67: {  	_ =	shalt  }
0x68: {  	_ =	shalt  }
0x69: {  	_ =	shalt  }
0x6a: {  	_ =	shalt  }
0x6b: {  	_ =	shalt  }
0x6c: {  	_ =	shalt  }
0x6d: {  	_ =	shalt  }
0x6e: {  	_ =	shalt  }
0x6f: {  	_ =	shalt  }
0x70: {  	_ =	shalt  }
0x71: {  	_ =	shalt  }
0x72: {  	_ =	shalt  }
0x73: {  	_ =	shalt  }
0x74: {  	_ =	shalt  }
0x75: {  	_ =	shalt  }
0x76: {  	_ =	shalt  }
0x77: {  	_ =	shalt  }
0x78: {  	_ =	shalt  }
0x79: {  	_ =	shalt  }
0x7a: {  	_ =	shalt  }
0x7b: {  	_ =	shalt  }
0x7c: {  	_ =	shalt  }
0x7d: {  	_ =	shalt  }
0x7e: {  	_ =	shalt  }
0x7f: {  	_ =	shalt  }
0x80: {  	_ =	shalt  }
0x81: {  	_ =	shalt  }
0x82: {  	_ =	shalt  }
0x83: {  	_ =	shalt  }
0x84: {  	_ =	shalt  }
0x85: {  	_ =	shalt  }
0x86: {  	_ =	shalt  }
0x87: {  	_ =	shalt  }
.Lfunc_end0:
.L_simem_size_0:
called_computation_lowered:
.L_overlay_start_0:
0x88: {  	s2 =	sld [smem:$0x3FD9]  }
0x89: {  	s3 =	sld [smem:$0x3FFE];
	_ =	sdelay $0x1  }
0x8a: {  	s1 =	srdreg.scid  }
0x8b: {  	s0 =	sand.u32 $0x1, s1  }
0x8c: {  	s17 =	sshll.u32 s0, $0xA;
	s2 =	sadd.s32 s3, s2  }
0x8d: {  	s2 =	sadd.s32 s2, s17  }
0x8e: {  	[smem:$0x3FC1] =	sst s2  }
0x8f: {  	_ = 	snop  }
0x90: {  	s2 =	sld [smem:$0x3FC9]  }
0x91: {  	s18 =	sld [smem:$0x3FC8]  }
0x92: {  	s4 =	sld [smem:$0x3FC7]  }
0x93: {  	s5 =	sld [smem:$0x3FC6]  }
0x94: {  	s6 =	sld [smem:$0x3FC3];
	(tm) =	ssettm $0x1  }
0x95: {  	s7 =	sld [smem:$0x3FFB];
	_ =	sdelay $0x3  }
0x96: {  	_ =	strace s7  }
0x97: {  	s7 =	sld [smem:$0x3FFC];
	_ =	sdelay $0x3  }
0x98: {  	_ =	strace s7  }
0x99: {  	s7 =	sld [smem:$0x3FFD];
	_ =	sdelay $0x3  }
0x9a: {  	_ =	strace s7  }
0x9b: {  	_ =	strace $0x8FFFFFFF  }
0x9c: {  	s19 =	sld [smem:$0x3FDB];
	_ =	sdelay $0x1  }
0x9d: {  	s8 =	simm.s32 $_scs_section_size  }
0x9e: {  	s9 =	simm.s32 $_size__tile_overlayer_lowered;
	s10 =	simm.s32 $_tile_overlayer_lowered  }
0x9f: {  	s22 =	simm.s32 $0x1BFF;
	s21 =	sshll.u32 s10, $0x1;
	s7 =	sadd.s32 s8, s19  }
0xa0: {  	s11 =	simm.s32 $0x0;
	s20 =	sshll.u32 s9, $0x1;
	s9 =	sadd.s32 s21, s7  }
0xa1: {  	[timem:s11], [sflag:s22] =	dma.local [hbm:s9], s20  }
0xa2: {  	_ =	swait.ge [sflag:s22], s20  }
0xa3: {  	s8 =	ssub.s32 $0x0, s20;
	[sflag:s22] =	ssyncset.done $0x0  }
0xa4: {  	[sflag:s22] =	ssyncadd.s32 s8;
	_ =	sdelay $0x1  }
0xa5: {  	s23 =	simm.s32 $0x1B8B  }
0xa6: {  	_ =	swait.ge [sflag:s23], $0x1  }
0xa7: {  	[sflag:s23] =	ssyncset.done $0x0  }
0xa8: {  	s25 =	simm.s32 $0x1B8E;
	s24 =	sld [smem:$0x3FFE];
	[sflag:s23] =	ssyncadd.s32 $0xFFFFFFFF  }
0xa9: {  	s26 =	simm.s32 $execute0_lowered;
	[smem:$0x3FD2] =	sst s25  }
0xaa: {  	s9 =	sshll.u32 s26, $0x1;
	_ =	strace $0x80000046;
	[dreg:$0x1] =	wrdreg $0xFFFFFFFF  }
0xab: {  	s28 =	simm.s32 $_size_execute0_lowered;
	s7 =	sadd.s32 s7, s9;
	[dreg:$0x0] =	wrdreg $0x0  }
0xac: {  	s9 =	sshll.u32 s28, $0x1;
	[dreg:$0x2] =	wrdreg s7  }
0xad: {  	[dreg:$0x3] =	wrdreg s9  }
0xae: {  	[dreg:$0x4] =	wrdreg $0xC0  }
0xaf: {  	_ =	task [dreg:s11], $0x5FFFF  }
0xb0: {  	[dreg:$0x1] =	wrdreg $0xFFFFFFFF  }
0xb1: {  	[dreg:$0x0] =	wrdreg $0x60  }
0xb2: {  	[dreg:$0x2] =	wrdreg s2  }
0xb3: {  	[dreg:$0x3] =	wrdreg s18  }
0xb4: {  	[dreg:$0x4] =	wrdreg s4  }
0xb5: {  	[dreg:$0x5] =	wrdreg s5  }
0xb6: {  	[dreg:$0x6] =	wrdreg s6  }
0xb7: {  	[dreg:$0x7] =	wrdreg s24  }
0xb8: {  	[dreg:$0x8] =	wrdreg $0x9  }
0xb9: {  	_ =	task.clear_ibuf [dreg:s11], $0x9FFFF;
	_ =	strace $0x90000046  }
0xba: {  	s29 =	simm.s32 $0x9;
	_ =	strace $0x80000048  }
0xbb: {  	_ =	swait.ge [sflag:s29], $0x1  }
0xbc: {  	[sflag:s29] =	ssyncadd.s32 $0xFFFFFFFF  }
0xbd: {  	_ =	strace $0x90000048  }
0xbe: {  	_ =	sfence  }
0xbf: {  	s30 =	sld [smem:$0x0];
	_ =	sdelay $0x2  }
0xc0: {  	s31 =	sshll.u32 s1, $0xD;
	s1 =	sshrl.u32 s1, $0x2  }
0xc1: {  	s3 =	sand.u32 $0x4000, s31;
	s1 =	sadd.s32 s1, s30  }
0xc2: {  	s0 =	sor.u32 s3, s0;
	s1 =	sshll.u32 s1, $0x11  }
0xc3: {  	s0 =	sor.u32 s1, s0  }
0xc4: {  	s0 =	sadd.s32 $0x8F2B, s0  }
0xc5: {  	[sflag:s0] =	ssyncadd.remote.s32 $0x1  }
0xc6: {  	_ =	sfence.sel $0xFFFF  }
0xc7: {  	[dreg:$0x0] =	wrdreg $0xFFFFFFFF;
	(pc) =	sbr.abs _section_cstart, $3  }
0xc8: {  	[dreg:$0x1] =	wrdreg $0xFFFFFFFF  }
0xc9: {  	_ =	task.clear_ibuf [dreg:s11], $0x2FFFF;
	_ =	strace $0x9FFFFFFF  }
0xca: {  	(tm) =	ssettm $0x7FFFFFFF  }
0xcb: {  	_ =	shalt  }
tec
execute0_lowered:
.L_overlay_start_1:
0x0: {  	(tag) =	ssettag $0x1  }
0x1: {  	s0 =	rddreg [dreg:$0x0]  }
0x2: {  	s13 =	rddreg [dreg:$0x1]  }
0x3: {  	s1 =	rddreg [dreg:$0x2]  }
0x4: {  	s2 =	rddreg [dreg:$0x3]  }
0x5: {  	s3 =	rddreg [dreg:$0x4]  }
0x6: {  	s6 =	rddreg [dreg:$0x5];
	s5 =	simm.s32 $0x0;
	s7 =	srdreg.scid  }
0x7: {  	s4 =	stileid.u32;
	s17 =	simm.s32 $0x5;
	s18 =	simm.s32 $0x100  }
0x8: {  	s19 =	simm.s32 $0x80;
	s20 =	simm.s32 $0x200;
	s21 =	simm.s32 $0x8200  }
0x9: {  	s22 =	simm.s32 $0x180;
	s23 =	simm.s32 $0x4200;
	s24 =	simm.s32 $0xC200  }
0xa: {  	s25 =	simm.s32 $0x1;
	s28 =	simm.s32 $0x3;
	s29 =	simm.s32 $0x4  }
0xb: {  	s30 =	simm.s32 $0x10210;
	s31 =	simm.s32 $0x0;
	s7 =	sand.u32 $0x1, s7  }
0xc: {  	s8 =	sshll.u32 s4, $0x7;
	s9 =	sshll.u32 s7, $0x6;
	s7 =	ssub.s32 $0x2, s7  }
0xd: {  	[smem:$0x7FF] =	sst s5;
	s10 =	sor.u32 s9, s8;
	s26 =	sshrl.u32 s7, $0x1  }
0xe: {  	v0 =	vlaneseq.u32;
	_ =	strace $0x80000047;
	s14 =	sadd.s32 s10, s6;
	s15 =	ssub.s32 s7, s26  }
0xf: {  	v1 =	vmul.u32 $0x80, v0;
	s9 =	sor.u32 $0x10, s10;
	s6 =	sadd.s32 s0, s10;
	s7 =	sadd.s32 s13, s10  }
0x10: {  	s11 =	sor.u32 $0x20, s10;
	s16 =	sor.u32 $0x30, s10;
	s26 =	simm.s32 $0x2  }
0x11: {  	v2 =	vor.u32 $0x800, v1;
	s8 =	sadd.s32 s0, s9;
	s9 =	sadd.s32 s13, s9;
	s10 =	sadd.s32 s0, s11  }
0x12: {  	v3 =	vor.u32 $0x1000, v1;
	v4 =	vor.u32 $0x1800, v1;
	v5 =	vor.u32 $0x2000, v1;
	s11 =	sadd.s32 s13, s11;
	s12 =	sadd.s32 s0, s16;
	s13 =	sadd.s32 s13, s16  }
0x13: {  	v6 =	vor.u32 $0x2800, v1;
	v7 =	vor.u32 $0x3000, v1;
	v8 =	vor.u32 $0x3800, v1;
	s14 =	sadd.s32 $0x200, s14;
	s15 =	smax.u32 s15, $0x1;
	s16 =	simm.s32 $0x10200  }
.LBB2_1:
0x14: {  	[tilespmem:s16], [sflag:$0x5] =	stream.linear.gather [hbm4b:s3+s5], $0x1, $0x38;
	[tilespmem:$0x10410] =	vst v63  }
0x15: {  	_ =	swait.ge [sflag:s17], $0x1  }
0x16: {  	[sflag:s17] =	ssyncset.done $0x0  }
0x17: {  	[sflag:s17] =	ssyncadd.s32 $0xFFFFFFFF  }
0x18: {  	v9 =	vld [tilespmem:$0x10200];
	[tilespmem:s5], [sflag:$0x5] =	stream.linear.gather [hbm4b:s6+s5], $0x80, $0x38  }
0x19: {  	_ =	swait.ge [sflag:s17], $0x80  }
0x1a: {  	[sflag:s17] =	ssyncset.done $0x0  }
0x1b: {  	[sflag:s17] =	ssyncadd.s32 $0xFFFFFF80  }
0x1c: {  	[tilespmem:s18], [sflag:$0x5] =	stream.linear.gather [hbm4b:s7+s5], $0x80, $0x38;
	[tilespmem:$0x10410] =	vst v63  }
0x1d: {  	_ =	swait.ge [sflag:s17], $0x80  }
0x1e: {  	[sflag:s17] =	ssyncset.done $0x0  }
0x1f: {  	[sflag:s17] =	ssyncadd.s32 $0xFFFFFF80  }
0x20: {  	[tilespmem:s20], [sflag:$0x1] =	stream.indirect.gather [hbm4b:s1+s19], $0x80, s5, s19, $0xb8;
	[tilespmem:$0x10410] =	vst v63  }
0x21: {  	_ = 	snop  }
0x22: {  	[tilespmem:s21], [sflag:$0x2] =	stream.indirect.gather [hbm4b:s2+s19], $0x80, s18, s19, $0xb8;
	[tilespmem:$0x10410] =	vst v63  }
0x23: {  	_ = 	snop  }
0x24: {  	[tilespmem:s19], [sflag:$0x5] =	stream.linear.gather [hbm4b:s8+s5], $0x80, $0x38;
	[tilespmem:$0x10410] =	vst v63  }
0x25: {  	_ =	swait.ge [sflag:s17], $0x80  }
0x26: {  	[sflag:s17] =	ssyncset.done $0x0  }
0x27: {  	[sflag:s17] =	ssyncadd.s32 $0xFFFFFF80  }
0x28: {  	[tilespmem:s22], [sflag:$0x5] =	stream.linear.gather [hbm4b:s9+s5], $0x80, $0x38;
	[tilespmem:$0x10410] =	vst v63  }
0x29: {  	_ =	swait.ge [sflag:s17], $0x80  }
0x2a: {  	[sflag:s17] =	ssyncset.done $0x0  }
0x2b: {  	[sflag:s17] =	ssyncadd.s32 $0xFFFFFF80  }
0x2c: {  	[tilespmem:s23], [sflag:$0x3] =	stream.indirect.gather [hbm4b:s1+s19], $0x80, s19, s19, $0xb8;
	[tilespmem:$0x10410] =	vst v63  }
0x2d: {  	_ = 	snop  }
0x2e: {  	v10 =	vadd.s32 s5, v0;
	[tilespmem:s24], [sflag:$0x4] =	stream.indirect.gather [hbm4b:s2+s19], $0x80, s22, s19, $0xb8;
	[tilespmem:$0x10410] =	vst v63  }
0x2f: {  	v10 =	vand.u32 $0x7F, v10;
	_ =	swait.ge [sflag:s25], $0x4000  }
0x30: {  	v11 =	vor.u32 v8, v10;
	[sflag:s25] =	ssyncset.done $0x0  }
0x31: {  	[sflag:s25] =	ssyncadd.s32 $0xFFFFC000  }
0x32: {  	v12 =	vor.u32 v1, v10;
	_ =	swait.ge [sflag:s26], $0x4000  }
0x33: {  	[sflag:s26] =	ssyncset.done $0x0  }
0x34: {  	v13 =	vor.u32 v2, v10;
	[sflag:s26] =	ssyncadd.s32 $0xFFFFC000  }
0x35: {  	v14 =	vld.idx.msk [tilespmem:v11+s20+$0x0], $0xffff  }
0x36: {  	v15 =	vor.u32 v3, v10;
	v16 =	vld.idx.msk [tilespmem:v11+s21+$0x0], $0xffff  }
0x37: {  	v17 =	vld.idx.msk [tilespmem:v12+s20+$0x0], $0xffff  }
0x38: {  	v26 =	vor.u32 v4, v10;
	v12 =	vld.idx.msk [tilespmem:v12+s21+$0x0], $0xffff  }
0x39: {  	v19 =	vld.idx.msk [tilespmem:v13+s20+$0x0], $0xffff  }
0x3a: {  	v20 =	vor.u32 v5, v10;
	v22 =	vld.idx.msk [tilespmem:v13+s21+$0x0], $0xffff  }
0x3b: {  	v21 =	vor.u32 v6, v10;
	v18 =	vor.u32 v7, v10;
	v23 =	vld.idx.msk [tilespmem:v15+s20+$0x0], $0xffff  }
0x3c: {  	s0 =	simm.s32 $0x1;
	v11 =	vimm.f32 $0.0e+00;
	v25 =	vld.idx.msk [tilespmem:v15+s21+$0x0], $0xffff;
	v15 =	vimm.f32 $0.0e+00;
	v13 =	vmul.f32 v16, v14  }
0x3d: {  	v24 =	vld.idx.msk [tilespmem:v26+s20+$0x0], $0xffff;
	v14 =	vadd.s32 s0, v0;
	v28 =	vmul.f32 v12, v17;
	v16 =	vimm.f32 $0.0e+00  }
0x3e: {  	v26 =	vld.idx.msk [tilespmem:v26+s21+$0x0], $0xffff;
	v17 =	vimm.f32 $0.0e+00;
	v12 =	vimm.f32 $0.0e+00;
	v29 =	vand.u32 $0x7F, v14  }
0x3f: {  	v27 =	vld.idx.msk [tilespmem:v20+s20+$0x0], $0xffff;
	s0 =	simm.s32 $0x2;
	v14 =	vimm.f32 $0.0e+00;
	v10 =	vadd.f32 v13, v11;
	v13 =	vimm.f32 $0.0e+00  }
.LBB2_2:
0x40: {  	p0 =	sne.s32 s0, $0x7F;
	v30 =	vor.u32 v1, v29;
	v31 =	vor.u32 v2, v29;
	v32 =	vor.u32 v8, v29;
	v33 =	vld.idx.msk [tilespmem:v20+s21+$0x0], $0xffff  }
0x41: {  	v34 =	vor.u32 v3, v29;
	v35 =	vor.u32 v4, v29;
	v20 =	vor.u32 v5, v29;
	v36 =	vld.idx.msk [tilespmem:v21+s20+$0x0], $0xffff  }
0x42: {  	v37 =	vor.u32 v7, v29;
	v19 =	vmul.f32 v22, v19;
	v22 =	vld.idx.msk [tilespmem:v21+s21+$0x0], $0xffff;
	v21 =	vor.u32 v6, v29  }
0x43: {  	v11 =	vadd.f32 v28, v11;
	v23 =	vmul.f32 v25, v23;
	v25 =	vld.idx.msk [tilespmem:v18+s20+$0x0], $0xffff  }
0x44: {  	v15 =	vadd.f32 v19, v15;
	v19 =	vmul.f32 v26, v24;
	v24 =	vld.idx.msk [tilespmem:v18+s21+$0x0], $0xffff;
	v18 =	vmov v37  }
0x45: {  	v16 =	vadd.f32 v23, v16;
	v26 =	vld.idx.msk [tilespmem:v32+s20+$0x0], $0xffff  }
0x46: {  	v13 =	vadd.f32 v19, v13;
	v19 =	vmul.f32 v33, v27;
	v28 =	vld.idx.msk [tilespmem:v32+s21+$0x0], $0xffff  }
0x47: {  	v27 =	vld.idx.msk [tilespmem:v30+s20+$0x0], $0xffff  }
0x48: {  	v17 =	vadd.f32 v19, v17;
	v23 =	vmul.f32 v22, v36;
	v29 =	vld.idx.msk [tilespmem:v30+s21+$0x0], $0xffff  }
0x49: {  	v19 =	vld.idx.msk [tilespmem:v31+s20+$0x0], $0xffff  }
0x4a: {  	v14 =	vadd.f32 v23, v14;
	v24 =	vmul.f32 v24, v25;
	v22 =	vld.idx.msk [tilespmem:v31+s21+$0x0], $0xffff  }
.Ltmp0:
0x4b: {  	v23 =	vld.idx.msk [tilespmem:v34+s20+$0x0], $0xffff;
	(pc) =	sbr.rel @p0 .LBB2_2-.Ltmp0, $4  }
0x4c: {  	v30 =	vmul.f32 v28, v26;
	v12 =	vadd.f32 v24, v12;
	v25 =	vld.idx.msk [tilespmem:v34+s21+$0x0], $0xffff  }
0x4d: {  	v24 =	vld.idx.msk [tilespmem:v35+s20+$0x0], $0xffff  }
0x4e: {  	v31 =	vadd.s32 s0, v0;
	v28 =	vmul.f32 v29, v27;
	v10 =	vadd.f32 v30, v10;
	v26 =	vld.idx.msk [tilespmem:v35+s21+$0x0], $0xffff  }
0x4f: {  	s0 =	sadd.s32 $0x1, s0;
	v29 =	vand.u32 $0x7F, v31;
	v27 =	vld.idx.msk [tilespmem:v20+s20+$0x0], $0xffff  }
0x50: {  	_ =	sdelay $0x3  }
0x51: {  	v30 =	vor.u32 v8, v29;
	v20 =	vld.idx.msk [tilespmem:v20+s21+$0x0], $0xffff  }
0x52: {  	v31 =	vor.u32 v1, v29;
	v32 =	vld.idx.msk [tilespmem:v21+s20+$0x0], $0xffff  }
0x53: {  	v21 =	vld.idx.msk [tilespmem:v21+s21+$0x0], $0xffff  }
0x54: {  	v33 =	vor.u32 v2, v29;
	v34 =	vld.idx.msk [tilespmem:v18+s20+$0x0], $0xffff  }
0x55: {  	v18 =	vld.idx.msk [tilespmem:v18+s21+$0x0], $0xffff  }
0x56: {  	v35 =	vor.u32 v3, v29;
	v36 =	vld.idx.msk [tilespmem:v30+s20+$0x0], $0xffff  }
0x57: {  	v37 =	vld.idx.msk [tilespmem:v31+s20+$0x0], $0xffff  }
0x58: {  	v38 =	vor.u32 v4, v29;
	v31 =	vld.idx.msk [tilespmem:v31+s21+$0x0], $0xffff  }
0x59: {  	v39 =	vld.idx.msk [tilespmem:v33+s20+$0x0], $0xffff  }
0x5a: {  	v40 =	vor.u32 v5, v29;
	v33 =	vld.idx.msk [tilespmem:v33+s21+$0x0], $0xffff  }
0x5b: {  	v41 =	vld.idx.msk [tilespmem:v35+s20+$0x0], $0xffff  }
0x5c: {  	v42 =	vor.u32 v6, v29;
	v35 =	vld.idx.msk [tilespmem:v35+s21+$0x0], $0xffff  }
0x5d: {  	v43 =	vld.idx.msk [tilespmem:v38+s20+$0x0], $0xffff  }
0x5e: {  	v29 =	vor.u32 v7, v29;
	v38 =	vld.idx.msk [tilespmem:v38+s21+$0x0], $0xffff  }
0x5f: {  	v44 =	vld.idx.msk [tilespmem:v40+s20+$0x0], $0xffff  }
0x60: {  	v19 =	vmul.f32 v22, v19;
	v22 =	vmul.f32 v25, v23;
	v23 =	vld.idx.msk [tilespmem:v40+s21+$0x0], $0xffff  }
0x61: {  	v11 =	vadd.f32 v28, v11;
	v24 =	vmul.f32 v26, v24;
	v20 =	vmul.f32 v20, v27;
	v25 =	vld.idx.msk [tilespmem:v42+s20+$0x0], $0xffff  }
0x62: {  	v15 =	vadd.f32 v19, v15;
	v16 =	vadd.f32 v22, v16;
	v19 =	vmul.f32 v21, v32;
	v21 =	vld.idx.msk [tilespmem:v42+s21+$0x0], $0xffff  }
0x63: {  	v13 =	vadd.f32 v24, v13;
	v22 =	vld.idx.msk [tilespmem:v29+s20+$0x0], $0xffff;
	v17 =	vadd.f32 v20, v17;
	v20 =	vmul.f32 v31, v37  }
0x64: {  	v18 =	vmul.f32 v18, v34;
	v24 =	vld.idx.msk [tilespmem:v29+s21+$0x0], $0xffff;
	v14 =	vadd.f32 v19, v14;
	v19 =	vmul.f32 v33, v39  }
0x65: {  	v9 =	vbroadcast v9, $0x0;
	v26 =	vld.idx.msk [tilespmem:v30+s21+$0x0], $0xffff;
	v11 =	vadd.f32 v20, v11;
	v20 =	vmul.f32 v35, v41  }
0x66: {  	v12 =	vadd.f32 v18, v12;
	v18 =	vmul.f32 v38, v43;
	v15 =	vadd.f32 v19, v15  }
0x67: {  	v19 =	vmul.f32 v23, v44;
	v16 =	vadd.f32 v20, v16;
	v11 =	vadd.f32 v11, v9  }
0x68: {  	v13 =	vadd.f32 v18, v13;
	v18 =	vmul.f32 v21, v25;
	v15 =	vadd.f32 v15, v9  }
0x69: {  	v17 =	vadd.f32 v19, v17;
	v19 =	vmul.f32 v24, v22;
	[tilespmem:$0x10210] =	vst v11;
	v11 =	vadd.f32 v16, v9  }
0x6a: {  	v14 =	vadd.f32 v18, v14;
	v13 =	vadd.f32 v13, v9;
	v16 =	vmul.f32 v26, v36;
	[tilespmem:$0x10220] =	vst v15  }
0x6b: {  	v12 =	vadd.f32 v19, v12;
	[tilespmem:$0x10230] =	vst v11;
	v11 =	vadd.f32 v17, v9  }
0x6c: {  	[tilespmem:$0x10240] =	vst v13;
	v13 =	vadd.f32 v14, v9;
	v10 =	vadd.f32 v16, v10  }
0x6d: {  	[tilespmem:$0x10250] =	vst v11;
	v11 =	vadd.f32 v12, v9  }
0x6e: {  	[tilespmem:$0x10260] =	vst v13;
	v10 =	vadd.f32 v10, v9  }
0x6f: {  	[tilespmem:$0x10270] =	vst v11  }
0x70: {  	s0 =	simm.s32 $0x0;
	[tilespmem:$0x10280] =	vst v10  }
0x71: {  	[tilespmem:s0], [sflag:$0x5] =	stream.linear.gather [hbm4b:s10+s0], $0x80, $0x38;
	[tilespmem:$0x10410] =	vst v63  }
0x72: {  	_ =	swait.ge [sflag:s17], $0x80  }
0x73: {  	[sflag:s17] =	ssyncset.done $0x0  }
0x74: {  	[sflag:s17] =	ssyncadd.s32 $0xFFFFFF80  }
0x75: {  	[tilespmem:s18], [sflag:$0x5] =	stream.linear.gather [hbm4b:s11+s0], $0x80, $0x38;
	[tilespmem:$0x10410] =	vst v63  }
0x76: {  	_ =	swait.ge [sflag:s17], $0x80  }
0x77: {  	[sflag:s17] =	ssyncset.done $0x0  }
0x78: {  	[sflag:s17] =	ssyncadd.s32 $0xFFFFFF80  }
0x79: {  	[tilespmem:s20], [sflag:$0x1] =	stream.indirect.gather [hbm4b:s1+s19], $0x80, s0, s19, $0xb8;
	[tilespmem:$0x10410] =	vst v63  }
0x7a: {  	_ = 	snop  }
0x7b: {  	v10 =	vadd.s32 s0, v0;
	[tilespmem:s21], [sflag:$0x2] =	stream.indirect.gather [hbm4b:s2+s19], $0x80, s18, s19, $0xb8;
	[tilespmem:$0x10410] =	vst v63  }
0x7c: {  	v10 =	vand.u32 $0x7F, v10;
	_ =	swait.ge [sflag:s28], $0x4000  }
0x7d: {  	v11 =	vor.u32 v8, v10;
	[sflag:s28] =	ssyncset.done $0x0  }
0x7e: {  	[sflag:s28] =	ssyncadd.s32 $0xFFFFC000  }
0x7f: {  	v12 =	vor.u32 v1, v10;
	_ =	swait.ge [sflag:s29], $0x4000  }
0x80: {  	[sflag:s29] =	ssyncset.done $0x0  }
0x81: {  	v13 =	vor.u32 v2, v10;
	[sflag:s29] =	ssyncadd.s32 $0xFFFFC000  }
0x82: {  	v14 =	vld.idx.msk [tilespmem:v11+s23+$0x0], $0xffff  }
0x83: {  	v15 =	vor.u32 v3, v10;
	v16 =	vld.idx.msk [tilespmem:v11+s24+$0x0], $0xffff  }
0x84: {  	v17 =	vld.idx.msk [tilespmem:v12+s23+$0x0], $0xffff  }
0x85: {  	v26 =	vor.u32 v4, v10;
	v12 =	vld.idx.msk [tilespmem:v12+s24+$0x0], $0xffff  }
0x86: {  	v19 =	vld.idx.msk [tilespmem:v13+s23+$0x0], $0xffff  }
0x87: {  	v20 =	vor.u32 v5, v10;
	v22 =	vld.idx.msk [tilespmem:v13+s24+$0x0], $0xffff  }
0x88: {  	v21 =	vor.u32 v6, v10;
	v18 =	vor.u32 v7, v10;
	v23 =	vld.idx.msk [tilespmem:v15+s23+$0x0], $0xffff  }
0x89: {  	s0 =	simm.s32 $0x1;
	v11 =	vimm.f32 $0.0e+00;
	v25 =	vld.idx.msk [tilespmem:v15+s24+$0x0], $0xffff;
	v15 =	vimm.f32 $0.0e+00;
	v13 =	vmul.f32 v16, v14  }
0x8a: {  	v24 =	vld.idx.msk [tilespmem:v26+s23+$0x0], $0xffff;
	v14 =	vadd.s32 s0, v0;
	v28 =	vmul.f32 v12, v17;
	v16 =	vimm.f32 $0.0e+00  }
0x8b: {  	v27 =	vld.idx.msk [tilespmem:v26+s24+$0x0], $0xffff;
	v17 =	vimm.f32 $0.0e+00;
	v12 =	vimm.f32 $0.0e+00;
	v29 =	vand.u32 $0x7F, v14  }
0x8c: {  	v26 =	vld.idx.msk [tilespmem:v20+s23+$0x0], $0xffff;
	s0 =	simm.s32 $0x2;
	v14 =	vimm.f32 $0.0e+00;
	v10 =	vadd.f32 v13, v11;
	v13 =	vimm.f32 $0.0e+00  }
.LBB2_4:
0x8d: {  	p0 =	sne.s32 s0, $0x7F;
	v30 =	vor.u32 v1, v29;
	v31 =	vor.u32 v2, v29;
	v32 =	vor.u32 v8, v29;
	v33 =	vld.idx.msk [tilespmem:v20+s24+$0x0], $0xffff  }
0x8e: {  	v34 =	vor.u32 v3, v29;
	v35 =	vor.u32 v4, v29;
	v20 =	vor.u32 v5, v29;
	v36 =	vld.idx.msk [tilespmem:v21+s23+$0x0], $0xffff  }
0x8f: {  	v37 =	vor.u32 v7, v29;
	v19 =	vmul.f32 v22, v19;
	v22 =	vld.idx.msk [tilespmem:v21+s24+$0x0], $0xffff;
	v21 =	vor.u32 v6, v29  }
0x90: {  	v11 =	vadd.f32 v28, v11;
	v23 =	vmul.f32 v25, v23;
	v25 =	vld.idx.msk [tilespmem:v18+s23+$0x0], $0xffff  }
0x91: {  	v16 =	vadd.f32 v19, v16;
	v19 =	vmul.f32 v27, v24;
	v24 =	vld.idx.msk [tilespmem:v18+s24+$0x0], $0xffff;
	v18 =	vmov v37  }
0x92: {  	v17 =	vadd.f32 v23, v17;
	v27 =	vld.idx.msk [tilespmem:v32+s23+$0x0], $0xffff  }
0x93: {  	v15 =	vadd.f32 v19, v15;
	v19 =	vmul.f32 v33, v26;
	v28 =	vld.idx.msk [tilespmem:v32+s24+$0x0], $0xffff  }
0x94: {  	v26 =	vld.idx.msk [tilespmem:v30+s23+$0x0], $0xffff  }
0x95: {  	v14 =	vadd.f32 v19, v14;
	v23 =	vmul.f32 v22, v36;
	v29 =	vld.idx.msk [tilespmem:v30+s24+$0x0], $0xffff  }
0x96: {  	v19 =	vld.idx.msk [tilespmem:v31+s23+$0x0], $0xffff  }
0x97: {  	v13 =	vadd.f32 v23, v13;
	v24 =	vmul.f32 v24, v25;
	v22 =	vld.idx.msk [tilespmem:v31+s24+$0x0], $0xffff  }
.Ltmp1:
0x98: {  	v23 =	vld.idx.msk [tilespmem:v34+s23+$0x0], $0xffff;
	(pc) =	sbr.rel @p0 .LBB2_4-.Ltmp1, $4  }
0x99: {  	v30 =	vmul.f32 v28, v27;
	v12 =	vadd.f32 v24, v12;
	v25 =	vld.idx.msk [tilespmem:v34+s24+$0x0], $0xffff  }
0x9a: {  	v24 =	vld.idx.msk [tilespmem:v35+s23+$0x0], $0xffff  }
0x9b: {  	v31 =	vadd.s32 s0, v0;
	v28 =	vmul.f32 v29, v26;
	v10 =	vadd.f32 v30, v10;
	v27 =	vld.idx.msk [tilespmem:v35+s24+$0x0], $0xffff  }
0x9c: {  	s0 =	sadd.s32 $0x1, s0;
	v29 =	vand.u32 $0x7F, v31;
	v26 =	vld.idx.msk [tilespmem:v20+s23+$0x0], $0xffff  }
0x9d: {  	_ =	sdelay $0x3  }
0x9e: {  	v30 =	vor.u32 v8, v29;
	v20 =	vld.idx.msk [tilespmem:v20+s24+$0x0], $0xffff  }
0x9f: {  	v31 =	vor.u32 v1, v29;
	v32 =	vld.idx.msk [tilespmem:v21+s23+$0x0], $0xffff  }
0xa0: {  	v21 =	vld.idx.msk [tilespmem:v21+s24+$0x0], $0xffff  }
0xa1: {  	v33 =	vor.u32 v2, v29;
	v34 =	vld.idx.msk [tilespmem:v18+s23+$0x0], $0xffff  }
0xa2: {  	v18 =	vld.idx.msk [tilespmem:v18+s24+$0x0], $0xffff  }
0xa3: {  	v35 =	vor.u32 v3, v29;
	v36 =	vld.idx.msk [tilespmem:v30+s23+$0x0], $0xffff  }
0xa4: {  	v37 =	vld.idx.msk [tilespmem:v31+s23+$0x0], $0xffff  }
0xa5: {  	v38 =	vor.u32 v4, v29;
	v31 =	vld.idx.msk [tilespmem:v31+s24+$0x0], $0xffff  }
0xa6: {  	v39 =	vld.idx.msk [tilespmem:v33+s23+$0x0], $0xffff  }
0xa7: {  	v40 =	vor.u32 v5, v29;
	v33 =	vld.idx.msk [tilespmem:v33+s24+$0x0], $0xffff  }
0xa8: {  	v41 =	vld.idx.msk [tilespmem:v35+s23+$0x0], $0xffff  }
0xa9: {  	v42 =	vor.u32 v6, v29;
	v35 =	vld.idx.msk [tilespmem:v35+s24+$0x0], $0xffff  }
0xaa: {  	v43 =	vld.idx.msk [tilespmem:v38+s23+$0x0], $0xffff  }
0xab: {  	v29 =	vor.u32 v7, v29;
	v38 =	vld.idx.msk [tilespmem:v38+s24+$0x0], $0xffff  }
0xac: {  	v44 =	vld.idx.msk [tilespmem:v40+s23+$0x0], $0xffff  }
0xad: {  	v19 =	vmul.f32 v22, v19;
	v22 =	vmul.f32 v25, v23;
	v23 =	vld.idx.msk [tilespmem:v40+s24+$0x0], $0xffff  }
0xae: {  	v11 =	vadd.f32 v28, v11;
	v24 =	vmul.f32 v27, v24;
	v25 =	vld.idx.msk [tilespmem:v42+s23+$0x0], $0xffff  }
0xaf: {  	v16 =	vadd.f32 v19, v16;
	v17 =	vadd.f32 v22, v17;
	v19 =	vmul.f32 v20, v26;
	v20 =	vld.idx.msk [tilespmem:v42+s24+$0x0], $0xffff  }
0xb0: {  	v15 =	vadd.f32 v24, v15;
	v21 =	vmul.f32 v21, v32;
	v24 =	vld.idx.msk [tilespmem:v29+s23+$0x0], $0xffff;
	v22 =	vmul.f32 v31, v37  }
0xb1: {  	v18 =	vmul.f32 v18, v34;
	v26 =	vld.idx.msk [tilespmem:v29+s24+$0x0], $0xffff;
	v14 =	vadd.f32 v19, v14;
	v19 =	vmul.f32 v33, v39  }
0xb2: {  	v27 =	vld.idx.msk [tilespmem:v30+s24+$0x0], $0xffff;
	v13 =	vadd.f32 v21, v13;
	v21 =	vmul.f32 v35, v41;
	v11 =	vadd.f32 v22, v11  }
0xb3: {  	v12 =	vadd.f32 v18, v12;
	v18 =	vmul.f32 v38, v43;
	v16 =	vadd.f32 v19, v16  }
0xb4: {  	v17 =	vadd.f32 v21, v17;
	v19 =	vmul.f32 v23, v44;
	v11 =	vadd.f32 v11, v9  }
0xb5: {  	v15 =	vadd.f32 v18, v15;
	v18 =	vmul.f32 v20, v25;
	v16 =	vadd.f32 v16, v9  }
0xb6: {  	v14 =	vadd.f32 v19, v14;
	v19 =	vmul.f32 v26, v24;
	[tilespmem:$0x10290] =	vst v11;
	v11 =	vadd.f32 v17, v9  }
0xb7: {  	v13 =	vadd.f32 v18, v13;
	v15 =	vadd.f32 v15, v9;
	v17 =	vmul.f32 v27, v36;
	[tilespmem:$0x102A0] =	vst v16  }
0xb8: {  	v12 =	vadd.f32 v19, v12;
	[tilespmem:$0x102B0] =	vst v11;
	v11 =	vadd.f32 v14, v9  }
0xb9: {  	[tilespmem:$0x102C0] =	vst v15;
	v13 =	vadd.f32 v13, v9;
	v10 =	vadd.f32 v17, v10  }
0xba: {  	[tilespmem:$0x102D0] =	vst v11;
	v11 =	vadd.f32 v12, v9  }
0xbb: {  	[tilespmem:$0x102E0] =	vst v13;
	v10 =	vadd.f32 v10, v9  }
0xbc: {  	[tilespmem:$0x102F0] =	vst v11  }
0xbd: {  	s0 =	simm.s32 $0x0;
	[tilespmem:$0x10300] =	vst v10  }
0xbe: {  	[tilespmem:s19], [sflag:$0x5] =	stream.linear.gather [hbm4b:s12+s0], $0x80, $0x38;
	[tilespmem:$0x10410] =	vst v63  }
0xbf: {  	_ =	swait.ge [sflag:s17], $0x80  }
0xc0: {  	[sflag:s17] =	ssyncset.done $0x0  }
0xc1: {  	[sflag:s17] =	ssyncadd.s32 $0xFFFFFF80  }
0xc2: {  	[tilespmem:s22], [sflag:$0x5] =	stream.linear.gather [hbm4b:s13+s0], $0x80, $0x38;
	[tilespmem:$0x10410] =	vst v63  }
0xc3: {  	_ =	swait.ge [sflag:s17], $0x80  }
0xc4: {  	[sflag:s17] =	ssyncset.done $0x0  }
0xc5: {  	[sflag:s17] =	ssyncadd.s32 $0xFFFFFF80  }
0xc6: {  	[tilespmem:s23], [sflag:$0x3] =	stream.indirect.gather [hbm4b:s1+s19], $0x80, s19, s19, $0xb8;
	[tilespmem:$0x10410] =	vst v63  }
0xc7: {  	_ = 	snop  }
0xc8: {  	v10 =	vadd.s32 s0, v0;
	[tilespmem:s24], [sflag:$0x4] =	stream.indirect.gather [hbm4b:s2+s19], $0x80, s22, s19, $0xb8;
	[tilespmem:$0x10410] =	vst v63  }
0xc9: {  	v10 =	vand.u32 $0x7F, v10;
	_ =	swait.ge [sflag:s25], $0x4000  }
0xca: {  	v11 =	vor.u32 v8, v10;
	[sflag:s25] =	ssyncset.done $0x0  }
0xcb: {  	[sflag:s25] =	ssyncadd.s32 $0xFFFFC000  }
0xcc: {  	v12 =	vor.u32 v1, v10;
	_ =	swait.ge [sflag:s26], $0x4000  }
0xcd: {  	[sflag:s26] =	ssyncset.done $0x0  }
0xce: {  	v13 =	vor.u32 v2, v10;
	[sflag:s26] =	ssyncadd.s32 $0xFFFFC000  }
0xcf: {  	v14 =	vld.idx.msk [tilespmem:v11+s20+$0x0], $0xffff  }
0xd0: {  	v15 =	vor.u32 v3, v10;
	v16 =	vld.idx.msk [tilespmem:v11+s21+$0x0], $0xffff  }
0xd1: {  	v17 =	vld.idx.msk [tilespmem:v12+s20+$0x0], $0xffff  }
0xd2: {  	v26 =	vor.u32 v4, v10;
	v12 =	vld.idx.msk [tilespmem:v12+s21+$0x0], $0xffff  }
0xd3: {  	v19 =	vld.idx.msk [tilespmem:v13+s20+$0x0], $0xffff  }
0xd4: {  	v20 =	vor.u32 v5, v10;
	v22 =	vld.idx.msk [tilespmem:v13+s21+$0x0], $0xffff  }
0xd5: {  	v21 =	vor.u32 v6, v10;
	v18 =	vor.u32 v7, v10;
	v23 =	vld.idx.msk [tilespmem:v15+s20+$0x0], $0xffff  }
0xd6: {  	s0 =	simm.s32 $0x1;
	v11 =	vimm.f32 $0.0e+00;
	v25 =	vld.idx.msk [tilespmem:v15+s21+$0x0], $0xffff;
	v15 =	vimm.f32 $0.0e+00;
	v13 =	vmul.f32 v16, v14  }
0xd7: {  	v24 =	vld.idx.msk [tilespmem:v26+s20+$0x0], $0xffff;
	v14 =	vadd.s32 s0, v0;
	v28 =	vmul.f32 v12, v17;
	v16 =	vimm.f32 $0.0e+00  }
0xd8: {  	v27 =	vld.idx.msk [tilespmem:v26+s21+$0x0], $0xffff;
	v17 =	vimm.f32 $0.0e+00;
	v12 =	vimm.f32 $0.0e+00;
	v29 =	vand.u32 $0x7F, v14  }
0xd9: {  	v26 =	vld.idx.msk [tilespmem:v20+s20+$0x0], $0xffff;
	s0 =	simm.s32 $0x2;
	v14 =	vimm.f32 $0.0e+00;
	v10 =	vadd.f32 v13, v11;
	v13 =	vimm.f32 $0.0e+00  }
.LBB2_6:
0xda: {  	p0 =	sne.s32 s0, $0x7F;
	v30 =	vor.u32 v1, v29;
	v31 =	vor.u32 v2, v29;
	v32 =	vor.u32 v8, v29;
	v33 =	vld.idx.msk [tilespmem:v20+s21+$0x0], $0xffff  }
0xdb: {  	v34 =	vor.u32 v3, v29;
	v35 =	vor.u32 v4, v29;
	v20 =	vor.u32 v5, v29;
	v36 =	vld.idx.msk [tilespmem:v21+s20+$0x0], $0xffff  }
0xdc: {  	v37 =	vor.u32 v7, v29;
	v19 =	vmul.f32 v22, v19;
	v22 =	vld.idx.msk [tilespmem:v21+s21+$0x0], $0xffff;
	v21 =	vor.u32 v6, v29  }
0xdd: {  	v11 =	vadd.f32 v28, v11;
	v23 =	vmul.f32 v25, v23;
	v25 =	vld.idx.msk [tilespmem:v18+s20+$0x0], $0xffff  }
0xde: {  	v16 =	vadd.f32 v19, v16;
	v19 =	vmul.f32 v27, v24;
	v24 =	vld.idx.msk [tilespmem:v18+s21+$0x0], $0xffff;
	v18 =	vmov v37  }
0xdf: {  	v17 =	vadd.f32 v23, v17;
	v27 =	vld.idx.msk [tilespmem:v32+s20+$0x0], $0xffff  }
0xe0: {  	v15 =	vadd.f32 v19, v15;
	v19 =	vmul.f32 v33, v26;
	v28 =	vld.idx.msk [tilespmem:v32+s21+$0x0], $0xffff  }
0xe1: {  	v26 =	vld.idx.msk [tilespmem:v30+s20+$0x0], $0xffff  }
0xe2: {  	v14 =	vadd.f32 v19, v14;
	v23 =	vmul.f32 v22, v36;
	v29 =	vld.idx.msk [tilespmem:v30+s21+$0x0], $0xffff  }
0xe3: {  	v19 =	vld.idx.msk [tilespmem:v31+s20+$0x0], $0xffff  }
0xe4: {  	v13 =	vadd.f32 v23, v13;
	v24 =	vmul.f32 v24, v25;
	v22 =	vld.idx.msk [tilespmem:v31+s21+$0x0], $0xffff  }
.Ltmp2:
0xe5: {  	v23 =	vld.idx.msk [tilespmem:v34+s20+$0x0], $0xffff;
	(pc) =	sbr.rel @p0 .LBB2_6-.Ltmp2, $4  }
0xe6: {  	v30 =	vmul.f32 v28, v27;
	v12 =	vadd.f32 v24, v12;
	v25 =	vld.idx.msk [tilespmem:v34+s21+$0x0], $0xffff  }
0xe7: {  	v24 =	vld.idx.msk [tilespmem:v35+s20+$0x0], $0xffff  }
0xe8: {  	v31 =	vadd.s32 s0, v0;
	v28 =	vmul.f32 v29, v26;
	v10 =	vadd.f32 v30, v10;
	v27 =	vld.idx.msk [tilespmem:v35+s21+$0x0], $0xffff  }
0xe9: {  	s0 =	sadd.s32 $0x1, s0;
	v29 =	vand.u32 $0x7F, v31;
	v26 =	vld.idx.msk [tilespmem:v20+s20+$0x0], $0xffff  }
0xea: {  	_ =	sdelay $0x3  }
0xeb: {  	v30 =	vor.u32 v8, v29;
	v20 =	vld.idx.msk [tilespmem:v20+s21+$0x0], $0xffff  }
0xec: {  	v31 =	vor.u32 v1, v29;
	v32 =	vld.idx.msk [tilespmem:v21+s20+$0x0], $0xffff  }
0xed: {  	v21 =	vld.idx.msk [tilespmem:v21+s21+$0x0], $0xffff  }
0xee: {  	v33 =	vor.u32 v2, v29;
	v34 =	vld.idx.msk [tilespmem:v18+s20+$0x0], $0xffff  }
0xef: {  	v18 =	vld.idx.msk [tilespmem:v18+s21+$0x0], $0xffff  }
0xf0: {  	v35 =	vor.u32 v3, v29;
	v36 =	vld.idx.msk [tilespmem:v30+s20+$0x0], $0xffff  }
0xf1: {  	v37 =	vld.idx.msk [tilespmem:v31+s20+$0x0], $0xffff  }
0xf2: {  	v38 =	vor.u32 v4, v29;
	v31 =	vld.idx.msk [tilespmem:v31+s21+$0x0], $0xffff  }
0xf3: {  	v39 =	vld.idx.msk [tilespmem:v33+s20+$0x0], $0xffff  }
0xf4: {  	v40 =	vor.u32 v5, v29;
	v33 =	vld.idx.msk [tilespmem:v33+s21+$0x0], $0xffff  }
0xf5: {  	v41 =	vld.idx.msk [tilespmem:v35+s20+$0x0], $0xffff  }
0xf6: {  	v42 =	vor.u32 v6, v29;
	v35 =	vld.idx.msk [tilespmem:v35+s21+$0x0], $0xffff  }
0xf7: {  	v43 =	vld.idx.msk [tilespmem:v38+s20+$0x0], $0xffff  }
0xf8: {  	v29 =	vor.u32 v7, v29;
	v38 =	vld.idx.msk [tilespmem:v38+s21+$0x0], $0xffff  }
0xf9: {  	v44 =	vld.idx.msk [tilespmem:v40+s20+$0x0], $0xffff  }
0xfa: {  	v19 =	vmul.f32 v22, v19;
	v22 =	vmul.f32 v25, v23;
	v23 =	vld.idx.msk [tilespmem:v40+s21+$0x0], $0xffff  }
0xfb: {  	v11 =	vadd.f32 v28, v11;
	v24 =	vmul.f32 v27, v24;
	v25 =	vld.idx.msk [tilespmem:v42+s20+$0x0], $0xffff  }
0xfc: {  	v16 =	vadd.f32 v19, v16;
	v17 =	vadd.f32 v22, v17;
	v19 =	vmul.f32 v20, v26;
	v20 =	vld.idx.msk [tilespmem:v42+s21+$0x0], $0xffff  }
0xfd: {  	v15 =	vadd.f32 v24, v15;
	v21 =	vmul.f32 v21, v32;
	v24 =	vld.idx.msk [tilespmem:v29+s20+$0x0], $0xffff;
	v22 =	vmul.f32 v31, v37  }
0xfe: {  	v18 =	vmul.f32 v18, v34;
	v26 =	vld.idx.msk [tilespmem:v29+s21+$0x0], $0xffff;
	v14 =	vadd.f32 v19, v14;
	v19 =	vmul.f32 v33, v39  }
0xff: {  	v27 =	vld.idx.msk [tilespmem:v30+s21+$0x0], $0xffff;
	v13 =	vadd.f32 v21, v13;
	v21 =	vmul.f32 v35, v41;
	v11 =	vadd.f32 v22, v11  }
0x100: {  	v12 =	vadd.f32 v18, v12;
	v18 =	vmul.f32 v38, v43;
	v16 =	vadd.f32 v19, v16  }
0x101: {  	v17 =	vadd.f32 v21, v17;
	v19 =	vmul.f32 v23, v44;
	v11 =	vadd.f32 v11, v9  }
0x102: {  	v15 =	vadd.f32 v18, v15;
	v18 =	vmul.f32 v20, v25;
	v16 =	vadd.f32 v16, v9  }
0x103: {  	v14 =	vadd.f32 v19, v14;
	v19 =	vmul.f32 v26, v24;
	[tilespmem:$0x10310] =	vst v11;
	v11 =	vadd.f32 v17, v9  }
0x104: {  	v13 =	vadd.f32 v18, v13;
	v15 =	vadd.f32 v15, v9;
	v17 =	vmul.f32 v27, v36;
	[tilespmem:$0x10320] =	vst v16  }
0x105: {  	v12 =	vadd.f32 v19, v12;
	[tilespmem:$0x10330] =	vst v11;
	v11 =	vadd.f32 v14, v9  }
0x106: {  	[tilespmem:$0x10340] =	vst v15;
	v13 =	vadd.f32 v13, v9;
	v10 =	vadd.f32 v17, v10  }
0x107: {  	[tilespmem:$0x10350] =	vst v11;
	v11 =	vadd.f32 v12, v9  }
0x108: {  	[tilespmem:$0x10360] =	vst v13;
	v10 =	vadd.f32 v10, v9  }
0x109: {  	s0 =	simm.s32 $0x0;
	[tilespmem:$0x10370] =	vst v11  }
0x10a: {  	[tilespmem:$0x10380] =	vst v10;
	v10 =	vadd.s32 s0, v0  }
0x10b: {  	_ =	swait.ge [sflag:s28], $0x4000;
	v10 =	vand.u32 $0x7F, v10  }
0x10c: {  	[sflag:s28] =	ssyncset.done $0x0;
	v11 =	vor.u32 v8, v10  }
0x10d: {  	[sflag:s28] =	ssyncadd.s32 $0xFFFFC000  }
0x10e: {  	v12 =	vor.u32 v1, v10;
	_ =	swait.ge [sflag:s29], $0x4000  }
0x10f: {  	[sflag:s29] =	ssyncset.done $0x0  }
0x110: {  	v13 =	vor.u32 v2, v10;
	[sflag:s29] =	ssyncadd.s32 $0xFFFFC000  }
0x111: {  	v14 =	vld.idx.msk [tilespmem:v11+s23+$0x0], $0xffff  }
0x112: {  	v15 =	vor.u32 v3, v10;
	v16 =	vld.idx.msk [tilespmem:v11+s24+$0x0], $0xffff  }
0x113: {  	v17 =	vld.idx.msk [tilespmem:v12+s23+$0x0], $0xffff  }
0x114: {  	v26 =	vor.u32 v4, v10;
	v12 =	vld.idx.msk [tilespmem:v12+s24+$0x0], $0xffff  }
0x115: {  	v19 =	vld.idx.msk [tilespmem:v13+s23+$0x0], $0xffff  }
0x116: {  	v20 =	vor.u32 v5, v10;
	v22 =	vld.idx.msk [tilespmem:v13+s24+$0x0], $0xffff  }
0x117: {  	v21 =	vor.u32 v6, v10;
	v18 =	vor.u32 v7, v10;
	v23 =	vld.idx.msk [tilespmem:v15+s23+$0x0], $0xffff  }
0x118: {  	s0 =	simm.s32 $0x1;
	v11 =	vimm.f32 $0.0e+00;
	v25 =	vld.idx.msk [tilespmem:v15+s24+$0x0], $0xffff;
	v15 =	vimm.f32 $0.0e+00;
	v13 =	vmul.f32 v16, v14  }
0x119: {  	v24 =	vld.idx.msk [tilespmem:v26+s23+$0x0], $0xffff;
	v14 =	vadd.s32 s0, v0;
	v28 =	vmul.f32 v12, v17;
	v16 =	vimm.f32 $0.0e+00  }
0x11a: {  	v27 =	vld.idx.msk [tilespmem:v26+s24+$0x0], $0xffff;
	v17 =	vimm.f32 $0.0e+00;
	v12 =	vimm.f32 $0.0e+00;
	v29 =	vand.u32 $0x7F, v14  }
0x11b: {  	v26 =	vld.idx.msk [tilespmem:v20+s23+$0x0], $0xffff;
	s0 =	simm.s32 $0x2;
	v14 =	vimm.f32 $0.0e+00;
	v10 =	vadd.f32 v13, v11;
	v13 =	vimm.f32 $0.0e+00  }
.LBB2_8:
0x11c: {  	p0 =	sne.s32 s0, $0x7F;
	v30 =	vor.u32 v1, v29;
	v31 =	vor.u32 v2, v29;
	v32 =	vor.u32 v8, v29;
	v33 =	vld.idx.msk [tilespmem:v20+s24+$0x0], $0xffff  }
0x11d: {  	v34 =	vor.u32 v3, v29;
	v35 =	vor.u32 v4, v29;
	v20 =	vor.u32 v5, v29;
	v36 =	vld.idx.msk [tilespmem:v21+s23+$0x0], $0xffff  }
0x11e: {  	v37 =	vor.u32 v7, v29;
	v19 =	vmul.f32 v22, v19;
	v22 =	vld.idx.msk [tilespmem:v21+s24+$0x0], $0xffff;
	v21 =	vor.u32 v6, v29  }
0x11f: {  	v11 =	vadd.f32 v28, v11;
	v23 =	vmul.f32 v25, v23;
	v25 =	vld.idx.msk [tilespmem:v18+s23+$0x0], $0xffff  }
0x120: {  	v16 =	vadd.f32 v19, v16;
	v19 =	vmul.f32 v27, v24;
	v24 =	vld.idx.msk [tilespmem:v18+s24+$0x0], $0xffff;
	v18 =	vmov v37  }
0x121: {  	v17 =	vadd.f32 v23, v17;
	v27 =	vld.idx.msk [tilespmem:v32+s23+$0x0], $0xffff  }
0x122: {  	v15 =	vadd.f32 v19, v15;
	v19 =	vmul.f32 v33, v26;
	v28 =	vld.idx.msk [tilespmem:v32+s24+$0x0], $0xffff  }
0x123: {  	v26 =	vld.idx.msk [tilespmem:v30+s23+$0x0], $0xffff  }
0x124: {  	v14 =	vadd.f32 v19, v14;
	v23 =	vmul.f32 v22, v36;
	v29 =	vld.idx.msk [tilespmem:v30+s24+$0x0], $0xffff  }
0x125: {  	v19 =	vld.idx.msk [tilespmem:v31+s23+$0x0], $0xffff  }
0x126: {  	v13 =	vadd.f32 v23, v13;
	v24 =	vmul.f32 v24, v25;
	v22 =	vld.idx.msk [tilespmem:v31+s24+$0x0], $0xffff  }
.Ltmp3:
0x127: {  	v23 =	vld.idx.msk [tilespmem:v34+s23+$0x0], $0xffff;
	(pc) =	sbr.rel @p0 .LBB2_8-.Ltmp3, $4  }
0x128: {  	v30 =	vmul.f32 v28, v27;
	v12 =	vadd.f32 v24, v12;
	v25 =	vld.idx.msk [tilespmem:v34+s24+$0x0], $0xffff  }
0x129: {  	v24 =	vld.idx.msk [tilespmem:v35+s23+$0x0], $0xffff  }
0x12a: {  	v31 =	vadd.s32 s0, v0;
	v28 =	vmul.f32 v29, v26;
	v10 =	vadd.f32 v30, v10;
	v27 =	vld.idx.msk [tilespmem:v35+s24+$0x0], $0xffff  }
0x12b: {  	s0 =	sadd.s32 $0x1, s0;
	v29 =	vand.u32 $0x7F, v31;
	v26 =	vld.idx.msk [tilespmem:v20+s23+$0x0], $0xffff  }
0x12c: {  	_ =	sdelay $0x3  }
0x12d: {  	v30 =	vor.u32 v8, v29;
	v20 =	vld.idx.msk [tilespmem:v20+s24+$0x0], $0xffff  }
0x12e: {  	v31 =	vor.u32 v1, v29;
	v32 =	vld.idx.msk [tilespmem:v21+s23+$0x0], $0xffff  }
0x12f: {  	v61 =	vld.idx.msk [tilespmem:v21+s24+$0x0], $0xffff  }
0x130: {  	v33 =	vor.u32 v2, v29;
	v34 =	vld.idx.msk [tilespmem:v18+s23+$0x0], $0xffff  }
0x131: {  	v62 =	vld.idx.msk [tilespmem:v18+s24+$0x0], $0xffff  }
0x132: {  	v35 =	vor.u32 v3, v29;
	v36 =	vld.idx.msk [tilespmem:v30+s23+$0x0], $0xffff  }
0x133: {  	v37 =	vld.idx.msk [tilespmem:v31+s23+$0x0], $0xffff  }
0x134: {  	v38 =	vor.u32 v4, v29;
	v31 =	vld.idx.msk [tilespmem:v31+s24+$0x0], $0xffff  }
0x135: {  	v39 =	vld.idx.msk [tilespmem:v33+s23+$0x0], $0xffff  }
0x136: {  	v40 =	vor.u32 v5, v29;
	v33 =	vld.idx.msk [tilespmem:v33+s24+$0x0], $0xffff  }
0x137: {  	v41 =	vld.idx.msk [tilespmem:v35+s23+$0x0], $0xffff  }
0x138: {  	v42 =	vor.u32 v6, v29;
	v35 =	vld.idx.msk [tilespmem:v35+s24+$0x0], $0xffff  }
0x139: {  	v43 =	vld.idx.msk [tilespmem:v38+s23+$0x0], $0xffff  }
0x13a: {  	v63 =	vor.u32 v7, v29;
	v38 =	vld.idx.msk [tilespmem:v38+s24+$0x0], $0xffff  }
0x13b: {  	v44 =	vld.idx.msk [tilespmem:v40+s23+$0x0], $0xffff  }
0x13c: {  	v19 =	vmul.f32 v22, v19;
	v48 =	vmul.f32 v25, v23;
	v49 =	vld.idx.msk [tilespmem:v40+s24+$0x0], $0xffff  }
0x13d: {  	v11 =	vadd.f32 v28, v11;
	v24 =	vmul.f32 v27, v24;
	v50 =	vld.idx.msk [tilespmem:v42+s23+$0x0], $0xffff  }
0x13e: {  	v16 =	vadd.f32 v19, v16;
	v17 =	vadd.f32 v48, v17;
	v51 =	vmul.f32 v20, v26;
	v52 =	vld.idx.msk [tilespmem:v42+s24+$0x0], $0xffff  }
0x13f: {  	v15 =	vadd.f32 v24, v15;
	v21 =	vmul.f32 v61, v32;
	v54 =	vld.idx.msk [tilespmem:v63+s23+$0x0], $0xffff;
	v53 =	vmul.f32 v31, v37  }
0x140: {  	v18 =	vmul.f32 v62, v34;
	v56 =	vld.idx.msk [tilespmem:v63+s24+$0x0], $0xffff;
	v14 =	vadd.f32 v51, v14;
	v55 =	vmul.f32 v33, v39  }
0x141: {  	v57 =	vld.idx.msk [tilespmem:v30+s24+$0x0], $0xffff;
	v13 =	vadd.f32 v21, v13;
	v58 =	vmul.f32 v35, v41;
	v11 =	vadd.f32 v53, v11  }
0x142: {  	v12 =	vadd.f32 v18, v12;
	v59 =	vmul.f32 v38, v43;
	v16 =	vadd.f32 v55, v16  }
0x143: {  	v60 =	vmul.f32 v49, v44;
	v17 =	vadd.f32 v58, v17;
	v11 =	vadd.f32 v11, v9  }
0x144: {  	v61 =	vmul.f32 v52, v50;
	v15 =	vadd.f32 v59, v15;
	v16 =	vadd.f32 v16, v9  }
0x145: {  	v62 =	vmul.f32 v56, v54;
	v14 =	vadd.f32 v60, v14;
	[tilespmem:$0x10390] =	vst v11;
	v11 =	vadd.f32 v17, v9  }
0x146: {  	v63 =	vmul.f32 v57, v36;
	v13 =	vadd.f32 v61, v13;
	v15 =	vadd.f32 v15, v9;
	[tilespmem:$0x103A0] =	vst v16  }
0x147: {  	v12 =	vadd.f32 v62, v12;
	[tilespmem:$0x103B0] =	vst v11;
	v11 =	vadd.f32 v14, v9  }
0x148: {  	v10 =	vadd.f32 v63, v10;
	v13 =	vadd.f32 v13, v9;
	[tilespmem:$0x103C0] =	vst v15  }
0x149: {  	[tilespmem:$0x103D0] =	vst v11;
	v11 =	vadd.f32 v12, v9  }
0x14a: {  	s31 =	sadd.s32 $0x1, s31;
	[tilespmem:$0x103E0] =	vst v13;
	v9 =	vadd.f32 v10, v9  }
0x14b: {  	p0 =	sne.s32 s31, s15;
	[tilespmem:$0x103F0] =	vst v11  }
.Ltmp4:
0x14c: {  	[tilespmem:$0x10400] =	vst v9;
	(pc) =	sbr.rel @p0 .LBB2_1-.Ltmp4, $4  }
0x14d: {  	[hbm4b:s14+s5] =	stream.linear.scatter [tilespmem:s30], [sflag:$0x5], $0x200, $0x38;
	[tilespmem:$0x10410] =	vst v63  }
0x14e: {  	_ =	swait.ge [sflag:s17], $0x200  }
0x14f: {  	[sflag:s17] =	ssyncset.done $0x0  }
0x150: {  	[sflag:s17] =	ssyncadd.s32 $0xFFFFFE00  }
0x151: {  	_ =	sfence.sel $0x180000  }
0x152: {  	[bflag:$0x0] =	sbarrier.arrive $0xFFFF  }
0x153: {  	_ =	strace $0x90000047  }
0x154: {  	[bflag:$0x2] =	sbarrier.arrive $0xFFFF  }
0x155: {  	p0 =	sne.s32 s4, $0x0;
	s0 =	rddreg [dreg:$0x6]  }
0x156: {  	s0 =	sadd.s32 @!p0 $0x100000, s0  }
0x157: {  	[sflag:s0] =	ssyncadd.tile.s32 @!p0 $0x1;
	_ =	shalt  }
.Lfunc_end2:
_tile_overlayer_lowered:
.L_overlay_start_2:
0x158: {  	(tag) =	ssettag $0x2  }
0x159: {  	s0 =	rddreg [dreg:$0x0];
	s2 =	stileid.u32  }
0x15a: {  	s1 =	rddreg [dreg:$0x1];
	p0 =	sne.s32 s2, $0x0  }
0x15b: {  	s3 =	rddreg [dreg:$0x2];
	[bflag:$0x3] =	sbarrier.arrive $0xFFFF;
	s2 =	simm.s32 @!p0 $0x1C05  }
0x15c: {  	[timem:s3], [sflag:s2] =	dma.local @!p0 [hbm:s0], s1  }
0x15d: {  	s0 =	simm.s32 @!p0 $0x5  }
0x15e: {  	_ =	swait.ge @!p0 [sflag:s0], s1  }
0x15f: {  	s1 =	ssub.s32 @!p0 $0x0, s1;
	[sflag:s0] =	ssyncset.done @!p0 $0x0  }
0x160: {  	[sflag:s0] =	ssyncadd.s32 @!p0 s1  }
0x161: {  	[bflag:$0x3] =	sbarrier.arrive $0xFFFF  }
0x162: {  	_ =	shalt  }

// kernel: kernel.7.cloned.1.call-start
scs
__scs_entry_jumppad:
0x0: {  	(pc) =	sbr.rel $0x88, $3  }
0x1: {  	(tag) =	ssettag $0x0;
	lr =	simm.s32 $0x1  }
0x2: {  	[smem:$0x3F9A] =	sst lr;
	_ =	strace $0xD0000000  }
0x3: {  	_ = 	snop  }
0x4: {  	_ = 	snop  }
0x5: {  	_ = 	snop  }
0x6: {  	_ = 	snop  }
0x7: {  	_ = 	snop  }
__scs_overlays_trampoline_lowered:
0x8: {  	[smem:$0x3FA9] =	sst s0  }
0x9: {  	[smem:$0x3FAA] =	sst s1  }
0xa: {  	[smem:$0x3FAB] =	sst s2  }
0xb: {  	[smem:$0x3FAC] =	sst s3  }
0xc: {  	[smem:$0x3FAD] =	sst s4  }
0xd: {  	[smem:$0x3FAE] =	sst s5  }
0xe: {  	[smem:$0x3FAF] =	sst s6  }
0xf: {  	[smem:$0x3FB0] =	sst s7  }
0x10: {  	[smem:$0x3FB1] =	sst s8  }
0x11: {  	[smem:$0x3FB2] =	sst s9;
	s0 =	simm.s32 @!p0 $0x0  }
0x12: {  	s1 =	sld [smem:$0x3F98];
	s0 =	simm.s32 @p0 $0x1  }
0x13: {  	[smem:$0x3FB3] =	sst s0;
	s0 =	simm.s32 @!p1 $0x0  }
0x14: {  	s2 =	sld [smem:$0x3F97];
	s0 =	simm.s32 @p1 $0x1  }
0x15: {  	[smem:$0x3FB4] =	sst s0;
	s0 =	simm.s32 @!p2 $0x0  }
0x16: {  	s3 =	sld [smem:$0x3FDB];
	s0 =	simm.s32 @p2 $0x1  }
0x17: {  	s4 =	simm.s32 $0x1BF5;
	[smem:$0x3FB6] =	sst s0  }
0x18: {  	s0 =	sld [smem:$0x3F99];
	_ =	swait.ge [sflag:s4], $0x0  }
0x19: {  	s7 =	sld [smem:$0x3F9A]  }
0x1a: {  	s8 =	sadd.s32 $0xFFFFE003, lr  }
0x1b: {  	s9 =	sadd.s32 $0xFFFFFEF7, lr;
	s5 =	simm.s32 $0xFFFFFFFF;
	p2 =	slt.u32 s8, $0xFFFFF086  }
0x1c: {  	p1 =	slt.u32 s9, $0xF7A;
	s5 =	simm.s32 @!p2 $0x0  }
0x1d: {  	s5 =	simm.s32 @p1 $0x1;
	p0 =	seq.s32 s7, s2  }
0x1e: {  	s7 =	smul.u32 @!p0 $0xF7A, s2;
	p2 =	seq.s32 @!p0 s5, $0x0  }
0x1f: {  	s9 =	smul.u32 $0xF7A, s1;
	s8 =	simm.s32 @!p0 $0x1BF5;
	p2 =	por !p2, p0  }
0x20: {  	[sflag:s8] =	ssyncset.s32 @!p0 $0xFFFFF086;
	s6 =	sadd.s32 @!p0 s3, s7;
	s7 =	simm.s32 @!p0 $0x108  }
0x21: {  	s3 =	sadd.s32 s3, s9;
	s6 =	sadd.s32 @!p0 $0x88, s6;
	s7 =	simm.s32 @p2 $0x1082  }
0x22: {  	[simem:s7], [sflag:s8] =	dma.local @!p0 [hbm:s6], $0xF7A  }
0x23: {  	s9 =	sor.u32 $0xD0000000, s2;
	s6 =	simm.s32 $0x108;
	_ =	swait.ge @!p0 [sflag:s8], $0x0  }
0x24: {  	s3 =	sadd.s32 $0x88, s3;
	s6 =	simm.s32 @!p1 $0x1082;
	[sflag:s4] =	ssyncset.s32 $0xFFFFF086  }
0x25: {  	[simem:s6], [sflag:s4] =	dma.local [hbm:s3], $0xF7A  }
0x26: {  	[smem:$0x3F9A] =	sst s1;
	(tag) =	ssettag s2;
	_ =	strace s9  }
0x27: {  	s1 =	sld [smem:$0x3FAA]  }
0x28: {  	s2 =	sld [smem:$0x3FAB]  }
0x29: {  	s4 =	sld [smem:$0x3FAD]  }
0x2a: {  	p0 =	seq.s32 s5, $0x0;
	s5 =	sld [smem:$0x3FAE]  }
0x2b: {  	s6 =	sld [smem:$0x3FAF]  }
0x2c: {  	s7 =	sld [smem:$0x3FB0]  }
0x2d: {  	s3 =	simm.s32 $0x108;
	s8 =	sld [smem:$0x3FB1]  }
0x2e: {  	s3 =	simm.s32 @!p0 $0x1082;
	s9 =	sld [smem:$0x3FB2]  }
0x2f: {  	lr =	sadd.s32 s0, s3;
	s0 =	sld [smem:$0x3FA9]  }
0x30: {  	s3 =	sld [smem:$0x3FAC]  }
0x31: {  	[smem:$0x3FB5] =	sst s10  }
0x32: {  	s10 =	sld [smem:$0x3FB3];
	_ =	sdelay $0x3  }
0x33: {  	p0 =	seq.s32 s10, $0x1;
	s10 =	sld [smem:$0x3FB5];
	_ =	sdelay $0x3  }
0x34: {  	[smem:$0x3FB5] =	sst s10  }
0x35: {  	s10 =	sld [smem:$0x3FB4];
	_ =	sdelay $0x3  }
0x36: {  	p1 =	seq.s32 s10, $0x1;
	s10 =	sld [smem:$0x3FB5];
	_ =	sdelay $0x3  }
0x37: {  	[smem:$0x3FB5] =	sst s10  }
0x38: {  	s10 =	sld [smem:$0x3FB6]  }
0x39: {  	_ = 	snop;
	(pc) =	sbr.ind lr, $3  }
0x3a: {  	_ = 	snop  }
0x3b: {  	_ = 	snop  }
0x3c: {  	p2 =	seq.s32 s10, $0x1;
	s10 =	sld [smem:$0x3FB5]  }
0x3d: {  	_ =	shalt  }
0x3e: {  	_ =	shalt  }
0x3f: {  	_ =	shalt  }
0x40: {  	_ =	shalt  }
0x41: {  	_ =	shalt  }
0x42: {  	_ =	shalt  }
0x43: {  	_ =	shalt  }
0x44: {  	_ =	shalt  }
0x45: {  	_ =	shalt  }
0x46: {  	_ =	shalt  }
0x47: {  	_ =	shalt  }
0x48: {  	_ =	shalt  }
0x49: {  	_ =	shalt  }
0x4a: {  	_ =	shalt  }
0x4b: {  	_ =	shalt  }
0x4c: {  	_ =	shalt  }
0x4d: {  	_ =	shalt  }
0x4e: {  	_ =	shalt  }
0x4f: {  	_ =	shalt  }
0x50: {  	_ =	shalt  }
0x51: {  	_ =	shalt  }
0x52: {  	_ =	shalt  }
0x53: {  	_ =	shalt  }
0x54: {  	_ =	shalt  }
0x55: {  	_ =	shalt  }
0x56: {  	_ =	shalt  }
0x57: {  	_ =	shalt  }
0x58: {  	_ =	shalt  }
0x59: {  	_ =	shalt  }
0x5a: {  	_ =	shalt  }
0x5b: {  	_ =	shalt  }
0x5c: {  	_ =	shalt  }
0x5d: {  	_ =	shalt  }
0x5e: {  	_ =	shalt  }
0x5f: {  	_ =	shalt  }
0x60: {  	_ =	shalt  }
0x61: {  	_ =	shalt  }
0x62: {  	_ =	shalt  }
0x63: {  	_ =	shalt  }
0x64: {  	_ =	shalt  }
0x65: {  	_ =	shalt  }
0x66: {  	_ =	shalt  }
0x67: {  	_ =	shalt  }
0x68: {  	_ =	shalt  }
0x69: {  	_ =	shalt  }
0x6a: {  	_ =	shalt  }
0x6b: {  	_ =	shalt  }
0x6c: {  	_ =	shalt  }
0x6d: {  	_ =	shalt  }
0x6e: {  	_ =	shalt  }
0x6f: {  	_ =	shalt  }
0x70: {  	_ =	shalt  }
0x71: {  	_ =	shalt  }
0x72: {  	_ =	shalt  }
0x73: {  	_ =	shalt  }
0x74: {  	_ =	shalt  }
0x75: {  	_ =	shalt  }
0x76: {  	_ =	shalt  }
0x77: {  	_ =	shalt  }
0x78: {  	_ =	shalt  }
0x79: {  	_ =	shalt  }
0x7a: {  	_ =	shalt  }
0x7b: {  	_ =	shalt  }
0x7c: {  	_ =	shalt  }
0x7d: {  	_ =	shalt  }
0x7e: {  	_ =	shalt  }
0x7f: {  	_ =	shalt  }
0x80: {  	_ =	shalt  }
0x81: {  	_ =	shalt  }
0x82: {  	_ =	shalt  }
0x83: {  	_ =	shalt  }
0x84: {  	_ =	shalt  }
0x85: {  	_ =	shalt  }
0x86: {  	_ =	shalt  }
0x87: {  	_ =	shalt  }
.Lfunc_end0:
.L_simem_size_0:
called_computation.1_lowered:
.L_overlay_start_0:
0x88: {  	s2 =	sld [smem:$0x3FD9]  }
0x89: {  	s3 =	sld [smem:$0x3FFE];
	_ =	sdelay $0x1  }
0x8a: {  	s1 =	srdreg.scid  }
0x8b: {  	s0 =	sand.u32 $0x1, s1  }
0x8c: {  	s17 =	sshll.u32 s0, $0xA;
	s2 =	sadd.s32 s3, s2  }
0x8d: {  	s2 =	sadd.s32 s2, s17  }
0x8e: {  	[smem:$0x3FC1] =	sst s2  }
0x8f: {  	_ = 	snop  }
0x90: {  	s2 =	sld [smem:$0x3FC9]  }
0x91: {  	s18 =	sld [smem:$0x3FC8]  }
0x92: {  	s4 =	sld [smem:$0x3FD0];
	(tm) =	ssettm $0x1  }
0x93: {  	s5 =	sld [smem:$0x3FFB];
	_ =	sdelay $0x3  }
0x94: {  	_ =	strace s5  }
0x95: {  	s5 =	sld [smem:$0x3FFC];
	_ =	sdelay $0x3  }
0x96: {  	_ =	strace s5  }
0x97: {  	s5 =	sld [smem:$0x3FFD];
	_ =	sdelay $0x3  }
0x98: {  	_ =	strace s5  }
0x99: {  	_ =	strace $0x8FFFFFFF  }
0x9a: {  	s19 =	sld [smem:$0x3FDB];
	_ =	sdelay $0x1  }
0x9b: {  	s6 =	simm.s32 $_scs_section_size  }
0x9c: {  	s7 =	simm.s32 $_size__tile_overlayer_lowered;
	s8 =	simm.s32 $_tile_overlayer_lowered  }
0x9d: {  	s22 =	simm.s32 $0x1BFF;
	s21 =	sshll.u32 s8, $0x1;
	s5 =	sadd.s32 s6, s19  }
0x9e: {  	s9 =	simm.s32 $0x0;
	s20 =	sshll.u32 s7, $0x1;
	s7 =	sadd.s32 s21, s5  }
0x9f: {  	[timem:s9], [sflag:s22] =	dma.local [hbm:s7], s20  }
0xa0: {  	_ =	swait.ge [sflag:s22], s20  }
0xa1: {  	s6 =	ssub.s32 $0x0, s20;
	[sflag:s22] =	ssyncset.done $0x0  }
0xa2: {  	[sflag:s22] =	ssyncadd.s32 s6;
	_ =	sdelay $0x1  }
0xa3: {  	s23 =	simm.s32 $0x1B8B  }
0xa4: {  	_ =	swait.ge [sflag:s23], $0x1  }
0xa5: {  	[sflag:s23] =	ssyncset.done $0x0  }
0xa6: {  	s25 =	simm.s32 $0x1B8E;
	s24 =	sld [smem:$0x3FFE];
	[sflag:s23] =	ssyncadd.s32 $0xFFFFFFFF  }
0xa7: {  	s26 =	simm.s32 $execute0_lowered;
	[smem:$0x3FD2] =	sst s25  }
0xa8: {  	s7 =	sshll.u32 s26, $0x1;
	_ =	strace $0x80000049;
	[dreg:$0x1] =	wrdreg $0xFFFFFFFF  }
0xa9: {  	s28 =	simm.s32 $_size_execute0_lowered;
	s5 =	sadd.s32 s5, s7;
	[dreg:$0x0] =	wrdreg $0x0  }
0xaa: {  	s7 =	sshll.u32 s28, $0x1;
	[dreg:$0x2] =	wrdreg s5  }
0xab: {  	[dreg:$0x3] =	wrdreg s7  }
0xac: {  	[dreg:$0x4] =	wrdreg $0xC0  }
0xad: {  	_ =	task [dreg:s9], $0x5FFFF  }
0xae: {  	[dreg:$0x1] =	wrdreg $0xFFFFFFFF  }
0xaf: {  	[dreg:$0x0] =	wrdreg $0x60  }
0xb0: {  	[dreg:$0x2] =	wrdreg s2  }
0xb1: {  	[dreg:$0x3] =	wrdreg s18  }
0xb2: {  	[dreg:$0x4] =	wrdreg s24  }
0xb3: {  	[dreg:$0x5] =	wrdreg s4  }
0xb4: {  	[dreg:$0x6] =	wrdreg $0x9  }
0xb5: {  	_ =	task.clear_ibuf [dreg:s9], $0x7FFFF;
	_ =	strace $0x90000049  }
0xb6: {  	s29 =	simm.s32 $0x9;
	_ =	strace $0x8000004B  }
0xb7: {  	_ =	swait.ge [sflag:s29], $0x1  }
0xb8: {  	[sflag:s29] =	ssyncadd.s32 $0xFFFFFFFF  }
0xb9: {  	_ =	strace $0x9000004B  }
0xba: {  	_ =	sfence  }
0xbb: {  	s30 =	sld [smem:$0x0];
	_ =	sdelay $0x2  }
0xbc: {  	s31 =	sshll.u32 s1, $0xD;
	s1 =	sshrl.u32 s1, $0x2  }
0xbd: {  	s3 =	sand.u32 $0x4000, s31;
	s1 =	sadd.s32 s1, s30  }
0xbe: {  	s0 =	sor.u32 s3, s0;
	s1 =	sshll.u32 s1, $0x11  }
0xbf: {  	s0 =	sor.u32 s1, s0  }
0xc0: {  	s0 =	sadd.s32 $0x8F2B, s0  }
0xc1: {  	[sflag:s0] =	ssyncadd.remote.s32 $0x1  }
0xc2: {  	_ =	sfence.sel $0xFFFF  }
0xc3: {  	[dreg:$0x0] =	wrdreg $0xFFFFFFFF;
	(pc) =	sbr.abs _section_cstart, $3  }
0xc4: {  	[dreg:$0x1] =	wrdreg $0xFFFFFFFF  }
0xc5: {  	_ =	task.clear_ibuf [dreg:s9], $0x2FFFF;
	_ =	strace $0x9FFFFFFF  }
0xc6: {  	(tm) =	ssettm $0x7FFFFFFF  }
0xc7: {  	_ =	shalt  }
tec
execute0_lowered:
.L_overlay_start_1:
0x0: {  	(tag) =	ssettag $0x1  }
0x1: {  	s0 =	rddreg [dreg:$0x0]  }
0x2: {  	s1 =	rddreg [dreg:$0x1]  }
0x3: {  	s5 =	rddreg [dreg:$0x2];
	v0 =	vlaneseq.u32  }
0x4: {  	s8 =	rddreg [dreg:$0x3];
	s2 =	simm.s32 $0x0;
	s3 =	srdreg.scid;
	v0 =	vmul.u32 $0x10, v0  }
0x5: {  	s4 =	stileid.u32;
	s13 =	simm.s32 $0x80;
	s15 =	simm.s32 $0x800  }
0x6: {  	s17 =	simm.s32 $0x2800;
	s21 =	simm.s32 $0x3000;
	s22 =	simm.s32 $0x500;
	v1 =	vor.u32 $0x100, v0  }
0x7: {  	s23 =	simm.s32 $0x1800;
	s24 =	simm.s32 $0x700;
	s25 =	simm.s32 $0x3800;
	v2 =	vor.u32 $0x200, v0;
	v3 =	vor.u32 $0x300, v0;
	v4 =	vor.u32 $0x400, v0  }
0x8: {  	s28 =	simm.s32 $0x2000;
	s29 =	simm.s32 $0x780;
	s30 =	simm.s32 $0x4000;
	v5 =	vor.u32 $0x500, v0;
	v6 =	vor.u32 $0x600, v0;
	v7 =	vor.u32 $0x700, v0  }
0x9: {  	s31 =	simm.s32 $0x1;
	s12 =	simm.s32 $0x0;
	[smem:$0x7FF] =	sst s2;
	v8 =	vor.u32 $0x800, v0;
	v9 =	vor.u32 $0x900, v0;
	v10 =	vor.u32 $0xA00, v0  }
0xa: {  	s3 =	sand.u32 $0x1, s3;
	s4 =	sshll.u32 s4, $0x7;
	_ =	strace $0x8000004A;
	v11 =	vor.u32 $0xB00, v0;
	v12 =	vor.u32 $0xC00, v0;
	v13 =	vor.u32 $0xD00, v0  }
0xb: {  	s6 =	sshll.u32 s3, $0x6;
	s7 =	ssub.s32 $0x2, s3;
	s3 =	sadd.s32 $0x3C00, s5;
	v14 =	vor.u32 $0xE00, v0;
	v15 =	vor.u32 $0xF00, v0;
	v16 =	vor.u32 $0x1000, v0  }
0xc: {  	s9 =	sor.u32 s6, s4;
	s26 =	sshrl.u32 s7, $0x1;
	s4 =	sadd.s32 $0xA00, s5;
	v17 =	vor.u32 $0x1100, v0;
	v18 =	vor.u32 $0x1200, v0;
	v19 =	vor.u32 $0x1300, v0  }
0xd: {  	v20 =	vor.u32 $0x1400, v0;
	v21 =	vor.u32 $0x1500, v0;
	v22 =	vor.u32 $0x1600, v0;
	s10 =	sadd.s32 s9, s5;
	s11 =	ssub.s32 s7, s26;
	s5 =	sadd.s32 s0, s9  }
0xe: {  	v23 =	vor.u32 $0x1700, v0;
	v24 =	vor.u32 $0x1800, v0;
	v25 =	vor.u32 $0x1900, v0;
	s6 =	sadd.s32 s1, s9;
	s8 =	sadd.s32 s8, s9;
	s26 =	simm.s32 $0x580  }
0xf: {  	v26 =	vor.u32 $0x1A00, v0;
	v27 =	vor.u32 $0x1B00, v0;
	v28 =	vor.u32 $0x1C00, v0;
	s0 =	simm.s32 $0x2;
	s1 =	simm.s32 $0x3;
	s7 =	sadd.s32 $0x200, s10  }
0x10: {  	v29 =	vor.u32 $0x1D00, v0;
	v30 =	vor.u32 $0x1E00, v0;
	v31 =	vor.u32 $0x1F00, v0;
	s9 =	smax.u32 s11, $0x1;
	s10 =	simm.s32 $0x4;
	s11 =	simm.s32 $0x4A00  }
.LBB2_1:
0x11: {  	[tilespmem:s2], [sflag:$0x4] =	stream.linear.gather [hbm4b:s5+s2], $0x200, $0x38;
	[tilespmem:$0x4C00] =	vst v63  }
0x12: {  	_ =	swait.ge [sflag:s10], $0x200  }
0x13: {  	[sflag:s10] =	ssyncset.done $0x0  }
0x14: {  	s14 =	simm.s32 $0x200;
	[sflag:s10] =	ssyncadd.s32 $0xFFFFFE00  }
0x15: {  	[tilespmem:s14], [sflag:$0x4] =	stream.linear.gather [hbm4b:s6+s2], $0x200, $0x38;
	[tilespmem:$0x4C00] =	vst v63  }
0x16: {  	_ =	swait.ge [sflag:s10], $0x200  }
0x17: {  	[sflag:s10] =	ssyncset.done $0x0  }
0x18: {  	s18 =	simm.s32 $0x4800;
	s19 =	simm.s32 $0x20;
	[sflag:s10] =	ssyncadd.s32 $0xFFFFFE00  }
0x19: {  	[tilespmem:s18], [sflag:$0x1] =	stream.linear.gather [hbm4b:s7+s2], $0x200, $0x38;
	[tilespmem:$0x4C00] =	vst v63  }
0x1a: {  	v32 =	vld [tilespmem:s19+$0x10];
	_ =	sdelay $0x1  }
0x1b: {  	v33 =	vld [tilespmem:s19+$0xFFFFFFF0]  }
0x1c: {  	v34 =	vld [tilespmem:s19+$0xFFFFFFE0]  }
0x1d: {  	s20 =	simm.s32 $0x60;
	v35 =	vld [tilespmem:s19+$0x0]  }
0x1e: {  	s16 =	simm.s32 $0x420;
	v37 =	vld [tilespmem:s20+$0x10];
	v32 =	vshrl.u32 v32, $0x4  }
0x1f: {  	s18 =	simm.s32 $0x220;
	v38 =	vld [tilespmem:s20+$0xFFFFFFF0];
	[tilespmem:s16+$0x10] =	vst v32  }
0x20: {  	v58 =	vshrl.u32 v33, $0x4;
	v36 =	vld [tilespmem:s18+$0x10]  }
0x21: {  	v39 =	vld [tilespmem:s20+$0x0];
	v59 =	vshrl.u32 v34, $0x4;
	[tilespmem:s16+$0xFFFFFFF0] =	vst v58  }
0x22: {  	v60 =	vshrl.u32 v35, $0x4;
	v34 =	vld [tilespmem:s20+$0xFFFFFFE0];
	[tilespmem:s16+$0xFFFFFFE0] =	vst v59  }
0x23: {  	v62 =	vshrl.u32 v37, $0x4;
	[tilespmem:s16+$0x0] =	vst v60;
	s16 =	simm.s32 $0x460;
	v32 =	vld [tilespmem:s18+$0xFFFFFFE0]  }
0x24: {  	v63 =	vshrl.u32 v38, $0x4;
	v33 =	vld [tilespmem:s18+$0xFFFFFFF0];
	[tilespmem:s16+$0x10] =	vst v62  }
0x25: {  	s14 =	simm.s32 $0x620;
	v35 =	vld [tilespmem:s18+$0x0];
	s18 =	simm.s32 $0x260;
	[tilespmem:s16+$0xFFFFFFF0] =	vst v63;
	v61 =	vshrl.u32 v36, $0x4  }
0x26: {  	s19 =	simm.s32 $0x40;
	v37 =	vshrl.u32 v39, $0x4;
	s20 =	simm.s32 $0xA0;
	v36 =	vld [tilespmem:s18+$0x10];
	[tilespmem:s14+$0x10] =	vst v61  }
.LBB2_2:
0x27: {  	v38 =	vld [tilespmem:s20+$0x10];
	s19 =	sadd.s32 $0x40, s19;
	v34 =	vshrl.u32 v34, $0x4;
	[tilespmem:s16+$0x0] =	vst v37  }
0x28: {  	v37 =	vld [tilespmem:s20+$0xFFFFFFF0];
	p0 =	slt.u32 s19, $0x1C0;
	[tilespmem:s16+$0xFFFFFFE0] =	vst v34;
	v32 =	vshrl.u32 v32, $0x4  }
0x29: {  	v39 =	vld [tilespmem:s20+$0x0];
	[tilespmem:s14+$0xFFFFFFE0] =	vst v32;
	v32 =	vshrl.u32 v33, $0x4  }
.Ltmp0:
0x2a: {  	v34 =	vld [tilespmem:s20+$0xFFFFFFE0];
	[tilespmem:s14+$0xFFFFFFF0] =	vst v32;
	v33 =	vshrl.u32 v35, $0x4;
	(pc) =	sbr.rel @p0 .LBB2_2-.Ltmp0, $4  }
0x2b: {  	v32 =	vld [tilespmem:s18+$0xFFFFFFE0];
	v35 =	vshrl.u32 v36, $0x4;
	[tilespmem:s14+$0x0] =	vst v33;
	s14 =	sadd.s32 $0x40, s14  }
0x2c: {  	s16 =	sadd.s32 $0x40, s16;
	v36 =	vshrl.u32 v38, $0x4;
	v33 =	vld [tilespmem:s18+$0xFFFFFFF0];
	[tilespmem:s14+$0x10] =	vst v35  }
0x2d: {  	v37 =	vshrl.u32 v37, $0x4;
	[tilespmem:s16+$0x10] =	vst v36;
	v35 =	vld [tilespmem:s18+$0x0];
	s18 =	sadd.s32 $0x40, s18  }
0x2e: {  	s20 =	sadd.s32 $0x40, s20;
	[tilespmem:s16+$0xFFFFFFF0] =	vst v37;
	v37 =	vshrl.u32 v39, $0x4;
	v36 =	vld [tilespmem:s18+$0x10]  }
0x2f: {  	v34 =	vshrl.u32 v34, $0x4;
	[tilespmem:s16+$0x0] =	vst v37;
	v50 =	vld [tilespmem:s18+$0xFFFFFFF0]  }
0x30: {  	[tilespmem:s16+$0xFFFFFFE0] =	vst v34;
	v32 =	vshrl.u32 v32, $0x4;
	v38 =	vld [tilespmem:s18+$0x0]  }
0x31: {  	v34 =	vld [tilespmem:s18+$0xFFFFFFE0];
	[tilespmem:s14+$0xFFFFFFE0] =	vst v32;
	v51 =	vshrl.u32 v33, $0x4  }
0x32: {  	[tilespmem:s14+$0xFFFFFFF0] =	vst v51;
	v52 =	vshrl.u32 v35, $0x4  }
0x33: {  	s19 =	sadd.s32 $0x40, s14;
	v53 =	vshrl.u32 v36, $0x4;
	[tilespmem:s14+$0x0] =	vst v52  }
0x34: {  	[tilespmem:s19+$0x10] =	vst v53;
	v55 =	vshrl.u32 v50, $0x4  }
0x35: {  	[tilespmem:s19+$0xFFFFFFF0] =	vst v55;
	v56 =	vshrl.u32 v38, $0x4  }
0x36: {  	v54 =	vshrl.u32 v34, $0x4;
	[tilespmem:s19+$0x0] =	vst v56  }
0x37: {  	s20 =	simm.s32 $0x400;
	[tilespmem:s19+$0xFFFFFFE0] =	vst v54  }
0x38: {  	[tilespmem:s15], [sflag:$0x2] =	stream.indirect.gather [hbm4b:s3+s13], $0x10, s20, s13, $0xb8;
	[tilespmem:$0x4C00] =	vst v63  }
0x39: {  	s16 =	simm.s32 $0x600  }
0x3a: {  	[tilespmem:s17], [sflag:$0x3] =	stream.indirect.gather [hbm4b:s4+s13], $0x10, s16, s13, $0xb8;
	[tilespmem:$0x4C00] =	vst v63  }
0x3b: {  	s18 =	simm.s32 $0x480;
	s19 =	simm.s32 $0x1000  }
0x3c: {  	[tilespmem:s19], [sflag:$0x2] =	stream.indirect.gather [hbm4b:s3+s13], $0x10, s18, s13, $0xb8;
	[tilespmem:$0x4C00] =	vst v63  }
0x3d: {  	s20 =	simm.s32 $0x680  }
0x3e: {  	[tilespmem:s21], [sflag:$0x3] =	stream.indirect.gather [hbm4b:s4+s13], $0x10, s20, s13, $0xb8;
	[tilespmem:$0x4C00] =	vst v63  }
0x3f: {  	_ = 	snop  }
0x40: {  	[tilespmem:s23], [sflag:$0x2] =	stream.indirect.gather [hbm4b:s3+s13], $0x10, s22, s13, $0xb8;
	[tilespmem:$0x4C00] =	vst v63  }
0x41: {  	_ = 	snop  }
0x42: {  	[tilespmem:s25], [sflag:$0x3] =	stream.indirect.gather [hbm4b:s4+s13], $0x10, s24, s13, $0xb8;
	[tilespmem:$0x4C00] =	vst v63  }
0x43: {  	_ = 	snop  }
0x44: {  	[tilespmem:s28], [sflag:$0x2] =	stream.indirect.gather [hbm4b:s3+s13], $0x10, s26, s13, $0xb8;
	[tilespmem:$0x4C00] =	vst v63  }
0x45: {  	_ = 	snop  }
0x46: {  	[tilespmem:s30], [sflag:$0x3] =	stream.indirect.gather [hbm4b:s4+s13], $0x10, s29, s13, $0xb8;
	[tilespmem:$0x4C00] =	vst v63  }
0x47: {  	_ =	swait.ge [sflag:s31], $0x200  }
0x48: {  	[sflag:s31] =	ssyncset.done $0x0  }
0x49: {  	[sflag:s31] =	ssyncadd.s32 $0xFFFFFE00  }
0x4a: {  	_ =	swait.ge [sflag:s0], $0x800  }
0x4b: {  	[sflag:s0] =	ssyncset.done $0x0  }
0x4c: {  	[sflag:s0] =	ssyncadd.s32 $0xFFFFF800  }
0x4d: {  	_ =	swait.ge [sflag:s1], $0x800  }
0x4e: {  	[sflag:s1] =	ssyncset.done $0x0  }
0x4f: {  	[sflag:s1] =	ssyncadd.s32 $0xFFFFF800  }
0x50: {  	_ =	swait.ge [sflag:s0], $0x800  }
0x51: {  	[sflag:s0] =	ssyncset.done $0x0  }
0x52: {  	[sflag:s0] =	ssyncadd.s32 $0xFFFFF800  }
0x53: {  	_ =	swait.ge [sflag:s1], $0x800  }
0x54: {  	[sflag:s1] =	ssyncset.done $0x0  }
0x55: {  	[sflag:s1] =	ssyncadd.s32 $0xFFFFF800  }
0x56: {  	_ =	swait.ge [sflag:s0], $0x800  }
0x57: {  	[sflag:s0] =	ssyncset.done $0x0  }
0x58: {  	[sflag:s0] =	ssyncadd.s32 $0xFFFFF800  }
0x59: {  	_ =	swait.ge [sflag:s1], $0x800  }
0x5a: {  	[sflag:s1] =	ssyncset.done $0x0  }
0x5b: {  	[sflag:s1] =	ssyncadd.s32 $0xFFFFF800  }
0x5c: {  	_ =	swait.ge [sflag:s0], $0x800  }
0x5d: {  	[sflag:s0] =	ssyncset.done $0x0  }
0x5e: {  	[sflag:s0] =	ssyncadd.s32 $0xFFFFF800  }
0x5f: {  	_ =	swait.ge [sflag:s1], $0x800  }
0x60: {  	[sflag:s1] =	ssyncset.done $0x0  }
0x61: {  	[sflag:s1] =	ssyncadd.s32 $0xFFFFF800  }
0x62: {  	v57 =	vld [tilespmem:$0x0];
	_ =	sdelay $0x1  }
0x63: {  	v58 =	vld [tilespmem:$0x200];
	_ =	sdelay $0x2  }
0x64: {  	v32 =	vand.u32 $0xF, v57  }
0x65: {  	v32 =	vor.u32 v0, v32  }
0x66: {  	v33 =	vand.u32 $0xF, v58  }
0x67: {  	v33 =	vor.u32 v0, v33  }
0x68: {  	v59 =	vld [tilespmem:$0x10]  }
0x69: {  	v60 =	vld [tilespmem:$0x4800]  }
0x6a: {  	v32 =	vld.idx.msk [tilespmem:v32+s15+$0x0], $0xffff  }
0x6b: {  	v61 =	vld [tilespmem:$0x210]  }
0x6c: {  	v33 =	vld.idx.msk [tilespmem:v33+s17+$0x0], $0xffff;
	_ =	sdelay $0x1  }
0x6d: {  	v34 =	vand.u32 $0xF, v59  }
0x6e: {  	v34 =	vor.u32 v1, v34;
	v32 =	vadd.f32 v60, v32  }
0x6f: {  	v62 =	vand.u32 $0xF, v61  }
0x70: {  	v32 =	vadd.f32 v32, v33;
	v33 =	vor.u32 v1, v62  }
0x71: {  	v63 =	vld [tilespmem:$0x20]  }
0x72: {  	v40 =	vld [tilespmem:$0x4810];
	[tilespmem:$0x4A00] =	vst v32  }
0x73: {  	v32 =	vld.idx.msk [tilespmem:v34+s15+$0x0], $0xffff  }
0x74: {  	v41 =	vld [tilespmem:$0x220]  }
0x75: {  	v33 =	vld.idx.msk [tilespmem:v33+s17+$0x0], $0xffff;
	_ =	sdelay $0x1  }
0x76: {  	v34 =	vand.u32 $0xF, v63  }
0x77: {  	v34 =	vor.u32 v2, v34;
	v32 =	vadd.f32 v40, v32  }
0x78: {  	v42 =	vand.u32 $0xF, v41  }
0x79: {  	v32 =	vadd.f32 v32, v33;
	v33 =	vor.u32 v2, v42  }
0x7a: {  	v43 =	vld [tilespmem:$0x30]  }
0x7b: {  	v44 =	vld [tilespmem:$0x4820];
	[tilespmem:$0x4A10] =	vst v32  }
0x7c: {  	v32 =	vld.idx.msk [tilespmem:v34+s15+$0x0], $0xffff  }
0x7d: {  	v45 =	vld [tilespmem:$0x230]  }
0x7e: {  	v33 =	vld.idx.msk [tilespmem:v33+s17+$0x0], $0xffff;
	_ =	sdelay $0x1  }
0x7f: {  	v34 =	vand.u32 $0xF, v43  }
0x80: {  	v34 =	vor.u32 v3, v34;
	v32 =	vadd.f32 v44, v32  }
0x81: {  	v46 =	vand.u32 $0xF, v45  }
0x82: {  	v32 =	vadd.f32 v32, v33;
	v33 =	vor.u32 v3, v46  }
0x83: {  	v47 =	vld [tilespmem:$0x40]  }
0x84: {  	v48 =	vld [tilespmem:$0x4830];
	[tilespmem:$0x4A20] =	vst v32  }
0x85: {  	v32 =	vld.idx.msk [tilespmem:v34+s15+$0x0], $0xffff  }
0x86: {  	v49 =	vld [tilespmem:$0x240]  }
0x87: {  	v33 =	vld.idx.msk [tilespmem:v33+s17+$0x0], $0xffff;
	_ =	sdelay $0x1  }
0x88: {  	v34 =	vand.u32 $0xF, v47  }
0x89: {  	v34 =	vor.u32 v4, v34;
	v32 =	vadd.f32 v48, v32  }
0x8a: {  	v50 =	vand.u32 $0xF, v49  }
0x8b: {  	v32 =	vadd.f32 v32, v33;
	v33 =	vor.u32 v4, v50  }
0x8c: {  	v51 =	vld [tilespmem:$0x50]  }
0x8d: {  	v52 =	vld [tilespmem:$0x4840];
	[tilespmem:$0x4A30] =	vst v32  }
0x8e: {  	v32 =	vld.idx.msk [tilespmem:v34+s15+$0x0], $0xffff  }
0x8f: {  	v53 =	vld [tilespmem:$0x250]  }
0x90: {  	v33 =	vld.idx.msk [tilespmem:v33+s17+$0x0], $0xffff;
	_ =	sdelay $0x1  }
0x91: {  	v34 =	vand.u32 $0xF, v51  }
0x92: {  	v34 =	vor.u32 v5, v34;
	v32 =	vadd.f32 v52, v32  }
0x93: {  	v54 =	vand.u32 $0xF, v53  }
0x94: {  	v32 =	vadd.f32 v32, v33;
	v33 =	vor.u32 v5, v54  }
0x95: {  	v55 =	vld [tilespmem:$0x60]  }
0x96: {  	v56 =	vld [tilespmem:$0x4850];
	[tilespmem:$0x4A40] =	vst v32  }
0x97: {  	v32 =	vld.idx.msk [tilespmem:v34+s15+$0x0], $0xffff  }
0x98: {  	v57 =	vld [tilespmem:$0x260]  }
0x99: {  	v33 =	vld.idx.msk [tilespmem:v33+s17+$0x0], $0xffff;
	_ =	sdelay $0x1  }
0x9a: {  	v34 =	vand.u32 $0xF, v55  }
0x9b: {  	v34 =	vor.u32 v6, v34;
	v32 =	vadd.f32 v56, v32  }
0x9c: {  	v58 =	vand.u32 $0xF, v57  }
0x9d: {  	v32 =	vadd.f32 v32, v33;
	v33 =	vor.u32 v6, v58  }
0x9e: {  	v59 =	vld [tilespmem:$0x70]  }
0x9f: {  	v60 =	vld [tilespmem:$0x4860];
	[tilespmem:$0x4A50] =	vst v32  }
0xa0: {  	v32 =	vld.idx.msk [tilespmem:v34+s15+$0x0], $0xffff  }
0xa1: {  	v61 =	vld [tilespmem:$0x270]  }
0xa2: {  	v33 =	vld.idx.msk [tilespmem:v33+s17+$0x0], $0xffff;
	_ =	sdelay $0x1  }
0xa3: {  	v34 =	vand.u32 $0xF, v59  }
0xa4: {  	v34 =	vor.u32 v7, v34;
	v32 =	vadd.f32 v60, v32  }
0xa5: {  	v62 =	vand.u32 $0xF, v61  }
0xa6: {  	v32 =	vadd.f32 v32, v33;
	v33 =	vor.u32 v7, v62  }
0xa7: {  	v63 =	vld [tilespmem:$0x80]  }
0xa8: {  	v40 =	vld [tilespmem:$0x4870];
	[tilespmem:$0x4A60] =	vst v32  }
0xa9: {  	v32 =	vld.idx.msk [tilespmem:v34+s15+$0x0], $0xffff  }
0xaa: {  	v41 =	vld [tilespmem:$0x280]  }
0xab: {  	v33 =	vld.idx.msk [tilespmem:v33+s17+$0x0], $0xffff;
	_ =	sdelay $0x1  }
0xac: {  	v34 =	vand.u32 $0xF, v63  }
0xad: {  	v34 =	vor.u32 v8, v34;
	v32 =	vadd.f32 v40, v32  }
0xae: {  	v42 =	vand.u32 $0xF, v41  }
0xaf: {  	v32 =	vadd.f32 v32, v33;
	v33 =	vor.u32 v8, v42  }
0xb0: {  	v43 =	vld [tilespmem:$0x90]  }
0xb1: {  	v44 =	vld [tilespmem:$0x4880];
	[tilespmem:$0x4A70] =	vst v32  }
0xb2: {  	v32 =	vld.idx.msk [tilespmem:v34+s15+$0x0], $0xffff  }
0xb3: {  	v45 =	vld [tilespmem:$0x290]  }
0xb4: {  	v33 =	vld.idx.msk [tilespmem:v33+s17+$0x0], $0xffff;
	_ =	sdelay $0x1  }
0xb5: {  	v34 =	vand.u32 $0xF, v43  }
0xb6: {  	v34 =	vor.u32 v9, v34;
	v32 =	vadd.f32 v44, v32  }
0xb7: {  	v46 =	vand.u32 $0xF, v45  }
0xb8: {  	v32 =	vadd.f32 v32, v33;
	v33 =	vor.u32 v9, v46  }
0xb9: {  	v47 =	vld [tilespmem:$0xA0]  }
0xba: {  	v48 =	vld [tilespmem:$0x4890];
	[tilespmem:$0x4A80] =	vst v32  }
0xbb: {  	v32 =	vld.idx.msk [tilespmem:v34+s15+$0x0], $0xffff  }
0xbc: {  	v49 =	vld [tilespmem:$0x2A0]  }
0xbd: {  	v33 =	vld.idx.msk [tilespmem:v33+s17+$0x0], $0xffff;
	_ =	sdelay $0x1  }
0xbe: {  	v34 =	vand.u32 $0xF, v47  }
0xbf: {  	v34 =	vor.u32 v10, v34;
	v32 =	vadd.f32 v48, v32  }
0xc0: {  	v50 =	vand.u32 $0xF, v49  }
0xc1: {  	v32 =	vadd.f32 v32, v33;
	v33 =	vor.u32 v10, v50  }
0xc2: {  	v51 =	vld [tilespmem:$0xB0]  }
0xc3: {  	v52 =	vld [tilespmem:$0x48A0];
	[tilespmem:$0x4A90] =	vst v32  }
0xc4: {  	v32 =	vld.idx.msk [tilespmem:v34+s15+$0x0], $0xffff  }
0xc5: {  	v53 =	vld [tilespmem:$0x2B0]  }
0xc6: {  	v33 =	vld.idx.msk [tilespmem:v33+s17+$0x0], $0xffff;
	_ =	sdelay $0x1  }
0xc7: {  	v34 =	vand.u32 $0xF, v51  }
0xc8: {  	v34 =	vor.u32 v11, v34;
	v32 =	vadd.f32 v52, v32  }
0xc9: {  	v54 =	vand.u32 $0xF, v53  }
0xca: {  	v32 =	vadd.f32 v32, v33;
	v33 =	vor.u32 v11, v54  }
0xcb: {  	v55 =	vld [tilespmem:$0xC0]  }
0xcc: {  	v56 =	vld [tilespmem:$0x48B0];
	[tilespmem:$0x4AA0] =	vst v32  }
0xcd: {  	v32 =	vld.idx.msk [tilespmem:v34+s15+$0x0], $0xffff  }
0xce: {  	v57 =	vld [tilespmem:$0x2C0]  }
0xcf: {  	v33 =	vld.idx.msk [tilespmem:v33+s17+$0x0], $0xffff;
	_ =	sdelay $0x1  }
0xd0: {  	v34 =	vand.u32 $0xF, v55  }
0xd1: {  	v34 =	vor.u32 v12, v34;
	v32 =	vadd.f32 v56, v32  }
0xd2: {  	v58 =	vand.u32 $0xF, v57  }
0xd3: {  	v32 =	vadd.f32 v32, v33;
	v33 =	vor.u32 v12, v58  }
0xd4: {  	v59 =	vld [tilespmem:$0xD0]  }
0xd5: {  	v60 =	vld [tilespmem:$0x48C0];
	[tilespmem:$0x4AB0] =	vst v32  }
0xd6: {  	v32 =	vld.idx.msk [tilespmem:v34+s15+$0x0], $0xffff  }
0xd7: {  	v61 =	vld [tilespmem:$0x2D0]  }
0xd8: {  	v33 =	vld.idx.msk [tilespmem:v33+s17+$0x0], $0xffff;
	_ =	sdelay $0x1  }
0xd9: {  	v34 =	vand.u32 $0xF, v59  }
0xda: {  	v34 =	vor.u32 v13, v34;
	v32 =	vadd.f32 v60, v32  }
0xdb: {  	v62 =	vand.u32 $0xF, v61  }
0xdc: {  	v32 =	vadd.f32 v32, v33;
	v33 =	vor.u32 v13, v62  }
0xdd: {  	v63 =	vld [tilespmem:$0xE0]  }
0xde: {  	v40 =	vld [tilespmem:$0x48D0];
	[tilespmem:$0x4AC0] =	vst v32  }
0xdf: {  	v32 =	vld.idx.msk [tilespmem:v34+s15+$0x0], $0xffff  }
0xe0: {  	v41 =	vld [tilespmem:$0x2E0]  }
0xe1: {  	v33 =	vld.idx.msk [tilespmem:v33+s17+$0x0], $0xffff;
	_ =	sdelay $0x1  }
0xe2: {  	v34 =	vand.u32 $0xF, v63  }
0xe3: {  	v34 =	vor.u32 v14, v34;
	v32 =	vadd.f32 v40, v32  }
0xe4: {  	v42 =	vand.u32 $0xF, v41  }
0xe5: {  	v32 =	vadd.f32 v32, v33;
	v33 =	vor.u32 v14, v42  }
0xe6: {  	v43 =	vld [tilespmem:$0xF0]  }
0xe7: {  	v44 =	vld [tilespmem:$0x48E0];
	[tilespmem:$0x4AD0] =	vst v32  }
0xe8: {  	v32 =	vld.idx.msk [tilespmem:v34+s15+$0x0], $0xffff  }
0xe9: {  	v45 =	vld [tilespmem:$0x2F0]  }
0xea: {  	v33 =	vld.idx.msk [tilespmem:v33+s17+$0x0], $0xffff;
	_ =	sdelay $0x1  }
0xeb: {  	v34 =	vand.u32 $0xF, v43  }
0xec: {  	v34 =	vor.u32 v15, v34;
	v32 =	vadd.f32 v44, v32  }
0xed: {  	v46 =	vand.u32 $0xF, v45  }
0xee: {  	v32 =	vadd.f32 v32, v33;
	v33 =	vor.u32 v15, v46  }
0xef: {  	v47 =	vld [tilespmem:$0x100]  }
0xf0: {  	v48 =	vld [tilespmem:$0x48F0];
	[tilespmem:$0x4AE0] =	vst v32  }
0xf1: {  	v32 =	vld.idx.msk [tilespmem:v34+s15+$0x0], $0xffff  }
0xf2: {  	v49 =	vld [tilespmem:$0x300]  }
0xf3: {  	v33 =	vld.idx.msk [tilespmem:v33+s17+$0x0], $0xffff;
	_ =	sdelay $0x1  }
0xf4: {  	v34 =	vand.u32 $0xF, v47  }
0xf5: {  	v34 =	vor.u32 v16, v34;
	v32 =	vadd.f32 v48, v32  }
0xf6: {  	v50 =	vand.u32 $0xF, v49  }
0xf7: {  	v32 =	vadd.f32 v32, v33;
	v33 =	vor.u32 v16, v50  }
0xf8: {  	v51 =	vld [tilespmem:$0x110]  }
0xf9: {  	v52 =	vld [tilespmem:$0x4900];
	[tilespmem:$0x4AF0] =	vst v32  }
0xfa: {  	v32 =	vld.idx.msk [tilespmem:v34+s15+$0x0], $0xffff  }
0xfb: {  	v53 =	vld [tilespmem:$0x310]  }
0xfc: {  	v33 =	vld.idx.msk [tilespmem:v33+s17+$0x0], $0xffff;
	_ =	sdelay $0x1  }
0xfd: {  	v34 =	vand.u32 $0xF, v51  }
0xfe: {  	v34 =	vor.u32 v17, v34;
	v32 =	vadd.f32 v52, v32  }
0xff: {  	v54 =	vand.u32 $0xF, v53  }
0x100: {  	v32 =	vadd.f32 v32, v33;
	v33 =	vor.u32 v17, v54  }
0x101: {  	v55 =	vld [tilespmem:$0x120]  }
0x102: {  	v56 =	vld [tilespmem:$0x4910];
	[tilespmem:$0x4B00] =	vst v32  }
0x103: {  	v32 =	vld.idx.msk [tilespmem:v34+s15+$0x0], $0xffff  }
0x104: {  	v57 =	vld [tilespmem:$0x320]  }
0x105: {  	v33 =	vld.idx.msk [tilespmem:v33+s17+$0x0], $0xffff;
	_ =	sdelay $0x1  }
0x106: {  	v34 =	vand.u32 $0xF, v55  }
0x107: {  	v34 =	vor.u32 v18, v34;
	v32 =	vadd.f32 v56, v32  }
0x108: {  	v58 =	vand.u32 $0xF, v57  }
0x109: {  	v32 =	vadd.f32 v32, v33;
	v33 =	vor.u32 v18, v58  }
0x10a: {  	v59 =	vld [tilespmem:$0x130]  }
0x10b: {  	v60 =	vld [tilespmem:$0x4920];
	[tilespmem:$0x4B10] =	vst v32  }
0x10c: {  	v32 =	vld.idx.msk [tilespmem:v34+s15+$0x0], $0xffff  }
0x10d: {  	v61 =	vld [tilespmem:$0x330]  }
0x10e: {  	v33 =	vld.idx.msk [tilespmem:v33+s17+$0x0], $0xffff;
	_ =	sdelay $0x1  }
0x10f: {  	v34 =	vand.u32 $0xF, v59  }
0x110: {  	v34 =	vor.u32 v19, v34;
	v32 =	vadd.f32 v60, v32  }
0x111: {  	v62 =	vand.u32 $0xF, v61  }
0x112: {  	v32 =	vadd.f32 v32, v33;
	v33 =	vor.u32 v19, v62  }
0x113: {  	v63 =	vld [tilespmem:$0x140]  }
0x114: {  	v40 =	vld [tilespmem:$0x4930];
	[tilespmem:$0x4B20] =	vst v32  }
0x115: {  	v32 =	vld.idx.msk [tilespmem:v34+s15+$0x0], $0xffff  }
0x116: {  	v41 =	vld [tilespmem:$0x340]  }
0x117: {  	v33 =	vld.idx.msk [tilespmem:v33+s17+$0x0], $0xffff;
	_ =	sdelay $0x1  }
0x118: {  	v34 =	vand.u32 $0xF, v63  }
0x119: {  	v34 =	vor.u32 v20, v34;
	v32 =	vadd.f32 v40, v32  }
0x11a: {  	v42 =	vand.u32 $0xF, v41  }
0x11b: {  	v32 =	vadd.f32 v32, v33;
	v33 =	vor.u32 v20, v42  }
0x11c: {  	v43 =	vld [tilespmem:$0x150]  }
0x11d: {  	v44 =	vld [tilespmem:$0x4940];
	[tilespmem:$0x4B30] =	vst v32  }
0x11e: {  	v32 =	vld.idx.msk [tilespmem:v34+s15+$0x0], $0xffff  }
0x11f: {  	v45 =	vld [tilespmem:$0x350]  }
0x120: {  	v33 =	vld.idx.msk [tilespmem:v33+s17+$0x0], $0xffff;
	_ =	sdelay $0x1  }
0x121: {  	v34 =	vand.u32 $0xF, v43  }
0x122: {  	v34 =	vor.u32 v21, v34;
	v32 =	vadd.f32 v44, v32  }
0x123: {  	v46 =	vand.u32 $0xF, v45  }
0x124: {  	v32 =	vadd.f32 v32, v33;
	v33 =	vor.u32 v21, v46  }
0x125: {  	v47 =	vld [tilespmem:$0x160]  }
0x126: {  	v48 =	vld [tilespmem:$0x4950];
	[tilespmem:$0x4B40] =	vst v32  }
0x127: {  	v32 =	vld.idx.msk [tilespmem:v34+s15+$0x0], $0xffff  }
0x128: {  	v49 =	vld [tilespmem:$0x360]  }
0x129: {  	v33 =	vld.idx.msk [tilespmem:v33+s17+$0x0], $0xffff;
	_ =	sdelay $0x1  }
0x12a: {  	v34 =	vand.u32 $0xF, v47  }
0x12b: {  	v34 =	vor.u32 v22, v34;
	v32 =	vadd.f32 v48, v32  }
0x12c: {  	v50 =	vand.u32 $0xF, v49  }
0x12d: {  	v32 =	vadd.f32 v32, v33;
	v33 =	vor.u32 v22, v50  }
0x12e: {  	v51 =	vld [tilespmem:$0x170]  }
0x12f: {  	v52 =	vld [tilespmem:$0x4960];
	[tilespmem:$0x4B50] =	vst v32  }
0x130: {  	v32 =	vld.idx.msk [tilespmem:v34+s15+$0x0], $0xffff  }
0x131: {  	v53 =	vld [tilespmem:$0x370]  }
0x132: {  	v33 =	vld.idx.msk [tilespmem:v33+s17+$0x0], $0xffff;
	_ =	sdelay $0x1  }
0x133: {  	v34 =	vand.u32 $0xF, v51  }
0x134: {  	v34 =	vor.u32 v23, v34;
	v32 =	vadd.f32 v52, v32  }
0x135: {  	v54 =	vand.u32 $0xF, v53  }
0x136: {  	v32 =	vadd.f32 v32, v33;
	v33 =	vor.u32 v23, v54  }
0x137: {  	v55 =	vld [tilespmem:$0x180]  }
0x138: {  	v56 =	vld [tilespmem:$0x4970];
	[tilespmem:$0x4B60] =	vst v32  }
0x139: {  	v32 =	vld.idx.msk [tilespmem:v34+s15+$0x0], $0xffff  }
0x13a: {  	v57 =	vld [tilespmem:$0x380]  }
0x13b: {  	v33 =	vld.idx.msk [tilespmem:v33+s17+$0x0], $0xffff;
	_ =	sdelay $0x1  }
0x13c: {  	v34 =	vand.u32 $0xF, v55  }
0x13d: {  	v34 =	vor.u32 v24, v34;
	v32 =	vadd.f32 v56, v32  }
0x13e: {  	v58 =	vand.u32 $0xF, v57  }
0x13f: {  	v32 =	vadd.f32 v32, v33;
	v33 =	vor.u32 v24, v58  }
0x140: {  	v59 =	vld [tilespmem:$0x190]  }
0x141: {  	v60 =	vld [tilespmem:$0x4980];
	[tilespmem:$0x4B70] =	vst v32  }
0x142: {  	v32 =	vld.idx.msk [tilespmem:v34+s15+$0x0], $0xffff  }
0x143: {  	v61 =	vld [tilespmem:$0x390]  }
0x144: {  	v33 =	vld.idx.msk [tilespmem:v33+s17+$0x0], $0xffff;
	_ =	sdelay $0x1  }
0x145: {  	v34 =	vand.u32 $0xF, v59  }
0x146: {  	v34 =	vor.u32 v25, v34;
	v32 =	vadd.f32 v60, v32  }
0x147: {  	v62 =	vand.u32 $0xF, v61  }
0x148: {  	v32 =	vadd.f32 v32, v33;
	v33 =	vor.u32 v25, v62  }
0x149: {  	v63 =	vld [tilespmem:$0x1A0]  }
0x14a: {  	v40 =	vld [tilespmem:$0x4990];
	[tilespmem:$0x4B80] =	vst v32  }
0x14b: {  	v32 =	vld.idx.msk [tilespmem:v34+s15+$0x0], $0xffff  }
0x14c: {  	v41 =	vld [tilespmem:$0x3A0]  }
0x14d: {  	v33 =	vld.idx.msk [tilespmem:v33+s17+$0x0], $0xffff;
	_ =	sdelay $0x1  }
0x14e: {  	v34 =	vand.u32 $0xF, v63  }
0x14f: {  	v34 =	vor.u32 v26, v34;
	v32 =	vadd.f32 v40, v32  }
0x150: {  	v42 =	vand.u32 $0xF, v41  }
0x151: {  	v32 =	vadd.f32 v32, v33;
	v33 =	vor.u32 v26, v42  }
0x152: {  	v43 =	vld [tilespmem:$0x1B0]  }
0x153: {  	v44 =	vld [tilespmem:$0x49A0];
	[tilespmem:$0x4B90] =	vst v32  }
0x154: {  	v32 =	vld.idx.msk [tilespmem:v34+s15+$0x0], $0xffff  }
0x155: {  	v45 =	vld [tilespmem:$0x3B0]  }
0x156: {  	v33 =	vld.idx.msk [tilespmem:v33+s17+$0x0], $0xffff;
	_ =	sdelay $0x1  }
0x157: {  	v34 =	vand.u32 $0xF, v43  }
0x158: {  	v34 =	vor.u32 v27, v34;
	v32 =	vadd.f32 v44, v32  }
0x159: {  	v46 =	vand.u32 $0xF, v45  }
0x15a: {  	v32 =	vadd.f32 v32, v33;
	v33 =	vor.u32 v27, v46  }
0x15b: {  	v47 =	vld [tilespmem:$0x1C0]  }
0x15c: {  	v48 =	vld [tilespmem:$0x49B0];
	[tilespmem:$0x4BA0] =	vst v32  }
0x15d: {  	v32 =	vld.idx.msk [tilespmem:v34+s15+$0x0], $0xffff  }
0x15e: {  	v49 =	vld [tilespmem:$0x3C0]  }
0x15f: {  	v33 =	vld.idx.msk [tilespmem:v33+s17+$0x0], $0xffff;
	_ =	sdelay $0x1  }
0x160: {  	v34 =	vand.u32 $0xF, v47  }
0x161: {  	v34 =	vor.u32 v28, v34;
	v32 =	vadd.f32 v48, v32  }
0x162: {  	v50 =	vand.u32 $0xF, v49  }
0x163: {  	v32 =	vadd.f32 v32, v33;
	v33 =	vor.u32 v28, v50  }
0x164: {  	v51 =	vld [tilespmem:$0x1D0]  }
0x165: {  	v52 =	vld [tilespmem:$0x49C0];
	[tilespmem:$0x4BB0] =	vst v32  }
0x166: {  	v32 =	vld.idx.msk [tilespmem:v34+s15+$0x0], $0xffff  }
0x167: {  	v53 =	vld [tilespmem:$0x3D0]  }
0x168: {  	v33 =	vld.idx.msk [tilespmem:v33+s17+$0x0], $0xffff;
	_ =	sdelay $0x1  }
0x169: {  	v34 =	vand.u32 $0xF, v51  }
0x16a: {  	v34 =	vor.u32 v29, v34;
	v32 =	vadd.f32 v52, v32  }
0x16b: {  	v54 =	vand.u32 $0xF, v53  }
0x16c: {  	v32 =	vadd.f32 v32, v33;
	v33 =	vor.u32 v29, v54  }
0x16d: {  	v55 =	vld [tilespmem:$0x1E0]  }
0x16e: {  	v56 =	vld [tilespmem:$0x49D0];
	[tilespmem:$0x4BC0] =	vst v32  }
0x16f: {  	v32 =	vld.idx.msk [tilespmem:v34+s15+$0x0], $0xffff  }
0x170: {  	v57 =	vld [tilespmem:$0x3E0]  }
0x171: {  	v33 =	vld.idx.msk [tilespmem:v33+s17+$0x0], $0xffff;
	_ =	sdelay $0x1  }
0x172: {  	v34 =	vand.u32 $0xF, v55  }
0x173: {  	v34 =	vor.u32 v30, v34;
	v32 =	vadd.f32 v56, v32  }
0x174: {  	v58 =	vand.u32 $0xF, v57  }
0x175: {  	v32 =	vadd.f32 v32, v33;
	v33 =	vor.u32 v30, v58  }
0x176: {  	v59 =	vld [tilespmem:$0x1F0]  }
0x177: {  	v60 =	vld [tilespmem:$0x49E0];
	[tilespmem:$0x4BD0] =	vst v32  }
0x178: {  	v32 =	vld.idx.msk [tilespmem:v34+s15+$0x0], $0xffff  }
0x179: {  	v61 =	vld [tilespmem:$0x3F0]  }
0x17a: {  	v33 =	vld.idx.msk [tilespmem:v33+s17+$0x0], $0xffff;
	_ =	sdelay $0x1  }
0x17b: {  	v34 =	vand.u32 $0xF, v59  }
0x17c: {  	v34 =	vor.u32 v31, v34;
	v32 =	vadd.f32 v60, v32  }
0x17d: {  	v62 =	vand.u32 $0xF, v61  }
0x17e: {  	v32 =	vadd.f32 v32, v33;
	v33 =	vor.u32 v31, v62;
	_ =	sdelay $0x1  }
0x17f: {  	v63 =	vld [tilespmem:$0x49F0];
	[tilespmem:$0x4BE0] =	vst v32  }
0x180: {  	v32 =	vld.idx.msk [tilespmem:v34+s15+$0x0], $0xffff;
	_ =	sdelay $0x1  }
0x181: {  	v33 =	vld.idx.msk [tilespmem:v33+s17+$0x0], $0xffff;
	_ =	sdelay $0x2  }
0x182: {  	v32 =	vadd.f32 v63, v32;
	_ =	sdelay $0x1  }
0x183: {  	s12 =	sadd.s32 $0x1, s12;
	v32 =	vadd.f32 v32, v33  }
0x184: {  	p0 =	sne.s32 s12, s9  }
.Ltmp1:
0x185: {  	[tilespmem:$0x4BF0] =	vst v32;
	(pc) =	sbr.rel @p0 .LBB2_1-.Ltmp1, $4  }
0x186: {  	[hbm4b:s8+s2] =	stream.linear.scatter [tilespmem:s11], [sflag:$0x4], $0x200, $0x38;
	[tilespmem:$0x4C00] =	vst v63  }
0x187: {  	_ =	swait.ge [sflag:s10], $0x200  }
0x188: {  	[sflag:s10] =	ssyncset.done $0x0  }
0x189: {  	[sflag:s10] =	ssyncadd.s32 $0xFFFFFE00  }
0x18a: {  	_ =	sfence.sel $0x180000  }
0x18b: {  	[bflag:$0x0] =	sbarrier.arrive $0xFFFF  }
0x18c: {  	_ =	strace $0x9000004A  }
0x18d: {  	s0 =	stileid.u32;
	[bflag:$0x2] =	sbarrier.arrive $0xFFFF  }
0x18e: {  	p0 =	sne.s32 s0, $0x0;
	s0 =	rddreg [dreg:$0x4]  }
0x18f: {  	s0 =	sadd.s32 @!p0 $0x100000, s0  }
0x190: {  	[sflag:s0] =	ssyncadd.tile.s32 @!p0 $0x1;
	_ =	shalt  }
.Lfunc_end2:
_tile_overlayer_lowered:
.L_overlay_start_2:
0x191: {  	(tag) =	ssettag $0x2  }
0x192: {  	s0 =	rddreg [dreg:$0x0];
	s2 =	stileid.u32  }
0x193: {  	s1 =	rddreg [dreg:$0x1];
	p0 =	sne.s32 s2, $0x0  }
0x194: {  	s3 =	rddreg [dreg:$0x2];
	[bflag:$0x3] =	sbarrier.arrive $0xFFFF;
	s2 =	simm.s32 @!p0 $0x1C04  }
0x195: {  	[timem:s3], [sflag:s2] =	dma.local @!p0 [hbm:s0], s1  }
0x196: {  	s0 =	simm.s32 @!p0 $0x4  }
0x197: {  	_ =	swait.ge @!p0 [sflag:s0], s1  }
0x198: {  	s1 =	ssub.s32 @!p0 $0x0, s1;
	[sflag:s0] =	ssyncset.done @!p0 $0x0  }
0x199: {  	[sflag:s0] =	ssyncadd.s32 @!p0 s1  }
0x19a: {  	[bflag:$0x3] =	sbarrier.arrive $0xFFFF  }
0x19b: {  	_ =	shalt  }

</sc_bundles>
